<compile_context>
chip_gen: v7x
topology: tpu7x:2x2x1
jax: 0.10.2.dev20260603
libtpu: 0.0.44.dev20260713+nightly
codegen_flags: <defaults>
</compile_context>

<pallas_src>
import functools

import jax
import jax.numpy as jnp
from jax import lax
from jax.experimental import pallas as pl
from jax.experimental.pallas import tpu as pltpu
from jax.experimental.pallas import tpu_sc as plsc

NC = 2
NS = 16
NW = NC * NS
LANES = 16

N = 10000
NPAD = 10240
E = 320000
D = 128
DH = D // 2
HID = 128
C = 40

CW = 125
NCHT = E // (NS * CW)
ECHT = NCHT * CW
NCHH = NCHT // 2
NB = 5
WAVES_H = NCHH // NB
RPT = NPAD // NS
ZR = 128
HIST_EPT = E // NW


@functools.cache
def _mesh():
    return plsc.VectorSubcoreMesh(
        core_axis_name="c", subcore_axis_name="s",
        num_cores=NC, num_subcores=NS)


def _sc_hist_body(dst_hbm, out_hbm, idx_v, hist_v):
    wid = lax.axis_index("s") * NC + lax.axis_index("c")
    pltpu.sync_copy(dst_hbm.at[pl.ds(wid * HIST_EPT, HIST_EPT)], idx_v)
    zeros = jnp.zeros((LANES,), jnp.float32)

    def zbody(i, c):
        hist_v[pl.ds(i * LANES, LANES)] = zeros
        return c

    lax.fori_loop(0, NPAD // LANES, zbody, 0)
    ones = jnp.ones((LANES,), jnp.float32)

    def body(i, c):
        idx = idx_v[pl.ds(i * LANES, LANES)]
        plsc.addupdate_scatter(hist_v, [idx], ones)
        return c

    lax.fori_loop(0, HIST_EPT // LANES, body, 0)
    pltpu.sync_copy(hist_v, out_hbm.at[wid])


@functools.cache
def _sc_hist():
    return pl.kernel(
        _sc_hist_body,
        out_type=jax.ShapeDtypeStruct((NW, NPAD), jnp.float32),
        mesh=_mesh(),
        scratch_types=[
            pltpu.VMEM((HIST_EPT,), jnp.int32),
            pltpu.VMEM((NPAD,), jnp.float32),
        ],
        compiler_params=pltpu.CompilerParams(needs_layout_passes=False),
    )


def _sc_s_body(src_hbm, dst_hbm, invs_hbm, out_hbm, src_v, dst_v, invs_v, s_v):
    wid = lax.axis_index("s") * NC + lax.axis_index("c")
    pltpu.sync_copy(src_hbm.at[pl.ds(wid * HIST_EPT, HIST_EPT)], src_v)
    pltpu.sync_copy(dst_hbm.at[pl.ds(wid * HIST_EPT, HIST_EPT)], dst_v)
    pltpu.sync_copy(invs_hbm, invs_v)
    zeros = jnp.zeros((LANES,), jnp.float32)

    def zbody(i, c):
        s_v[pl.ds(i * LANES, LANES)] = zeros
        return c

    lax.fori_loop(0, NPAD // LANES, zbody, 0)

    def body(i, c):
        d16 = dst_v[pl.ds(i * LANES, LANES)]
        s16 = src_v[pl.ds(i * LANES, LANES)]
        vals = plsc.load_gather(invs_v, [d16])
        plsc.addupdate_scatter(s_v, [s16], vals)
        return c

    lax.fori_loop(0, HIST_EPT // LANES, body, 0)
    pltpu.sync_copy(s_v, out_hbm.at[wid])


@functools.cache
def _sc_s():
    return pl.kernel(
        _sc_s_body,
        out_type=jax.ShapeDtypeStruct((NW, NPAD), jnp.float32),
        mesh=_mesh(),
        scratch_types=[
            pltpu.VMEM((HIST_EPT,), jnp.int32),
            pltpu.VMEM((HIST_EPT,), jnp.int32),
            pltpu.VMEM((NPAD,), jnp.float32),
            pltpu.VMEM((NPAD,), jnp.float32),
        ],
        compiler_params=pltpu.CompilerParams(needs_layout_passes=False),
    )


def _sc_agg_body(src_hbm, dst_hbm, hs_hbm, out_hbm, *rest):
    bufs = rest[:NB]
    src_v, dst_v, zbuf, agg_sh = rest[NB:NB + 4]
    gsem = rest[NB + 4:2 * NB + 4]
    ssem = rest[2 * NB + 4:3 * NB + 4]

    cid = lax.axis_index("c")
    sid = lax.axis_index("s")

    zeros = jnp.zeros((LANES,), jnp.float32)

    def zb(i, c):
        r = i // (DH // LANES)
        col = (i % (DH // LANES)) * LANES
        zbuf[r, pl.ds(col, LANES)] = zeros
        return c

    lax.fori_loop(0, ZR * DH // LANES, zb, 0)

    for t in range(RPT // ZR):
        pltpu.async_copy(zbuf, agg_sh.at[pl.ds(sid * RPT + t * ZR, ZR)],
                         gsem[t % NB])
    for t in range(RPT // ZR):
        pltpu.make_async_copy(zbuf, agg_sh.at[pl.ds(sid * RPT + t * ZR, ZR)],
                              gsem[t % NB]).wait()
    plsc.subcore_barrier()

    hsv = hs_hbm.at[cid]

    for h in range(2):
        base = sid * NCHT + h * NCHH
        pltpu.sync_copy(src_hbm.at[pl.ds(base, NCHH)], src_v)
        pltpu.sync_copy(dst_hbm.at[pl.ds(base, NCHH)], dst_v)

        for c in range(NB):
            pltpu.async_copy(hsv.at[src_v.at[c]], bufs[c], gsem[c])

        def wave(i, carry):
            @pl.when(i > 0)
            def _():
                for c in range(NB):
                    j = i * NB + c
                    pltpu.make_async_copy(
                        bufs[c], agg_sh.at[dst_v.at[j - NB]], ssem[c]).wait()
                    pltpu.async_copy(hsv.at[src_v.at[j]], bufs[c], gsem[c])

            for c in range(NB):
                j = i * NB + c
                pltpu.make_async_copy(
                    hsv.at[src_v.at[j]], bufs[c], gsem[c]).wait()
                pltpu.async_copy(
                    bufs[c], agg_sh.at[dst_v.at[j]], ssem[c], add=True)
            return carry

        lax.fori_loop(0, WAVES_H, wave, 0)

        for c in range(NB):
            j = (WAVES_H - 1) * NB + c
            pltpu.make_async_copy(
                bufs[c], agg_sh.at[dst_v.at[j]], ssem[c]).wait()

    plsc.subcore_barrier()
    pltpu.sync_copy(agg_sh.at[pl.ds(sid * RPT, RPT)],
                    out_hbm.at[cid].at[pl.ds(sid * RPT, RPT)])


@functools.cache
def _sc_agg():
    scratch = [pltpu.VMEM((CW, DH), jnp.float32) for _ in range(NB)]
    scratch += [
        pltpu.VMEM((NCHH, CW), jnp.int32),
        pltpu.VMEM((NCHH, CW), jnp.int32),
        pltpu.VMEM((ZR, DH), jnp.float32),
        pltpu.VMEM_SHARED((NPAD, DH), jnp.float32),
    ]
    scratch += [pltpu.SemaphoreType.DMA for _ in range(2 * NB)]
    return pl.kernel(
        _sc_agg_body,
        out_type=jax.ShapeDtypeStruct((NC, NPAD, DH), jnp.float32),
        mesh=_mesh(),
        scratch_types=scratch,
        compiler_params=pltpu.CompilerParams(
            needs_layout_passes=False, use_tc_tiling_on_sc=False),
    )


_R = 1024


def _tc_prep_body(hist_ref, x_ref, invs_ref, hs_ref):
    deg = 1.0 + jnp.sum(hist_ref[...], axis=0)
    invs = lax.rsqrt(deg)
    invs_ref[...] = invs[:, None]
    hs = x_ref[...] * invs[:, None]
    hs_ref[0] = hs[:, :DH]
    hs_ref[1] = hs[:, DH:]


def _tc_prep(hist, x_pad):
    return pl.pallas_call(
        _tc_prep_body,
        grid=(NPAD // _R,),
        in_specs=[
            pl.BlockSpec((NW, _R), lambda i: (0, i)),
            pl.BlockSpec((_R, D), lambda i: (i, 0)),
        ],
        out_specs=[
            pl.BlockSpec((_R, 1), lambda i: (i, 0)),
            pl.BlockSpec((NC, _R, DH), lambda i: (0, i, 0)),
        ],
        out_shape=[
            jax.ShapeDtypeStruct((NPAD, 1), jnp.float32),
            jax.ShapeDtypeStruct((NC, NPAD, DH), jnp.float32),
        ],
    )(hist, x_pad)


def _tc_agg_h(scat_ref, hs_ref, invs_ref, w_ref, b_ref):
    invs = invs_ref[...]
    agg_lo = invs * (scat_ref[0] + hs_ref[0])
    agg_hi = invs * (scat_ref[1] + hs_ref[1])
    pre = (jnp.dot(agg_lo, w_ref[:DH, :], preferred_element_type=jnp.float32)
           + jnp.dot(agg_hi, w_ref[DH:, :], preferred_element_type=jnp.float32)
           + b_ref[...][None, :])
    return jnp.maximum(pre, 0.0)


def _tc_layer_body(scat_ref, hs_ref, invs_ref, w_ref, b_ref, out_ref):
    h = _tc_agg_h(scat_ref, hs_ref, invs_ref, w_ref, b_ref)
    hsn = h * invs_ref[...]
    out_ref[0] = hsn[:, :DH]
    out_ref[1] = hsn[:, DH:]


def _tc_layer(scat, hs, invs, w, b):
    return pl.pallas_call(
        _tc_layer_body,
        grid=(NPAD // _R,),
        in_specs=[
            pl.BlockSpec((NC, _R, DH), lambda i: (0, i, 0)),
            pl.BlockSpec((NC, _R, DH), lambda i: (0, i, 0)),
            pl.BlockSpec((_R, 1), lambda i: (i, 0)),
            pl.BlockSpec((D, HID), lambda i: (0, 0)),
            pl.BlockSpec((HID,), lambda i: (0,)),
        ],
        out_specs=pl.BlockSpec((NC, _R, DH), lambda i: (0, i, 0)),
        out_shape=jax.ShapeDtypeStruct((NC, NPAD, DH), jnp.float32),
    )(scat, hs, invs, w, b)


def _tc_final_body(scat_ref, hs_ref, invs_ref, sstage_ref, mask_ref,
                   w2_ref, b2_ref, w3_ref, b3_ref, out_ref, acc_ref):
    i = pl.program_id(0)
    h3 = _tc_agg_h(scat_ref, hs_ref, invs_ref, w2_ref, b2_ref)
    invs = invs_ref[...]
    s = jnp.sum(sstage_ref[...], axis=0)[:, None]
    w = mask_ref[...] * invs * (invs + s)
    contrib = jnp.sum(w * h3, axis=0, keepdims=True)

    @pl.when(i == 0)
    def _():
        acc_ref[...] = contrib

    @pl.when(i > 0)
    def _():
        acc_ref[...] = acc_ref[...] + contrib

    @pl.when(i == NPAD // _R - 1)
    def _():
        pooled = acc_ref[...] * (1.0 / N)
        out_ref[...] = (
            jnp.dot(pooled, w3_ref[...], preferred_element_type=jnp.float32)
            + b3_ref[...][None, :])


def _tc_final(scat, hs, invs, sstage, mask, w2, b2, w3, b3):
    return pl.pallas_call(
        _tc_final_body,
        grid=(NPAD // _R,),
        in_specs=[
            pl.BlockSpec((NC, _R, DH), lambda i: (0, i, 0)),
            pl.BlockSpec((NC, _R, DH), lambda i: (0, i, 0)),
            pl.BlockSpec((_R, 1), lambda i: (i, 0)),
            pl.BlockSpec((NW, _R), lambda i: (0, i)),
            pl.BlockSpec((_R, 1), lambda i: (i, 0)),
            pl.BlockSpec((HID, HID), lambda i: (0, 0)),
            pl.BlockSpec((HID,), lambda i: (0,)),
            pl.BlockSpec((HID, C), lambda i: (0, 0)),
            pl.BlockSpec((C,), lambda i: (0,)),
        ],
        out_specs=pl.BlockSpec((1, C), lambda i: (0, 0)),
        out_shape=jax.ShapeDtypeStruct((1, C), jnp.float32),
        scratch_shapes=[pltpu.VMEM((1, HID), jnp.float32)],
    )(scat, hs, invs, sstage, mask, w2, b2, w3, b3)


def kernel(X, edge_list, W0, b0, W1, b1, W2, b2, W3, b3):
    src_flat = edge_list[0]
    dst_flat = edge_list[1]
    src2d = src_flat.reshape(NS * NCHT, CW)
    dst2d = dst_flat.reshape(NS * NCHT, CW)
    x_pad = jnp.zeros((NPAD, D), jnp.float32).at[:N].set(X)
    mask = (jnp.arange(NPAD) < N).astype(jnp.float32)[:, None]

    hist = _sc_hist()(dst_flat)
    invs, hs = _tc_prep(hist, x_pad)

    scat0 = _sc_agg()(src2d, dst2d, hs)
    sstage = _sc_s()(src_flat, dst_flat, invs.reshape(NPAD))
    hs = _tc_layer(scat0, hs, invs, W0, b0)
    scat1 = _sc_agg()(src2d, dst2d, hs)
    hs = _tc_layer(scat1, hs, invs, W1, b1)
    scat2 = _sc_agg()(src2d, dst2d, hs)
    return _tc_final(scat2, hs, invs, sstage, mask, W2, b2, W3, b3)

# --- scband reference (transcript-rebuilt; emitter-appended) ---
"""Pipeline reference for scband-gcn-5291399708984 (READ-ONLY COPY).

The authoritative reference and input builder live on the scoring server;
editing this copy changes nothing except your own understanding.
"""

import jax, jax.numpy as jnp
import numpy as np

N = 10000
E = 320000
D = 128
HID = 128
C = 40


def setup_inputs(seed: int = 0) -> dict:
    key = jax.random.key(seed)
    ks = jax.random.split(key, 12)
    X = jax.random.normal(ks[0], (N, D), dtype=jnp.float32)
    edge_list = jax.random.randint(ks[1], (2, E), 0, N, dtype=jnp.int32)
    W0 = jax.random.normal(ks[2], (D, HID), dtype=jnp.float32) / np.sqrt(D)
    b0 = jnp.zeros((HID,), dtype=jnp.float32)
    W1 = jax.random.normal(ks[3], (HID, HID), dtype=jnp.float32) / np.sqrt(HID)
    b1 = jnp.zeros((HID,), dtype=jnp.float32)
    W2 = jax.random.normal(ks[4], (HID, HID), dtype=jnp.float32) / np.sqrt(HID)
    b2 = jnp.zeros((HID,), dtype=jnp.float32)
    W3 = jax.random.normal(ks[5], (HID, C), dtype=jnp.float32) / np.sqrt(HID)
    b3 = jnp.zeros((C,), dtype=jnp.float32)
    return {"X": X, "edge_list": edge_list, "W0": W0, "b0": b0, "W1": W1, "b1": b1, "W2": W2, "b2": b2, "W3": W3, "b3": b3}


def _gcn_layer(Xl, src, dst, W, b):
    n = Xl.shape[0]
    # degree with self-loop (A + I), symmetric normalization D^-1/2 (A+I) D^-1/2
    deg = jnp.ones((n,), dtype=jnp.float32).at[dst].add(1.0)
    inv_sqrt = 1.0 / jnp.sqrt(deg)
    coef = inv_sqrt[src] * inv_sqrt[dst]
    msgs = Xl[src] * coef[:, None]
    agg = jnp.zeros_like(Xl).at[dst].add(msgs)
    agg = agg + Xl * (inv_sqrt * inv_sqrt)[:, None]  # self-loop contribution
    return agg @ W + b


def reference(X, edge_list, W0, b0, W1, b1, W2, b2, W3, b3):
    src = edge_list[0]
    dst = edge_list[1]
    h = jax.nn.relu(_gcn_layer(X, src, dst, W0, b0))
    h = jax.nn.relu(_gcn_layer(h, src, dst, W1, b1))
    h = jax.nn.relu(_gcn_layer(h, src, dst, W2, b2))
    h_out = _gcn_layer(h, src, dst, W3, b3)
    # global mean pooling over nodes -> graph-level output [1, num_class]
    return jnp.mean(h_out, axis=0, keepdims=True)

if __name__ == "__main__":
    import jax
    _d = setup_inputs()
    print(jax.jit(kernel)(*tuple(_d.values())))

</pallas_src>

<mosaic_0001>
#map = affine_map<(d0, d1) -> (0, 0)>
#map1 = affine_map<(d0, d1) -> (0, 0, 0)>
module attributes {stable_mosaic.version = 14 : i64} {
  func.func @_sc_agg_body(%arg0: i32, %arg1: i32, %arg2: memref<2560x125xi32, #tpu.memory_space<hbm>>, %arg3: memref<2560x125xi32, #tpu.memory_space<hbm>>, %arg4: memref<2x10240x64xf32, #tpu.memory_space<hbm>>, %arg5: memref<2x10240x64xf32, #tpu.memory_space<hbm>>, %arg6: memref<125x64xf32, #tpu.memory_space<vmem>>, %arg7: memref<125x64xf32, #tpu.memory_space<vmem>>, %arg8: memref<125x64xf32, #tpu.memory_space<vmem>>, %arg9: memref<125x64xf32, #tpu.memory_space<vmem>>, %arg10: memref<125x64xf32, #tpu.memory_space<vmem>>, %arg11: memref<80x125xi32, #tpu.memory_space<vmem>>, %arg12: memref<80x125xi32, #tpu.memory_space<vmem>>, %arg13: memref<128x64xf32, #tpu.memory_space<vmem>>, %arg14: memref<10240x64xf32, #tpu.memory_space<vmem_shared>>, %arg15: memref<!tpu.dma_semaphore, #tpu.memory_space<semaphore_mem>>, %arg16: memref<!tpu.dma_semaphore, #tpu.memory_space<semaphore_mem>>, %arg17: memref<!tpu.dma_semaphore, #tpu.memory_space<semaphore_mem>>, %arg18: memref<!tpu.dma_semaphore, #tpu.memory_space<semaphore_mem>>, %arg19: memref<!tpu.dma_semaphore, #tpu.memory_space<semaphore_mem>>, %arg20: memref<!tpu.dma_semaphore, #tpu.memory_space<semaphore_mem>>, %arg21: memref<!tpu.dma_semaphore, #tpu.memory_space<semaphore_mem>>, %arg22: memref<!tpu.dma_semaphore, #tpu.memory_space<semaphore_mem>>, %arg23: memref<!tpu.dma_semaphore, #tpu.memory_space<semaphore_mem>>, %arg24: memref<!tpu.dma_semaphore, #tpu.memory_space<semaphore_mem>>) attributes {dimension_semantics = [#tpu.dimension_semantics<core_parallel>, #tpu.dimension_semantics<subcore_parallel>], iteration_bounds = array<i64: 2, 16>, scalar_prefetch = 0 : i64, scratch_operands = 19 : i64, tpu.core_type = #tpu.core_type<sc_vector_subcore>, window_params = [{transform_indices = #map}, {transform_indices = #map}, {transform_indices = #map1}, {transform_indices = #map1}]} {
    %broadcast_in_dim3A = arith.constant 0.000000e+00 : f32
    %broadcast_in_dim3A_0 = vector.broadcast %broadcast_in_dim3A : f32 to vector<16xf32>
    %scan3A = arith.constant 0 : i32
    %scan3A_1 = arith.constant 0 : i32
    %scan3A_2 = arith.constant 512 : i32
    %scan3A_3 = arith.addi %scan3A_1, %scan3A_2 : i32
    %scan3A_4 = arith.constant 1 : i32
    scf.for %scan3A_287 = %scan3A_1 to %scan3A_3 step %scan3A_4  : i32 {
      %jit3A = arith.constant 4 : i32
      %div3A = arith.divsi %scan3A_287, %jit3A : i32
      %sign3A = arith.constant 0 : i32
      %sign3A_288 = arith.cmpi sgt, %scan3A_287, %sign3A : i32
      %sign3A_289 = arith.extui %sign3A_288 : i1 to i32
      %sign3A_290 = arith.constant 0 : i32
      %sign3A_291 = arith.cmpi slt, %scan3A_287, %sign3A_290 : i32
      %sign3A_292 = arith.extui %sign3A_291 : i1 to i32
      %sign3A_293 = arith.subi %sign3A_289, %sign3A_292 : i32
      %sign3A_294 = arith.constant 0 : i32
      %sign3A_295 = arith.cmpi sgt, %jit3A, %sign3A_294 : i32
      %sign3A_296 = arith.extui %sign3A_295 : i1 to i32
      %sign3A_297 = arith.constant 0 : i32
      %sign3A_298 = arith.cmpi slt, %jit3A, %sign3A_297 : i32
      %sign3A_299 = arith.extui %sign3A_298 : i1 to i32
      %sign3A_300 = arith.subi %sign3A_296, %sign3A_299 : i32
      %ne3A = arith.cmpi ne, %sign3A_293, %sign3A_300 : i32
      %rem3A = arith.remsi %scan3A_287, %jit3A : i32
      %ne3A_301 = arith.constant 0 : i32
      %ne3A_302 = arith.cmpi ne, %rem3A, %ne3A_301 : i32
      %and3A = arith.andi %ne3A, %ne3A_302 : i1
      %sub3A = arith.constant 1 : i32
      %sub3A_303 = arith.subi %div3A, %sub3A : i32
      %select_n3A = arith.select %and3A, %sub3A_303, %div3A : i32
      %jit3A_304 = arith.constant 4 : i32
      %eq3A = arith.constant 0 : i32
      %eq3A_305 = arith.cmpi eq, %jit3A_304, %eq3A : i32
      %jit3A_306 = arith.constant 1 : i32
      %select_n3A_307 = arith.select %eq3A_305, %jit3A_306, %jit3A_304 : i32
      %rem3A_308 = arith.remsi %scan3A_287, %select_n3A_307 : i32
      %ne3A_309 = arith.constant 0 : i32
      %ne3A_310 = arith.cmpi ne, %rem3A_308, %ne3A_309 : i32
      %lt3A = arith.constant 0 : i32
      %lt3A_311 = arith.cmpi slt, %rem3A_308, %lt3A : i32
      %lt3A_312 = arith.constant 0 : i32
      %lt3A_313 = arith.cmpi slt, %select_n3A_307, %lt3A_312 : i32
      %ne3A_314 = arith.xori %lt3A_311, %lt3A_313 : i1
      %and3A_315 = arith.andi %ne3A_314, %ne3A_310 : i1
      %add3A_316 = arith.addi %rem3A_308, %select_n3A_307 : i32
      %select_n3A_317 = arith.select %and3A_315, %add3A_316, %rem3A_308 : i32
      %mul3A_318 = arith.constant 16 : i32
      %mul3A_319 = arith.muli %select_n3A_317, %mul3A_318 : i32
      %swap3A = arith.index_cast %select_n3A : i32 to index
      %swap3A_320 = arith.index_cast %mul3A_319 : i32 to index
      %swap3A_321 = tpu.vector_load %arg13[%swap3A, %swap3A_320] {strides = array<i32>} : memref<128x64xf32, #tpu.memory_space<vmem>>, vector<16xf32>,
      tpu.vector_store %arg13[%swap3A, %swap3A_320], %broadcast_in_dim3A_0 {strides = array<i32>} : memref<128x64xf32, #tpu.memory_space<vmem>>, vector<16xf32>,
    }
    %scan3A_5 = arith.constant 512 : i32
    %mul3A = arith.constant 640 : i32
    %mul3A_6 = arith.muli %arg1, %mul3A : i32
    %add3A = arith.constant 0 : i32
    %add3A_7 = arith.addi %mul3A_6, %add3A : i32
    %dma_start3A = arith.constant 0 : i32
    %dma_start3A_8 = tpu.memref_slice %arg14[%add3A_7, %dma_start3A] : memref<10240x64xf32, #tpu.memory_space<vmem_shared>> -> memref<128x64xf32, #tpu.memory_space<vmem_shared>>
    %dma_start3A_9 = arith.constant 0 : i32
    %dma_start3A_10 = tpu.memref_slice %arg14[%add3A_7, %dma_start3A_9] : memref<10240x64xf32, #tpu.memory_space<vmem_shared>> -> memref<128x64xf32, #tpu.memory_space<vmem_shared>>
    tpu.enqueue_dma source(%arg13 : memref<128x64xf32, #tpu.memory_space<vmem>>) target(%dma_start3A_10 : memref<128x64xf32, #tpu.memory_space<vmem_shared>>) target_semaphore(%arg15 : memref<!tpu.dma_semaphore, #tpu.memory_space<semaphore_mem>>)
    %mul3A_11 = arith.constant 640 : i32
    %mul3A_12 = arith.muli %arg1, %mul3A_11 : i32
    %add3A_13 = arith.constant 128 : i32
    %add3A_14 = arith.addi %mul3A_12, %add3A_13 : i32
    %dma_start3A_15 = arith.constant 0 : i32
    %dma_start3A_16 = tpu.memref_slice %arg14[%add3A_14, %dma_start3A_15] : memref<10240x64xf32, #tpu.memory_space<vmem_shared>> -> memref<128x64xf32, #tpu.memory_space<vmem_shared>>
    %dma_start3A_17 = arith.constant 0 : i32
    %dma_start3A_18 = tpu.memref_slice %arg14[%add3A_14, %dma_start3A_17] : memref<10240x64xf32, #tpu.memory_space<vmem_shared>> -> memref<128x64xf32, #tpu.memory_space<vmem_shared>>
    tpu.enqueue_dma source(%arg13 : memref<128x64xf32, #tpu.memory_space<vmem>>) target(%dma_start3A_18 : memref<128x64xf32, #tpu.memory_space<vmem_shared>>) target_semaphore(%arg16 : memref<!tpu.dma_semaphore, #tpu.memory_space<semaphore_mem>>)
    %mul3A_19 = arith.constant 640 : i32
    %mul3A_20 = arith.muli %arg1, %mul3A_19 : i32
    %add3A_21 = arith.constant 256 : i32
    %add3A_22 = arith.addi %mul3A_20, %add3A_21 : i32
    %dma_start3A_23 = arith.constant 0 : i32
    %dma_start3A_24 = tpu.memref_slice %arg14[%add3A_22, %dma_start3A_23] : memref<10240x64xf32, #tpu.memory_space<vmem_shared>> -> memref<128x64xf32, #tpu.memory_space<vmem_shared>>
    %dma_start3A_25 = arith.constant 0 : i32
    %dma_start3A_26 = tpu.memref_slice %arg14[%add3A_22, %dma_start3A_25] : memref<10240x64xf32, #tpu.memory_space<vmem_shared>> -> memref<128x64xf32, #tpu.memory_space<vmem_shared>>
    tpu.enqueue_dma source(%arg13 : memref<128x64xf32, #tpu.memory_space<vmem>>) target(%dma_start3A_26 : memref<128x64xf32, #tpu.memory_space<vmem_shared>>) target_semaphore(%arg17 : memref<!tpu.dma_semaphore, #tpu.memory_space<semaphore_mem>>)
    %mul3A_27 = arith.constant 640 : i32
    %mul3A_28 = arith.muli %arg1, %mul3A_27 : i32
    %add3A_29 = arith.constant 384 : i32
    %add3A_30 = arith.addi %mul3A_28, %add3A_29 : i32
    %dma_start3A_31 = arith.constant 0 : i32
    %dma_start3A_32 = tpu.memref_slice %arg14[%add3A_30, %dma_start3A_31] : memref<10240x64xf32, #tpu.memory_space<vmem_shared>> -> memref<128x64xf32, #tpu.memory_space<vmem_shared>>
    %dma_start3A_33 = arith.constant 0 : i32
    %dma_start3A_34 = tpu.memref_slice %arg14[%add3A_30, %dma_start3A_33] : memref<10240x64xf32, #tpu.memory_space<vmem_shared>> -> memref<128x64xf32, #tpu.memory_space<vmem_shared>>
    tpu.enqueue_dma source(%arg13 : memref<128x64xf32, #tpu.memory_space<vmem>>) target(%dma_start3A_34 : memref<128x64xf32, #tpu.memory_space<vmem_shared>>) target_semaphore(%arg18 : memref<!tpu.dma_semaphore, #tpu.memory_space<semaphore_mem>>)
    %mul3A_35 = arith.constant 640 : i32
    %mul3A_36 = arith.muli %arg1, %mul3A_35 : i32
    %add3A_37 = arith.constant 512 : i32
    %add3A_38 = arith.addi %mul3A_36, %add3A_37 : i32
    %dma_start3A_39 = arith.constant 0 : i32
    %dma_start3A_40 = tpu.memref_slice %arg14[%add3A_38, %dma_start3A_39] : memref<10240x64xf32, #tpu.memory_space<vmem_shared>> -> memref<128x64xf32, #tpu.memory_space<vmem_shared>>
    %dma_start3A_41 = arith.constant 0 : i32
    %dma_start3A_42 = tpu.memref_slice %arg14[%add3A_38, %dma_start3A_41] : memref<10240x64xf32, #tpu.memory_space<vmem_shared>> -> memref<128x64xf32, #tpu.memory_space<vmem_shared>>
    tpu.enqueue_dma source(%arg13 : memref<128x64xf32, #tpu.memory_space<vmem>>) target(%dma_start3A_42 : memref<128x64xf32, #tpu.memory_space<vmem_shared>>) target_semaphore(%arg19 : memref<!tpu.dma_semaphore, #tpu.memory_space<semaphore_mem>>)
    %mul3A_43 = arith.constant 640 : i32
    %mul3A_44 = arith.muli %arg1, %mul3A_43 : i32
    %add3A_45 = arith.constant 0 : i32
    %add3A_46 = arith.addi %mul3A_44, %add3A_45 : i32
    %dma_wait3A = arith.constant 0 : i32
    %dma_wait3A_47 = tpu.memref_slice %arg14[%add3A_46, %dma_wait3A] : memref<10240x64xf32, #tpu.memory_space<vmem_shared>> -> memref<128x64xf32, #tpu.memory_space<vmem_shared>>
    %dma_wait3A_48 = arith.constant 0 : i32
    %dma_wait3A_49 = tpu.memref_slice %arg14[%add3A_46, %dma_wait3A_48] : memref<10240x64xf32, #tpu.memory_space<vmem_shared>> -> memref<128x64xf32, #tpu.memory_space<vmem_shared>>
    tpu.wait_dma2 semaphore(%arg15 : memref<!tpu.dma_semaphore, #tpu.memory_space<semaphore_mem>>) src(%arg13 : memref<128x64xf32, #tpu.memory_space<vmem>>) dst(%dma_wait3A_49 : memref<128x64xf32, #tpu.memory_space<vmem_shared>>)
    %mul3A_50 = arith.constant 640 : i32
    %mul3A_51 = arith.muli %arg1, %mul3A_50 : i32
    %add3A_52 = arith.constant 128 : i32
    %add3A_53 = arith.addi %mul3A_51, %add3A_52 : i32
    %dma_wait3A_54 = arith.constant 0 : i32
    %dma_wait3A_55 = tpu.memref_slice %arg14[%add3A_53, %dma_wait3A_54] : memref<10240x64xf32, #tpu.memory_space<vmem_shared>> -> memref<128x64xf32, #tpu.memory_space<vmem_shared>>
    %dma_wait3A_56 = arith.constant 0 : i32
    %dma_wait3A_57 = tpu.memref_slice %arg14[%add3A_53, %dma_wait3A_56] : memref<10240x64xf32, #tpu.memory_space<vmem_shared>> -> memref<128x64xf32, #tpu.memory_space<vmem_shared>>
    tpu.wait_dma2 semaphore(%arg16 : memref<!tpu.dma_semaphore, #tpu.memory_space<semaphore_mem>>) src(%arg13 : memref<128x64xf32, #tpu.memory_space<vmem>>) dst(%dma_wait3A_57 : memref<128x64xf32, #tpu.memory_space<vmem_shared>>)
    %mul3A_58 = arith.constant 640 : i32
    %mul3A_59 = arith.muli %arg1, %mul3A_58 : i32
    %add3A_60 = arith.constant 256 : i32
    %add3A_61 = arith.addi %mul3A_59, %add3A_60 : i32
    %dma_wait3A_62 = arith.constant 0 : i32
    %dma_wait3A_63 = tpu.memref_slice %arg14[%add3A_61, %dma_wait3A_62] : memref<10240x64xf32, #tpu.memory_space<vmem_shared>> -> memref<128x64xf32, #tpu.memory_space<vmem_shared>>
    %dma_wait3A_64 = arith.constant 0 : i32
    %dma_wait3A_65 = tpu.memref_slice %arg14[%add3A_61, %dma_wait3A_64] : memref<10240x64xf32, #tpu.memory_space<vmem_shared>> -> memref<128x64xf32, #tpu.memory_space<vmem_shared>>
    tpu.wait_dma2 semaphore(%arg17 : memref<!tpu.dma_semaphore, #tpu.memory_space<semaphore_mem>>) src(%arg13 : memref<128x64xf32, #tpu.memory_space<vmem>>) dst(%dma_wait3A_65 : memref<128x64xf32, #tpu.memory_space<vmem_shared>>)
    %mul3A_66 = arith.constant 640 : i32
    %mul3A_67 = arith.muli %arg1, %mul3A_66 : i32
    %add3A_68 = arith.constant 384 : i32
    %add3A_69 = arith.addi %mul3A_67, %add3A_68 : i32
    %dma_wait3A_70 = arith.constant 0 : i32
    %dma_wait3A_71 = tpu.memref_slice %arg14[%add3A_69, %dma_wait3A_70] : memref<10240x64xf32, #tpu.memory_space<vmem_shared>> -> memref<128x64xf32, #tpu.memory_space<vmem_shared>>
    %dma_wait3A_72 = arith.constant 0 : i32
    %dma_wait3A_73 = tpu.memref_slice %arg14[%add3A_69, %dma_wait3A_72] : memref<10240x64xf32, #tpu.memory_space<vmem_shared>> -> memref<128x64xf32, #tpu.memory_space<vmem_shared>>
    tpu.wait_dma2 semaphore(%arg18 : memref<!tpu.dma_semaphore, #tpu.memory_space<semaphore_mem>>) src(%arg13 : memref<128x64xf32, #tpu.memory_space<vmem>>) dst(%dma_wait3A_73 : memref<128x64xf32, #tpu.memory_space<vmem_shared>>)
    %mul3A_74 = arith.constant 640 : i32
    %mul3A_75 = arith.muli %arg1, %mul3A_74 : i32
    %add3A_76 = arith.constant 512 : i32
    %add3A_77 = arith.addi %mul3A_75, %add3A_76 : i32
    %dma_wait3A_78 = arith.constant 0 : i32
    %dma_wait3A_79 = tpu.memref_slice %arg14[%add3A_77, %dma_wait3A_78] : memref<10240x64xf32, #tpu.memory_space<vmem_shared>> -> memref<128x64xf32, #tpu.memory_space<vmem_shared>>
    %dma_wait3A_80 = arith.constant 0 : i32
    %dma_wait3A_81 = tpu.memref_slice %arg14[%add3A_77, %dma_wait3A_80] : memref<10240x64xf32, #tpu.memory_space<vmem_shared>> -> memref<128x64xf32, #tpu.memory_space<vmem_shared>>
    tpu.wait_dma2 semaphore(%arg19 : memref<!tpu.dma_semaphore, #tpu.memory_space<semaphore_mem>>) src(%arg13 : memref<128x64xf32, #tpu.memory_space<vmem>>) dst(%dma_wait3A_81 : memref<128x64xf32, #tpu.memory_space<vmem_shared>>)
    %barrier3A = arith.constant 0 : index
    tpu.barrier barrier_id(%barrier3A)
    %mul3A_82 = arith.constant 160 : i32
    %mul3A_83 = arith.muli %arg1, %mul3A_82 : i32
    %add3A_84 = arith.constant 0 : i32
    %add3A_85 = arith.addi %mul3A_83, %add3A_84 : i32
    "tpu.region"() ({
      %run_scoped3A = tpu.sem_alloc : memref<!tpu.dma_semaphore, #tpu.memory_space<semaphore_mem>>
      %dma_start3A_287 = arith.constant 0 : i32
      %dma_start3A_288 = tpu.memref_slice %arg2[%add3A_85, %dma_start3A_287] : memref<2560x125xi32, #tpu.memory_space<hbm>> -> memref<80x125xi32, #tpu.memory_space<hbm>>
      %dma_start3A_289 = arith.constant 0 : i32
      %dma_start3A_290 = tpu.memref_slice %arg2[%add3A_85, %dma_start3A_289] : memref<2560x125xi32, #tpu.memory_space<hbm>> -> memref<80x125xi32, #tpu.memory_space<hbm>>
      tpu.enqueue_dma source(%dma_start3A_290 : memref<80x125xi32, #tpu.memory_space<hbm>>) target(%arg11 : memref<80x125xi32, #tpu.memory_space<vmem>>) target_semaphore(%run_scoped3A : memref<!tpu.dma_semaphore, #tpu.memory_space<semaphore_mem>>)
      %dma_wait3A_291 = arith.constant 0 : i32
      %dma_wait3A_292 = tpu.memref_slice %arg2[%add3A_85, %dma_wait3A_291] : memref<2560x125xi32, #tpu.memory_space<hbm>> -> memref<80x125xi32, #tpu.memory_space<hbm>>
      %dma_wait3A_293 = arith.constant 0 : i32
      %dma_wait3A_294 = tpu.memref_slice %arg2[%add3A_85, %dma_wait3A_293] : memref<2560x125xi32, #tpu.memory_space<hbm>> -> memref<80x125xi32, #tpu.memory_space<hbm>>
      tpu.wait_dma2 semaphore(%run_scoped3A : memref<!tpu.dma_semaphore, #tpu.memory_space<semaphore_mem>>) src(%dma_wait3A_294 : memref<80x125xi32, #tpu.memory_space<hbm>>) dst(%arg11 : memref<80x125xi32, #tpu.memory_space<vmem>>)
      tpu.yield
    }) : () -> ()
    "tpu.region"() ({
      %run_scoped3A = tpu.sem_alloc : memref<!tpu.dma_semaphore, #tpu.memory_space<semaphore_mem>>
      %dma_start3A_287 = arith.constant 0 : i32
      %dma_start3A_288 = tpu.memref_slice %arg3[%add3A_85, %dma_start3A_287] : memref<2560x125xi32, #tpu.memory_space<hbm>> -> memref<80x125xi32, #tpu.memory_space<hbm>>
      %dma_start3A_289 = arith.constant 0 : i32
      %dma_start3A_290 = tpu.memref_slice %arg3[%add3A_85, %dma_start3A_289] : memref<2560x125xi32, #tpu.memory_space<hbm>> -> memref<80x125xi32, #tpu.memory_space<hbm>>
      tpu.enqueue_dma source(%dma_start3A_290 : memref<80x125xi32, #tpu.memory_space<hbm>>) target(%arg12 : memref<80x125xi32, #tpu.memory_space<vmem>>) target_semaphore(%run_scoped3A : memref<!tpu.dma_semaphore, #tpu.memory_space<semaphore_mem>>)
      %dma_wait3A_291 = arith.constant 0 : i32
      %dma_wait3A_292 = tpu.memref_slice %arg3[%add3A_85, %dma_wait3A_291] : memref<2560x125xi32, #tpu.memory_space<hbm>> -> memref<80x125xi32, #tpu.memory_space<hbm>>
      %dma_wait3A_293 = arith.constant 0 : i32
      %dma_wait3A_294 = tpu.memref_slice %arg3[%add3A_85, %dma_wait3A_293] : memref<2560x125xi32, #tpu.memory_space<hbm>> -> memref<80x125xi32, #tpu.memory_space<hbm>>
      tpu.wait_dma2 semaphore(%run_scoped3A : memref<!tpu.dma_semaphore, #tpu.memory_space<semaphore_mem>>) src(%dma_wait3A_294 : memref<80x125xi32, #tpu.memory_space<hbm>>) dst(%arg12 : memref<80x125xi32, #tpu.memory_space<vmem>>)
      tpu.yield
    }) : () -> ()
    %dma_start3A_86 = arith.constant 0 : i32
    %dma_start3A_87 = arith.constant 0 : i32
    %dma_start3A_88 = tpu.memref_slice %arg11[%dma_start3A_86, %dma_start3A_87] : memref<80x125xi32, #tpu.memory_space<vmem>> -> memref<1x125xi32, #tpu.memory_space<vmem>>
    %dma_start3A_89 = tpu.memref_squeeze %dma_start3A_88 : memref<1x125xi32, #tpu.memory_space<vmem>> -> memref<125xi32, #tpu.memory_space<vmem>>
    %dma_start3A_90 = arith.constant 0 : i32
    %dma_start3A_91 = arith.constant 0 : i32
    %dma_start3A_92 = tpu.memref_slice %arg4[%arg0, %dma_start3A_90, %dma_start3A_91] : memref<2x10240x64xf32, #tpu.memory_space<hbm>> -> memref<1x10240x64xf32, #tpu.memory_space<hbm>>
    %dma_start3A_93 = tpu.memref_squeeze %dma_start3A_92 : memref<1x10240x64xf32, #tpu.memory_space<hbm>> -> memref<10240x64xf32, #tpu.memory_space<hbm>>
    %dma_start3A_94 = arith.constant 0 : i32
    %dma_start3A_95 = arith.constant 0 : i32
    %dma_start3A_96 = tpu.memref_slice %dma_start3A_93[%dma_start3A_94, %dma_start3A_95] : memref<10240x64xf32, #tpu.memory_space<hbm>> -> memref<10240x64xf32, #tpu.memory_space<hbm>>
    tpu.enqueue_indirect_dma source(%dma_start3A_96 : memref<10240x64xf32, #tpu.memory_space<hbm>>) target(%arg6 : memref<125x64xf32, #tpu.memory_space<vmem>>) offsets(%dma_start3A_89 : memref<125xi32, #tpu.memory_space<vmem>>) semaphore(%arg15 : memref<!tpu.dma_semaphore, #tpu.memory_space<semaphore_mem>>)
    %dma_start3A_97 = arith.constant 1 : i32
    %dma_start3A_98 = arith.constant 0 : i32
    %dma_start3A_99 = tpu.memref_slice %arg11[%dma_start3A_97, %dma_start3A_98] : memref<80x125xi32, #tpu.memory_space<vmem>> -> memref<1x125xi32, #tpu.memory_space<vmem>>
    %dma_start3A_100 = tpu.memref_squeeze %dma_start3A_99 : memref<1x125xi32, #tpu.memory_space<vmem>> -> memref<125xi32, #tpu.memory_space<vmem>>
    %dma_start3A_101 = arith.constant 0 : i32
    %dma_start3A_102 = arith.constant 0 : i32
    %dma_start3A_103 = tpu.memref_slice %arg4[%arg0, %dma_start3A_101, %dma_start3A_102] : memref<2x10240x64xf32, #tpu.memory_space<hbm>> -> memref<1x10240x64xf32, #tpu.memory_space<hbm>>
    %dma_start3A_104 = tpu.memref_squeeze %dma_start3A_103 : memref<1x10240x64xf32, #tpu.memory_space<hbm>> -> memref<10240x64xf32, #tpu.memory_space<hbm>>
    %dma_start3A_105 = arith.constant 0 : i32
    %dma_start3A_106 = arith.constant 0 : i32
    %dma_start3A_107 = tpu.memref_slice %dma_start3A_104[%dma_start3A_105, %dma_start3A_106] : memref<10240x64xf32, #tpu.memory_space<hbm>> -> memref<10240x64xf32, #tpu.memory_space<hbm>>
    tpu.enqueue_indirect_dma source(%dma_start3A_107 : memref<10240x64xf32, #tpu.memory_space<hbm>>) target(%arg7 : memref<125x64xf32, #tpu.memory_space<vmem>>) offsets(%dma_start3A_100 : memref<125xi32, #tpu.memory_space<vmem>>) semaphore(%arg16 : memref<!tpu.dma_semaphore, #tpu.memory_space<semaphore_mem>>)
    %dma_start3A_108 = arith.constant 2 : i32
    %dma_start3A_109 = arith.constant 0 : i32
    %dma_start3A_110 = tpu.memref_slice %arg11[%dma_start3A_108, %dma_start3A_109] : memref<80x125xi32, #tpu.memory_space<vmem>> -> memref<1x125xi32, #tpu.memory_space<vmem>>
    %dma_start3A_111 = tpu.memref_squeeze %dma_start3A_110 : memref<1x125xi32, #tpu.memory_space<vmem>> -> memref<125xi32, #tpu.memory_space<vmem>>
    %dma_start3A_112 = arith.constant 0 : i32
    %dma_start3A_113 = arith.constant 0 : i32
    %dma_start3A_114 = tpu.memref_slice %arg4[%arg0, %dma_start3A_112, %dma_start3A_113] : memref<2x10240x64xf32, #tpu.memory_space<hbm>> -> memref<1x10240x64xf32, #tpu.memory_space<hbm>>
    %dma_start3A_115 = tpu.memref_squeeze %dma_start3A_114 : memref<1x10240x64xf32, #tpu.memory_space<hbm>> -> memref<10240x64xf32, #tpu.memory_space<hbm>>
    %dma_start3A_116 = arith.constant 0 : i32
    %dma_start3A_117 = arith.constant 0 : i32
    %dma_start3A_118 = tpu.memref_slice %dma_start3A_115[%dma_start3A_116, %dma_start3A_117] : memref<10240x64xf32, #tpu.memory_space<hbm>> -> memref<10240x64xf32, #tpu.memory_space<hbm>>
    tpu.enqueue_indirect_dma source(%dma_start3A_118 : memref<10240x64xf32, #tpu.memory_space<hbm>>) target(%arg8 : memref<125x64xf32, #tpu.memory_space<vmem>>) offsets(%dma_start3A_111 : memref<125xi32, #tpu.memory_space<vmem>>) semaphore(%arg17 : memref<!tpu.dma_semaphore, #tpu.memory_space<semaphore_mem>>)
    %dma_start3A_119 = arith.constant 3 : i32
    %dma_start3A_120 = arith.constant 0 : i32
    %dma_start3A_121 = tpu.memref_slice %arg11[%dma_start3A_119, %dma_start3A_120] : memref<80x125xi32, #tpu.memory_space<vmem>> -> memref<1x125xi32, #tpu.memory_space<vmem>>
    %dma_start3A_122 = tpu.memref_squeeze %dma_start3A_121 : memref<1x125xi32, #tpu.memory_space<vmem>> -> memref<125xi32, #tpu.memory_space<vmem>>
    %dma_start3A_123 = arith.constant 0 : i32
    %dma_start3A_124 = arith.constant 0 : i32
    %dma_start3A_125 = tpu.memref_slice %arg4[%arg0, %dma_start3A_123, %dma_start3A_124] : memref<2x10240x64xf32, #tpu.memory_space<hbm>> -> memref<1x10240x64xf32, #tpu.memory_space<hbm>>
    %dma_start3A_126 = tpu.memref_squeeze %dma_start3A_125 : memref<1x10240x64xf32, #tpu.memory_space<hbm>> -> memref<10240x64xf32, #tpu.memory_space<hbm>>
    %dma_start3A_127 = arith.constant 0 : i32
    %dma_start3A_128 = arith.constant 0 : i32
    %dma_start3A_129 = tpu.memref_slice %dma_start3A_126[%dma_start3A_127, %dma_start3A_128] : memref<10240x64xf32, #tpu.memory_space<hbm>> -> memref<10240x64xf32, #tpu.memory_space<hbm>>
    tpu.enqueue_indirect_dma source(%dma_start3A_129 : memref<10240x64xf32, #tpu.memory_space<hbm>>) target(%arg9 : memref<125x64xf32, #tpu.memory_space<vmem>>) offsets(%dma_start3A_122 : memref<125xi32, #tpu.memory_space<vmem>>) semaphore(%arg18 : memref<!tpu.dma_semaphore, #tpu.memory_space<semaphore_mem>>)
    %dma_start3A_130 = arith.constant 4 : i32
    %dma_start3A_131 = arith.constant 0 : i32
    %dma_start3A_132 = tpu.memref_slice %arg11[%dma_start3A_130, %dma_start3A_131] : memref<80x125xi32, #tpu.memory_space<vmem>> -> memref<1x125xi32, #tpu.memory_space<vmem>>
    %dma_start3A_133 = tpu.memref_squeeze %dma_start3A_132 : memref<1x125xi32, #tpu.memory_space<vmem>> -> memref<125xi32, #tpu.memory_space<vmem>>
    %dma_start3A_134 = arith.constant 0 : i32
    %dma_start3A_135 = arith.constant 0 : i32
    %dma_start3A_136 = tpu.memref_slice %arg4[%arg0, %dma_start3A_134, %dma_start3A_135] : memref<2x10240x64xf32, #tpu.memory_space<hbm>> -> memref<1x10240x64xf32, #tpu.memory_space<hbm>>
    %dma_start3A_137 = tpu.memref_squeeze %dma_start3A_136 : memref<1x10240x64xf32, #tpu.memory_space<hbm>> -> memref<10240x64xf32, #tpu.memory_space<hbm>>
    %dma_start3A_138 = arith.constant 0 : i32
    %dma_start3A_139 = arith.constant 0 : i32
    %dma_start3A_140 = tpu.memref_slice %dma_start3A_137[%dma_start3A_138, %dma_start3A_139] : memref<10240x64xf32, #tpu.memory_space<hbm>> -> memref<10240x64xf32, #tpu.memory_space<hbm>>
    tpu.enqueue_indirect_dma source(%dma_start3A_140 : memref<10240x64xf32, #tpu.memory_space<hbm>>) target(%arg10 : memref<125x64xf32, #tpu.memory_space<vmem>>) offsets(%dma_start3A_133 : memref<125xi32, #tpu.memory_space<vmem>>) semaphore(%arg19 : memref<!tpu.dma_semaphore, #tpu.memory_space<semaphore_mem>>)
    %scan3A_141 = arith.constant 0 : i32
    %scan3A_142 = arith.constant 0 : i32
    %scan3A_143 = arith.constant 16 : i32
    %scan3A_144 = arith.addi %scan3A_142, %scan3A_143 : i32
    %scan3A_145 = arith.constant 1 : i32
    scf.for %scan3A_287 = %scan3A_142 to %scan3A_144 step %scan3A_145  : i32 {
      %gt3A = arith.constant 0 : i32
      %gt3A_288 = arith.cmpi sgt, %scan3A_287, %gt3A : i32
      %convert_element_type3A = arith.extui %gt3A_288 : i1 to i32
      %cond3A = arith.constant 0 : i32
      %cond3A_289 = arith.cmpi ne, %convert_element_type3A, %cond3A : i32
      scf.if %cond3A_289 {
        %mul3A_390 = arith.constant 5 : i32
        %mul3A_391 = arith.muli %scan3A_287, %mul3A_390 : i32
        %add3A_392 = arith.constant 0 : i32
        %add3A_393 = arith.addi %mul3A_391, %add3A_392 : i32
        %sub3A = arith.constant 5 : i32
        %sub3A_394 = arith.subi %add3A_393, %sub3A : i32
        %dma_wait3A_395 = arith.constant 0 : i32
        %dma_wait3A_396 = tpu.memref_slice %arg12[%sub3A_394, %dma_wait3A_395] : memref<80x125xi32, #tpu.memory_space<vmem>> -> memref<1x125xi32, #tpu.memory_space<vmem>>
        %dma_wait3A_397 = tpu.memref_squeeze %dma_wait3A_396 : memref<1x125xi32, #tpu.memory_space<vmem>> -> memref<125xi32, #tpu.memory_space<vmem>>
        %dma_wait3A_398 = arith.constant 0 : i32
        %dma_wait3A_399 = arith.constant 0 : i32
        %dma_wait3A_400 = tpu.memref_slice %arg14[%dma_wait3A_398, %dma_wait3A_399] : memref<10240x64xf32, #tpu.memory_space<vmem_shared>> -> memref<10240x64xf32, #tpu.memory_space<vmem_shared>>
        tpu.wait_indirect_dma semaphore(%arg20 : memref<!tpu.dma_semaphore, #tpu.memory_space<semaphore_mem>>) src(%arg6 : memref<125x64xf32, #tpu.memory_space<vmem>>) dst(%dma_wait3A_400 : memref<10240x64xf32, #tpu.memory_space<vmem_shared>>)
        %dma_start3A_401 = arith.constant 0 : i32
        %dma_start3A_402 = tpu.memref_slice %arg11[%add3A_393, %dma_start3A_401] : memref<80x125xi32, #tpu.memory_space<vmem>> -> memref<1x125xi32, #tpu.memory_space<vmem>>
        %dma_start3A_403 = tpu.memref_squeeze %dma_start3A_402 : memref<1x125xi32, #tpu.memory_space<vmem>> -> memref<125xi32, #tpu.memory_space<vmem>>
        %dma_start3A_404 = arith.constant 0 : i32
        %dma_start3A_405 = arith.constant 0 : i32
        %dma_start3A_406 = tpu.memref_slice %arg4[%arg0, %dma_start3A_404, %dma_start3A_405] : memref<2x10240x64xf32, #tpu.memory_space<hbm>> -> memref<1x10240x64xf32, #tpu.memory_space<hbm>>
        %dma_start3A_407 = tpu.memref_squeeze %dma_start3A_406 : memref<1x10240x64xf32, #tpu.memory_space<hbm>> -> memref<10240x64xf32, #tpu.memory_space<hbm>>
        %dma_start3A_408 = arith.constant 0 : i32
        %dma_start3A_409 = arith.constant 0 : i32
        %dma_start3A_410 = tpu.memref_slice %dma_start3A_407[%dma_start3A_408, %dma_start3A_409] : memref<10240x64xf32, #tpu.memory_space<hbm>> -> memref<10240x64xf32, #tpu.memory_space<hbm>>
        tpu.enqueue_indirect_dma source(%dma_start3A_410 : memref<10240x64xf32, #tpu.memory_space<hbm>>) target(%arg6 : memref<125x64xf32, #tpu.memory_space<vmem>>) offsets(%dma_start3A_403 : memref<125xi32, #tpu.memory_space<vmem>>) semaphore(%arg15 : memref<!tpu.dma_semaphore, #tpu.memory_space<semaphore_mem>>)
        %mul3A_411 = arith.constant 5 : i32
        %mul3A_412 = arith.muli %scan3A_287, %mul3A_411 : i32
        %add3A_413 = arith.constant 1 : i32
        %add3A_414 = arith.addi %mul3A_412, %add3A_413 : i32
        %sub3A_415 = arith.constant 5 : i32
        %sub3A_416 = arith.subi %add3A_414, %sub3A_415 : i32
        %dma_wait3A_417 = arith.constant 0 : i32
        %dma_wait3A_418 = tpu.memref_slice %arg12[%sub3A_416, %dma_wait3A_417] : memref<80x125xi32, #tpu.memory_space<vmem>> -> memref<1x125xi32, #tpu.memory_space<vmem>>
        %dma_wait3A_419 = tpu.memref_squeeze %dma_wait3A_418 : memref<1x125xi32, #tpu.memory_space<vmem>> -> memref<125xi32, #tpu.memory_space<vmem>>
        %dma_wait3A_420 = arith.constant 0 : i32
        %dma_wait3A_421 = arith.constant 0 : i32
        %dma_wait3A_422 = tpu.memref_slice %arg14[%dma_wait3A_420, %dma_wait3A_421] : memref<10240x64xf32, #tpu.memory_space<vmem_shared>> -> memref<10240x64xf32, #tpu.memory_space<vmem_shared>>
        tpu.wait_indirect_dma semaphore(%arg21 : memref<!tpu.dma_semaphore, #tpu.memory_space<semaphore_mem>>) src(%arg7 : memref<125x64xf32, #tpu.memory_space<vmem>>) dst(%dma_wait3A_422 : memref<10240x64xf32, #tpu.memory_space<vmem_shared>>)
        %dma_start3A_423 = arith.constant 0 : i32
        %dma_start3A_424 = tpu.memref_slice %arg11[%add3A_414, %dma_start3A_423] : memref<80x125xi32, #tpu.memory_space<vmem>> -> memref<1x125xi32, #tpu.memory_space<vmem>>
        %dma_start3A_425 = tpu.memref_squeeze %dma_start3A_424 : memref<1x125xi32, #tpu.memory_space<vmem>> -> memref<125xi32, #tpu.memory_space<vmem>>
        %dma_start3A_426 = arith.constant 0 : i32
        %dma_start3A_427 = arith.constant 0 : i32
        %dma_start3A_428 = tpu.memref_slice %arg4[%arg0, %dma_start3A_426, %dma_start3A_427] : memref<2x10240x64xf32, #tpu.memory_space<hbm>> -> memref<1x10240x64xf32, #tpu.memory_space<hbm>>
        %dma_start3A_429 = tpu.memref_squeeze %dma_start3A_428 : memref<1x10240x64xf32, #tpu.memory_space<hbm>> -> memref<10240x64xf32, #tpu.memory_space<hbm>>
        %dma_start3A_430 = arith.constant 0 : i32
        %dma_start3A_431 = arith.constant 0 : i32
        %dma_start3A_432 = tpu.memref_slice %dma_start3A_429[%dma_start3A_430, %dma_start3A_431] : memref<10240x64xf32, #tpu.memory_space<hbm>> -> memref<10240x64xf32, #tpu.memory_space<hbm>>
        tpu.enqueue_indirect_dma source(%dma_start3A_432 : memref<10240x64xf32, #tpu.memory_space<hbm>>) target(%arg7 : memref<125x64xf32, #tpu.memory_space<vmem>>) offsets(%dma_start3A_425 : memref<125xi32, #tpu.memory_space<vmem>>) semaphore(%arg16 : memref<!tpu.dma_semaphore, #tpu.memory_space<semaphore_mem>>)
        %mul3A_433 = arith.constant 5 : i32
        %mul3A_434 = arith.muli %scan3A_287, %mul3A_433 : i32
        %add3A_435 = arith.constant 2 : i32
        %add3A_436 = arith.addi %mul3A_434, %add3A_435 : i32
        %sub3A_437 = arith.constant 5 : i32
        %sub3A_438 = arith.subi %add3A_436, %sub3A_437 : i32
        %dma_wait3A_439 = arith.constant 0 : i32
        %dma_wait3A_440 = tpu.memref_slice %arg12[%sub3A_438, %dma_wait3A_439] : memref<80x125xi32, #tpu.memory_space<vmem>> -> memref<1x125xi32, #tpu.memory_space<vmem>>
        %dma_wait3A_441 = tpu.memref_squeeze %dma_wait3A_440 : memref<1x125xi32, #tpu.memory_space<vmem>> -> memref<125xi32, #tpu.memory_space<vmem>>
        %dma_wait3A_442 = arith.constant 0 : i32
        %dma_wait3A_443 = arith.constant 0 : i32
        %dma_wait3A_444 = tpu.memref_slice %arg14[%dma_wait3A_442, %dma_wait3A_443] : memref<10240x64xf32, #tpu.memory_space<vmem_shared>> -> memref<10240x64xf32, #tpu.memory_space<vmem_shared>>
        tpu.wait_indirect_dma semaphore(%arg22 : memref<!tpu.dma_semaphore, #tpu.memory_space<semaphore_mem>>) src(%arg8 : memref<125x64xf32, #tpu.memory_space<vmem>>) dst(%dma_wait3A_444 : memref<10240x64xf32, #tpu.memory_space<vmem_shared>>)
        %dma_start3A_445 = arith.constant 0 : i32
        %dma_start3A_446 = tpu.memref_slice %arg11[%add3A_436, %dma_start3A_445] : memref<80x125xi32, #tpu.memory_space<vmem>> -> memref<1x125xi32, #tpu.memory_space<vmem>>
        %dma_start3A_447 = tpu.memref_squeeze %dma_start3A_446 : memref<1x125xi32, #tpu.memory_space<vmem>> -> memref<125xi32, #tpu.memory_space<vmem>>
        %dma_start3A_448 = arith.constant 0 : i32
        %dma_start3A_449 = arith.constant 0 : i32
        %dma_start3A_450 = tpu.memref_slice %arg4[%arg0, %dma_start3A_448, %dma_start3A_449] : memref<2x10240x64xf32, #tpu.memory_space<hbm>> -> memref<1x10240x64xf32, #tpu.memory_space<hbm>>
        %dma_start3A_451 = tpu.memref_squeeze %dma_start3A_450 : memref<1x10240x64xf32, #tpu.memory_space<hbm>> -> memref<10240x64xf32, #tpu.memory_space<hbm>>
        %dma_start3A_452 = arith.constant 0 : i32
        %dma_start3A_453 = arith.constant 0 : i32
        %dma_start3A_454 = tpu.memref_slice %dma_start3A_451[%dma_start3A_452, %dma_start3A_453] : memref<10240x64xf32, #tpu.memory_space<hbm>> -> memref<10240x64xf32, #tpu.memory_space<hbm>>
        tpu.enqueue_indirect_dma source(%dma_start3A_454 : memref<10240x64xf32, #tpu.memory_space<hbm>>) target(%arg8 : memref<125x64xf32, #tpu.memory_space<vmem>>) offsets(%dma_start3A_447 : memref<125xi32, #tpu.memory_space<vmem>>) semaphore(%arg17 : memref<!tpu.dma_semaphore, #tpu.memory_space<semaphore_mem>>)
        %mul3A_455 = arith.constant 5 : i32
        %mul3A_456 = arith.muli %scan3A_287, %mul3A_455 : i32
        %add3A_457 = arith.constant 3 : i32
        %add3A_458 = arith.addi %mul3A_456, %add3A_457 : i32
        %sub3A_459 = arith.constant 5 : i32
        %sub3A_460 = arith.subi %add3A_458, %sub3A_459 : i32
        %dma_wait3A_461 = arith.constant 0 : i32
        %dma_wait3A_462 = tpu.memref_slice %arg12[%sub3A_460, %dma_wait3A_461] : memref<80x125xi32, #tpu.memory_space<vmem>> -> memref<1x125xi32, #tpu.memory_space<vmem>>
        %dma_wait3A_463 = tpu.memref_squeeze %dma_wait3A_462 : memref<1x125xi32, #tpu.memory_space<vmem>> -> memref<125xi32, #tpu.memory_space<vmem>>
        %dma_wait3A_464 = arith.constant 0 : i32
        %dma_wait3A_465 = arith.constant 0 : i32
        %dma_wait3A_466 = tpu.memref_slice %arg14[%dma_wait3A_464, %dma_wait3A_465] : memref<10240x64xf32, #tpu.memory_space<vmem_shared>> -> memref<10240x64xf32, #tpu.memory_space<vmem_shared>>
        tpu.wait_indirect_dma semaphore(%arg23 : memref<!tpu.dma_semaphore, #tpu.memory_space<semaphore_mem>>) src(%arg9 : memref<125x64xf32, #tpu.memory_space<vmem>>) dst(%dma_wait3A_466 : memref<10240x64xf32, #tpu.memory_space<vmem_shared>>)
        %dma_start3A_467 = arith.constant 0 : i32
        %dma_start3A_468 = tpu.memref_slice %arg11[%add3A_458, %dma_start3A_467] : memref<80x125xi32, #tpu.memory_space<vmem>> -> memref<1x125xi32, #tpu.memory_space<vmem>>
        %dma_start3A_469 = tpu.memref_squeeze %dma_start3A_468 : memref<1x125xi32, #tpu.memory_space<vmem>> -> memref<125xi32, #tpu.memory_space<vmem>>
        %dma_start3A_470 = arith.constant 0 : i32
        %dma_start3A_471 = arith.constant 0 : i32
        %dma_start3A_472 = tpu.memref_slice %arg4[%arg0, %dma_start3A_470, %dma_start3A_471] : memref<2x10240x64xf32, #tpu.memory_space<hbm>> -> memref<1x10240x64xf32, #tpu.memory_space<hbm>>
        %dma_start3A_473 = tpu.memref_squeeze %dma_start3A_472 : memref<1x10240x64xf32, #tpu.memory_space<hbm>> -> memref<10240x64xf32, #tpu.memory_space<hbm>>
        %dma_start3A_474 = arith.constant 0 : i32
        %dma_start3A_475 = arith.constant 0 : i32
        %dma_start3A_476 = tpu.memref_slice %dma_start3A_473[%dma_start3A_474, %dma_start3A_475] : memref<10240x64xf32, #tpu.memory_space<hbm>> -> memref<10240x64xf32, #tpu.memory_space<hbm>>
        tpu.enqueue_indirect_dma source(%dma_start3A_476 : memref<10240x64xf32, #tpu.memory_space<hbm>>) target(%arg9 : memref<125x64xf32, #tpu.memory_space<vmem>>) offsets(%dma_start3A_469 : memref<125xi32, #tpu.memory_space<vmem>>) semaphore(%arg18 : memref<!tpu.dma_semaphore, #tpu.memory_space<semaphore_mem>>)
        %mul3A_477 = arith.constant 5 : i32
        %mul3A_478 = arith.muli %scan3A_287, %mul3A_477 : i32
        %add3A_479 = arith.constant 4 : i32
        %add3A_480 = arith.addi %mul3A_478, %add3A_479 : i32
        %sub3A_481 = arith.constant 5 : i32
        %sub3A_482 = arith.subi %add3A_480, %sub3A_481 : i32
        %dma_wait3A_483 = arith.constant 0 : i32
        %dma_wait3A_484 = tpu.memref_slice %arg12[%sub3A_482, %dma_wait3A_483] : memref<80x125xi32, #tpu.memory_space<vmem>> -> memref<1x125xi32, #tpu.memory_space<vmem>>
        %dma_wait3A_485 = tpu.memref_squeeze %dma_wait3A_484 : memref<1x125xi32, #tpu.memory_space<vmem>> -> memref<125xi32, #tpu.memory_space<vmem>>
        %dma_wait3A_486 = arith.constant 0 : i32
        %dma_wait3A_487 = arith.constant 0 : i32
        %dma_wait3A_488 = tpu.memref_slice %arg14[%dma_wait3A_486, %dma_wait3A_487] : memref<10240x64xf32, #tpu.memory_space<vmem_shared>> -> memref<10240x64xf32, #tpu.memory_space<vmem_shared>>
        tpu.wait_indirect_dma semaphore(%arg24 : memref<!tpu.dma_semaphore, #tpu.memory_space<semaphore_mem>>) src(%arg10 : memref<125x64xf32, #tpu.memory_space<vmem>>) dst(%dma_wait3A_488 : memref<10240x64xf32, #tpu.memory_space<vmem_shared>>)
        %dma_start3A_489 = arith.constant 0 : i32
        %dma_start3A_490 = tpu.memref_slice %arg11[%add3A_480, %dma_start3A_489] : memref<80x125xi32, #tpu.memory_space<vmem>> -> memref<1x125xi32, #tpu.memory_space<vmem>>
        %dma_start3A_491 = tpu.memref_squeeze %dma_start3A_490 : memref<1x125xi32, #tpu.memory_space<vmem>> -> memref<125xi32, #tpu.memory_space<vmem>>
        %dma_start3A_492 = arith.constant 0 : i32
        %dma_start3A_493 = arith.constant 0 : i32
        %dma_start3A_494 = tpu.memref_slice %arg4[%arg0, %dma_start3A_492, %dma_start3A_493] : memref<2x10240x64xf32, #tpu.memory_space<hbm>> -> memref<1x10240x64xf32, #tpu.memory_space<hbm>>
        %dma_start3A_495 = tpu.memref_squeeze %dma_start3A_494 : memref<1x10240x64xf32, #tpu.memory_space<hbm>> -> memref<10240x64xf32, #tpu.memory_space<hbm>>
        %dma_start3A_496 = arith.constant 0 : i32
        %dma_start3A_497 = arith.constant 0 : i32
        %dma_start3A_498 = tpu.memref_slice %dma_start3A_495[%dma_start3A_496, %dma_start3A_497] : memref<10240x64xf32, #tpu.memory_space<hbm>> -> memref<10240x64xf32, #tpu.memory_space<hbm>>
        tpu.enqueue_indirect_dma source(%dma_start3A_498 : memref<10240x64xf32, #tpu.memory_space<hbm>>) target(%arg10 : memref<125x64xf32, #tpu.memory_space<vmem>>) offsets(%dma_start3A_491 : memref<125xi32, #tpu.memory_space<vmem>>) semaphore(%arg19 : memref<!tpu.dma_semaphore, #tpu.memory_space<semaphore_mem>>)
      } else {
      }
      %mul3A_290 = arith.constant 5 : i32
      %mul3A_291 = arith.muli %scan3A_287, %mul3A_290 : i32
      %add3A_292 = arith.constant 0 : i32
      %add3A_293 = arith.addi %mul3A_291, %add3A_292 : i32
      %dma_wait3A_294 = arith.constant 0 : i32
      %dma_wait3A_295 = tpu.memref_slice %arg11[%add3A_293, %dma_wait3A_294] : memref<80x125xi32, #tpu.memory_space<vmem>> -> memref<1x125xi32, #tpu.memory_space<vmem>>
      %dma_wait3A_296 = tpu.memref_squeeze %dma_wait3A_295 : memref<1x125xi32, #tpu.memory_space<vmem>> -> memref<125xi32, #tpu.memory_space<vmem>>
      %dma_wait3A_297 = arith.constant 0 : i32
      %dma_wait3A_298 = arith.constant 0 : i32
      %dma_wait3A_299 = tpu.memref_slice %arg4[%arg0, %dma_wait3A_297, %dma_wait3A_298] : memref<2x10240x64xf32, #tpu.memory_space<hbm>> -> memref<1x10240x64xf32, #tpu.memory_space<hbm>>
      %dma_wait3A_300 = tpu.memref_squeeze %dma_wait3A_299 : memref<1x10240x64xf32, #tpu.memory_space<hbm>> -> memref<10240x64xf32, #tpu.memory_space<hbm>>
      %dma_wait3A_301 = arith.constant 0 : i32
      %dma_wait3A_302 = arith.constant 0 : i32
      %dma_wait3A_303 = tpu.memref_slice %dma_wait3A_300[%dma_wait3A_301, %dma_wait3A_302] : memref<10240x64xf32, #tpu.memory_space<hbm>> -> memref<10240x64xf32, #tpu.memory_space<hbm>>
      tpu.wait_indirect_dma semaphore(%arg15 : memref<!tpu.dma_semaphore, #tpu.memory_space<semaphore_mem>>) src(%dma_wait3A_303 : memref<10240x64xf32, #tpu.memory_space<hbm>>) dst(%arg6 : memref<125x64xf32, #tpu.memory_space<vmem>>)
      %dma_start3A_304 = arith.constant 0 : i32
      %dma_start3A_305 = tpu.memref_slice %arg12[%add3A_293, %dma_start3A_304] : memref<80x125xi32, #tpu.memory_space<vmem>> -> memref<1x125xi32, #tpu.memory_space<vmem>>
      %dma_start3A_306 = tpu.memref_squeeze %dma_start3A_305 : memref<1x125xi32, #tpu.memory_space<vmem>> -> memref<125xi32, #tpu.memory_space<vmem>>
      %dma_start3A_307 = arith.constant 0 : i32
      %dma_start3A_308 = arith.constant 0 : i32
      %dma_start3A_309 = tpu.memref_slice %arg14[%dma_start3A_307, %dma_start3A_308] : memref<10240x64xf32, #tpu.memory_space<vmem_shared>> -> memref<10240x64xf32, #tpu.memory_space<vmem_shared>>
      tpu.enqueue_indirect_dma source(%arg6 : memref<125x64xf32, #tpu.memory_space<vmem>>) target(%dma_start3A_309 : memref<10240x64xf32, #tpu.memory_space<vmem_shared>>) offsets(%dma_start3A_306 : memref<125xi32, #tpu.memory_space<vmem>>) semaphore(%arg20 : memref<!tpu.dma_semaphore, #tpu.memory_space<semaphore_mem>>) {add = true}
      %mul3A_310 = arith.constant 5 : i32
      %mul3A_311 = arith.muli %scan3A_287, %mul3A_310 : i32
      %add3A_312 = arith.constant 1 : i32
      %add3A_313 = arith.addi %mul3A_311, %add3A_312 : i32
      %dma_wait3A_314 = arith.constant 0 : i32
      %dma_wait3A_315 = tpu.memref_slice %arg11[%add3A_313, %dma_wait3A_314] : memref<80x125xi32, #tpu.memory_space<vmem>> -> memref<1x125xi32, #tpu.memory_space<vmem>>
      %dma_wait3A_316 = tpu.memref_squeeze %dma_wait3A_315 : memref<1x125xi32, #tpu.memory_space<vmem>> -> memref<125xi32, #tpu.memory_space<vmem>>
      %dma_wait3A_317 = arith.constant 0 : i32
      %dma_wait3A_318 = arith.constant 0 : i32
      %dma_wait3A_319 = tpu.memref_slice %arg4[%arg0, %dma_wait3A_317, %dma_wait3A_318] : memref<2x10240x64xf32, #tpu.memory_space<hbm>> -> memref<1x10240x64xf32, #tpu.memory_space<hbm>>
      %dma_wait3A_320 = tpu.memref_squeeze %dma_wait3A_319 : memref<1x10240x64xf32, #tpu.memory_space<hbm>> -> memref<10240x64xf32, #tpu.memory_space<hbm>>
      %dma_wait3A_321 = arith.constant 0 : i32
      %dma_wait3A_322 = arith.constant 0 : i32
      %dma_wait3A_323 = tpu.memref_slice %dma_wait3A_320[%dma_wait3A_321, %dma_wait3A_322] : memref<10240x64xf32, #tpu.memory_space<hbm>> -> memref<10240x64xf32, #tpu.memory_space<hbm>>
      tpu.wait_indirect_dma semaphore(%arg16 : memref<!tpu.dma_semaphore, #tpu.memory_space<semaphore_mem>>) src(%dma_wait3A_323 : memref<10240x64xf32, #tpu.memory_space<hbm>>) dst(%arg7 : memref<125x64xf32, #tpu.memory_space<vmem>>)
      %dma_start3A_324 = arith.constant 0 : i32
      %dma_start3A_325 = tpu.memref_slice %arg12[%add3A_313, %dma_start3A_324] : memref<80x125xi32, #tpu.memory_space<vmem>> -> memref<1x125xi32, #tpu.memory_space<vmem>>
      %dma_start3A_326 = tpu.memref_squeeze %dma_start3A_325 : memref<1x125xi32, #tpu.memory_space<vmem>> -> memref<125xi32, #tpu.memory_space<vmem>>
      %dma_start3A_327 = arith.constant 0 : i32
      %dma_start3A_328 = arith.constant 0 : i32
      %dma_start3A_329 = tpu.memref_slice %arg14[%dma_start3A_327, %dma_start3A_328] : memref<10240x64xf32, #tpu.memory_space<vmem_shared>> -> memref<10240x64xf32, #tpu.memory_space<vmem_shared>>
      tpu.enqueue_indirect_dma source(%arg7 : memref<125x64xf32, #tpu.memory_space<vmem>>) target(%dma_start3A_329 : memref<10240x64xf32, #tpu.memory_space<vmem_shared>>) offsets(%dma_start3A_326 : memref<125xi32, #tpu.memory_space<vmem>>) semaphore(%arg21 : memref<!tpu.dma_semaphore, #tpu.memory_space<semaphore_mem>>) {add = true}
      %mul3A_330 = arith.constant 5 : i32
      %mul3A_331 = arith.muli %scan3A_287, %mul3A_330 : i32
      %add3A_332 = arith.constant 2 : i32
      %add3A_333 = arith.addi %mul3A_331, %add3A_332 : i32
      %dma_wait3A_334 = arith.constant 0 : i32
      %dma_wait3A_335 = tpu.memref_slice %arg11[%add3A_333, %dma_wait3A_334] : memref<80x125xi32, #tpu.memory_space<vmem>> -> memref<1x125xi32, #tpu.memory_space<vmem>>
      %dma_wait3A_336 = tpu.memref_squeeze %dma_wait3A_335 : memref<1x125xi32, #tpu.memory_space<vmem>> -> memref<125xi32, #tpu.memory_space<vmem>>
      %dma_wait3A_337 = arith.constant 0 : i32
      %dma_wait3A_338 = arith.constant 0 : i32
      %dma_wait3A_339 = tpu.memref_slice %arg4[%arg0, %dma_wait3A_337, %dma_wait3A_338] : memref<2x10240x64xf32, #tpu.memory_space<hbm>> -> memref<1x10240x64xf32, #tpu.memory_space<hbm>>
      %dma_wait3A_340 = tpu.memref_squeeze %dma_wait3A_339 : memref<1x10240x64xf32, #tpu.memory_space<hbm>> -> memref<10240x64xf32, #tpu.memory_space<hbm>>
      %dma_wait3A_341 = arith.constant 0 : i32
      %dma_wait3A_342 = arith.constant 0 : i32
      %dma_wait3A_343 = tpu.memref_slice %dma_wait3A_340[%dma_wait3A_341, %dma_wait3A_342] : memref<10240x64xf32, #tpu.memory_space<hbm>> -> memref<10240x64xf32, #tpu.memory_space<hbm>>
      tpu.wait_indirect_dma semaphore(%arg17 : memref<!tpu.dma_semaphore, #tpu.memory_space<semaphore_mem>>) src(%dma_wait3A_343 : memref<10240x64xf32, #tpu.memory_space<hbm>>) dst(%arg8 : memref<125x64xf32, #tpu.memory_space<vmem>>)
      %dma_start3A_344 = arith.constant 0 : i32
      %dma_start3A_345 = tpu.memref_slice %arg12[%add3A_333, %dma_start3A_344] : memref<80x125xi32, #tpu.memory_space<vmem>> -> memref<1x125xi32, #tpu.memory_space<vmem>>
      %dma_start3A_346 = tpu.memref_squeeze %dma_start3A_345 : memref<1x125xi32, #tpu.memory_space<vmem>> -> memref<125xi32, #tpu.memory_space<vmem>>
      %dma_start3A_347 = arith.constant 0 : i32
      %dma_start3A_348 = arith.constant 0 : i32
      %dma_start3A_349 = tpu.memref_slice %arg14[%dma_start3A_347, %dma_start3A_348] : memref<10240x64xf32, #tpu.memory_space<vmem_shared>> -> memref<10240x64xf32, #tpu.memory_space<vmem_shared>>
      tpu.enqueue_indirect_dma source(%arg8 : memref<125x64xf32, #tpu.memory_space<vmem>>) target(%dma_start3A_349 : memref<10240x64xf32, #tpu.memory_space<vmem_shared>>) offsets(%dma_start3A_346 : memref<125xi32, #tpu.memory_space<vmem>>) semaphore(%arg22 : memref<!tpu.dma_semaphore, #tpu.memory_space<semaphore_mem>>) {add = true}
      %mul3A_350 = arith.constant 5 : i32
      %mul3A_351 = arith.muli %scan3A_287, %mul3A_350 : i32
      %add3A_352 = arith.constant 3 : i32
      %add3A_353 = arith.addi %mul3A_351, %add3A_352 : i32
      %dma_wait3A_354 = arith.constant 0 : i32
      %dma_wait3A_355 = tpu.memref_slice %arg11[%add3A_353, %dma_wait3A_354] : memref<80x125xi32, #tpu.memory_space<vmem>> -> memref<1x125xi32, #tpu.memory_space<vmem>>
      %dma_wait3A_356 = tpu.memref_squeeze %dma_wait3A_355 : memref<1x125xi32, #tpu.memory_space<vmem>> -> memref<125xi32, #tpu.memory_space<vmem>>
      %dma_wait3A_357 = arith.constant 0 : i32
      %dma_wait3A_358 = arith.constant 0 : i32
      %dma_wait3A_359 = tpu.memref_slice %arg4[%arg0, %dma_wait3A_357, %dma_wait3A_358] : memref<2x10240x64xf32, #tpu.memory_space<hbm>> -> memref<1x10240x64xf32, #tpu.memory_space<hbm>>
      %dma_wait3A_360 = tpu.memref_squeeze %dma_wait3A_359 : memref<1x10240x64xf32, #tpu.memory_space<hbm>> -> memref<10240x64xf32, #tpu.memory_space<hbm>>
      %dma_wait3A_361 = arith.constant 0 : i32
      %dma_wait3A_362 = arith.constant 0 : i32
      %dma_wait3A_363 = tpu.memref_slice %dma_wait3A_360[%dma_wait3A_361, %dma_wait3A_362] : memref<10240x64xf32, #tpu.memory_space<hbm>> -> memref<10240x64xf32, #tpu.memory_space<hbm>>
      tpu.wait_indirect_dma semaphore(%arg18 : memref<!tpu.dma_semaphore, #tpu.memory_space<semaphore_mem>>) src(%dma_wait3A_363 : memref<10240x64xf32, #tpu.memory_space<hbm>>) dst(%arg9 : memref<125x64xf32, #tpu.memory_space<vmem>>)
      %dma_start3A_364 = arith.constant 0 : i32
      %dma_start3A_365 = tpu.memref_slice %arg12[%add3A_353, %dma_start3A_364] : memref<80x125xi32, #tpu.memory_space<vmem>> -> memref<1x125xi32, #tpu.memory_space<vmem>>
      %dma_start3A_366 = tpu.memref_squeeze %dma_start3A_365 : memref<1x125xi32, #tpu.memory_space<vmem>> -> memref<125xi32, #tpu.memory_space<vmem>>
      %dma_start3A_367 = arith.constant 0 : i32
      %dma_start3A_368 = arith.constant 0 : i32
      %dma_start3A_369 = tpu.memref_slice %arg14[%dma_start3A_367, %dma_start3A_368] : memref<10240x64xf32, #tpu.memory_space<vmem_shared>> -> memref<10240x64xf32, #tpu.memory_space<vmem_shared>>
      tpu.enqueue_indirect_dma source(%arg9 : memref<125x64xf32, #tpu.memory_space<vmem>>) target(%dma_start3A_369 : memref<10240x64xf32, #tpu.memory_space<vmem_shared>>) offsets(%dma_start3A_366 : memref<125xi32, #tpu.memory_space<vmem>>) semaphore(%arg23 : memref<!tpu.dma_semaphore, #tpu.memory_space<semaphore_mem>>) {add = true}
      %mul3A_370 = arith.constant 5 : i32
      %mul3A_371 = arith.muli %scan3A_287, %mul3A_370 : i32
      %add3A_372 = arith.constant 4 : i32
      %add3A_373 = arith.addi %mul3A_371, %add3A_372 : i32
      %dma_wait3A_374 = arith.constant 0 : i32
      %dma_wait3A_375 = tpu.memref_slice %arg11[%add3A_373, %dma_wait3A_374] : memref<80x125xi32, #tpu.memory_space<vmem>> -> memref<1x125xi32, #tpu.memory_space<vmem>>
      %dma_wait3A_376 = tpu.memref_squeeze %dma_wait3A_375 : memref<1x125xi32, #tpu.memory_space<vmem>> -> memref<125xi32, #tpu.memory_space<vmem>>
      %dma_wait3A_377 = arith.constant 0 : i32
      %dma_wait3A_378 = arith.constant 0 : i32
      %dma_wait3A_379 = tpu.memref_slice %arg4[%arg0, %dma_wait3A_377, %dma_wait3A_378] : memref<2x10240x64xf32, #tpu.memory_space<hbm>> -> memref<1x10240x64xf32, #tpu.memory_space<hbm>>
      %dma_wait3A_380 = tpu.memref_squeeze %dma_wait3A_379 : memref<1x10240x64xf32, #tpu.memory_space<hbm>> -> memref<10240x64xf32, #tpu.memory_space<hbm>>
      %dma_wait3A_381 = arith.constant 0 : i32
      %dma_wait3A_382 = arith.constant 0 : i32
      %dma_wait3A_383 = tpu.memref_slice %dma_wait3A_380[%dma_wait3A_381, %dma_wait3A_382] : memref<10240x64xf32, #tpu.memory_space<hbm>> -> memref<10240x64xf32, #tpu.memory_space<hbm>>
      tpu.wait_indirect_dma semaphore(%arg19 : memref<!tpu.dma_semaphore, #tpu.memory_space<semaphore_mem>>) src(%dma_wait3A_383 : memref<10240x64xf32, #tpu.memory_space<hbm>>) dst(%arg10 : memref<125x64xf32, #tpu.memory_space<vmem>>)
      %dma_start3A_384 = arith.constant 0 : i32
      %dma_start3A_385 = tpu.memref_slice %arg12[%add3A_373, %dma_start3A_384] : memref<80x125xi32, #tpu.memory_space<vmem>> -> memref<1x125xi32, #tpu.memory_space<vmem>>
      %dma_start3A_386 = tpu.memref_squeeze %dma_start3A_385 : memref<1x125xi32, #tpu.memory_space<vmem>> -> memref<125xi32, #tpu.memory_space<vmem>>
      %dma_start3A_387 = arith.constant 0 : i32
      %dma_start3A_388 = arith.constant 0 : i32
      %dma_start3A_389 = tpu.memref_slice %arg14[%dma_start3A_387, %dma_start3A_388] : memref<10240x64xf32, #tpu.memory_space<vmem_shared>> -> memref<10240x64xf32, #tpu.memory_space<vmem_shared>>
      tpu.enqueue_indirect_dma source(%arg10 : memref<125x64xf32, #tpu.memory_space<vmem>>) target(%dma_start3A_389 : memref<10240x64xf32, #tpu.memory_space<vmem_shared>>) offsets(%dma_start3A_386 : memref<125xi32, #tpu.memory_space<vmem>>) semaphore(%arg24 : memref<!tpu.dma_semaphore, #tpu.memory_space<semaphore_mem>>) {add = true}
    }
    %scan3A_146 = arith.constant 16 : i32
    %dma_wait3A_147 = arith.constant 75 : i32
    %dma_wait3A_148 = arith.constant 0 : i32
    %dma_wait3A_149 = tpu.memref_slice %arg12[%dma_wait3A_147, %dma_wait3A_148] : memref<80x125xi32, #tpu.memory_space<vmem>> -> memref<1x125xi32, #tpu.memory_space<vmem>>
    %dma_wait3A_150 = tpu.memref_squeeze %dma_wait3A_149 : memref<1x125xi32, #tpu.memory_space<vmem>> -> memref<125xi32, #tpu.memory_space<vmem>>
    %dma_wait3A_151 = arith.constant 0 : i32
    %dma_wait3A_152 = arith.constant 0 : i32
    %dma_wait3A_153 = tpu.memref_slice %arg14[%dma_wait3A_151, %dma_wait3A_152] : memref<10240x64xf32, #tpu.memory_space<vmem_shared>> -> memref<10240x64xf32, #tpu.memory_space<vmem_shared>>
    tpu.wait_indirect_dma semaphore(%arg20 : memref<!tpu.dma_semaphore, #tpu.memory_space<semaphore_mem>>) src(%arg6 : memref<125x64xf32, #tpu.memory_space<vmem>>) dst(%dma_wait3A_153 : memref<10240x64xf32, #tpu.memory_space<vmem_shared>>)
    %dma_wait3A_154 = arith.constant 76 : i32
    %dma_wait3A_155 = arith.constant 0 : i32
    %dma_wait3A_156 = tpu.memref_slice %arg12[%dma_wait3A_154, %dma_wait3A_155] : memref<80x125xi32, #tpu.memory_space<vmem>> -> memref<1x125xi32, #tpu.memory_space<vmem>>
    %dma_wait3A_157 = tpu.memref_squeeze %dma_wait3A_156 : memref<1x125xi32, #tpu.memory_space<vmem>> -> memref<125xi32, #tpu.memory_space<vmem>>
    %dma_wait3A_158 = arith.constant 0 : i32
    %dma_wait3A_159 = arith.constant 0 : i32
    %dma_wait3A_160 = tpu.memref_slice %arg14[%dma_wait3A_158, %dma_wait3A_159] : memref<10240x64xf32, #tpu.memory_space<vmem_shared>> -> memref<10240x64xf32, #tpu.memory_space<vmem_shared>>
    tpu.wait_indirect_dma semaphore(%arg21 : memref<!tpu.dma_semaphore, #tpu.memory_space<semaphore_mem>>) src(%arg7 : memref<125x64xf32, #tpu.memory_space<vmem>>) dst(%dma_wait3A_160 : memref<10240x64xf32, #tpu.memory_space<vmem_shared>>)
    %dma_wait3A_161 = arith.constant 77 : i32
    %dma_wait3A_162 = arith.constant 0 : i32
    %dma_wait3A_163 = tpu.memref_slice %arg12[%dma_wait3A_161, %dma_wait3A_162] : memref<80x125xi32, #tpu.memory_space<vmem>> -> memref<1x125xi32, #tpu.memory_space<vmem>>
    %dma_wait3A_164 = tpu.memref_squeeze %dma_wait3A_163 : memref<1x125xi32, #tpu.memory_space<vmem>> -> memref<125xi32, #tpu.memory_space<vmem>>
    %dma_wait3A_165 = arith.constant 0 : i32
    %dma_wait3A_166 = arith.constant 0 : i32
    %dma_wait3A_167 = tpu.memref_slice %arg14[%dma_wait3A_165, %dma_wait3A_166] : memref<10240x64xf32, #tpu.memory_space<vmem_shared>> -> memref<10240x64xf32, #tpu.memory_space<vmem_shared>>
    tpu.wait_indirect_dma semaphore(%arg22 : memref<!tpu.dma_semaphore, #tpu.memory_space<semaphore_mem>>) src(%arg8 : memref<125x64xf32, #tpu.memory_space<vmem>>) dst(%dma_wait3A_167 : memref<10240x64xf32, #tpu.memory_space<vmem_shared>>)
    %dma_wait3A_168 = arith.constant 78 : i32
    %dma_wait3A_169 = arith.constant 0 : i32
    %dma_wait3A_170 = tpu.memref_slice %arg12[%dma_wait3A_168, %dma_wait3A_169] : memref<80x125xi32, #tpu.memory_space<vmem>> -> memref<1x125xi32, #tpu.memory_space<vmem>>
    %dma_wait3A_171 = tpu.memref_squeeze %dma_wait3A_170 : memref<1x125xi32, #tpu.memory_space<vmem>> -> memref<125xi32, #tpu.memory_space<vmem>>
    %dma_wait3A_172 = arith.constant 0 : i32
    %dma_wait3A_173 = arith.constant 0 : i32
    %dma_wait3A_174 = tpu.memref_slice %arg14[%dma_wait3A_172, %dma_wait3A_173] : memref<10240x64xf32, #tpu.memory_space<vmem_shared>> -> memref<10240x64xf32, #tpu.memory_space<vmem_shared>>
    tpu.wait_indirect_dma semaphore(%arg23 : memref<!tpu.dma_semaphore, #tpu.memory_space<semaphore_mem>>) src(%arg9 : memref<125x64xf32, #tpu.memory_space<vmem>>) dst(%dma_wait3A_174 : memref<10240x64xf32, #tpu.memory_space<vmem_shared>>)
    %dma_wait3A_175 = arith.constant 79 : i32
    %dma_wait3A_176 = arith.constant 0 : i32
    %dma_wait3A_177 = tpu.memref_slice %arg12[%dma_wait3A_175, %dma_wait3A_176] : memref<80x125xi32, #tpu.memory_space<vmem>> -> memref<1x125xi32, #tpu.memory_space<vmem>>
    %dma_wait3A_178 = tpu.memref_squeeze %dma_wait3A_177 : memref<1x125xi32, #tpu.memory_space<vmem>> -> memref<125xi32, #tpu.memory_space<vmem>>
    %dma_wait3A_179 = arith.constant 0 : i32
    %dma_wait3A_180 = arith.constant 0 : i32
    %dma_wait3A_181 = tpu.memref_slice %arg14[%dma_wait3A_179, %dma_wait3A_180] : memref<10240x64xf32, #tpu.memory_space<vmem_shared>> -> memref<10240x64xf32, #tpu.memory_space<vmem_shared>>
    tpu.wait_indirect_dma semaphore(%arg24 : memref<!tpu.dma_semaphore, #tpu.memory_space<semaphore_mem>>) src(%arg10 : memref<125x64xf32, #tpu.memory_space<vmem>>) dst(%dma_wait3A_181 : memref<10240x64xf32, #tpu.memory_space<vmem_shared>>)
    %mul3A_182 = arith.constant 160 : i32
    %mul3A_183 = arith.muli %arg1, %mul3A_182 : i32
    %add3A_184 = arith.constant 80 : i32
    %add3A_185 = arith.addi %mul3A_183, %add3A_184 : i32
    "tpu.region"() ({
      %run_scoped3A = tpu.sem_alloc : memref<!tpu.dma_semaphore, #tpu.memory_space<semaphore_mem>>
      %dma_start3A_287 = arith.constant 0 : i32
      %dma_start3A_288 = tpu.memref_slice %arg2[%add3A_185, %dma_start3A_287] : memref<2560x125xi32, #tpu.memory_space<hbm>> -> memref<80x125xi32, #tpu.memory_space<hbm>>
      %dma_start3A_289 = arith.constant 0 : i32
      %dma_start3A_290 = tpu.memref_slice %arg2[%add3A_185, %dma_start3A_289] : memref<2560x125xi32, #tpu.memory_space<hbm>> -> memref<80x125xi32, #tpu.memory_space<hbm>>
      tpu.enqueue_dma source(%dma_start3A_290 : memref<80x125xi32, #tpu.memory_space<hbm>>) target(%arg11 : memref<80x125xi32, #tpu.memory_space<vmem>>) target_semaphore(%run_scoped3A : memref<!tpu.dma_semaphore, #tpu.memory_space<semaphore_mem>>)
      %dma_wait3A_291 = arith.constant 0 : i32
      %dma_wait3A_292 = tpu.memref_slice %arg2[%add3A_185, %dma_wait3A_291] : memref<2560x125xi32, #tpu.memory_space<hbm>> -> memref<80x125xi32, #tpu.memory_space<hbm>>
      %dma_wait3A_293 = arith.constant 0 : i32
      %dma_wait3A_294 = tpu.memref_slice %arg2[%add3A_185, %dma_wait3A_293] : memref<2560x125xi32, #tpu.memory_space<hbm>> -> memref<80x125xi32, #tpu.memory_space<hbm>>
      tpu.wait_dma2 semaphore(%run_scoped3A : memref<!tpu.dma_semaphore, #tpu.memory_space<semaphore_mem>>) src(%dma_wait3A_294 : memref<80x125xi32, #tpu.memory_space<hbm>>) dst(%arg11 : memref<80x125xi32, #tpu.memory_space<vmem>>)
      tpu.yield
    }) : () -> ()
    "tpu.region"() ({
      %run_scoped3A = tpu.sem_alloc : memref<!tpu.dma_semaphore, #tpu.memory_space<semaphore_mem>>
      %dma_start3A_287 = arith.constant 0 : i32
      %dma_start3A_288 = tpu.memref_slice %arg3[%add3A_185, %dma_start3A_287] : memref<2560x125xi32, #tpu.memory_space<hbm>> -> memref<80x125xi32, #tpu.memory_space<hbm>>
      %dma_start3A_289 = arith.constant 0 : i32
      %dma_start3A_290 = tpu.memref_slice %arg3[%add3A_185, %dma_start3A_289] : memref<2560x125xi32, #tpu.memory_space<hbm>> -> memref<80x125xi32, #tpu.memory_space<hbm>>
      tpu.enqueue_dma source(%dma_start3A_290 : memref<80x125xi32, #tpu.memory_space<hbm>>) target(%arg12 : memref<80x125xi32, #tpu.memory_space<vmem>>) target_semaphore(%run_scoped3A : memref<!tpu.dma_semaphore, #tpu.memory_space<semaphore_mem>>)
      %dma_wait3A_291 = arith.constant 0 : i32
      %dma_wait3A_292 = tpu.memref_slice %arg3[%add3A_185, %dma_wait3A_291] : memref<2560x125xi32, #tpu.memory_space<hbm>> -> memref<80x125xi32, #tpu.memory_space<hbm>>
      %dma_wait3A_293 = arith.constant 0 : i32
      %dma_wait3A_294 = tpu.memref_slice %arg3[%add3A_185, %dma_wait3A_293] : memref<2560x125xi32, #tpu.memory_space<hbm>> -> memref<80x125xi32, #tpu.memory_space<hbm>>
      tpu.wait_dma2 semaphore(%run_scoped3A : memref<!tpu.dma_semaphore, #tpu.memory_space<semaphore_mem>>) src(%dma_wait3A_294 : memref<80x125xi32, #tpu.memory_space<hbm>>) dst(%arg12 : memref<80x125xi32, #tpu.memory_space<vmem>>)
      tpu.yield
    }) : () -> ()
    %dma_start3A_186 = arith.constant 0 : i32
    %dma_start3A_187 = arith.constant 0 : i32
    %dma_start3A_188 = tpu.memref_slice %arg11[%dma_start3A_186, %dma_start3A_187] : memref<80x125xi32, #tpu.memory_space<vmem>> -> memref<1x125xi32, #tpu.memory_space<vmem>>
    %dma_start3A_189 = tpu.memref_squeeze %dma_start3A_188 : memref<1x125xi32, #tpu.memory_space<vmem>> -> memref<125xi32, #tpu.memory_space<vmem>>
    %dma_start3A_190 = arith.constant 0 : i32
    %dma_start3A_191 = arith.constant 0 : i32
    %dma_start3A_192 = tpu.memref_slice %arg4[%arg0, %dma_start3A_190, %dma_start3A_191] : memref<2x10240x64xf32, #tpu.memory_space<hbm>> -> memref<1x10240x64xf32, #tpu.memory_space<hbm>>
    %dma_start3A_193 = tpu.memref_squeeze %dma_start3A_192 : memref<1x10240x64xf32, #tpu.memory_space<hbm>> -> memref<10240x64xf32, #tpu.memory_space<hbm>>
    %dma_start3A_194 = arith.constant 0 : i32
    %dma_start3A_195 = arith.constant 0 : i32
    %dma_start3A_196 = tpu.memref_slice %dma_start3A_193[%dma_start3A_194, %dma_start3A_195] : memref<10240x64xf32, #tpu.memory_space<hbm>> -> memref<10240x64xf32, #tpu.memory_space<hbm>>
    tpu.enqueue_indirect_dma source(%dma_start3A_196 : memref<10240x64xf32, #tpu.memory_space<hbm>>) target(%arg6 : memref<125x64xf32, #tpu.memory_space<vmem>>) offsets(%dma_start3A_189 : memref<125xi32, #tpu.memory_space<vmem>>) semaphore(%arg15 : memref<!tpu.dma_semaphore, #tpu.memory_space<semaphore_mem>>)
    %dma_start3A_197 = arith.constant 1 : i32
    %dma_start3A_198 = arith.constant 0 : i32
    %dma_start3A_199 = tpu.memref_slice %arg11[%dma_start3A_197, %dma_start3A_198] : memref<80x125xi32, #tpu.memory_space<vmem>> -> memref<1x125xi32, #tpu.memory_space<vmem>>
    %dma_start3A_200 = tpu.memref_squeeze %dma_start3A_199 : memref<1x125xi32, #tpu.memory_space<vmem>> -> memref<125xi32, #tpu.memory_space<vmem>>
    %dma_start3A_201 = arith.constant 0 : i32
    %dma_start3A_202 = arith.constant 0 : i32
    %dma_start3A_203 = tpu.memref_slice %arg4[%arg0, %dma_start3A_201, %dma_start3A_202] : memref<2x10240x64xf32, #tpu.memory_space<hbm>> -> memref<1x10240x64xf32, #tpu.memory_space<hbm>>
    %dma_start3A_204 = tpu.memref_squeeze %dma_start3A_203 : memref<1x10240x64xf32, #tpu.memory_space<hbm>> -> memref<10240x64xf32, #tpu.memory_space<hbm>>
    %dma_start3A_205 = arith.constant 0 : i32
    %dma_start3A_206 = arith.constant 0 : i32
    %dma_start3A_207 = tpu.memref_slice %dma_start3A_204[%dma_start3A_205, %dma_start3A_206] : memref<10240x64xf32, #tpu.memory_space<hbm>> -> memref<10240x64xf32, #tpu.memory_space<hbm>>
    tpu.enqueue_indirect_dma source(%dma_start3A_207 : memref<10240x64xf32, #tpu.memory_space<hbm>>) target(%arg7 : memref<125x64xf32, #tpu.memory_space<vmem>>) offsets(%dma_start3A_200 : memref<125xi32, #tpu.memory_space<vmem>>) semaphore(%arg16 : memref<!tpu.dma_semaphore, #tpu.memory_space<semaphore_mem>>)
    %dma_start3A_208 = arith.constant 2 : i32
    %dma_start3A_209 = arith.constant 0 : i32
    %dma_start3A_210 = tpu.memref_slice %arg11[%dma_start3A_208, %dma_start3A_209] : memref<80x125xi32, #tpu.memory_space<vmem>> -> memref<1x125xi32, #tpu.memory_space<vmem>>
    %dma_start3A_211 = tpu.memref_squeeze %dma_start3A_210 : memref<1x125xi32, #tpu.memory_space<vmem>> -> memref<125xi32, #tpu.memory_space<vmem>>
    %dma_start3A_212 = arith.constant 0 : i32
    %dma_start3A_213 = arith.constant 0 : i32
    %dma_start3A_214 = tpu.memref_slice %arg4[%arg0, %dma_start3A_212, %dma_start3A_213] : memref<2x10240x64xf32, #tpu.memory_space<hbm>> -> memref<1x10240x64xf32, #tpu.memory_space<hbm>>
    %dma_start3A_215 = tpu.memref_squeeze %dma_start3A_214 : memref<1x10240x64xf32, #tpu.memory_space<hbm>> -> memref<10240x64xf32, #tpu.memory_space<hbm>>
    %dma_start3A_216 = arith.constant 0 : i32
    %dma_start3A_217 = arith.constant 0 : i32
    %dma_start3A_218 = tpu.memref_slice %dma_start3A_215[%dma_start3A_216, %dma_start3A_217] : memref<10240x64xf32, #tpu.memory_space<hbm>> -> memref<10240x64xf32, #tpu.memory_space<hbm>>
    tpu.enqueue_indirect_dma source(%dma_start3A_218 : memref<10240x64xf32, #tpu.memory_space<hbm>>) target(%arg8 : memref<125x64xf32, #tpu.memory_space<vmem>>) offsets(%dma_start3A_211 : memref<125xi32, #tpu.memory_space<vmem>>) semaphore(%arg17 : memref<!tpu.dma_semaphore, #tpu.memory_space<semaphore_mem>>)
    %dma_start3A_219 = arith.constant 3 : i32
    %dma_start3A_220 = arith.constant 0 : i32
    %dma_start3A_221 = tpu.memref_slice %arg11[%dma_start3A_219, %dma_start3A_220] : memref<80x125xi32, #tpu.memory_space<vmem>> -> memref<1x125xi32, #tpu.memory_space<vmem>>
    %dma_start3A_222 = tpu.memref_squeeze %dma_start3A_221 : memref<1x125xi32, #tpu.memory_space<vmem>> -> memref<125xi32, #tpu.memory_space<vmem>>
    %dma_start3A_223 = arith.constant 0 : i32
    %dma_start3A_224 = arith.constant 0 : i32
    %dma_start3A_225 = tpu.memref_slice %arg4[%arg0, %dma_start3A_223, %dma_start3A_224] : memref<2x10240x64xf32, #tpu.memory_space<hbm>> -> memref<1x10240x64xf32, #tpu.memory_space<hbm>>
    %dma_start3A_226 = tpu.memref_squeeze %dma_start3A_225 : memref<1x10240x64xf32, #tpu.memory_space<hbm>> -> memref<10240x64xf32, #tpu.memory_space<hbm>>
    %dma_start3A_227 = arith.constant 0 : i32
    %dma_start3A_228 = arith.constant 0 : i32
    %dma_start3A_229 = tpu.memref_slice %dma_start3A_226[%dma_start3A_227, %dma_start3A_228] : memref<10240x64xf32, #tpu.memory_space<hbm>> -> memref<10240x64xf32, #tpu.memory_space<hbm>>
    tpu.enqueue_indirect_dma source(%dma_start3A_229 : memref<10240x64xf32, #tpu.memory_space<hbm>>) target(%arg9 : memref<125x64xf32, #tpu.memory_space<vmem>>) offsets(%dma_start3A_222 : memref<125xi32, #tpu.memory_space<vmem>>) semaphore(%arg18 : memref<!tpu.dma_semaphore, #tpu.memory_space<semaphore_mem>>)
    %dma_start3A_230 = arith.constant 4 : i32
    %dma_start3A_231 = arith.constant 0 : i32
    %dma_start3A_232 = tpu.memref_slice %arg11[%dma_start3A_230, %dma_start3A_231] : memref<80x125xi32, #tpu.memory_space<vmem>> -> memref<1x125xi32, #tpu.memory_space<vmem>>
    %dma_start3A_233 = tpu.memref_squeeze %dma_start3A_232 : memref<1x125xi32, #tpu.memory_space<vmem>> -> memref<125xi32, #tpu.memory_space<vmem>>
    %dma_start3A_234 = arith.constant 0 : i32
    %dma_start3A_235 = arith.constant 0 : i32
    %dma_start3A_236 = tpu.memref_slice %arg4[%arg0, %dma_start3A_234, %dma_start3A_235] : memref<2x10240x64xf32, #tpu.memory_space<hbm>> -> memref<1x10240x64xf32, #tpu.memory_space<hbm>>
    %dma_start3A_237 = tpu.memref_squeeze %dma_start3A_236 : memref<1x10240x64xf32, #tpu.memory_space<hbm>> -> memref<10240x64xf32, #tpu.memory_space<hbm>>
    %dma_start3A_238 = arith.constant 0 : i32
    %dma_start3A_239 = arith.constant 0 : i32
    %dma_start3A_240 = tpu.memref_slice %dma_start3A_237[%dma_start3A_238, %dma_start3A_239] : memref<10240x64xf32, #tpu.memory_space<hbm>> -> memref<10240x64xf32, #tpu.memory_space<hbm>>
    tpu.enqueue_indirect_dma source(%dma_start3A_240 : memref<10240x64xf32, #tpu.memory_space<hbm>>) target(%arg10 : memref<125x64xf32, #tpu.memory_space<vmem>>) offsets(%dma_start3A_233 : memref<125xi32, #tpu.memory_space<vmem>>) semaphore(%arg19 : memref<!tpu.dma_semaphore, #tpu.memory_space<semaphore_mem>>)
    %scan3A_241 = arith.constant 0 : i32
    %scan3A_242 = arith.constant 0 : i32
    %scan3A_243 = arith.constant 16 : i32
    %scan3A_244 = arith.addi %scan3A_242, %scan3A_243 : i32
    %scan3A_245 = arith.constant 1 : i32
    scf.for %scan3A_287 = %scan3A_242 to %scan3A_244 step %scan3A_245  : i32 {
      %gt3A = arith.constant 0 : i32
      %gt3A_288 = arith.cmpi sgt, %scan3A_287, %gt3A : i32
      %convert_element_type3A = arith.extui %gt3A_288 : i1 to i32
      %cond3A = arith.constant 0 : i32
      %cond3A_289 = arith.cmpi ne, %convert_element_type3A, %cond3A : i32
      scf.if %cond3A_289 {
        %mul3A_390 = arith.constant 5 : i32
        %mul3A_391 = arith.muli %scan3A_287, %mul3A_390 : i32
        %add3A_392 = arith.constant 0 : i32
        %add3A_393 = arith.addi %mul3A_391, %add3A_392 : i32
        %sub3A = arith.constant 5 : i32
        %sub3A_394 = arith.subi %add3A_393, %sub3A : i32
        %dma_wait3A_395 = arith.constant 0 : i32
        %dma_wait3A_396 = tpu.memref_slice %arg12[%sub3A_394, %dma_wait3A_395] : memref<80x125xi32, #tpu.memory_space<vmem>> -> memref<1x125xi32, #tpu.memory_space<vmem>>
        %dma_wait3A_397 = tpu.memref_squeeze %dma_wait3A_396 : memref<1x125xi32, #tpu.memory_space<vmem>> -> memref<125xi32, #tpu.memory_space<vmem>>
        %dma_wait3A_398 = arith.constant 0 : i32
        %dma_wait3A_399 = arith.constant 0 : i32
        %dma_wait3A_400 = tpu.memref_slice %arg14[%dma_wait3A_398, %dma_wait3A_399] : memref<10240x64xf32, #tpu.memory_space<vmem_shared>> -> memref<10240x64xf32, #tpu.memory_space<vmem_shared>>
        tpu.wait_indirect_dma semaphore(%arg20 : memref<!tpu.dma_semaphore, #tpu.memory_space<semaphore_mem>>) src(%arg6 : memref<125x64xf32, #tpu.memory_space<vmem>>) dst(%dma_wait3A_400 : memref<10240x64xf32, #tpu.memory_space<vmem_shared>>)
        %dma_start3A_401 = arith.constant 0 : i32
        %dma_start3A_402 = tpu.memref_slice %arg11[%add3A_393, %dma_start3A_401] : memref<80x125xi32, #tpu.memory_space<vmem>> -> memref<1x125xi32, #tpu.memory_space<vmem>>
        %dma_start3A_403 = tpu.memref_squeeze %dma_start3A_402 : memref<1x125xi32, #tpu.memory_space<vmem>> -> memref<125xi32, #tpu.memory_space<vmem>>
        %dma_start3A_404 = arith.constant 0 : i32
        %dma_start3A_405 = arith.constant 0 : i32
        %dma_start3A_406 = tpu.memref_slice %arg4[%arg0, %dma_start3A_404, %dma_start3A_405] : memref<2x10240x64xf32, #tpu.memory_space<hbm>> -> memref<1x10240x64xf32, #tpu.memory_space<hbm>>
        %dma_start3A_407 = tpu.memref_squeeze %dma_start3A_406 : memref<1x10240x64xf32, #tpu.memory_space<hbm>> -> memref<10240x64xf32, #tpu.memory_space<hbm>>
        %dma_start3A_408 = arith.constant 0 : i32
        %dma_start3A_409 = arith.constant 0 : i32
        %dma_start3A_410 = tpu.memref_slice %dma_start3A_407[%dma_start3A_408, %dma_start3A_409] : memref<10240x64xf32, #tpu.memory_space<hbm>> -> memref<10240x64xf32, #tpu.memory_space<hbm>>
        tpu.enqueue_indirect_dma source(%dma_start3A_410 : memref<10240x64xf32, #tpu.memory_space<hbm>>) target(%arg6 : memref<125x64xf32, #tpu.memory_space<vmem>>) offsets(%dma_start3A_403 : memref<125xi32, #tpu.memory_space<vmem>>) semaphore(%arg15 : memref<!tpu.dma_semaphore, #tpu.memory_space<semaphore_mem>>)
        %mul3A_411 = arith.constant 5 : i32
        %mul3A_412 = arith.muli %scan3A_287, %mul3A_411 : i32
        %add3A_413 = arith.constant 1 : i32
        %add3A_414 = arith.addi %mul3A_412, %add3A_413 : i32
        %sub3A_415 = arith.constant 5 : i32
        %sub3A_416 = arith.subi %add3A_414, %sub3A_415 : i32
        %dma_wait3A_417 = arith.constant 0 : i32
        %dma_wait3A_418 = tpu.memref_slice %arg12[%sub3A_416, %dma_wait3A_417] : memref<80x125xi32, #tpu.memory_space<vmem>> -> memref<1x125xi32, #tpu.memory_space<vmem>>
        %dma_wait3A_419 = tpu.memref_squeeze %dma_wait3A_418 : memref<1x125xi32, #tpu.memory_space<vmem>> -> memref<125xi32, #tpu.memory_space<vmem>>
        %dma_wait3A_420 = arith.constant 0 : i32
        %dma_wait3A_421 = arith.constant 0 : i32
        %dma_wait3A_422 = tpu.memref_slice %arg14[%dma_wait3A_420, %dma_wait3A_421] : memref<10240x64xf32, #tpu.memory_space<vmem_shared>> -> memref<10240x64xf32, #tpu.memory_space<vmem_shared>>
        tpu.wait_indirect_dma semaphore(%arg21 : memref<!tpu.dma_semaphore, #tpu.memory_space<semaphore_mem>>) src(%arg7 : memref<125x64xf32, #tpu.memory_space<vmem>>) dst(%dma_wait3A_422 : memref<10240x64xf32, #tpu.memory_space<vmem_shared>>)
        %dma_start3A_423 = arith.constant 0 : i32
        %dma_start3A_424 = tpu.memref_slice %arg11[%add3A_414, %dma_start3A_423] : memref<80x125xi32, #tpu.memory_space<vmem>> -> memref<1x125xi32, #tpu.memory_space<vmem>>
        %dma_start3A_425 = tpu.memref_squeeze %dma_start3A_424 : memref<1x125xi32, #tpu.memory_space<vmem>> -> memref<125xi32, #tpu.memory_space<vmem>>
        %dma_start3A_426 = arith.constant 0 : i32
        %dma_start3A_427 = arith.constant 0 : i32
        %dma_start3A_428 = tpu.memref_slice %arg4[%arg0, %dma_start3A_426, %dma_start3A_427] : memref<2x10240x64xf32, #tpu.memory_space<hbm>> -> memref<1x10240x64xf32, #tpu.memory_space<hbm>>
        %dma_start3A_429 = tpu.memref_squeeze %dma_start3A_428 : memref<1x10240x64xf32, #tpu.memory_space<hbm>> -> memref<10240x64xf32, #tpu.memory_space<hbm>>
        %dma_start3A_430 = arith.constant 0 : i32
        %dma_start3A_431 = arith.constant 0 : i32
        %dma_start3A_432 = tpu.memref_slice %dma_start3A_429[%dma_start3A_430, %dma_start3A_431] : memref<10240x64xf32, #tpu.memory_space<hbm>> -> memref<10240x64xf32, #tpu.memory_space<hbm>>
        tpu.enqueue_indirect_dma source(%dma_start3A_432 : memref<10240x64xf32, #tpu.memory_space<hbm>>) target(%arg7 : memref<125x64xf32, #tpu.memory_space<vmem>>) offsets(%dma_start3A_425 : memref<125xi32, #tpu.memory_space<vmem>>) semaphore(%arg16 : memref<!tpu.dma_semaphore, #tpu.memory_space<semaphore_mem>>)
        %mul3A_433 = arith.constant 5 : i32
        %mul3A_434 = arith.muli %scan3A_287, %mul3A_433 : i32
        %add3A_435 = arith.constant 2 : i32
        %add3A_436 = arith.addi %mul3A_434, %add3A_435 : i32
        %sub3A_437 = arith.constant 5 : i32
        %sub3A_438 = arith.subi %add3A_436, %sub3A_437 : i32
        %dma_wait3A_439 = arith.constant 0 : i32
        %dma_wait3A_440 = tpu.memref_slice %arg12[%sub3A_438, %dma_wait3A_439] : memref<80x125xi32, #tpu.memory_space<vmem>> -> memref<1x125xi32, #tpu.memory_space<vmem>>
        %dma_wait3A_441 = tpu.memref_squeeze %dma_wait3A_440 : memref<1x125xi32, #tpu.memory_space<vmem>> -> memref<125xi32, #tpu.memory_space<vmem>>
        %dma_wait3A_442 = arith.constant 0 : i32
        %dma_wait3A_443 = arith.constant 0 : i32
        %dma_wait3A_444 = tpu.memref_slice %arg14[%dma_wait3A_442, %dma_wait3A_443] : memref<10240x64xf32, #tpu.memory_space<vmem_shared>> -> memref<10240x64xf32, #tpu.memory_space<vmem_shared>>
        tpu.wait_indirect_dma semaphore(%arg22 : memref<!tpu.dma_semaphore, #tpu.memory_space<semaphore_mem>>) src(%arg8 : memref<125x64xf32, #tpu.memory_space<vmem>>) dst(%dma_wait3A_444 : memref<10240x64xf32, #tpu.memory_space<vmem_shared>>)
        %dma_start3A_445 = arith.constant 0 : i32
        %dma_start3A_446 = tpu.memref_slice %arg11[%add3A_436, %dma_start3A_445] : memref<80x125xi32, #tpu.memory_space<vmem>> -> memref<1x125xi32, #tpu.memory_space<vmem>>
        %dma_start3A_447 = tpu.memref_squeeze %dma_start3A_446 : memref<1x125xi32, #tpu.memory_space<vmem>> -> memref<125xi32, #tpu.memory_space<vmem>>
        %dma_start3A_448 = arith.constant 0 : i32
        %dma_start3A_449 = arith.constant 0 : i32
        %dma_start3A_450 = tpu.memref_slice %arg4[%arg0, %dma_start3A_448, %dma_start3A_449] : memref<2x10240x64xf32, #tpu.memory_space<hbm>> -> memref<1x10240x64xf32, #tpu.memory_space<hbm>>
        %dma_start3A_451 = tpu.memref_squeeze %dma_start3A_450 : memref<1x10240x64xf32, #tpu.memory_space<hbm>> -> memref<10240x64xf32, #tpu.memory_space<hbm>>
        %dma_start3A_452 = arith.constant 0 : i32
        %dma_start3A_453 = arith.constant 0 : i32
        %dma_start3A_454 = tpu.memref_slice %dma_start3A_451[%dma_start3A_452, %dma_start3A_453] : memref<10240x64xf32, #tpu.memory_space<hbm>> -> memref<10240x64xf32, #tpu.memory_space<hbm>>
        tpu.enqueue_indirect_dma source(%dma_start3A_454 : memref<10240x64xf32, #tpu.memory_space<hbm>>) target(%arg8 : memref<125x64xf32, #tpu.memory_space<vmem>>) offsets(%dma_start3A_447 : memref<125xi32, #tpu.memory_space<vmem>>) semaphore(%arg17 : memref<!tpu.dma_semaphore, #tpu.memory_space<semaphore_mem>>)
        %mul3A_455 = arith.constant 5 : i32
        %mul3A_456 = arith.muli %scan3A_287, %mul3A_455 : i32
        %add3A_457 = arith.constant 3 : i32
        %add3A_458 = arith.addi %mul3A_456, %add3A_457 : i32
        %sub3A_459 = arith.constant 5 : i32
        %sub3A_460 = arith.subi %add3A_458, %sub3A_459 : i32
        %dma_wait3A_461 = arith.constant 0 : i32
        %dma_wait3A_462 = tpu.memref_slice %arg12[%sub3A_460, %dma_wait3A_461] : memref<80x125xi32, #tpu.memory_space<vmem>> -> memref<1x125xi32, #tpu.memory_space<vmem>>
        %dma_wait3A_463 = tpu.memref_squeeze %dma_wait3A_462 : memref<1x125xi32, #tpu.memory_space<vmem>> -> memref<125xi32, #tpu.memory_space<vmem>>
        %dma_wait3A_464 = arith.constant 0 : i32
        %dma_wait3A_465 = arith.constant 0 : i32
        %dma_wait3A_466 = tpu.memref_slice %arg14[%dma_wait3A_464, %dma_wait3A_465] : memref<10240x64xf32, #tpu.memory_space<vmem_shared>> -> memref<10240x64xf32, #tpu.memory_space<vmem_shared>>
        tpu.wait_indirect_dma semaphore(%arg23 : memref<!tpu.dma_semaphore, #tpu.memory_space<semaphore_mem>>) src(%arg9 : memref<125x64xf32, #tpu.memory_space<vmem>>) dst(%dma_wait3A_466 : memref<10240x64xf32, #tpu.memory_space<vmem_shared>>)
        %dma_start3A_467 = arith.constant 0 : i32
        %dma_start3A_468 = tpu.memref_slice %arg11[%add3A_458, %dma_start3A_467] : memref<80x125xi32, #tpu.memory_space<vmem>> -> memref<1x125xi32, #tpu.memory_space<vmem>>
        %dma_start3A_469 = tpu.memref_squeeze %dma_start3A_468 : memref<1x125xi32, #tpu.memory_space<vmem>> -> memref<125xi32, #tpu.memory_space<vmem>>
        %dma_start3A_470 = arith.constant 0 : i32
        %dma_start3A_471 = arith.constant 0 : i32
        %dma_start3A_472 = tpu.memref_slice %arg4[%arg0, %dma_start3A_470, %dma_start3A_471] : memref<2x10240x64xf32, #tpu.memory_space<hbm>> -> memref<1x10240x64xf32, #tpu.memory_space<hbm>>
        %dma_start3A_473 = tpu.memref_squeeze %dma_start3A_472 : memref<1x10240x64xf32, #tpu.memory_space<hbm>> -> memref<10240x64xf32, #tpu.memory_space<hbm>>
        %dma_start3A_474 = arith.constant 0 : i32
        %dma_start3A_475 = arith.constant 0 : i32
        %dma_start3A_476 = tpu.memref_slice %dma_start3A_473[%dma_start3A_474, %dma_start3A_475] : memref<10240x64xf32, #tpu.memory_space<hbm>> -> memref<10240x64xf32, #tpu.memory_space<hbm>>
        tpu.enqueue_indirect_dma source(%dma_start3A_476 : memref<10240x64xf32, #tpu.memory_space<hbm>>) target(%arg9 : memref<125x64xf32, #tpu.memory_space<vmem>>) offsets(%dma_start3A_469 : memref<125xi32, #tpu.memory_space<vmem>>) semaphore(%arg18 : memref<!tpu.dma_semaphore, #tpu.memory_space<semaphore_mem>>)
        %mul3A_477 = arith.constant 5 : i32
        %mul3A_478 = arith.muli %scan3A_287, %mul3A_477 : i32
        %add3A_479 = arith.constant 4 : i32
        %add3A_480 = arith.addi %mul3A_478, %add3A_479 : i32
        %sub3A_481 = arith.constant 5 : i32
        %sub3A_482 = arith.subi %add3A_480, %sub3A_481 : i32
        %dma_wait3A_483 = arith.constant 0 : i32
        %dma_wait3A_484 = tpu.memref_slice %arg12[%sub3A_482, %dma_wait3A_483] : memref<80x125xi32, #tpu.memory_space<vmem>> -> memref<1x125xi32, #tpu.memory_space<vmem>>
        %dma_wait3A_485 = tpu.memref_squeeze %dma_wait3A_484 : memref<1x125xi32, #tpu.memory_space<vmem>> -> memref<125xi32, #tpu.memory_space<vmem>>
        %dma_wait3A_486 = arith.constant 0 : i32
        %dma_wait3A_487 = arith.constant 0 : i32
        %dma_wait3A_488 = tpu.memref_slice %arg14[%dma_wait3A_486, %dma_wait3A_487] : memref<10240x64xf32, #tpu.memory_space<vmem_shared>> -> memref<10240x64xf32, #tpu.memory_space<vmem_shared>>
        tpu.wait_indirect_dma semaphore(%arg24 : memref<!tpu.dma_semaphore, #tpu.memory_space<semaphore_mem>>) src(%arg10 : memref<125x64xf32, #tpu.memory_space<vmem>>) dst(%dma_wait3A_488 : memref<10240x64xf32, #tpu.memory_space<vmem_shared>>)
        %dma_start3A_489 = arith.constant 0 : i32
        %dma_start3A_490 = tpu.memref_slice %arg11[%add3A_480, %dma_start3A_489] : memref<80x125xi32, #tpu.memory_space<vmem>> -> memref<1x125xi32, #tpu.memory_space<vmem>>
        %dma_start3A_491 = tpu.memref_squeeze %dma_start3A_490 : memref<1x125xi32, #tpu.memory_space<vmem>> -> memref<125xi32, #tpu.memory_space<vmem>>
        %dma_start3A_492 = arith.constant 0 : i32
        %dma_start3A_493 = arith.constant 0 : i32
        %dma_start3A_494 = tpu.memref_slice %arg4[%arg0, %dma_start3A_492, %dma_start3A_493] : memref<2x10240x64xf32, #tpu.memory_space<hbm>> -> memref<1x10240x64xf32, #tpu.memory_space<hbm>>
        %dma_start3A_495 = tpu.memref_squeeze %dma_start3A_494 : memref<1x10240x64xf32, #tpu.memory_space<hbm>> -> memref<10240x64xf32, #tpu.memory_space<hbm>>
        %dma_start3A_496 = arith.constant 0 : i32
        %dma_start3A_497 = arith.constant 0 : i32
        %dma_start3A_498 = tpu.memref_slice %dma_start3A_495[%dma_start3A_496, %dma_start3A_497] : memref<10240x64xf32, #tpu.memory_space<hbm>> -> memref<10240x64xf32, #tpu.memory_space<hbm>>
        tpu.enqueue_indirect_dma source(%dma_start3A_498 : memref<10240x64xf32, #tpu.memory_space<hbm>>) target(%arg10 : memref<125x64xf32, #tpu.memory_space<vmem>>) offsets(%dma_start3A_491 : memref<125xi32, #tpu.memory_space<vmem>>) semaphore(%arg19 : memref<!tpu.dma_semaphore, #tpu.memory_space<semaphore_mem>>)
      } else {
      }
      %mul3A_290 = arith.constant 5 : i32
      %mul3A_291 = arith.muli %scan3A_287, %mul3A_290 : i32
      %add3A_292 = arith.constant 0 : i32
      %add3A_293 = arith.addi %mul3A_291, %add3A_292 : i32
      %dma_wait3A_294 = arith.constant 0 : i32
      %dma_wait3A_295 = tpu.memref_slice %arg11[%add3A_293, %dma_wait3A_294] : memref<80x125xi32, #tpu.memory_space<vmem>> -> memref<1x125xi32, #tpu.memory_space<vmem>>
      %dma_wait3A_296 = tpu.memref_squeeze %dma_wait3A_295 : memref<1x125xi32, #tpu.memory_space<vmem>> -> memref<125xi32, #tpu.memory_space<vmem>>
      %dma_wait3A_297 = arith.constant 0 : i32
      %dma_wait3A_298 = arith.constant 0 : i32
      %dma_wait3A_299 = tpu.memref_slice %arg4[%arg0, %dma_wait3A_297, %dma_wait3A_298] : memref<2x10240x64xf32, #tpu.memory_space<hbm>> -> memref<1x10240x64xf32, #tpu.memory_space<hbm>>
      %dma_wait3A_300 = tpu.memref_squeeze %dma_wait3A_299 : memref<1x10240x64xf32, #tpu.memory_space<hbm>> -> memref<10240x64xf32, #tpu.memory_space<hbm>>
      %dma_wait3A_301 = arith.constant 0 : i32
      %dma_wait3A_302 = arith.constant 0 : i32
      %dma_wait3A_303 = tpu.memref_slice %dma_wait3A_300[%dma_wait3A_301, %dma_wait3A_302] : memref<10240x64xf32, #tpu.memory_space<hbm>> -> memref<10240x64xf32, #tpu.memory_space<hbm>>
      tpu.wait_indirect_dma semaphore(%arg15 : memref<!tpu.dma_semaphore, #tpu.memory_space<semaphore_mem>>) src(%dma_wait3A_303 : memref<10240x64xf32, #tpu.memory_space<hbm>>) dst(%arg6 : memref<125x64xf32, #tpu.memory_space<vmem>>)
      %dma_start3A_304 = arith.constant 0 : i32
      %dma_start3A_305 = tpu.memref_slice %arg12[%add3A_293, %dma_start3A_304] : memref<80x125xi32, #tpu.memory_space<vmem>> -> memref<1x125xi32, #tpu.memory_space<vmem>>
      %dma_start3A_306 = tpu.memref_squeeze %dma_start3A_305 : memref<1x125xi32, #tpu.memory_space<vmem>> -> memref<125xi32, #tpu.memory_space<vmem>>
      %dma_start3A_307 = arith.constant 0 : i32
      %dma_start3A_308 = arith.constant 0 : i32
      %dma_start3A_309 = tpu.memref_slice %arg14[%dma_start3A_307, %dma_start3A_308] : memref<10240x64xf32, #tpu.memory_space<vmem_shared>> -> memref<10240x64xf32, #tpu.memory_space<vmem_shared>>
      tpu.enqueue_indirect_dma source(%arg6 : memref<125x64xf32, #tpu.memory_space<vmem>>) target(%dma_start3A_309 : memref<10240x64xf32, #tpu.memory_space<vmem_shared>>) offsets(%dma_start3A_306 : memref<125xi32, #tpu.memory_space<vmem>>) semaphore(%arg20 : memref<!tpu.dma_semaphore, #tpu.memory_space<semaphore_mem>>) {add = true}
      %mul3A_310 = arith.constant 5 : i32
      %mul3A_311 = arith.muli %scan3A_287, %mul3A_310 : i32
      %add3A_312 = arith.constant 1 : i32
      %add3A_313 = arith.addi %mul3A_311, %add3A_312 : i32
      %dma_wait3A_314 = arith.constant 0 : i32
      %dma_wait3A_315 = tpu.memref_slice %arg11[%add3A_313, %dma_wait3A_314] : memref<80x125xi32, #tpu.memory_space<vmem>> -> memref<1x125xi32, #tpu.memory_space<vmem>>
      %dma_wait3A_316 = tpu.memref_squeeze %dma_wait3A_315 : memref<1x125xi32, #tpu.memory_space<vmem>> -> memref<125xi32, #tpu.memory_space<vmem>>
      %dma_wait3A_317 = arith.constant 0 : i32
      %dma_wait3A_318 = arith.constant 0 : i32
      %dma_wait3A_319 = tpu.memref_slice %arg4[%arg0, %dma_wait3A_317, %dma_wait3A_318] : memref<2x10240x64xf32, #tpu.memory_space<hbm>> -> memref<1x10240x64xf32, #tpu.memory_space<hbm>>
      %dma_wait3A_320 = tpu.memref_squeeze %dma_wait3A_319 : memref<1x10240x64xf32, #tpu.memory_space<hbm>> -> memref<10240x64xf32, #tpu.memory_space<hbm>>
      %dma_wait3A_321 = arith.constant 0 : i32
      %dma_wait3A_322 = arith.constant 0 : i32
      %dma_wait3A_323 = tpu.memref_slice %dma_wait3A_320[%dma_wait3A_321, %dma_wait3A_322] : memref<10240x64xf32, #tpu.memory_space<hbm>> -> memref<10240x64xf32, #tpu.memory_space<hbm>>
      tpu.wait_indirect_dma semaphore(%arg16 : memref<!tpu.dma_semaphore, #tpu.memory_space<semaphore_mem>>) src(%dma_wait3A_323 : memref<10240x64xf32, #tpu.memory_space<hbm>>) dst(%arg7 : memref<125x64xf32, #tpu.memory_space<vmem>>)
      %dma_start3A_324 = arith.constant 0 : i32
      %dma_start3A_325 = tpu.memref_slice %arg12[%add3A_313, %dma_start3A_324] : memref<80x125xi32, #tpu.memory_space<vmem>> -> memref<1x125xi32, #tpu.memory_space<vmem>>
      %dma_start3A_326 = tpu.memref_squeeze %dma_start3A_325 : memref<1x125xi32, #tpu.memory_space<vmem>> -> memref<125xi32, #tpu.memory_space<vmem>>
      %dma_start3A_327 = arith.constant 0 : i32
      %dma_start3A_328 = arith.constant 0 : i32
      %dma_start3A_329 = tpu.memref_slice %arg14[%dma_start3A_327, %dma_start3A_328] : memref<10240x64xf32, #tpu.memory_space<vmem_shared>> -> memref<10240x64xf32, #tpu.memory_space<vmem_shared>>
      tpu.enqueue_indirect_dma source(%arg7 : memref<125x64xf32, #tpu.memory_space<vmem>>) target(%dma_start3A_329 : memref<10240x64xf32, #tpu.memory_space<vmem_shared>>) offsets(%dma_start3A_326 : memref<125xi32, #tpu.memory_space<vmem>>) semaphore(%arg21 : memref<!tpu.dma_semaphore, #tpu.memory_space<semaphore_mem>>) {add = true}
      %mul3A_330 = arith.constant 5 : i32
      %mul3A_331 = arith.muli %scan3A_287, %mul3A_330 : i32
      %add3A_332 = arith.constant 2 : i32
      %add3A_333 = arith.addi %mul3A_331, %add3A_332 : i32
      %dma_wait3A_334 = arith.constant 0 : i32
      %dma_wait3A_335 = tpu.memref_slice %arg11[%add3A_333, %dma_wait3A_334] : memref<80x125xi32, #tpu.memory_space<vmem>> -> memref<1x125xi32, #tpu.memory_space<vmem>>
      %dma_wait3A_336 = tpu.memref_squeeze %dma_wait3A_335 : memref<1x125xi32, #tpu.memory_space<vmem>> -> memref<125xi32, #tpu.memory_space<vmem>>
      %dma_wait3A_337 = arith.constant 0 : i32
      %dma_wait3A_338 = arith.constant 0 : i32
      %dma_wait3A_339 = tpu.memref_slice %arg4[%arg0, %dma_wait3A_337, %dma_wait3A_338] : memref<2x10240x64xf32, #tpu.memory_space<hbm>> -> memref<1x10240x64xf32, #tpu.memory_space<hbm>>
      %dma_wait3A_340 = tpu.memref_squeeze %dma_wait3A_339 : memref<1x10240x64xf32, #tpu.memory_space<hbm>> -> memref<10240x64xf32, #tpu.memory_space<hbm>>
      %dma_wait3A_341 = arith.constant 0 : i32
      %dma_wait3A_342 = arith.constant 0 : i32
      %dma_wait3A_343 = tpu.memref_slice %dma_wait3A_340[%dma_wait3A_341, %dma_wait3A_342] : memref<10240x64xf32, #tpu.memory_space<hbm>> -> memref<10240x64xf32, #tpu.memory_space<hbm>>
      tpu.wait_indirect_dma semaphore(%arg17 : memref<!tpu.dma_semaphore, #tpu.memory_space<semaphore_mem>>) src(%dma_wait3A_343 : memref<10240x64xf32, #tpu.memory_space<hbm>>) dst(%arg8 : memref<125x64xf32, #tpu.memory_space<vmem>>)
      %dma_start3A_344 = arith.constant 0 : i32
      %dma_start3A_345 = tpu.memref_slice %arg12[%add3A_333, %dma_start3A_344] : memref<80x125xi32, #tpu.memory_space<vmem>> -> memref<1x125xi32, #tpu.memory_space<vmem>>
      %dma_start3A_346 = tpu.memref_squeeze %dma_start3A_345 : memref<1x125xi32, #tpu.memory_space<vmem>> -> memref<125xi32, #tpu.memory_space<vmem>>
      %dma_start3A_347 = arith.constant 0 : i32
      %dma_start3A_348 = arith.constant 0 : i32
      %dma_start3A_349 = tpu.memref_slice %arg14[%dma_start3A_347, %dma_start3A_348] : memref<10240x64xf32, #tpu.memory_space<vmem_shared>> -> memref<10240x64xf32, #tpu.memory_space<vmem_shared>>
      tpu.enqueue_indirect_dma source(%arg8 : memref<125x64xf32, #tpu.memory_space<vmem>>) target(%dma_start3A_349 : memref<10240x64xf32, #tpu.memory_space<vmem_shared>>) offsets(%dma_start3A_346 : memref<125xi32, #tpu.memory_space<vmem>>) semaphore(%arg22 : memref<!tpu.dma_semaphore, #tpu.memory_space<semaphore_mem>>) {add = true}
      %mul3A_350 = arith.constant 5 : i32
      %mul3A_351 = arith.muli %scan3A_287, %mul3A_350 : i32
      %add3A_352 = arith.constant 3 : i32
      %add3A_353 = arith.addi %mul3A_351, %add3A_352 : i32
      %dma_wait3A_354 = arith.constant 0 : i32
      %dma_wait3A_355 = tpu.memref_slice %arg11[%add3A_353, %dma_wait3A_354] : memref<80x125xi32, #tpu.memory_space<vmem>> -> memref<1x125xi32, #tpu.memory_space<vmem>>
      %dma_wait3A_356 = tpu.memref_squeeze %dma_wait3A_355 : memref<1x125xi32, #tpu.memory_space<vmem>> -> memref<125xi32, #tpu.memory_space<vmem>>
      %dma_wait3A_357 = arith.constant 0 : i32
      %dma_wait3A_358 = arith.constant 0 : i32
      %dma_wait3A_359 = tpu.memref_slice %arg4[%arg0, %dma_wait3A_357, %dma_wait3A_358] : memref<2x10240x64xf32, #tpu.memory_space<hbm>> -> memref<1x10240x64xf32, #tpu.memory_space<hbm>>
      %dma_wait3A_360 = tpu.memref_squeeze %dma_wait3A_359 : memref<1x10240x64xf32, #tpu.memory_space<hbm>> -> memref<10240x64xf32, #tpu.memory_space<hbm>>
      %dma_wait3A_361 = arith.constant 0 : i32
      %dma_wait3A_362 = arith.constant 0 : i32
      %dma_wait3A_363 = tpu.memref_slice %dma_wait3A_360[%dma_wait3A_361, %dma_wait3A_362] : memref<10240x64xf32, #tpu.memory_space<hbm>> -> memref<10240x64xf32, #tpu.memory_space<hbm>>
      tpu.wait_indirect_dma semaphore(%arg18 : memref<!tpu.dma_semaphore, #tpu.memory_space<semaphore_mem>>) src(%dma_wait3A_363 : memref<10240x64xf32, #tpu.memory_space<hbm>>) dst(%arg9 : memref<125x64xf32, #tpu.memory_space<vmem>>)
      %dma_start3A_364 = arith.constant 0 : i32
      %dma_start3A_365 = tpu.memref_slice %arg12[%add3A_353, %dma_start3A_364] : memref<80x125xi32, #tpu.memory_space<vmem>> -> memref<1x125xi32, #tpu.memory_space<vmem>>
      %dma_start3A_366 = tpu.memref_squeeze %dma_start3A_365 : memref<1x125xi32, #tpu.memory_space<vmem>> -> memref<125xi32, #tpu.memory_space<vmem>>
      %dma_start3A_367 = arith.constant 0 : i32
      %dma_start3A_368 = arith.constant 0 : i32
      %dma_start3A_369 = tpu.memref_slice %arg14[%dma_start3A_367, %dma_start3A_368] : memref<10240x64xf32, #tpu.memory_space<vmem_shared>> -> memref<10240x64xf32, #tpu.memory_space<vmem_shared>>
      tpu.enqueue_indirect_dma source(%arg9 : memref<125x64xf32, #tpu.memory_space<vmem>>) target(%dma_start3A_369 : memref<10240x64xf32, #tpu.memory_space<vmem_shared>>) offsets(%dma_start3A_366 : memref<125xi32, #tpu.memory_space<vmem>>) semaphore(%arg23 : memref<!tpu.dma_semaphore, #tpu.memory_space<semaphore_mem>>) {add = true}
      %mul3A_370 = arith.constant 5 : i32
      %mul3A_371 = arith.muli %scan3A_287, %mul3A_370 : i32
      %add3A_372 = arith.constant 4 : i32
      %add3A_373 = arith.addi %mul3A_371, %add3A_372 : i32
      %dma_wait3A_374 = arith.constant 0 : i32
      %dma_wait3A_375 = tpu.memref_slice %arg11[%add3A_373, %dma_wait3A_374] : memref<80x125xi32, #tpu.memory_space<vmem>> -> memref<1x125xi32, #tpu.memory_space<vmem>>
      %dma_wait3A_376 = tpu.memref_squeeze %dma_wait3A_375 : memref<1x125xi32, #tpu.memory_space<vmem>> -> memref<125xi32, #tpu.memory_space<vmem>>
      %dma_wait3A_377 = arith.constant 0 : i32
      %dma_wait3A_378 = arith.constant 0 : i32
      %dma_wait3A_379 = tpu.memref_slice %arg4[%arg0, %dma_wait3A_377, %dma_wait3A_378] : memref<2x10240x64xf32, #tpu.memory_space<hbm>> -> memref<1x10240x64xf32, #tpu.memory_space<hbm>>
      %dma_wait3A_380 = tpu.memref_squeeze %dma_wait3A_379 : memref<1x10240x64xf32, #tpu.memory_space<hbm>> -> memref<10240x64xf32, #tpu.memory_space<hbm>>
      %dma_wait3A_381 = arith.constant 0 : i32
      %dma_wait3A_382 = arith.constant 0 : i32
      %dma_wait3A_383 = tpu.memref_slice %dma_wait3A_380[%dma_wait3A_381, %dma_wait3A_382] : memref<10240x64xf32, #tpu.memory_space<hbm>> -> memref<10240x64xf32, #tpu.memory_space<hbm>>
      tpu.wait_indirect_dma semaphore(%arg19 : memref<!tpu.dma_semaphore, #tpu.memory_space<semaphore_mem>>) src(%dma_wait3A_383 : memref<10240x64xf32, #tpu.memory_space<hbm>>) dst(%arg10 : memref<125x64xf32, #tpu.memory_space<vmem>>)
      %dma_start3A_384 = arith.constant 0 : i32
      %dma_start3A_385 = tpu.memref_slice %arg12[%add3A_373, %dma_start3A_384] : memref<80x125xi32, #tpu.memory_space<vmem>> -> memref<1x125xi32, #tpu.memory_space<vmem>>
      %dma_start3A_386 = tpu.memref_squeeze %dma_start3A_385 : memref<1x125xi32, #tpu.memory_space<vmem>> -> memref<125xi32, #tpu.memory_space<vmem>>
      %dma_start3A_387 = arith.constant 0 : i32
      %dma_start3A_388 = arith.constant 0 : i32
      %dma_start3A_389 = tpu.memref_slice %arg14[%dma_start3A_387, %dma_start3A_388] : memref<10240x64xf32, #tpu.memory_space<vmem_shared>> -> memref<10240x64xf32, #tpu.memory_space<vmem_shared>>
      tpu.enqueue_indirect_dma source(%arg10 : memref<125x64xf32, #tpu.memory_space<vmem>>) target(%dma_start3A_389 : memref<10240x64xf32, #tpu.memory_space<vmem_shared>>) offsets(%dma_start3A_386 : memref<125xi32, #tpu.memory_space<vmem>>) semaphore(%arg24 : memref<!tpu.dma_semaphore, #tpu.memory_space<semaphore_mem>>) {add = true}
    }
    %scan3A_246 = arith.constant 16 : i32
    %dma_wait3A_247 = arith.constant 75 : i32
    %dma_wait3A_248 = arith.constant 0 : i32
    %dma_wait3A_249 = tpu.memref_slice %arg12[%dma_wait3A_247, %dma_wait3A_248] : memref<80x125xi32, #tpu.memory_space<vmem>> -> memref<1x125xi32, #tpu.memory_space<vmem>>
    %dma_wait3A_250 = tpu.memref_squeeze %dma_wait3A_249 : memref<1x125xi32, #tpu.memory_space<vmem>> -> memref<125xi32, #tpu.memory_space<vmem>>
    %dma_wait3A_251 = arith.constant 0 : i32
    %dma_wait3A_252 = arith.constant 0 : i32
    %dma_wait3A_253 = tpu.memref_slice %arg14[%dma_wait3A_251, %dma_wait3A_252] : memref<10240x64xf32, #tpu.memory_space<vmem_shared>> -> memref<10240x64xf32, #tpu.memory_space<vmem_shared>>
    tpu.wait_indirect_dma semaphore(%arg20 : memref<!tpu.dma_semaphore, #tpu.memory_space<semaphore_mem>>) src(%arg6 : memref<125x64xf32, #tpu.memory_space<vmem>>) dst(%dma_wait3A_253 : memref<10240x64xf32, #tpu.memory_space<vmem_shared>>)
    %dma_wait3A_254 = arith.constant 76 : i32
    %dma_wait3A_255 = arith.constant 0 : i32
    %dma_wait3A_256 = tpu.memref_slice %arg12[%dma_wait3A_254, %dma_wait3A_255] : memref<80x125xi32, #tpu.memory_space<vmem>> -> memref<1x125xi32, #tpu.memory_space<vmem>>
    %dma_wait3A_257 = tpu.memref_squeeze %dma_wait3A_256 : memref<1x125xi32, #tpu.memory_space<vmem>> -> memref<125xi32, #tpu.memory_space<vmem>>
    %dma_wait3A_258 = arith.constant 0 : i32
    %dma_wait3A_259 = arith.constant 0 : i32
    %dma_wait3A_260 = tpu.memref_slice %arg14[%dma_wait3A_258, %dma_wait3A_259] : memref<10240x64xf32, #tpu.memory_space<vmem_shared>> -> memref<10240x64xf32, #tpu.memory_space<vmem_shared>>
    tpu.wait_indirect_dma semaphore(%arg21 : memref<!tpu.dma_semaphore, #tpu.memory_space<semaphore_mem>>) src(%arg7 : memref<125x64xf32, #tpu.memory_space<vmem>>) dst(%dma_wait3A_260 : memref<10240x64xf32, #tpu.memory_space<vmem_shared>>)
    %dma_wait3A_261 = arith.constant 77 : i32
    %dma_wait3A_262 = arith.constant 0 : i32
    %dma_wait3A_263 = tpu.memref_slice %arg12[%dma_wait3A_261, %dma_wait3A_262] : memref<80x125xi32, #tpu.memory_space<vmem>> -> memref<1x125xi32, #tpu.memory_space<vmem>>
    %dma_wait3A_264 = tpu.memref_squeeze %dma_wait3A_263 : memref<1x125xi32, #tpu.memory_space<vmem>> -> memref<125xi32, #tpu.memory_space<vmem>>
    %dma_wait3A_265 = arith.constant 0 : i32
    %dma_wait3A_266 = arith.constant 0 : i32
    %dma_wait3A_267 = tpu.memref_slice %arg14[%dma_wait3A_265, %dma_wait3A_266] : memref<10240x64xf32, #tpu.memory_space<vmem_shared>> -> memref<10240x64xf32, #tpu.memory_space<vmem_shared>>
    tpu.wait_indirect_dma semaphore(%arg22 : memref<!tpu.dma_semaphore, #tpu.memory_space<semaphore_mem>>) src(%arg8 : memref<125x64xf32, #tpu.memory_space<vmem>>) dst(%dma_wait3A_267 : memref<10240x64xf32, #tpu.memory_space<vmem_shared>>)
    %dma_wait3A_268 = arith.constant 78 : i32
    %dma_wait3A_269 = arith.constant 0 : i32
    %dma_wait3A_270 = tpu.memref_slice %arg12[%dma_wait3A_268, %dma_wait3A_269] : memref<80x125xi32, #tpu.memory_space<vmem>> -> memref<1x125xi32, #tpu.memory_space<vmem>>
    %dma_wait3A_271 = tpu.memref_squeeze %dma_wait3A_270 : memref<1x125xi32, #tpu.memory_space<vmem>> -> memref<125xi32, #tpu.memory_space<vmem>>
    %dma_wait3A_272 = arith.constant 0 : i32
    %dma_wait3A_273 = arith.constant 0 : i32
    %dma_wait3A_274 = tpu.memref_slice %arg14[%dma_wait3A_272, %dma_wait3A_273] : memref<10240x64xf32, #tpu.memory_space<vmem_shared>> -> memref<10240x64xf32, #tpu.memory_space<vmem_shared>>
    tpu.wait_indirect_dma semaphore(%arg23 : memref<!tpu.dma_semaphore, #tpu.memory_space<semaphore_mem>>) src(%arg9 : memref<125x64xf32, #tpu.memory_space<vmem>>) dst(%dma_wait3A_274 : memref<10240x64xf32, #tpu.memory_space<vmem_shared>>)
    %dma_wait3A_275 = arith.constant 79 : i32
    %dma_wait3A_276 = arith.constant 0 : i32
    %dma_wait3A_277 = tpu.memref_slice %arg12[%dma_wait3A_275, %dma_wait3A_276] : memref<80x125xi32, #tpu.memory_space<vmem>> -> memref<1x125xi32, #tpu.memory_space<vmem>>
    %dma_wait3A_278 = tpu.memref_squeeze %dma_wait3A_277 : memref<1x125xi32, #tpu.memory_space<vmem>> -> memref<125xi32, #tpu.memory_space<vmem>>
    %dma_wait3A_279 = arith.constant 0 : i32
    %dma_wait3A_280 = arith.constant 0 : i32
    %dma_wait3A_281 = tpu.memref_slice %arg14[%dma_wait3A_279, %dma_wait3A_280] : memref<10240x64xf32, #tpu.memory_space<vmem_shared>> -> memref<10240x64xf32, #tpu.memory_space<vmem_shared>>
    tpu.wait_indirect_dma semaphore(%arg24 : memref<!tpu.dma_semaphore, #tpu.memory_space<semaphore_mem>>) src(%arg10 : memref<125x64xf32, #tpu.memory_space<vmem>>) dst(%dma_wait3A_281 : memref<10240x64xf32, #tpu.memory_space<vmem_shared>>)
    %barrier3A_282 = arith.constant 0 : index
    tpu.barrier barrier_id(%barrier3A_282)
    %mul3A_283 = arith.constant 640 : i32
    %mul3A_284 = arith.muli %arg1, %mul3A_283 : i32
    %mul3A_285 = arith.constant 640 : i32
    %mul3A_286 = arith.muli %arg1, %mul3A_285 : i32
    "tpu.region"() ({
      %run_scoped3A = tpu.sem_alloc : memref<!tpu.dma_semaphore, #tpu.memory_space<semaphore_mem>>
      %dma_start3A_287 = arith.constant 0 : i32
      %dma_start3A_288 = arith.constant 0 : i32
      %dma_start3A_289 = tpu.memref_slice %arg5[%arg0, %dma_start3A_287, %dma_start3A_288] : memref<2x10240x64xf32, #tpu.memory_space<hbm>> -> memref<1x10240x64xf32, #tpu.memory_space<hbm>>
      %dma_start3A_290 = tpu.memref_squeeze %dma_start3A_289 : memref<1x10240x64xf32, #tpu.memory_space<hbm>> -> memref<10240x64xf32, #tpu.memory_space<hbm>>
      %dma_start3A_291 = arith.constant 0 : i32
      %dma_start3A_292 = tpu.memref_slice %dma_start3A_290[%mul3A_286, %dma_start3A_291] : memref<10240x64xf32, #tpu.memory_space<hbm>> -> memref<640x64xf32, #tpu.memory_space<hbm>>
      %dma_start3A_293 = arith.constant 0 : i32
      %dma_start3A_294 = tpu.memref_slice %arg14[%mul3A_284, %dma_start3A_293] : memref<10240x64xf32, #tpu.memory_space<vmem_shared>> -> memref<640x64xf32, #tpu.memory_space<vmem_shared>>
      tpu.enqueue_dma source(%dma_start3A_294 : memref<640x64xf32, #tpu.memory_space<vmem_shared>>) target(%dma_start3A_292 : memref<640x64xf32, #tpu.memory_space<hbm>>) target_semaphore(%run_scoped3A : memref<!tpu.dma_semaphore, #tpu.memory_space<semaphore_mem>>)
      %dma_wait3A_295 = arith.constant 0 : i32
      %dma_wait3A_296 = arith.constant 0 : i32
      %dma_wait3A_297 = tpu.memref_slice %arg5[%arg0, %dma_wait3A_295, %dma_wait3A_296] : memref<2x10240x64xf32, #tpu.memory_space<hbm>> -> memref<1x10240x64xf32, #tpu.memory_space<hbm>>
      %dma_wait3A_298 = tpu.memref_squeeze %dma_wait3A_297 : memref<1x10240x64xf32, #tpu.memory_space<hbm>> -> memref<10240x64xf32, #tpu.memory_space<hbm>>
      %dma_wait3A_299 = arith.constant 0 : i32
      %dma_wait3A_300 = tpu.memref_slice %dma_wait3A_298[%mul3A_286, %dma_wait3A_299] : memref<10240x64xf32, #tpu.memory_space<hbm>> -> memref<640x64xf32, #tpu.memory_space<hbm>>
      %dma_wait3A_301 = arith.constant 0 : i32
      %dma_wait3A_302 = tpu.memref_slice %arg14[%mul3A_284, %dma_wait3A_301] : memref<10240x64xf32, #tpu.memory_space<vmem_shared>> -> memref<640x64xf32, #tpu.memory_space<vmem_shared>>
      tpu.wait_dma2 semaphore(%run_scoped3A : memref<!tpu.dma_semaphore, #tpu.memory_space<semaphore_mem>>) src(%dma_wait3A_302 : memref<640x64xf32, #tpu.memory_space<vmem_shared>>) dst(%dma_wait3A_300 : memref<640x64xf32, #tpu.memory_space<hbm>>)
      tpu.yield
    }) : () -> ()
    return
  }
}

#map = affine_map<(d0, d1) -> (0)>
#map1 = affine_map<(d0, d1) -> (0, 0)>
module attributes {stable_mosaic.version = 14 : i64} {
  func.func @_sc_hist_body(%arg0: i32, %arg1: i32, %arg2: memref<320000xi32, #tpu.memory_space<hbm>>, %arg3: memref<32x10240xf32, #tpu.memory_space<hbm>>, %arg4: memref<10000xi32, #tpu.memory_space<vmem>>, %arg5: memref<10240xf32, #tpu.memory_space<vmem>>) attributes {dimension_semantics = [#tpu.dimension_semantics<core_parallel>, #tpu.dimension_semantics<subcore_parallel>], iteration_bounds = array<i64: 2, 16>, scalar_prefetch = 0 : i64, scratch_operands = 2 : i64, tpu.core_type = #tpu.core_type<sc_vector_subcore>, window_params = [{transform_indices = #map}, {transform_indices = #map1}]} {
    %mul3A = arith.constant 2 : i32
    %mul3A_0 = arith.muli %arg1, %mul3A : i32
    %add3A = arith.addi %mul3A_0, %arg0 : i32
    %mul3A_1 = arith.constant 10000 : i32
    %mul3A_2 = arith.muli %add3A, %mul3A_1 : i32
    "tpu.region"() ({
      %run_scoped3A = tpu.sem_alloc : memref<!tpu.dma_semaphore, #tpu.memory_space<semaphore_mem>>
      %dma_start3A = tpu.memref_slice %arg2[%mul3A_2] : memref<320000xi32, #tpu.memory_space<hbm>> -> memref<10000xi32, #tpu.memory_space<hbm>>
      %dma_start3A_17 = tpu.memref_slice %arg2[%mul3A_2] : memref<320000xi32, #tpu.memory_space<hbm>> -> memref<10000xi32, #tpu.memory_space<hbm>>
      tpu.enqueue_dma source(%dma_start3A_17 : memref<10000xi32, #tpu.memory_space<hbm>>) target(%arg4 : memref<10000xi32, #tpu.memory_space<vmem>>) target_semaphore(%run_scoped3A : memref<!tpu.dma_semaphore, #tpu.memory_space<semaphore_mem>>)
      %dma_wait3A = tpu.memref_slice %arg2[%mul3A_2] : memref<320000xi32, #tpu.memory_space<hbm>> -> memref<10000xi32, #tpu.memory_space<hbm>>
      %dma_wait3A_18 = tpu.memref_slice %arg2[%mul3A_2] : memref<320000xi32, #tpu.memory_space<hbm>> -> memref<10000xi32, #tpu.memory_space<hbm>>
      tpu.wait_dma2 semaphore(%run_scoped3A : memref<!tpu.dma_semaphore, #tpu.memory_space<semaphore_mem>>) src(%dma_wait3A_18 : memref<10000xi32, #tpu.memory_space<hbm>>) dst(%arg4 : memref<10000xi32, #tpu.memory_space<vmem>>)
      tpu.yield
    }) : () -> ()
    %broadcast_in_dim3A = arith.constant 0.000000e+00 : f32
    %broadcast_in_dim3A_3 = vector.broadcast %broadcast_in_dim3A : f32 to vector<16xf32>
    %scan3A = arith.constant 0 : i32
    %scan3A_4 = arith.constant 0 : i32
    %scan3A_5 = arith.constant 640 : i32
    %scan3A_6 = arith.addi %scan3A_4, %scan3A_5 : i32
    %scan3A_7 = arith.constant 1 : i32
    scf.for %scan3A_17 = %scan3A_4 to %scan3A_6 step %scan3A_7  : i32 {
      %mul3A_18 = arith.constant 16 : i32
      %mul3A_19 = arith.muli %scan3A_17, %mul3A_18 : i32
      %swap3A = arith.index_cast %mul3A_19 : i32 to index
      %swap3A_20 = tpu.vector_load %arg5[%swap3A] {strides = array<i32>} : memref<10240xf32, #tpu.memory_space<vmem>>, vector<16xf32>,
      tpu.vector_store %arg5[%swap3A], %broadcast_in_dim3A_3 {strides = array<i32>} : memref<10240xf32, #tpu.memory_space<vmem>>, vector<16xf32>,
    }
    %scan3A_8 = arith.constant 640 : i32
    %broadcast_in_dim3A_9 = arith.constant 1.000000e+00 : f32
    %broadcast_in_dim3A_10 = vector.broadcast %broadcast_in_dim3A_9 : f32 to vector<16xf32>
    %scan3A_11 = arith.constant 0 : i32
    %scan3A_12 = arith.constant 0 : i32
    %scan3A_13 = arith.constant 625 : i32
    %scan3A_14 = arith.addi %scan3A_12, %scan3A_13 : i32
    %scan3A_15 = arith.constant 1 : i32
    scf.for %scan3A_17 = %scan3A_12 to %scan3A_14 step %scan3A_15  : i32 {
      %mul3A_18 = arith.constant 16 : i32
      %mul3A_19 = arith.muli %scan3A_17, %mul3A_18 : i32
      %get3A = arith.index_cast %mul3A_19 : i32 to index
      %get3A_20 = tpu.vector_load %arg4[%get3A] {strides = array<i32>} : memref<10000xi32, #tpu.memory_space<vmem>>, vector<16xi32>,
      tpu.vector_store_idx %arg5[%get3A_20], %broadcast_in_dim3A_10 {add = true} : memref<10240xf32, #tpu.memory_space<vmem>>[vector<16xi32>], vector<16xf32>,
    }
    %scan3A_16 = arith.constant 625 : i32
    "tpu.region"() ({
      %run_scoped3A = tpu.sem_alloc : memref<!tpu.dma_semaphore, #tpu.memory_space<semaphore_mem>>
      %dma_start3A = arith.constant 0 : i32
      %dma_start3A_17 = tpu.memref_slice %arg3[%add3A, %dma_start3A] : memref<32x10240xf32, #tpu.memory_space<hbm>> -> memref<1x10240xf32, #tpu.memory_space<hbm>>
      %dma_start3A_18 = tpu.memref_squeeze %dma_start3A_17 : memref<1x10240xf32, #tpu.memory_space<hbm>> -> memref<10240xf32, #tpu.memory_space<hbm>>
      %dma_start3A_19 = arith.constant 0 : i32
      %dma_start3A_20 = tpu.memref_slice %arg3[%add3A, %dma_start3A_19] : memref<32x10240xf32, #tpu.memory_space<hbm>> -> memref<1x10240xf32, #tpu.memory_space<hbm>>
      %dma_start3A_21 = tpu.memref_squeeze %dma_start3A_20 : memref<1x10240xf32, #tpu.memory_space<hbm>> -> memref<10240xf32, #tpu.memory_space<hbm>>
      tpu.enqueue_dma source(%arg5 : memref<10240xf32, #tpu.memory_space<vmem>>) target(%dma_start3A_21 : memref<10240xf32, #tpu.memory_space<hbm>>) target_semaphore(%run_scoped3A : memref<!tpu.dma_semaphore, #tpu.memory_space<semaphore_mem>>)
      %dma_wait3A = arith.constant 0 : i32
      %dma_wait3A_22 = tpu.memref_slice %arg3[%add3A, %dma_wait3A] : memref<32x10240xf32, #tpu.memory_space<hbm>> -> memref<1x10240xf32, #tpu.memory_space<hbm>>
      %dma_wait3A_23 = tpu.memref_squeeze %dma_wait3A_22 : memref<1x10240xf32, #tpu.memory_space<hbm>> -> memref<10240xf32, #tpu.memory_space<hbm>>
      %dma_wait3A_24 = arith.constant 0 : i32
      %dma_wait3A_25 = tpu.memref_slice %arg3[%add3A, %dma_wait3A_24] : memref<32x10240xf32, #tpu.memory_space<hbm>> -> memref<1x10240xf32, #tpu.memory_space<hbm>>
      %dma_wait3A_26 = tpu.memref_squeeze %dma_wait3A_25 : memref<1x10240xf32, #tpu.memory_space<hbm>> -> memref<10240xf32, #tpu.memory_space<hbm>>
      tpu.wait_dma2 semaphore(%run_scoped3A : memref<!tpu.dma_semaphore, #tpu.memory_space<semaphore_mem>>) src(%arg5 : memref<10240xf32, #tpu.memory_space<vmem>>) dst(%dma_wait3A_26 : memref<10240xf32, #tpu.memory_space<hbm>>)
      tpu.yield
    }) : () -> ()
    return
  }
}

#map = affine_map<(d0, d1) -> (0, 0)>
#map1 = affine_map<(d0, d1) -> (0, 0, 0)>
module attributes {stable_mosaic.version = 14 : i64} {
  func.func @_sc_agg_body(%arg0: i32, %arg1: i32, %arg2: memref<2560x125xi32, #tpu.memory_space<hbm>>, %arg3: memref<2560x125xi32, #tpu.memory_space<hbm>>, %arg4: memref<2x10240x64xf32, #tpu.memory_space<hbm>>, %arg5: memref<2x10240x64xf32, #tpu.memory_space<hbm>>, %arg6: memref<125x64xf32, #tpu.memory_space<vmem>>, %arg7: memref<125x64xf32, #tpu.memory_space<vmem>>, %arg8: memref<125x64xf32, #tpu.memory_space<vmem>>, %arg9: memref<125x64xf32, #tpu.memory_space<vmem>>, %arg10: memref<125x64xf32, #tpu.memory_space<vmem>>, %arg11: memref<80x125xi32, #tpu.memory_space<vmem>>, %arg12: memref<80x125xi32, #tpu.memory_space<vmem>>, %arg13: memref<128x64xf32, #tpu.memory_space<vmem>>, %arg14: memref<10240x64xf32, #tpu.memory_space<vmem_shared>>, %arg15: memref<!tpu.dma_semaphore, #tpu.memory_space<semaphore_mem>>, %arg16: memref<!tpu.dma_semaphore, #tpu.memory_space<semaphore_mem>>, %arg17: memref<!tpu.dma_semaphore, #tpu.memory_space<semaphore_mem>>, %arg18: memref<!tpu.dma_semaphore, #tpu.memory_space<semaphore_mem>>, %arg19: memref<!tpu.dma_semaphore, #tpu.memory_space<semaphore_mem>>, %arg20: memref<!tpu.dma_semaphore, #tpu.memory_space<semaphore_mem>>, %arg21: memref<!tpu.dma_semaphore, #tpu.memory_space<semaphore_mem>>, %arg22: memref<!tpu.dma_semaphore, #tpu.memory_space<semaphore_mem>>, %arg23: memref<!tpu.dma_semaphore, #tpu.memory_space<semaphore_mem>>, %arg24: memref<!tpu.dma_semaphore, #tpu.memory_space<semaphore_mem>>) attributes {dimension_semantics = [#tpu.dimension_semantics<core_parallel>, #tpu.dimension_semantics<subcore_parallel>], iteration_bounds = array<i64: 2, 16>, scalar_prefetch = 0 : i64, scratch_operands = 19 : i64, tpu.core_type = #tpu.core_type<sc_vector_subcore>, window_params = [{transform_indices = #map}, {transform_indices = #map}, {transform_indices = #map1}, {transform_indices = #map1}]} {
    %broadcast_in_dim3A = arith.constant 0.000000e+00 : f32
    %broadcast_in_dim3A_0 = vector.broadcast %broadcast_in_dim3A : f32 to vector<16xf32>
    %scan3A = arith.constant 0 : i32
    %scan3A_1 = arith.constant 0 : i32
    %scan3A_2 = arith.constant 512 : i32
    %scan3A_3 = arith.addi %scan3A_1, %scan3A_2 : i32
    %scan3A_4 = arith.constant 1 : i32
    scf.for %scan3A_287 = %scan3A_1 to %scan3A_3 step %scan3A_4  : i32 {
      %jit3A = arith.constant 4 : i32
      %div3A = arith.divsi %scan3A_287, %jit3A : i32
      %sign3A = arith.constant 0 : i32
      %sign3A_288 = arith.cmpi sgt, %scan3A_287, %sign3A : i32
      %sign3A_289 = arith.extui %sign3A_288 : i1 to i32
      %sign3A_290 = arith.constant 0 : i32
      %sign3A_291 = arith.cmpi slt, %scan3A_287, %sign3A_290 : i32
      %sign3A_292 = arith.extui %sign3A_291 : i1 to i32
      %sign3A_293 = arith.subi %sign3A_289, %sign3A_292 : i32
      %sign3A_294 = arith.constant 0 : i32
      %sign3A_295 = arith.cmpi sgt, %jit3A, %sign3A_294 : i32
      %sign3A_296 = arith.extui %sign3A_295 : i1 to i32
      %sign3A_297 = arith.constant 0 : i32
      %sign3A_298 = arith.cmpi slt, %jit3A, %sign3A_297 : i32
      %sign3A_299 = arith.extui %sign3A_298 : i1 to i32
      %sign3A_300 = arith.subi %sign3A_296, %sign3A_299 : i32
      %ne3A = arith.cmpi ne, %sign3A_293, %sign3A_300 : i32
      %rem3A = arith.remsi %scan3A_287, %jit3A : i32
      %ne3A_301 = arith.constant 0 : i32
      %ne3A_302 = arith.cmpi ne, %rem3A, %ne3A_301 : i32
      %and3A = arith.andi %ne3A, %ne3A_302 : i1
      %sub3A = arith.constant 1 : i32
      %sub3A_303 = arith.subi %div3A, %sub3A : i32
      %select_n3A = arith.select %and3A, %sub3A_303, %div3A : i32
      %jit3A_304 = arith.constant 4 : i32
      %eq3A = arith.constant 0 : i32
      %eq3A_305 = arith.cmpi eq, %jit3A_304, %eq3A : i32
      %jit3A_306 = arith.constant 1 : i32
      %select_n3A_307 = arith.select %eq3A_305, %jit3A_306, %jit3A_304 : i32
      %rem3A_308 = arith.remsi %scan3A_287, %select_n3A_307 : i32
      %ne3A_309 = arith.constant 0 : i32
      %ne3A_310 = arith.cmpi ne, %rem3A_308, %ne3A_309 : i32
      %lt3A = arith.constant 0 : i32
      %lt3A_311 = arith.cmpi slt, %rem3A_308, %lt3A : i32
      %lt3A_312 = arith.constant 0 : i32
      %lt3A_313 = arith.cmpi slt, %select_n3A_307, %lt3A_312 : i32
      %ne3A_314 = arith.xori %lt3A_311, %lt3A_313 : i1
      %and3A_315 = arith.andi %ne3A_314, %ne3A_310 : i1
      %add3A_316 = arith.addi %rem3A_308, %select_n3A_307 : i32
      %select_n3A_317 = arith.select %and3A_315, %add3A_316, %rem3A_308 : i32
      %mul3A_318 = arith.constant 16 : i32
      %mul3A_319 = arith.muli %select_n3A_317, %mul3A_318 : i32
      %swap3A = arith.index_cast %select_n3A : i32 to index
      %swap3A_320 = arith.index_cast %mul3A_319 : i32 to index
      %swap3A_321 = tpu.vector_load %arg13[%swap3A, %swap3A_320] {strides = array<i32>} : memref<128x64xf32, #tpu.memory_space<vmem>>, vector<16xf32>,
      tpu.vector_store %arg13[%swap3A, %swap3A_320], %broadcast_in_dim3A_0 {strides = array<i32>} : memref<128x64xf32, #tpu.memory_space<vmem>>, vector<16xf32>,
    }
    %scan3A_5 = arith.constant 512 : i32
    %mul3A = arith.constant 640 : i32
    %mul3A_6 = arith.muli %arg1, %mul3A : i32
    %add3A = arith.constant 0 : i32
    %add3A_7 = arith.addi %mul3A_6, %add3A : i32
    %dma_start3A = arith.constant 0 : i32
    %dma_start3A_8 = tpu.memref_slice %arg14[%add3A_7, %dma_start3A] : memref<10240x64xf32, #tpu.memory_space<vmem_shared>> -> memref<128x64xf32, #tpu.memory_space<vmem_shared>>
    %dma_start3A_9 = arith.constant 0 : i32
    %dma_start3A_10 = tpu.memref_slice %arg14[%add3A_7, %dma_start3A_9] : memref<10240x64xf32, #tpu.memory_space<vmem_shared>> -> memref<128x64xf32, #tpu.memory_space<vmem_shared>>
    tpu.enqueue_dma source(%arg13 : memref<128x64xf32, #tpu.memory_space<vmem>>) target(%dma_start3A_10 : memref<128x64xf32, #tpu.memory_space<vmem_shared>>) target_semaphore(%arg15 : memref<!tpu.dma_semaphore, #tpu.memory_space<semaphore_mem>>)
    %mul3A_11 = arith.constant 640 : i32
    %mul3A_12 = arith.muli %arg1, %mul3A_11 : i32
    %add3A_13 = arith.constant 128 : i32
    %add3A_14 = arith.addi %mul3A_12, %add3A_13 : i32
    %dma_start3A_15 = arith.constant 0 : i32
    %dma_start3A_16 = tpu.memref_slice %arg14[%add3A_14, %dma_start3A_15] : memref<10240x64xf32, #tpu.memory_space<vmem_shared>> -> memref<128x64xf32, #tpu.memory_space<vmem_shared>>
    %dma_start3A_17 = arith.constant 0 : i32
    %dma_start3A_18 = tpu.memref_slice %arg14[%add3A_14, %dma_start3A_17] : memref<10240x64xf32, #tpu.memory_space<vmem_shared>> -> memref<128x64xf32, #tpu.memory_space<vmem_shared>>
    tpu.enqueue_dma source(%arg13 : memref<128x64xf32, #tpu.memory_space<vmem>>) target(%dma_start3A_18 : memref<128x64xf32, #tpu.memory_space<vmem_shared>>) target_semaphore(%arg16 : memref<!tpu.dma_semaphore, #tpu.memory_space<semaphore_mem>>)
    %mul3A_19 = arith.constant 640 : i32
    %mul3A_20 = arith.muli %arg1, %mul3A_19 : i32
    %add3A_21 = arith.constant 256 : i32
    %add3A_22 = arith.addi %mul3A_20, %add3A_21 : i32
    %dma_start3A_23 = arith.constant 0 : i32
    %dma_start3A_24 = tpu.memref_slice %arg14[%add3A_22, %dma_start3A_23] : memref<10240x64xf32, #tpu.memory_space<vmem_shared>> -> memref<128x64xf32, #tpu.memory_space<vmem_shared>>
    %dma_start3A_25 = arith.constant 0 : i32
    %dma_start3A_26 = tpu.memref_slice %arg14[%add3A_22, %dma_start3A_25] : memref<10240x64xf32, #tpu.memory_space<vmem_shared>> -> memref<128x64xf32, #tpu.memory_space<vmem_shared>>
    tpu.enqueue_dma source(%arg13 : memref<128x64xf32, #tpu.memory_space<vmem>>) target(%dma_start3A_26 : memref<128x64xf32, #tpu.memory_space<vmem_shared>>) target_semaphore(%arg17 : memref<!tpu.dma_semaphore, #tpu.memory_space<semaphore_mem>>)
    %mul3A_27 = arith.constant 640 : i32
    %mul3A_28 = arith.muli %arg1, %mul3A_27 : i32
    %add3A_29 = arith.constant 384 : i32
    %add3A_30 = arith.addi %mul3A_28, %add3A_29 : i32
    %dma_start3A_31 = arith.constant 0 : i32
    %dma_start3A_32 = tpu.memref_slice %arg14[%add3A_30, %dma_start3A_31] : memref<10240x64xf32, #tpu.memory_space<vmem_shared>> -> memref<128x64xf32, #tpu.memory_space<vmem_shared>>
    %dma_start3A_33 = arith.constant 0 : i32
    %dma_start3A_34 = tpu.memref_slice %arg14[%add3A_30, %dma_start3A_33] : memref<10240x64xf32, #tpu.memory_space<vmem_shared>> -> memref<128x64xf32, #tpu.memory_space<vmem_shared>>
    tpu.enqueue_dma source(%arg13 : memref<128x64xf32, #tpu.memory_space<vmem>>) target(%dma_start3A_34 : memref<128x64xf32, #tpu.memory_space<vmem_shared>>) target_semaphore(%arg18 : memref<!tpu.dma_semaphore, #tpu.memory_space<semaphore_mem>>)
    %mul3A_35 = arith.constant 640 : i32
    %mul3A_36 = arith.muli %arg1, %mul3A_35 : i32
    %add3A_37 = arith.constant 512 : i32
    %add3A_38 = arith.addi %mul3A_36, %add3A_37 : i32
    %dma_start3A_39 = arith.constant 0 : i32
    %dma_start3A_40 = tpu.memref_slice %arg14[%add3A_38, %dma_start3A_39] : memref<10240x64xf32, #tpu.memory_space<vmem_shared>> -> memref<128x64xf32, #tpu.memory_space<vmem_shared>>
    %dma_start3A_41 = arith.constant 0 : i32
    %dma_start3A_42 = tpu.memref_slice %arg14[%add3A_38, %dma_start3A_41] : memref<10240x64xf32, #tpu.memory_space<vmem_shared>> -> memref<128x64xf32, #tpu.memory_space<vmem_shared>>
    tpu.enqueue_dma source(%arg13 : memref<128x64xf32, #tpu.memory_space<vmem>>) target(%dma_start3A_42 : memref<128x64xf32, #tpu.memory_space<vmem_shared>>) target_semaphore(%arg19 : memref<!tpu.dma_semaphore, #tpu.memory_space<semaphore_mem>>)
    %mul3A_43 = arith.constant 640 : i32
    %mul3A_44 = arith.muli %arg1, %mul3A_43 : i32
    %add3A_45 = arith.constant 0 : i32
    %add3A_46 = arith.addi %mul3A_44, %add3A_45 : i32
    %dma_wait3A = arith.constant 0 : i32
    %dma_wait3A_47 = tpu.memref_slice %arg14[%add3A_46, %dma_wait3A] : memref<10240x64xf32, #tpu.memory_space<vmem_shared>> -> memref<128x64xf32, #tpu.memory_space<vmem_shared>>
    %dma_wait3A_48 = arith.constant 0 : i32
    %dma_wait3A_49 = tpu.memref_slice %arg14[%add3A_46, %dma_wait3A_48] : memref<10240x64xf32, #tpu.memory_space<vmem_shared>> -> memref<128x64xf32, #tpu.memory_space<vmem_shared>>
    tpu.wait_dma2 semaphore(%arg15 : memref<!tpu.dma_semaphore, #tpu.memory_space<semaphore_mem>>) src(%arg13 : memref<128x64xf32, #tpu.memory_space<vmem>>) dst(%dma_wait3A_49 : memref<128x64xf32, #tpu.memory_space<vmem_shared>>)
    %mul3A_50 = arith.constant 640 : i32
    %mul3A_51 = arith.muli %arg1, %mul3A_50 : i32
    %add3A_52 = arith.constant 128 : i32
    %add3A_53 = arith.addi %mul3A_51, %add3A_52 : i32
    %dma_wait3A_54 = arith.constant 0 : i32
    %dma_wait3A_55 = tpu.memref_slice %arg14[%add3A_53, %dma_wait3A_54] : memref<10240x64xf32, #tpu.memory_space<vmem_shared>> -> memref<128x64xf32, #tpu.memory_space<vmem_shared>>
    %dma_wait3A_56 = arith.constant 0 : i32
    %dma_wait3A_57 = tpu.memref_slice %arg14[%add3A_53, %dma_wait3A_56] : memref<10240x64xf32, #tpu.memory_space<vmem_shared>> -> memref<128x64xf32, #tpu.memory_space<vmem_shared>>
    tpu.wait_dma2 semaphore(%arg16 : memref<!tpu.dma_semaphore, #tpu.memory_space<semaphore_mem>>) src(%arg13 : memref<128x64xf32, #tpu.memory_space<vmem>>) dst(%dma_wait3A_57 : memref<128x64xf32, #tpu.memory_space<vmem_shared>>)
    %mul3A_58 = arith.constant 640 : i32
    %mul3A_59 = arith.muli %arg1, %mul3A_58 : i32
    %add3A_60 = arith.constant 256 : i32
    %add3A_61 = arith.addi %mul3A_59, %add3A_60 : i32
    %dma_wait3A_62 = arith.constant 0 : i32
    %dma_wait3A_63 = tpu.memref_slice %arg14[%add3A_61, %dma_wait3A_62] : memref<10240x64xf32, #tpu.memory_space<vmem_shared>> -> memref<128x64xf32, #tpu.memory_space<vmem_shared>>
    %dma_wait3A_64 = arith.constant 0 : i32
    %dma_wait3A_65 = tpu.memref_slice %arg14[%add3A_61, %dma_wait3A_64] : memref<10240x64xf32, #tpu.memory_space<vmem_shared>> -> memref<128x64xf32, #tpu.memory_space<vmem_shared>>
    tpu.wait_dma2 semaphore(%arg17 : memref<!tpu.dma_semaphore, #tpu.memory_space<semaphore_mem>>) src(%arg13 : memref<128x64xf32, #tpu.memory_space<vmem>>) dst(%dma_wait3A_65 : memref<128x64xf32, #tpu.memory_space<vmem_shared>>)
    %mul3A_66 = arith.constant 640 : i32
    %mul3A_67 = arith.muli %arg1, %mul3A_66 : i32
    %add3A_68 = arith.constant 384 : i32
    %add3A_69 = arith.addi %mul3A_67, %add3A_68 : i32
    %dma_wait3A_70 = arith.constant 0 : i32
    %dma_wait3A_71 = tpu.memref_slice %arg14[%add3A_69, %dma_wait3A_70] : memref<10240x64xf32, #tpu.memory_space<vmem_shared>> -> memref<128x64xf32, #tpu.memory_space<vmem_shared>>
    %dma_wait3A_72 = arith.constant 0 : i32
    %dma_wait3A_73 = tpu.memref_slice %arg14[%add3A_69, %dma_wait3A_72] : memref<10240x64xf32, #tpu.memory_space<vmem_shared>> -> memref<128x64xf32, #tpu.memory_space<vmem_shared>>
    tpu.wait_dma2 semaphore(%arg18 : memref<!tpu.dma_semaphore, #tpu.memory_space<semaphore_mem>>) src(%arg13 : memref<128x64xf32, #tpu.memory_space<vmem>>) dst(%dma_wait3A_73 : memref<128x64xf32, #tpu.memory_space<vmem_shared>>)
    %mul3A_74 = arith.constant 640 : i32
    %mul3A_75 = arith.muli %arg1, %mul3A_74 : i32
    %add3A_76 = arith.constant 512 : i32
    %add3A_77 = arith.addi %mul3A_75, %add3A_76 : i32
    %dma_wait3A_78 = arith.constant 0 : i32
    %dma_wait3A_79 = tpu.memref_slice %arg14[%add3A_77, %dma_wait3A_78] : memref<10240x64xf32, #tpu.memory_space<vmem_shared>> -> memref<128x64xf32, #tpu.memory_space<vmem_shared>>
    %dma_wait3A_80 = arith.constant 0 : i32
    %dma_wait3A_81 = tpu.memref_slice %arg14[%add3A_77, %dma_wait3A_80] : memref<10240x64xf32, #tpu.memory_space<vmem_shared>> -> memref<128x64xf32, #tpu.memory_space<vmem_shared>>
    tpu.wait_dma2 semaphore(%arg19 : memref<!tpu.dma_semaphore, #tpu.memory_space<semaphore_mem>>) src(%arg13 : memref<128x64xf32, #tpu.memory_space<vmem>>) dst(%dma_wait3A_81 : memref<128x64xf32, #tpu.memory_space<vmem_shared>>)
    %barrier3A = arith.constant 0 : index
    tpu.barrier barrier_id(%barrier3A)
    %mul3A_82 = arith.constant 160 : i32
    %mul3A_83 = arith.muli %arg1, %mul3A_82 : i32
    %add3A_84 = arith.constant 0 : i32
    %add3A_85 = arith.addi %mul3A_83, %add3A_84 : i32
    "tpu.region"() ({
      %run_scoped3A = tpu.sem_alloc : memref<!tpu.dma_semaphore, #tpu.memory_space<semaphore_mem>>
      %dma_start3A_287 = arith.constant 0 : i32
      %dma_start3A_288 = tpu.memref_slice %arg2[%add3A_85, %dma_start3A_287] : memref<2560x125xi32, #tpu.memory_space<hbm>> -> memref<80x125xi32, #tpu.memory_space<hbm>>
      %dma_start3A_289 = arith.constant 0 : i32
      %dma_start3A_290 = tpu.memref_slice %arg2[%add3A_85, %dma_start3A_289] : memref<2560x125xi32, #tpu.memory_space<hbm>> -> memref<80x125xi32, #tpu.memory_space<hbm>>
      tpu.enqueue_dma source(%dma_start3A_290 : memref<80x125xi32, #tpu.memory_space<hbm>>) target(%arg11 : memref<80x125xi32, #tpu.memory_space<vmem>>) target_semaphore(%run_scoped3A : memref<!tpu.dma_semaphore, #tpu.memory_space<semaphore_mem>>)
      %dma_wait3A_291 = arith.constant 0 : i32
      %dma_wait3A_292 = tpu.memref_slice %arg2[%add3A_85, %dma_wait3A_291] : memref<2560x125xi32, #tpu.memory_space<hbm>> -> memref<80x125xi32, #tpu.memory_space<hbm>>
      %dma_wait3A_293 = arith.constant 0 : i32
      %dma_wait3A_294 = tpu.memref_slice %arg2[%add3A_85, %dma_wait3A_293] : memref<2560x125xi32, #tpu.memory_space<hbm>> -> memref<80x125xi32, #tpu.memory_space<hbm>>
      tpu.wait_dma2 semaphore(%run_scoped3A : memref<!tpu.dma_semaphore, #tpu.memory_space<semaphore_mem>>) src(%dma_wait3A_294 : memref<80x125xi32, #tpu.memory_space<hbm>>) dst(%arg11 : memref<80x125xi32, #tpu.memory_space<vmem>>)
      tpu.yield
    }) : () -> ()
    "tpu.region"() ({
      %run_scoped3A = tpu.sem_alloc : memref<!tpu.dma_semaphore, #tpu.memory_space<semaphore_mem>>
      %dma_start3A_287 = arith.constant 0 : i32
      %dma_start3A_288 = tpu.memref_slice %arg3[%add3A_85, %dma_start3A_287] : memref<2560x125xi32, #tpu.memory_space<hbm>> -> memref<80x125xi32, #tpu.memory_space<hbm>>
      %dma_start3A_289 = arith.constant 0 : i32
      %dma_start3A_290 = tpu.memref_slice %arg3[%add3A_85, %dma_start3A_289] : memref<2560x125xi32, #tpu.memory_space<hbm>> -> memref<80x125xi32, #tpu.memory_space<hbm>>
      tpu.enqueue_dma source(%dma_start3A_290 : memref<80x125xi32, #tpu.memory_space<hbm>>) target(%arg12 : memref<80x125xi32, #tpu.memory_space<vmem>>) target_semaphore(%run_scoped3A : memref<!tpu.dma_semaphore, #tpu.memory_space<semaphore_mem>>)
      %dma_wait3A_291 = arith.constant 0 : i32
      %dma_wait3A_292 = tpu.memref_slice %arg3[%add3A_85, %dma_wait3A_291] : memref<2560x125xi32, #tpu.memory_space<hbm>> -> memref<80x125xi32, #tpu.memory_space<hbm>>
      %dma_wait3A_293 = arith.constant 0 : i32
      %dma_wait3A_294 = tpu.memref_slice %arg3[%add3A_85, %dma_wait3A_293] : memref<2560x125xi32, #tpu.memory_space<hbm>> -> memref<80x125xi32, #tpu.memory_space<hbm>>
      tpu.wait_dma2 semaphore(%run_scoped3A : memref<!tpu.dma_semaphore, #tpu.memory_space<semaphore_mem>>) src(%dma_wait3A_294 : memref<80x125xi32, #tpu.memory_space<hbm>>) dst(%arg12 : memref<80x125xi32, #tpu.memory_space<vmem>>)
      tpu.yield
    }) : () -> ()
    %dma_start3A_86 = arith.constant 0 : i32
    %dma_start3A_87 = arith.constant 0 : i32
    %dma_start3A_88 = tpu.memref_slice %arg11[%dma_start3A_86, %dma_start3A_87] : memref<80x125xi32, #tpu.memory_space<vmem>> -> memref<1x125xi32, #tpu.memory_space<vmem>>
    %dma_start3A_89 = tpu.memref_squeeze %dma_start3A_88 : memref<1x125xi32, #tpu.memory_space<vmem>> -> memref<125xi32, #tpu.memory_space<vmem>>
    %dma_start3A_90 = arith.constant 0 : i32
    %dma_start3A_91 = arith.constant 0 : i32
    %dma_start3A_92 = tpu.memref_slice %arg4[%arg0, %dma_start3A_90, %dma_start3A_91] : memref<2x10240x64xf32, #tpu.memory_space<hbm>> -> memref<1x10240x64xf32, #tpu.memory_space<hbm>>
    %dma_start3A_93 = tpu.memref_squeeze %dma_start3A_92 : memref<1x10240x64xf32, #tpu.memory_space<hbm>> -> memref<10240x64xf32, #tpu.memory_space<hbm>>
    %dma_start3A_94 = arith.constant 0 : i32
    %dma_start3A_95 = arith.constant 0 : i32
    %dma_start3A_96 = tpu.memref_slice %dma_start3A_93[%dma_start3A_94, %dma_start3A_95] : memref<10240x64xf32, #tpu.memory_space<hbm>> -> memref<10240x64xf32, #tpu.memory_space<hbm>>
    tpu.enqueue_indirect_dma source(%dma_start3A_96 : memref<10240x64xf32, #tpu.memory_space<hbm>>) target(%arg6 : memref<125x64xf32, #tpu.memory_space<vmem>>) offsets(%dma_start3A_89 : memref<125xi32, #tpu.memory_space<vmem>>) semaphore(%arg15 : memref<!tpu.dma_semaphore, #tpu.memory_space<semaphore_mem>>)
    %dma_start3A_97 = arith.constant 1 : i32
    %dma_start3A_98 = arith.constant 0 : i32
    %dma_start3A_99 = tpu.memref_slice %arg11[%dma_start3A_97, %dma_start3A_98] : memref<80x125xi32, #tpu.memory_space<vmem>> -> memref<1x125xi32, #tpu.memory_space<vmem>>
    %dma_start3A_100 = tpu.memref_squeeze %dma_start3A_99 : memref<1x125xi32, #tpu.memory_space<vmem>> -> memref<125xi32, #tpu.memory_space<vmem>>
    %dma_start3A_101 = arith.constant 0 : i32
    %dma_start3A_102 = arith.constant 0 : i32
    %dma_start3A_103 = tpu.memref_slice %arg4[%arg0, %dma_start3A_101, %dma_start3A_102] : memref<2x10240x64xf32, #tpu.memory_space<hbm>> -> memref<1x10240x64xf32, #tpu.memory_space<hbm>>
    %dma_start3A_104 = tpu.memref_squeeze %dma_start3A_103 : memref<1x10240x64xf32, #tpu.memory_space<hbm>> -> memref<10240x64xf32, #tpu.memory_space<hbm>>
    %dma_start3A_105 = arith.constant 0 : i32
    %dma_start3A_106 = arith.constant 0 : i32
    %dma_start3A_107 = tpu.memref_slice %dma_start3A_104[%dma_start3A_105, %dma_start3A_106] : memref<10240x64xf32, #tpu.memory_space<hbm>> -> memref<10240x64xf32, #tpu.memory_space<hbm>>
    tpu.enqueue_indirect_dma source(%dma_start3A_107 : memref<10240x64xf32, #tpu.memory_space<hbm>>) target(%arg7 : memref<125x64xf32, #tpu.memory_space<vmem>>) offsets(%dma_start3A_100 : memref<125xi32, #tpu.memory_space<vmem>>) semaphore(%arg16 : memref<!tpu.dma_semaphore, #tpu.memory_space<semaphore_mem>>)
    %dma_start3A_108 = arith.constant 2 : i32
    %dma_start3A_109 = arith.constant 0 : i32
    %dma_start3A_110 = tpu.memref_slice %arg11[%dma_start3A_108, %dma_start3A_109] : memref<80x125xi32, #tpu.memory_space<vmem>> -> memref<1x125xi32, #tpu.memory_space<vmem>>
    %dma_start3A_111 = tpu.memref_squeeze %dma_start3A_110 : memref<1x125xi32, #tpu.memory_space<vmem>> -> memref<125xi32, #tpu.memory_space<vmem>>
    %dma_start3A_112 = arith.constant 0 : i32
    %dma_start3A_113 = arith.constant 0 : i32
    %dma_start3A_114 = tpu.memref_slice %arg4[%arg0, %dma_start3A_112, %dma_start3A_113] : memref<2x10240x64xf32, #tpu.memory_space<hbm>> -> memref<1x10240x64xf32, #tpu.memory_space<hbm>>
    %dma_start3A_115 = tpu.memref_squeeze %dma_start3A_114 : memref<1x10240x64xf32, #tpu.memory_space<hbm>> -> memref<10240x64xf32, #tpu.memory_space<hbm>>
    %dma_start3A_116 = arith.constant 0 : i32
    %dma_start3A_117 = arith.constant 0 : i32
    %dma_start3A_118 = tpu.memref_slice %dma_start3A_115[%dma_start3A_116, %dma_start3A_117] : memref<10240x64xf32, #tpu.memory_space<hbm>> -> memref<10240x64xf32, #tpu.memory_space<hbm>>
    tpu.enqueue_indirect_dma source(%dma_start3A_118 : memref<10240x64xf32, #tpu.memory_space<hbm>>) target(%arg8 : memref<125x64xf32, #tpu.memory_space<vmem>>) offsets(%dma_start3A_111 : memref<125xi32, #tpu.memory_space<vmem>>) semaphore(%arg17 : memref<!tpu.dma_semaphore, #tpu.memory_space<semaphore_mem>>)
    %dma_start3A_119 = arith.constant 3 : i32
    %dma_start3A_120 = arith.constant 0 : i32
    %dma_start3A_121 = tpu.memref_slice %arg11[%dma_start3A_119, %dma_start3A_120] : memref<80x125xi32, #tpu.memory_space<vmem>> -> memref<1x125xi32, #tpu.memory_space<vmem>>
    %dma_start3A_122 = tpu.memref_squeeze %dma_start3A_121 : memref<1x125xi32, #tpu.memory_space<vmem>> -> memref<125xi32, #tpu.memory_space<vmem>>
    %dma_start3A_123 = arith.constant 0 : i32
    %dma_start3A_124 = arith.constant 0 : i32
    %dma_start3A_125 = tpu.memref_slice %arg4[%arg0, %dma_start3A_123, %dma_start3A_124] : memref<2x10240x64xf32, #tpu.memory_space<hbm>> -> memref<1x10240x64xf32, #tpu.memory_space<hbm>>
    %dma_start3A_126 = tpu.memref_squeeze %dma_start3A_125 : memref<1x10240x64xf32, #tpu.memory_space<hbm>> -> memref<10240x64xf32, #tpu.memory_space<hbm>>
    %dma_start3A_127 = arith.constant 0 : i32
    %dma_start3A_128 = arith.constant 0 : i32
    %dma_start3A_129 = tpu.memref_slice %dma_start3A_126[%dma_start3A_127, %dma_start3A_128] : memref<10240x64xf32, #tpu.memory_space<hbm>> -> memref<10240x64xf32, #tpu.memory_space<hbm>>
    tpu.enqueue_indirect_dma source(%dma_start3A_129 : memref<10240x64xf32, #tpu.memory_space<hbm>>) target(%arg9 : memref<125x64xf32, #tpu.memory_space<vmem>>) offsets(%dma_start3A_122 : memref<125xi32, #tpu.memory_space<vmem>>) semaphore(%arg18 : memref<!tpu.dma_semaphore, #tpu.memory_space<semaphore_mem>>)
    %dma_start3A_130 = arith.constant 4 : i32
    %dma_start3A_131 = arith.constant 0 : i32
    %dma_start3A_132 = tpu.memref_slice %arg11[%dma_start3A_130, %dma_start3A_131] : memref<80x125xi32, #tpu.memory_space<vmem>> -> memref<1x125xi32, #tpu.memory_space<vmem>>
    %dma_start3A_133 = tpu.memref_squeeze %dma_start3A_132 : memref<1x125xi32, #tpu.memory_space<vmem>> -> memref<125xi32, #tpu.memory_space<vmem>>
    %dma_start3A_134 = arith.constant 0 : i32
    %dma_start3A_135 = arith.constant 0 : i32
    %dma_start3A_136 = tpu.memref_slice %arg4[%arg0, %dma_start3A_134, %dma_start3A_135] : memref<2x10240x64xf32, #tpu.memory_space<hbm>> -> memref<1x10240x64xf32, #tpu.memory_space<hbm>>
    %dma_start3A_137 = tpu.memref_squeeze %dma_start3A_136 : memref<1x10240x64xf32, #tpu.memory_space<hbm>> -> memref<10240x64xf32, #tpu.memory_space<hbm>>
    %dma_start3A_138 = arith.constant 0 : i32
    %dma_start3A_139 = arith.constant 0 : i32
    %dma_start3A_140 = tpu.memref_slice %dma_start3A_137[%dma_start3A_138, %dma_start3A_139] : memref<10240x64xf32, #tpu.memory_space<hbm>> -> memref<10240x64xf32, #tpu.memory_space<hbm>>
    tpu.enqueue_indirect_dma source(%dma_start3A_140 : memref<10240x64xf32, #tpu.memory_space<hbm>>) target(%arg10 : memref<125x64xf32, #tpu.memory_space<vmem>>) offsets(%dma_start3A_133 : memref<125xi32, #tpu.memory_space<vmem>>) semaphore(%arg19 : memref<!tpu.dma_semaphore, #tpu.memory_space<semaphore_mem>>)
    %scan3A_141 = arith.constant 0 : i32
    %scan3A_142 = arith.constant 0 : i32
    %scan3A_143 = arith.constant 16 : i32
    %scan3A_144 = arith.addi %scan3A_142, %scan3A_143 : i32
    %scan3A_145 = arith.constant 1 : i32
    scf.for %scan3A_287 = %scan3A_142 to %scan3A_144 step %scan3A_145  : i32 {
      %gt3A = arith.constant 0 : i32
      %gt3A_288 = arith.cmpi sgt, %scan3A_287, %gt3A : i32
      %convert_element_type3A = arith.extui %gt3A_288 : i1 to i32
      %cond3A = arith.constant 0 : i32
      %cond3A_289 = arith.cmpi ne, %convert_element_type3A, %cond3A : i32
      scf.if %cond3A_289 {
        %mul3A_390 = arith.constant 5 : i32
        %mul3A_391 = arith.muli %scan3A_287, %mul3A_390 : i32
        %add3A_392 = arith.constant 0 : i32
        %add3A_393 = arith.addi %mul3A_391, %add3A_392 : i32
        %sub3A = arith.constant 5 : i32
        %sub3A_394 = arith.subi %add3A_393, %sub3A : i32
        %dma_wait3A_395 = arith.constant 0 : i32
        %dma_wait3A_396 = tpu.memref_slice %arg12[%sub3A_394, %dma_wait3A_395] : memref<80x125xi32, #tpu.memory_space<vmem>> -> memref<1x125xi32, #tpu.memory_space<vmem>>
        %dma_wait3A_397 = tpu.memref_squeeze %dma_wait3A_396 : memref<1x125xi32, #tpu.memory_space<vmem>> -> memref<125xi32, #tpu.memory_space<vmem>>
        %dma_wait3A_398 = arith.constant 0 : i32
        %dma_wait3A_399 = arith.constant 0 : i32
        %dma_wait3A_400 = tpu.memref_slice %arg14[%dma_wait3A_398, %dma_wait3A_399] : memref<10240x64xf32, #tpu.memory_space<vmem_shared>> -> memref<10240x64xf32, #tpu.memory_space<vmem_shared>>
        tpu.wait_indirect_dma semaphore(%arg20 : memref<!tpu.dma_semaphore, #tpu.memory_space<semaphore_mem>>) src(%arg6 : memref<125x64xf32, #tpu.memory_space<vmem>>) dst(%dma_wait3A_400 : memref<10240x64xf32, #tpu.memory_space<vmem_shared>>)
        %dma_start3A_401 = arith.constant 0 : i32
        %dma_start3A_402 = tpu.memref_slice %arg11[%add3A_393, %dma_start3A_401] : memref<80x125xi32, #tpu.memory_space<vmem>> -> memref<1x125xi32, #tpu.memory_space<vmem>>
        %dma_start3A_403 = tpu.memref_squeeze %dma_start3A_402 : memref<1x125xi32, #tpu.memory_space<vmem>> -> memref<125xi32, #tpu.memory_space<vmem>>
        %dma_start3A_404 = arith.constant 0 : i32
        %dma_start3A_405 = arith.constant 0 : i32
        %dma_start3A_406 = tpu.memref_slice %arg4[%arg0, %dma_start3A_404, %dma_start3A_405] : memref<2x10240x64xf32, #tpu.memory_space<hbm>> -> memref<1x10240x64xf32, #tpu.memory_space<hbm>>
        %dma_start3A_407 = tpu.memref_squeeze %dma_start3A_406 : memref<1x10240x64xf32, #tpu.memory_space<hbm>> -> memref<10240x64xf32, #tpu.memory_space<hbm>>
        %dma_start3A_408 = arith.constant 0 : i32
        %dma_start3A_409 = arith.constant 0 : i32
        %dma_start3A_410 = tpu.memref_slice %dma_start3A_407[%dma_start3A_408, %dma_start3A_409] : memref<10240x64xf32, #tpu.memory_space<hbm>> -> memref<10240x64xf32, #tpu.memory_space<hbm>>
        tpu.enqueue_indirect_dma source(%dma_start3A_410 : memref<10240x64xf32, #tpu.memory_space<hbm>>) target(%arg6 : memref<125x64xf32, #tpu.memory_space<vmem>>) offsets(%dma_start3A_403 : memref<125xi32, #tpu.memory_space<vmem>>) semaphore(%arg15 : memref<!tpu.dma_semaphore, #tpu.memory_space<semaphore_mem>>)
        %mul3A_411 = arith.constant 5 : i32
        %mul3A_412 = arith.muli %scan3A_287, %mul3A_411 : i32
        %add3A_413 = arith.constant 1 : i32
        %add3A_414 = arith.addi %mul3A_412, %add3A_413 : i32
        %sub3A_415 = arith.constant 5 : i32
        %sub3A_416 = arith.subi %add3A_414, %sub3A_415 : i32
        %dma_wait3A_417 = arith.constant 0 : i32
        %dma_wait3A_418 = tpu.memref_slice %arg12[%sub3A_416, %dma_wait3A_417] : memref<80x125xi32, #tpu.memory_space<vmem>> -> memref<1x125xi32, #tpu.memory_space<vmem>>
        %dma_wait3A_419 = tpu.memref_squeeze %dma_wait3A_418 : memref<1x125xi32, #tpu.memory_space<vmem>> -> memref<125xi32, #tpu.memory_space<vmem>>
        %dma_wait3A_420 = arith.constant 0 : i32
        %dma_wait3A_421 = arith.constant 0 : i32
        %dma_wait3A_422 = tpu.memref_slice %arg14[%dma_wait3A_420, %dma_wait3A_421] : memref<10240x64xf32, #tpu.memory_space<vmem_shared>> -> memref<10240x64xf32, #tpu.memory_space<vmem_shared>>
        tpu.wait_indirect_dma semaphore(%arg21 : memref<!tpu.dma_semaphore, #tpu.memory_space<semaphore_mem>>) src(%arg7 : memref<125x64xf32, #tpu.memory_space<vmem>>) dst(%dma_wait3A_422 : memref<10240x64xf32, #tpu.memory_space<vmem_shared>>)
        %dma_start3A_423 = arith.constant 0 : i32
        %dma_start3A_424 = tpu.memref_slice %arg11[%add3A_414, %dma_start3A_423] : memref<80x125xi32, #tpu.memory_space<vmem>> -> memref<1x125xi32, #tpu.memory_space<vmem>>
        %dma_start3A_425 = tpu.memref_squeeze %dma_start3A_424 : memref<1x125xi32, #tpu.memory_space<vmem>> -> memref<125xi32, #tpu.memory_space<vmem>>
        %dma_start3A_426 = arith.constant 0 : i32
        %dma_start3A_427 = arith.constant 0 : i32
        %dma_start3A_428 = tpu.memref_slice %arg4[%arg0, %dma_start3A_426, %dma_start3A_427] : memref<2x10240x64xf32, #tpu.memory_space<hbm>> -> memref<1x10240x64xf32, #tpu.memory_space<hbm>>
        %dma_start3A_429 = tpu.memref_squeeze %dma_start3A_428 : memref<1x10240x64xf32, #tpu.memory_space<hbm>> -> memref<10240x64xf32, #tpu.memory_space<hbm>>
        %dma_start3A_430 = arith.constant 0 : i32
        %dma_start3A_431 = arith.constant 0 : i32
        %dma_start3A_432 = tpu.memref_slice %dma_start3A_429[%dma_start3A_430, %dma_start3A_431] : memref<10240x64xf32, #tpu.memory_space<hbm>> -> memref<10240x64xf32, #tpu.memory_space<hbm>>
        tpu.enqueue_indirect_dma source(%dma_start3A_432 : memref<10240x64xf32, #tpu.memory_space<hbm>>) target(%arg7 : memref<125x64xf32, #tpu.memory_space<vmem>>) offsets(%dma_start3A_425 : memref<125xi32, #tpu.memory_space<vmem>>) semaphore(%arg16 : memref<!tpu.dma_semaphore, #tpu.memory_space<semaphore_mem>>)
        %mul3A_433 = arith.constant 5 : i32
        %mul3A_434 = arith.muli %scan3A_287, %mul3A_433 : i32
        %add3A_435 = arith.constant 2 : i32
        %add3A_436 = arith.addi %mul3A_434, %add3A_435 : i32
        %sub3A_437 = arith.constant 5 : i32
        %sub3A_438 = arith.subi %add3A_436, %sub3A_437 : i32
        %dma_wait3A_439 = arith.constant 0 : i32
        %dma_wait3A_440 = tpu.memref_slice %arg12[%sub3A_438, %dma_wait3A_439] : memref<80x125xi32, #tpu.memory_space<vmem>> -> memref<1x125xi32, #tpu.memory_space<vmem>>
        %dma_wait3A_441 = tpu.memref_squeeze %dma_wait3A_440 : memref<1x125xi32, #tpu.memory_space<vmem>> -> memref<125xi32, #tpu.memory_space<vmem>>
        %dma_wait3A_442 = arith.constant 0 : i32
        %dma_wait3A_443 = arith.constant 0 : i32
        %dma_wait3A_444 = tpu.memref_slice %arg14[%dma_wait3A_442, %dma_wait3A_443] : memref<10240x64xf32, #tpu.memory_space<vmem_shared>> -> memref<10240x64xf32, #tpu.memory_space<vmem_shared>>
        tpu.wait_indirect_dma semaphore(%arg22 : memref<!tpu.dma_semaphore, #tpu.memory_space<semaphore_mem>>) src(%arg8 : memref<125x64xf32, #tpu.memory_space<vmem>>) dst(%dma_wait3A_444 : memref<10240x64xf32, #tpu.memory_space<vmem_shared>>)
        %dma_start3A_445 = arith.constant 0 : i32
        %dma_start3A_446 = tpu.memref_slice %arg11[%add3A_436, %dma_start3A_445] : memref<80x125xi32, #tpu.memory_space<vmem>> -> memref<1x125xi32, #tpu.memory_space<vmem>>
        %dma_start3A_447 = tpu.memref_squeeze %dma_start3A_446 : memref<1x125xi32, #tpu.memory_space<vmem>> -> memref<125xi32, #tpu.memory_space<vmem>>
        %dma_start3A_448 = arith.constant 0 : i32
        %dma_start3A_449 = arith.constant 0 : i32
        %dma_start3A_450 = tpu.memref_slice %arg4[%arg0, %dma_start3A_448, %dma_start3A_449] : memref<2x10240x64xf32, #tpu.memory_space<hbm>> -> memref<1x10240x64xf32, #tpu.memory_space<hbm>>
        %dma_start3A_451 = tpu.memref_squeeze %dma_start3A_450 : memref<1x10240x64xf32, #tpu.memory_space<hbm>> -> memref<10240x64xf32, #tpu.memory_space<hbm>>
        %dma_start3A_452 = arith.constant 0 : i32
        %dma_start3A_453 = arith.constant 0 : i32
        %dma_start3A_454 = tpu.memref_slice %dma_start3A_451[%dma_start3A_452, %dma_start3A_453] : memref<10240x64xf32, #tpu.memory_space<hbm>> -> memref<10240x64xf32, #tpu.memory_space<hbm>>
        tpu.enqueue_indirect_dma source(%dma_start3A_454 : memref<10240x64xf32, #tpu.memory_space<hbm>>) target(%arg8 : memref<125x64xf32, #tpu.memory_space<vmem>>) offsets(%dma_start3A_447 : memref<125xi32, #tpu.memory_space<vmem>>) semaphore(%arg17 : memref<!tpu.dma_semaphore, #tpu.memory_space<semaphore_mem>>)
        %mul3A_455 = arith.constant 5 : i32
        %mul3A_456 = arith.muli %scan3A_287, %mul3A_455 : i32
        %add3A_457 = arith.constant 3 : i32
        %add3A_458 = arith.addi %mul3A_456, %add3A_457 : i32
        %sub3A_459 = arith.constant 5 : i32
        %sub3A_460 = arith.subi %add3A_458, %sub3A_459 : i32
        %dma_wait3A_461 = arith.constant 0 : i32
        %dma_wait3A_462 = tpu.memref_slice %arg12[%sub3A_460, %dma_wait3A_461] : memref<80x125xi32, #tpu.memory_space<vmem>> -> memref<1x125xi32, #tpu.memory_space<vmem>>
        %dma_wait3A_463 = tpu.memref_squeeze %dma_wait3A_462 : memref<1x125xi32, #tpu.memory_space<vmem>> -> memref<125xi32, #tpu.memory_space<vmem>>
        %dma_wait3A_464 = arith.constant 0 : i32
        %dma_wait3A_465 = arith.constant 0 : i32
        %dma_wait3A_466 = tpu.memref_slice %arg14[%dma_wait3A_464, %dma_wait3A_465] : memref<10240x64xf32, #tpu.memory_space<vmem_shared>> -> memref<10240x64xf32, #tpu.memory_space<vmem_shared>>
        tpu.wait_indirect_dma semaphore(%arg23 : memref<!tpu.dma_semaphore, #tpu.memory_space<semaphore_mem>>) src(%arg9 : memref<125x64xf32, #tpu.memory_space<vmem>>) dst(%dma_wait3A_466 : memref<10240x64xf32, #tpu.memory_space<vmem_shared>>)
        %dma_start3A_467 = arith.constant 0 : i32
        %dma_start3A_468 = tpu.memref_slice %arg11[%add3A_458, %dma_start3A_467] : memref<80x125xi32, #tpu.memory_space<vmem>> -> memref<1x125xi32, #tpu.memory_space<vmem>>
        %dma_start3A_469 = tpu.memref_squeeze %dma_start3A_468 : memref<1x125xi32, #tpu.memory_space<vmem>> -> memref<125xi32, #tpu.memory_space<vmem>>
        %dma_start3A_470 = arith.constant 0 : i32
        %dma_start3A_471 = arith.constant 0 : i32
        %dma_start3A_472 = tpu.memref_slice %arg4[%arg0, %dma_start3A_470, %dma_start3A_471] : memref<2x10240x64xf32, #tpu.memory_space<hbm>> -> memref<1x10240x64xf32, #tpu.memory_space<hbm>>
        %dma_start3A_473 = tpu.memref_squeeze %dma_start3A_472 : memref<1x10240x64xf32, #tpu.memory_space<hbm>> -> memref<10240x64xf32, #tpu.memory_space<hbm>>
        %dma_start3A_474 = arith.constant 0 : i32
        %dma_start3A_475 = arith.constant 0 : i32
        %dma_start3A_476 = tpu.memref_slice %dma_start3A_473[%dma_start3A_474, %dma_start3A_475] : memref<10240x64xf32, #tpu.memory_space<hbm>> -> memref<10240x64xf32, #tpu.memory_space<hbm>>
        tpu.enqueue_indirect_dma source(%dma_start3A_476 : memref<10240x64xf32, #tpu.memory_space<hbm>>) target(%arg9 : memref<125x64xf32, #tpu.memory_space<vmem>>) offsets(%dma_start3A_469 : memref<125xi32, #tpu.memory_space<vmem>>) semaphore(%arg18 : memref<!tpu.dma_semaphore, #tpu.memory_space<semaphore_mem>>)
        %mul3A_477 = arith.constant 5 : i32
        %mul3A_478 = arith.muli %scan3A_287, %mul3A_477 : i32
        %add3A_479 = arith.constant 4 : i32
        %add3A_480 = arith.addi %mul3A_478, %add3A_479 : i32
        %sub3A_481 = arith.constant 5 : i32
        %sub3A_482 = arith.subi %add3A_480, %sub3A_481 : i32
        %dma_wait3A_483 = arith.constant 0 : i32
        %dma_wait3A_484 = tpu.memref_slice %arg12[%sub3A_482, %dma_wait3A_483] : memref<80x125xi32, #tpu.memory_space<vmem>> -> memref<1x125xi32, #tpu.memory_space<vmem>>
        %dma_wait3A_485 = tpu.memref_squeeze %dma_wait3A_484 : memref<1x125xi32, #tpu.memory_space<vmem>> -> memref<125xi32, #tpu.memory_space<vmem>>
        %dma_wait3A_486 = arith.constant 0 : i32
        %dma_wait3A_487 = arith.constant 0 : i32
        %dma_wait3A_488 = tpu.memref_slice %arg14[%dma_wait3A_486, %dma_wait3A_487] : memref<10240x64xf32, #tpu.memory_space<vmem_shared>> -> memref<10240x64xf32, #tpu.memory_space<vmem_shared>>
        tpu.wait_indirect_dma semaphore(%arg24 : memref<!tpu.dma_semaphore, #tpu.memory_space<semaphore_mem>>) src(%arg10 : memref<125x64xf32, #tpu.memory_space<vmem>>) dst(%dma_wait3A_488 : memref<10240x64xf32, #tpu.memory_space<vmem_shared>>)
        %dma_start3A_489 = arith.constant 0 : i32
        %dma_start3A_490 = tpu.memref_slice %arg11[%add3A_480, %dma_start3A_489] : memref<80x125xi32, #tpu.memory_space<vmem>> -> memref<1x125xi32, #tpu.memory_space<vmem>>
        %dma_start3A_491 = tpu.memref_squeeze %dma_start3A_490 : memref<1x125xi32, #tpu.memory_space<vmem>> -> memref<125xi32, #tpu.memory_space<vmem>>
        %dma_start3A_492 = arith.constant 0 : i32
        %dma_start3A_493 = arith.constant 0 : i32
        %dma_start3A_494 = tpu.memref_slice %arg4[%arg0, %dma_start3A_492, %dma_start3A_493] : memref<2x10240x64xf32, #tpu.memory_space<hbm>> -> memref<1x10240x64xf32, #tpu.memory_space<hbm>>
        %dma_start3A_495 = tpu.memref_squeeze %dma_start3A_494 : memref<1x10240x64xf32, #tpu.memory_space<hbm>> -> memref<10240x64xf32, #tpu.memory_space<hbm>>
        %dma_start3A_496 = arith.constant 0 : i32
        %dma_start3A_497 = arith.constant 0 : i32
        %dma_start3A_498 = tpu.memref_slice %dma_start3A_495[%dma_start3A_496, %dma_start3A_497] : memref<10240x64xf32, #tpu.memory_space<hbm>> -> memref<10240x64xf32, #tpu.memory_space<hbm>>
        tpu.enqueue_indirect_dma source(%dma_start3A_498 : memref<10240x64xf32, #tpu.memory_space<hbm>>) target(%arg10 : memref<125x64xf32, #tpu.memory_space<vmem>>) offsets(%dma_start3A_491 : memref<125xi32, #tpu.memory_space<vmem>>) semaphore(%arg19 : memref<!tpu.dma_semaphore, #tpu.memory_space<semaphore_mem>>)
      } else {
      }
      %mul3A_290 = arith.constant 5 : i32
      %mul3A_291 = arith.muli %scan3A_287, %mul3A_290 : i32
      %add3A_292 = arith.constant 0 : i32
      %add3A_293 = arith.addi %mul3A_291, %add3A_292 : i32
      %dma_wait3A_294 = arith.constant 0 : i32
      %dma_wait3A_295 = tpu.memref_slice %arg11[%add3A_293, %dma_wait3A_294] : memref<80x125xi32, #tpu.memory_space<vmem>> -> memref<1x125xi32, #tpu.memory_space<vmem>>
      %dma_wait3A_296 = tpu.memref_squeeze %dma_wait3A_295 : memref<1x125xi32, #tpu.memory_space<vmem>> -> memref<125xi32, #tpu.memory_space<vmem>>
      %dma_wait3A_297 = arith.constant 0 : i32
      %dma_wait3A_298 = arith.constant 0 : i32
      %dma_wait3A_299 = tpu.memref_slice %arg4[%arg0, %dma_wait3A_297, %dma_wait3A_298] : memref<2x10240x64xf32, #tpu.memory_space<hbm>> -> memref<1x10240x64xf32, #tpu.memory_space<hbm>>
      %dma_wait3A_300 = tpu.memref_squeeze %dma_wait3A_299 : memref<1x10240x64xf32, #tpu.memory_space<hbm>> -> memref<10240x64xf32, #tpu.memory_space<hbm>>
      %dma_wait3A_301 = arith.constant 0 : i32
      %dma_wait3A_302 = arith.constant 0 : i32
      %dma_wait3A_303 = tpu.memref_slice %dma_wait3A_300[%dma_wait3A_301, %dma_wait3A_302] : memref<10240x64xf32, #tpu.memory_space<hbm>> -> memref<10240x64xf32, #tpu.memory_space<hbm>>
      tpu.wait_indirect_dma semaphore(%arg15 : memref<!tpu.dma_semaphore, #tpu.memory_space<semaphore_mem>>) src(%dma_wait3A_303 : memref<10240x64xf32, #tpu.memory_space<hbm>>) dst(%arg6 : memref<125x64xf32, #tpu.memory_space<vmem>>)
      %dma_start3A_304 = arith.constant 0 : i32
      %dma_start3A_305 = tpu.memref_slice %arg12[%add3A_293, %dma_start3A_304] : memref<80x125xi32, #tpu.memory_space<vmem>> -> memref<1x125xi32, #tpu.memory_space<vmem>>
      %dma_start3A_306 = tpu.memref_squeeze %dma_start3A_305 : memref<1x125xi32, #tpu.memory_space<vmem>> -> memref<125xi32, #tpu.memory_space<vmem>>
      %dma_start3A_307 = arith.constant 0 : i32
      %dma_start3A_308 = arith.constant 0 : i32
      %dma_start3A_309 = tpu.memref_slice %arg14[%dma_start3A_307, %dma_start3A_308] : memref<10240x64xf32, #tpu.memory_space<vmem_shared>> -> memref<10240x64xf32, #tpu.memory_space<vmem_shared>>
      tpu.enqueue_indirect_dma source(%arg6 : memref<125x64xf32, #tpu.memory_space<vmem>>) target(%dma_start3A_309 : memref<10240x64xf32, #tpu.memory_space<vmem_shared>>) offsets(%dma_start3A_306 : memref<125xi32, #tpu.memory_space<vmem>>) semaphore(%arg20 : memref<!tpu.dma_semaphore, #tpu.memory_space<semaphore_mem>>) {add = true}
      %mul3A_310 = arith.constant 5 : i32
      %mul3A_311 = arith.muli %scan3A_287, %mul3A_310 : i32
      %add3A_312 = arith.constant 1 : i32
      %add3A_313 = arith.addi %mul3A_311, %add3A_312 : i32
      %dma_wait3A_314 = arith.constant 0 : i32
      %dma_wait3A_315 = tpu.memref_slice %arg11[%add3A_313, %dma_wait3A_314] : memref<80x125xi32, #tpu.memory_space<vmem>> -> memref<1x125xi32, #tpu.memory_space<vmem>>
      %dma_wait3A_316 = tpu.memref_squeeze %dma_wait3A_315 : memref<1x125xi32, #tpu.memory_space<vmem>> -> memref<125xi32, #tpu.memory_space<vmem>>
      %dma_wait3A_317 = arith.constant 0 : i32
      %dma_wait3A_318 = arith.constant 0 : i32
      %dma_wait3A_319 = tpu.memref_slice %arg4[%arg0, %dma_wait3A_317, %dma_wait3A_318] : memref<2x10240x64xf32, #tpu.memory_space<hbm>> -> memref<1x10240x64xf32, #tpu.memory_space<hbm>>
      %dma_wait3A_320 = tpu.memref_squeeze %dma_wait3A_319 : memref<1x10240x64xf32, #tpu.memory_space<hbm>> -> memref<10240x64xf32, #tpu.memory_space<hbm>>
      %dma_wait3A_321 = arith.constant 0 : i32
      %dma_wait3A_322 = arith.constant 0 : i32
      %dma_wait3A_323 = tpu.memref_slice %dma_wait3A_320[%dma_wait3A_321, %dma_wait3A_322] : memref<10240x64xf32, #tpu.memory_space<hbm>> -> memref<10240x64xf32, #tpu.memory_space<hbm>>
      tpu.wait_indirect_dma semaphore(%arg16 : memref<!tpu.dma_semaphore, #tpu.memory_space<semaphore_mem>>) src(%dma_wait3A_323 : memref<10240x64xf32, #tpu.memory_space<hbm>>) dst(%arg7 : memref<125x64xf32, #tpu.memory_space<vmem>>)
      %dma_start3A_324 = arith.constant 0 : i32
      %dma_start3A_325 = tpu.memref_slice %arg12[%add3A_313, %dma_start3A_324] : memref<80x125xi32, #tpu.memory_space<vmem>> -> memref<1x125xi32, #tpu.memory_space<vmem>>
      %dma_start3A_326 = tpu.memref_squeeze %dma_start3A_325 : memref<1x125xi32, #tpu.memory_space<vmem>> -> memref<125xi32, #tpu.memory_space<vmem>>
      %dma_start3A_327 = arith.constant 0 : i32
      %dma_start3A_328 = arith.constant 0 : i32
      %dma_start3A_329 = tpu.memref_slice %arg14[%dma_start3A_327, %dma_start3A_328] : memref<10240x64xf32, #tpu.memory_space<vmem_shared>> -> memref<10240x64xf32, #tpu.memory_space<vmem_shared>>
      tpu.enqueue_indirect_dma source(%arg7 : memref<125x64xf32, #tpu.memory_space<vmem>>) target(%dma_start3A_329 : memref<10240x64xf32, #tpu.memory_space<vmem_shared>>) offsets(%dma_start3A_326 : memref<125xi32, #tpu.memory_space<vmem>>) semaphore(%arg21 : memref<!tpu.dma_semaphore, #tpu.memory_space<semaphore_mem>>) {add = true}
      %mul3A_330 = arith.constant 5 : i32
      %mul3A_331 = arith.muli %scan3A_287, %mul3A_330 : i32
      %add3A_332 = arith.constant 2 : i32
      %add3A_333 = arith.addi %mul3A_331, %add3A_332 : i32
      %dma_wait3A_334 = arith.constant 0 : i32
      %dma_wait3A_335 = tpu.memref_slice %arg11[%add3A_333, %dma_wait3A_334] : memref<80x125xi32, #tpu.memory_space<vmem>> -> memref<1x125xi32, #tpu.memory_space<vmem>>
      %dma_wait3A_336 = tpu.memref_squeeze %dma_wait3A_335 : memref<1x125xi32, #tpu.memory_space<vmem>> -> memref<125xi32, #tpu.memory_space<vmem>>
      %dma_wait3A_337 = arith.constant 0 : i32
      %dma_wait3A_338 = arith.constant 0 : i32
      %dma_wait3A_339 = tpu.memref_slice %arg4[%arg0, %dma_wait3A_337, %dma_wait3A_338] : memref<2x10240x64xf32, #tpu.memory_space<hbm>> -> memref<1x10240x64xf32, #tpu.memory_space<hbm>>
      %dma_wait3A_340 = tpu.memref_squeeze %dma_wait3A_339 : memref<1x10240x64xf32, #tpu.memory_space<hbm>> -> memref<10240x64xf32, #tpu.memory_space<hbm>>
      %dma_wait3A_341 = arith.constant 0 : i32
      %dma_wait3A_342 = arith.constant 0 : i32
      %dma_wait3A_343 = tpu.memref_slice %dma_wait3A_340[%dma_wait3A_341, %dma_wait3A_342] : memref<10240x64xf32, #tpu.memory_space<hbm>> -> memref<10240x64xf32, #tpu.memory_space<hbm>>
      tpu.wait_indirect_dma semaphore(%arg17 : memref<!tpu.dma_semaphore, #tpu.memory_space<semaphore_mem>>) src(%dma_wait3A_343 : memref<10240x64xf32, #tpu.memory_space<hbm>>) dst(%arg8 : memref<125x64xf32, #tpu.memory_space<vmem>>)
      %dma_start3A_344 = arith.constant 0 : i32
      %dma_start3A_345 = tpu.memref_slice %arg12[%add3A_333, %dma_start3A_344] : memref<80x125xi32, #tpu.memory_space<vmem>> -> memref<1x125xi32, #tpu.memory_space<vmem>>
      %dma_start3A_346 = tpu.memref_squeeze %dma_start3A_345 : memref<1x125xi32, #tpu.memory_space<vmem>> -> memref<125xi32, #tpu.memory_space<vmem>>
      %dma_start3A_347 = arith.constant 0 : i32
      %dma_start3A_348 = arith.constant 0 : i32
      %dma_start3A_349 = tpu.memref_slice %arg14[%dma_start3A_347, %dma_start3A_348] : memref<10240x64xf32, #tpu.memory_space<vmem_shared>> -> memref<10240x64xf32, #tpu.memory_space<vmem_shared>>
      tpu.enqueue_indirect_dma source(%arg8 : memref<125x64xf32, #tpu.memory_space<vmem>>) target(%dma_start3A_349 : memref<10240x64xf32, #tpu.memory_space<vmem_shared>>) offsets(%dma_start3A_346 : memref<125xi32, #tpu.memory_space<vmem>>) semaphore(%arg22 : memref<!tpu.dma_semaphore, #tpu.memory_space<semaphore_mem>>) {add = true}
      %mul3A_350 = arith.constant 5 : i32
      %mul3A_351 = arith.muli %scan3A_287, %mul3A_350 : i32
      %add3A_352 = arith.constant 3 : i32
      %add3A_353 = arith.addi %mul3A_351, %add3A_352 : i32
      %dma_wait3A_354 = arith.constant 0 : i32
      %dma_wait3A_355 = tpu.memref_slice %arg11[%add3A_353, %dma_wait3A_354] : memref<80x125xi32, #tpu.memory_space<vmem>> -> memref<1x125xi32, #tpu.memory_space<vmem>>
      %dma_wait3A_356 = tpu.memref_squeeze %dma_wait3A_355 : memref<1x125xi32, #tpu.memory_space<vmem>> -> memref<125xi32, #tpu.memory_space<vmem>>
      %dma_wait3A_357 = arith.constant 0 : i32
      %dma_wait3A_358 = arith.constant 0 : i32
      %dma_wait3A_359 = tpu.memref_slice %arg4[%arg0, %dma_wait3A_357, %dma_wait3A_358] : memref<2x10240x64xf32, #tpu.memory_space<hbm>> -> memref<1x10240x64xf32, #tpu.memory_space<hbm>>
      %dma_wait3A_360 = tpu.memref_squeeze %dma_wait3A_359 : memref<1x10240x64xf32, #tpu.memory_space<hbm>> -> memref<10240x64xf32, #tpu.memory_space<hbm>>
      %dma_wait3A_361 = arith.constant 0 : i32
      %dma_wait3A_362 = arith.constant 0 : i32
      %dma_wait3A_363 = tpu.memref_slice %dma_wait3A_360[%dma_wait3A_361, %dma_wait3A_362] : memref<10240x64xf32, #tpu.memory_space<hbm>> -> memref<10240x64xf32, #tpu.memory_space<hbm>>
      tpu.wait_indirect_dma semaphore(%arg18 : memref<!tpu.dma_semaphore, #tpu.memory_space<semaphore_mem>>) src(%dma_wait3A_363 : memref<10240x64xf32, #tpu.memory_space<hbm>>) dst(%arg9 : memref<125x64xf32, #tpu.memory_space<vmem>>)
      %dma_start3A_364 = arith.constant 0 : i32
      %dma_start3A_365 = tpu.memref_slice %arg12[%add3A_353, %dma_start3A_364] : memref<80x125xi32, #tpu.memory_space<vmem>> -> memref<1x125xi32, #tpu.memory_space<vmem>>
      %dma_start3A_366 = tpu.memref_squeeze %dma_start3A_365 : memref<1x125xi32, #tpu.memory_space<vmem>> -> memref<125xi32, #tpu.memory_space<vmem>>
      %dma_start3A_367 = arith.constant 0 : i32
      %dma_start3A_368 = arith.constant 0 : i32
      %dma_start3A_369 = tpu.memref_slice %arg14[%dma_start3A_367, %dma_start3A_368] : memref<10240x64xf32, #tpu.memory_space<vmem_shared>> -> memref<10240x64xf32, #tpu.memory_space<vmem_shared>>
      tpu.enqueue_indirect_dma source(%arg9 : memref<125x64xf32, #tpu.memory_space<vmem>>) target(%dma_start3A_369 : memref<10240x64xf32, #tpu.memory_space<vmem_shared>>) offsets(%dma_start3A_366 : memref<125xi32, #tpu.memory_space<vmem>>) semaphore(%arg23 : memref<!tpu.dma_semaphore, #tpu.memory_space<semaphore_mem>>) {add = true}
      %mul3A_370 = arith.constant 5 : i32
      %mul3A_371 = arith.muli %scan3A_287, %mul3A_370 : i32
      %add3A_372 = arith.constant 4 : i32
      %add3A_373 = arith.addi %mul3A_371, %add3A_372 : i32
      %dma_wait3A_374 = arith.constant 0 : i32
      %dma_wait3A_375 = tpu.memref_slice %arg11[%add3A_373, %dma_wait3A_374] : memref<80x125xi32, #tpu.memory_space<vmem>> -> memref<1x125xi32, #tpu.memory_space<vmem>>
      %dma_wait3A_376 = tpu.memref_squeeze %dma_wait3A_375 : memref<1x125xi32, #tpu.memory_space<vmem>> -> memref<125xi32, #tpu.memory_space<vmem>>
      %dma_wait3A_377 = arith.constant 0 : i32
      %dma_wait3A_378 = arith.constant 0 : i32
      %dma_wait3A_379 = tpu.memref_slice %arg4[%arg0, %dma_wait3A_377, %dma_wait3A_378] : memref<2x10240x64xf32, #tpu.memory_space<hbm>> -> memref<1x10240x64xf32, #tpu.memory_space<hbm>>
      %dma_wait3A_380 = tpu.memref_squeeze %dma_wait3A_379 : memref<1x10240x64xf32, #tpu.memory_space<hbm>> -> memref<10240x64xf32, #tpu.memory_space<hbm>>
      %dma_wait3A_381 = arith.constant 0 : i32
      %dma_wait3A_382 = arith.constant 0 : i32
      %dma_wait3A_383 = tpu.memref_slice %dma_wait3A_380[%dma_wait3A_381, %dma_wait3A_382] : memref<10240x64xf32, #tpu.memory_space<hbm>> -> memref<10240x64xf32, #tpu.memory_space<hbm>>
      tpu.wait_indirect_dma semaphore(%arg19 : memref<!tpu.dma_semaphore, #tpu.memory_space<semaphore_mem>>) src(%dma_wait3A_383 : memref<10240x64xf32, #tpu.memory_space<hbm>>) dst(%arg10 : memref<125x64xf32, #tpu.memory_space<vmem>>)
      %dma_start3A_384 = arith.constant 0 : i32
      %dma_start3A_385 = tpu.memref_slice %arg12[%add3A_373, %dma_start3A_384] : memref<80x125xi32, #tpu.memory_space<vmem>> -> memref<1x125xi32, #tpu.memory_space<vmem>>
      %dma_start3A_386 = tpu.memref_squeeze %dma_start3A_385 : memref<1x125xi32, #tpu.memory_space<vmem>> -> memref<125xi32, #tpu.memory_space<vmem>>
      %dma_start3A_387 = arith.constant 0 : i32
      %dma_start3A_388 = arith.constant 0 : i32
      %dma_start3A_389 = tpu.memref_slice %arg14[%dma_start3A_387, %dma_start3A_388] : memref<10240x64xf32, #tpu.memory_space<vmem_shared>> -> memref<10240x64xf32, #tpu.memory_space<vmem_shared>>
      tpu.enqueue_indirect_dma source(%arg10 : memref<125x64xf32, #tpu.memory_space<vmem>>) target(%dma_start3A_389 : memref<10240x64xf32, #tpu.memory_space<vmem_shared>>) offsets(%dma_start3A_386 : memref<125xi32, #tpu.memory_space<vmem>>) semaphore(%arg24 : memref<!tpu.dma_semaphore, #tpu.memory_space<semaphore_mem>>) {add = true}
    }
    %scan3A_146 = arith.constant 16 : i32
    %dma_wait3A_147 = arith.constant 75 : i32
    %dma_wait3A_148 = arith.constant 0 : i32
    %dma_wait3A_149 = tpu.memref_slice %arg12[%dma_wait3A_147, %dma_wait3A_148] : memref<80x125xi32, #tpu.memory_space<vmem>> -> memref<1x125xi32, #tpu.memory_space<vmem>>
    %dma_wait3A_150 = tpu.memref_squeeze %dma_wait3A_149 : memref<1x125xi32, #tpu.memory_space<vmem>> -> memref<125xi32, #tpu.memory_space<vmem>>
    %dma_wait3A_151 = arith.constant 0 : i32
    %dma_wait3A_152 = arith.constant 0 : i32
    %dma_wait3A_153 = tpu.memref_slice %arg14[%dma_wait3A_151, %dma_wait3A_152] : memref<10240x64xf32, #tpu.memory_space<vmem_shared>> -> memref<10240x64xf32, #tpu.memory_space<vmem_shared>>
    tpu.wait_indirect_dma semaphore(%arg20 : memref<!tpu.dma_semaphore, #tpu.memory_space<semaphore_mem>>) src(%arg6 : memref<125x64xf32, #tpu.memory_space<vmem>>) dst(%dma_wait3A_153 : memref<10240x64xf32, #tpu.memory_space<vmem_shared>>)
    %dma_wait3A_154 = arith.constant 76 : i32
    %dma_wait3A_155 = arith.constant 0 : i32
    %dma_wait3A_156 = tpu.memref_slice %arg12[%dma_wait3A_154, %dma_wait3A_155] : memref<80x125xi32, #tpu.memory_space<vmem>> -> memref<1x125xi32, #tpu.memory_space<vmem>>
    %dma_wait3A_157 = tpu.memref_squeeze %dma_wait3A_156 : memref<1x125xi32, #tpu.memory_space<vmem>> -> memref<125xi32, #tpu.memory_space<vmem>>
    %dma_wait3A_158 = arith.constant 0 : i32
    %dma_wait3A_159 = arith.constant 0 : i32
    %dma_wait3A_160 = tpu.memref_slice %arg14[%dma_wait3A_158, %dma_wait3A_159] : memref<10240x64xf32, #tpu.memory_space<vmem_shared>> -> memref<10240x64xf32, #tpu.memory_space<vmem_shared>>
    tpu.wait_indirect_dma semaphore(%arg21 : memref<!tpu.dma_semaphore, #tpu.memory_space<semaphore_mem>>) src(%arg7 : memref<125x64xf32, #tpu.memory_space<vmem>>) dst(%dma_wait3A_160 : memref<10240x64xf32, #tpu.memory_space<vmem_shared>>)
    %dma_wait3A_161 = arith.constant 77 : i32
    %dma_wait3A_162 = arith.constant 0 : i32
    %dma_wait3A_163 = tpu.memref_slice %arg12[%dma_wait3A_161, %dma_wait3A_162] : memref<80x125xi32, #tpu.memory_space<vmem>> -> memref<1x125xi32, #tpu.memory_space<vmem>>
    %dma_wait3A_164 = tpu.memref_squeeze %dma_wait3A_163 : memref<1x125xi32, #tpu.memory_space<vmem>> -> memref<125xi32, #tpu.memory_space<vmem>>
    %dma_wait3A_165 = arith.constant 0 : i32
    %dma_wait3A_166 = arith.constant 0 : i32
    %dma_wait3A_167 = tpu.memref_slice %arg14[%dma_wait3A_165, %dma_wait3A_166] : memref<10240x64xf32, #tpu.memory_space<vmem_shared>> -> memref<10240x64xf32, #tpu.memory_space<vmem_shared>>
    tpu.wait_indirect_dma semaphore(%arg22 : memref<!tpu.dma_semaphore, #tpu.memory_space<semaphore_mem>>) src(%arg8 : memref<125x64xf32, #tpu.memory_space<vmem>>) dst(%dma_wait3A_167 : memref<10240x64xf32, #tpu.memory_space<vmem_shared>>)
    %dma_wait3A_168 = arith.constant 78 : i32
    %dma_wait3A_169 = arith.constant 0 : i32
    %dma_wait3A_170 = tpu.memref_slice %arg12[%dma_wait3A_168, %dma_wait3A_169] : memref<80x125xi32, #tpu.memory_space<vmem>> -> memref<1x125xi32, #tpu.memory_space<vmem>>
    %dma_wait3A_171 = tpu.memref_squeeze %dma_wait3A_170 : memref<1x125xi32, #tpu.memory_space<vmem>> -> memref<125xi32, #tpu.memory_space<vmem>>
    %dma_wait3A_172 = arith.constant 0 : i32
    %dma_wait3A_173 = arith.constant 0 : i32
    %dma_wait3A_174 = tpu.memref_slice %arg14[%dma_wait3A_172, %dma_wait3A_173] : memref<10240x64xf32, #tpu.memory_space<vmem_shared>> -> memref<10240x64xf32, #tpu.memory_space<vmem_shared>>
    tpu.wait_indirect_dma semaphore(%arg23 : memref<!tpu.dma_semaphore, #tpu.memory_space<semaphore_mem>>) src(%arg9 : memref<125x64xf32, #tpu.memory_space<vmem>>) dst(%dma_wait3A_174 : memref<10240x64xf32, #tpu.memory_space<vmem_shared>>)
    %dma_wait3A_175 = arith.constant 79 : i32
    %dma_wait3A_176 = arith.constant 0 : i32
    %dma_wait3A_177 = tpu.memref_slice %arg12[%dma_wait3A_175, %dma_wait3A_176] : memref<80x125xi32, #tpu.memory_space<vmem>> -> memref<1x125xi32, #tpu.memory_space<vmem>>
    %dma_wait3A_178 = tpu.memref_squeeze %dma_wait3A_177 : memref<1x125xi32, #tpu.memory_space<vmem>> -> memref<125xi32, #tpu.memory_space<vmem>>
    %dma_wait3A_179 = arith.constant 0 : i32
    %dma_wait3A_180 = arith.constant 0 : i32
    %dma_wait3A_181 = tpu.memref_slice %arg14[%dma_wait3A_179, %dma_wait3A_180] : memref<10240x64xf32, #tpu.memory_space<vmem_shared>> -> memref<10240x64xf32, #tpu.memory_space<vmem_shared>>
    tpu.wait_indirect_dma semaphore(%arg24 : memref<!tpu.dma_semaphore, #tpu.memory_space<semaphore_mem>>) src(%arg10 : memref<125x64xf32, #tpu.memory_space<vmem>>) dst(%dma_wait3A_181 : memref<10240x64xf32, #tpu.memory_space<vmem_shared>>)
    %mul3A_182 = arith.constant 160 : i32
    %mul3A_183 = arith.muli %arg1, %mul3A_182 : i32
    %add3A_184 = arith.constant 80 : i32
    %add3A_185 = arith.addi %mul3A_183, %add3A_184 : i32
    "tpu.region"() ({
      %run_scoped3A = tpu.sem_alloc : memref<!tpu.dma_semaphore, #tpu.memory_space<semaphore_mem>>
      %dma_start3A_287 = arith.constant 0 : i32
      %dma_start3A_288 = tpu.memref_slice %arg2[%add3A_185, %dma_start3A_287] : memref<2560x125xi32, #tpu.memory_space<hbm>> -> memref<80x125xi32, #tpu.memory_space<hbm>>
      %dma_start3A_289 = arith.constant 0 : i32
      %dma_start3A_290 = tpu.memref_slice %arg2[%add3A_185, %dma_start3A_289] : memref<2560x125xi32, #tpu.memory_space<hbm>> -> memref<80x125xi32, #tpu.memory_space<hbm>>
      tpu.enqueue_dma source(%dma_start3A_290 : memref<80x125xi32, #tpu.memory_space<hbm>>) target(%arg11 : memref<80x125xi32, #tpu.memory_space<vmem>>) target_semaphore(%run_scoped3A : memref<!tpu.dma_semaphore, #tpu.memory_space<semaphore_mem>>)
      %dma_wait3A_291 = arith.constant 0 : i32
      %dma_wait3A_292 = tpu.memref_slice %arg2[%add3A_185, %dma_wait3A_291] : memref<2560x125xi32, #tpu.memory_space<hbm>> -> memref<80x125xi32, #tpu.memory_space<hbm>>
      %dma_wait3A_293 = arith.constant 0 : i32
      %dma_wait3A_294 = tpu.memref_slice %arg2[%add3A_185, %dma_wait3A_293] : memref<2560x125xi32, #tpu.memory_space<hbm>> -> memref<80x125xi32, #tpu.memory_space<hbm>>
      tpu.wait_dma2 semaphore(%run_scoped3A : memref<!tpu.dma_semaphore, #tpu.memory_space<semaphore_mem>>) src(%dma_wait3A_294 : memref<80x125xi32, #tpu.memory_space<hbm>>) dst(%arg11 : memref<80x125xi32, #tpu.memory_space<vmem>>)
      tpu.yield
    }) : () -> ()
    "tpu.region"() ({
      %run_scoped3A = tpu.sem_alloc : memref<!tpu.dma_semaphore, #tpu.memory_space<semaphore_mem>>
      %dma_start3A_287 = arith.constant 0 : i32
      %dma_start3A_288 = tpu.memref_slice %arg3[%add3A_185, %dma_start3A_287] : memref<2560x125xi32, #tpu.memory_space<hbm>> -> memref<80x125xi32, #tpu.memory_space<hbm>>
      %dma_start3A_289 = arith.constant 0 : i32
      %dma_start3A_290 = tpu.memref_slice %arg3[%add3A_185, %dma_start3A_289] : memref<2560x125xi32, #tpu.memory_space<hbm>> -> memref<80x125xi32, #tpu.memory_space<hbm>>
      tpu.enqueue_dma source(%dma_start3A_290 : memref<80x125xi32, #tpu.memory_space<hbm>>) target(%arg12 : memref<80x125xi32, #tpu.memory_space<vmem>>) target_semaphore(%run_scoped3A : memref<!tpu.dma_semaphore, #tpu.memory_space<semaphore_mem>>)
      %dma_wait3A_291 = arith.constant 0 : i32
      %dma_wait3A_292 = tpu.memref_slice %arg3[%add3A_185, %dma_wait3A_291] : memref<2560x125xi32, #tpu.memory_space<hbm>> -> memref<80x125xi32, #tpu.memory_space<hbm>>
      %dma_wait3A_293 = arith.constant 0 : i32
      %dma_wait3A_294 = tpu.memref_slice %arg3[%add3A_185, %dma_wait3A_293] : memref<2560x125xi32, #tpu.memory_space<hbm>> -> memref<80x125xi32, #tpu.memory_space<hbm>>
      tpu.wait_dma2 semaphore(%run_scoped3A : memref<!tpu.dma_semaphore, #tpu.memory_space<semaphore_mem>>) src(%dma_wait3A_294 : memref<80x125xi32, #tpu.memory_space<hbm>>) dst(%arg12 : memref<80x125xi32, #tpu.memory_space<vmem>>)
      tpu.yield
    }) : () -> ()
    %dma_start3A_186 = arith.constant 0 : i32
    %dma_start3A_187 = arith.constant 0 : i32
    %dma_start3A_188 = tpu.memref_slice %arg11[%dma_start3A_186, %dma_start3A_187] : memref<80x125xi32, #tpu.memory_space<vmem>> -> memref<1x125xi32, #tpu.memory_space<vmem>>
    %dma_start3A_189 = tpu.memref_squeeze %dma_start3A_188 : memref<1x125xi32, #tpu.memory_space<vmem>> -> memref<125xi32, #tpu.memory_space<vmem>>
    %dma_start3A_190 = arith.constant 0 : i32
    %dma_start3A_191 = arith.constant 0 : i32
    %dma_start3A_192 = tpu.memref_slice %arg4[%arg0, %dma_start3A_190, %dma_start3A_191] : memref<2x10240x64xf32, #tpu.memory_space<hbm>> -> memref<1x10240x64xf32, #tpu.memory_space<hbm>>
    %dma_start3A_193 = tpu.memref_squeeze %dma_start3A_192 : memref<1x10240x64xf32, #tpu.memory_space<hbm>> -> memref<10240x64xf32, #tpu.memory_space<hbm>>
    %dma_start3A_194 = arith.constant 0 : i32
    %dma_start3A_195 = arith.constant 0 : i32
    %dma_start3A_196 = tpu.memref_slice %dma_start3A_193[%dma_start3A_194, %dma_start3A_195] : memref<10240x64xf32, #tpu.memory_space<hbm>> -> memref<10240x64xf32, #tpu.memory_space<hbm>>
    tpu.enqueue_indirect_dma source(%dma_start3A_196 : memref<10240x64xf32, #tpu.memory_space<hbm>>) target(%arg6 : memref<125x64xf32, #tpu.memory_space<vmem>>) offsets(%dma_start3A_189 : memref<125xi32, #tpu.memory_space<vmem>>) semaphore(%arg15 : memref<!tpu.dma_semaphore, #tpu.memory_space<semaphore_mem>>)
    %dma_start3A_197 = arith.constant 1 : i32
    %dma_start3A_198 = arith.constant 0 : i32
    %dma_start3A_199 = tpu.memref_slice %arg11[%dma_start3A_197, %dma_start3A_198] : memref<80x125xi32, #tpu.memory_space<vmem>> -> memref<1x125xi32, #tpu.memory_space<vmem>>
    %dma_start3A_200 = tpu.memref_squeeze %dma_start3A_199 : memref<1x125xi32, #tpu.memory_space<vmem>> -> memref<125xi32, #tpu.memory_space<vmem>>
    %dma_start3A_201 = arith.constant 0 : i32
    %dma_start3A_202 = arith.constant 0 : i32
    %dma_start3A_203 = tpu.memref_slice %arg4[%arg0, %dma_start3A_201, %dma_start3A_202] : memref<2x10240x64xf32, #tpu.memory_space<hbm>> -> memref<1x10240x64xf32, #tpu.memory_space<hbm>>
    %dma_start3A_204 = tpu.memref_squeeze %dma_start3A_203 : memref<1x10240x64xf32, #tpu.memory_space<hbm>> -> memref<10240x64xf32, #tpu.memory_space<hbm>>
    %dma_start3A_205 = arith.constant 0 : i32
    %dma_start3A_206 = arith.constant 0 : i32
    %dma_start3A_207 = tpu.memref_slice %dma_start3A_204[%dma_start3A_205, %dma_start3A_206] : memref<10240x64xf32, #tpu.memory_space<hbm>> -> memref<10240x64xf32, #tpu.memory_space<hbm>>
    tpu.enqueue_indirect_dma source(%dma_start3A_207 : memref<10240x64xf32, #tpu.memory_space<hbm>>) target(%arg7 : memref<125x64xf32, #tpu.memory_space<vmem>>) offsets(%dma_start3A_200 : memref<125xi32, #tpu.memory_space<vmem>>) semaphore(%arg16 : memref<!tpu.dma_semaphore, #tpu.memory_space<semaphore_mem>>)
    %dma_start3A_208 = arith.constant 2 : i32
    %dma_start3A_209 = arith.constant 0 : i32
    %dma_start3A_210 = tpu.memref_slice %arg11[%dma_start3A_208, %dma_start3A_209] : memref<80x125xi32, #tpu.memory_space<vmem>> -> memref<1x125xi32, #tpu.memory_space<vmem>>
    %dma_start3A_211 = tpu.memref_squeeze %dma_start3A_210 : memref<1x125xi32, #tpu.memory_space<vmem>> -> memref<125xi32, #tpu.memory_space<vmem>>
    %dma_start3A_212 = arith.constant 0 : i32
    %dma_start3A_213 = arith.constant 0 : i32
    %dma_start3A_214 = tpu.memref_slice %arg4[%arg0, %dma_start3A_212, %dma_start3A_213] : memref<2x10240x64xf32, #tpu.memory_space<hbm>> -> memref<1x10240x64xf32, #tpu.memory_space<hbm>>
    %dma_start3A_215 = tpu.memref_squeeze %dma_start3A_214 : memref<1x10240x64xf32, #tpu.memory_space<hbm>> -> memref<10240x64xf32, #tpu.memory_space<hbm>>
    %dma_start3A_216 = arith.constant 0 : i32
    %dma_start3A_217 = arith.constant 0 : i32
    %dma_start3A_218 = tpu.memref_slice %dma_start3A_215[%dma_start3A_216, %dma_start3A_217] : memref<10240x64xf32, #tpu.memory_space<hbm>> -> memref<10240x64xf32, #tpu.memory_space<hbm>>
    tpu.enqueue_indirect_dma source(%dma_start3A_218 : memref<10240x64xf32, #tpu.memory_space<hbm>>) target(%arg8 : memref<125x64xf32, #tpu.memory_space<vmem>>) offsets(%dma_start3A_211 : memref<125xi32, #tpu.memory_space<vmem>>) semaphore(%arg17 : memref<!tpu.dma_semaphore, #tpu.memory_space<semaphore_mem>>)
    %dma_start3A_219 = arith.constant 3 : i32
    %dma_start3A_220 = arith.constant 0 : i32
    %dma_start3A_221 = tpu.memref_slice %arg11[%dma_start3A_219, %dma_start3A_220] : memref<80x125xi32, #tpu.memory_space<vmem>> -> memref<1x125xi32, #tpu.memory_space<vmem>>
    %dma_start3A_222 = tpu.memref_squeeze %dma_start3A_221 : memref<1x125xi32, #tpu.memory_space<vmem>> -> memref<125xi32, #tpu.memory_space<vmem>>
    %dma_start3A_223 = arith.constant 0 : i32
    %dma_start3A_224 = arith.constant 0 : i32
    %dma_start3A_225 = tpu.memref_slice %arg4[%arg0, %dma_start3A_223, %dma_start3A_224] : memref<2x10240x64xf32, #tpu.memory_space<hbm>> -> memref<1x10240x64xf32, #tpu.memory_space<hbm>>
    %dma_start3A_226 = tpu.memref_squeeze %dma_start3A_225 : memref<1x10240x64xf32, #tpu.memory_space<hbm>> -> memref<10240x64xf32, #tpu.memory_space<hbm>>
    %dma_start3A_227 = arith.constant 0 : i32
    %dma_start3A_228 = arith.constant 0 : i32
    %dma_start3A_229 = tpu.memref_slice %dma_start3A_226[%dma_start3A_227, %dma_start3A_228] : memref<10240x64xf32, #tpu.memory_space<hbm>> -> memref<10240x64xf32, #tpu.memory_space<hbm>>
    tpu.enqueue_indirect_dma source(%dma_start3A_229 : memref<10240x64xf32, #tpu.memory_space<hbm>>) target(%arg9 : memref<125x64xf32, #tpu.memory_space<vmem>>) offsets(%dma_start3A_222 : memref<125xi32, #tpu.memory_space<vmem>>) semaphore(%arg18 : memref<!tpu.dma_semaphore, #tpu.memory_space<semaphore_mem>>)
    %dma_start3A_230 = arith.constant 4 : i32
    %dma_start3A_231 = arith.constant 0 : i32
    %dma_start3A_232 = tpu.memref_slice %arg11[%dma_start3A_230, %dma_start3A_231] : memref<80x125xi32, #tpu.memory_space<vmem>> -> memref<1x125xi32, #tpu.memory_space<vmem>>
    %dma_start3A_233 = tpu.memref_squeeze %dma_start3A_232 : memref<1x125xi32, #tpu.memory_space<vmem>> -> memref<125xi32, #tpu.memory_space<vmem>>
    %dma_start3A_234 = arith.constant 0 : i32
    %dma_start3A_235 = arith.constant 0 : i32
    %dma_start3A_236 = tpu.memref_slice %arg4[%arg0, %dma_start3A_234, %dma_start3A_235] : memref<2x10240x64xf32, #tpu.memory_space<hbm>> -> memref<1x10240x64xf32, #tpu.memory_space<hbm>>
    %dma_start3A_237 = tpu.memref_squeeze %dma_start3A_236 : memref<1x10240x64xf32, #tpu.memory_space<hbm>> -> memref<10240x64xf32, #tpu.memory_space<hbm>>
    %dma_start3A_238 = arith.constant 0 : i32
    %dma_start3A_239 = arith.constant 0 : i32
    %dma_start3A_240 = tpu.memref_slice %dma_start3A_237[%dma_start3A_238, %dma_start3A_239] : memref<10240x64xf32, #tpu.memory_space<hbm>> -> memref<10240x64xf32, #tpu.memory_space<hbm>>
    tpu.enqueue_indirect_dma source(%dma_start3A_240 : memref<10240x64xf32, #tpu.memory_space<hbm>>) target(%arg10 : memref<125x64xf32, #tpu.memory_space<vmem>>) offsets(%dma_start3A_233 : memref<125xi32, #tpu.memory_space<vmem>>) semaphore(%arg19 : memref<!tpu.dma_semaphore, #tpu.memory_space<semaphore_mem>>)
    %scan3A_241 = arith.constant 0 : i32
    %scan3A_242 = arith.constant 0 : i32
    %scan3A_243 = arith.constant 16 : i32
    %scan3A_244 = arith.addi %scan3A_242, %scan3A_243 : i32
    %scan3A_245 = arith.constant 1 : i32
    scf.for %scan3A_287 = %scan3A_242 to %scan3A_244 step %scan3A_245  : i32 {
      %gt3A = arith.constant 0 : i32
      %gt3A_288 = arith.cmpi sgt, %scan3A_287, %gt3A : i32
      %convert_element_type3A = arith.extui %gt3A_288 : i1 to i32
      %cond3A = arith.constant 0 : i32
      %cond3A_289 = arith.cmpi ne, %convert_element_type3A, %cond3A : i32
      scf.if %cond3A_289 {
        %mul3A_390 = arith.constant 5 : i32
        %mul3A_391 = arith.muli %scan3A_287, %mul3A_390 : i32
        %add3A_392 = arith.constant 0 : i32
        %add3A_393 = arith.addi %mul3A_391, %add3A_392 : i32
        %sub3A = arith.constant 5 : i32
        %sub3A_394 = arith.subi %add3A_393, %sub3A : i32
        %dma_wait3A_395 = arith.constant 0 : i32
        %dma_wait3A_396 = tpu.memref_slice %arg12[%sub3A_394, %dma_wait3A_395] : memref<80x125xi32, #tpu.memory_space<vmem>> -> memref<1x125xi32, #tpu.memory_space<vmem>>
        %dma_wait3A_397 = tpu.memref_squeeze %dma_wait3A_396 : memref<1x125xi32, #tpu.memory_space<vmem>> -> memref<125xi32, #tpu.memory_space<vmem>>
        %dma_wait3A_398 = arith.constant 0 : i32
        %dma_wait3A_399 = arith.constant 0 : i32
        %dma_wait3A_400 = tpu.memref_slice %arg14[%dma_wait3A_398, %dma_wait3A_399] : memref<10240x64xf32, #tpu.memory_space<vmem_shared>> -> memref<10240x64xf32, #tpu.memory_space<vmem_shared>>
        tpu.wait_indirect_dma semaphore(%arg20 : memref<!tpu.dma_semaphore, #tpu.memory_space<semaphore_mem>>) src(%arg6 : memref<125x64xf32, #tpu.memory_space<vmem>>) dst(%dma_wait3A_400 : memref<10240x64xf32, #tpu.memory_space<vmem_shared>>)
        %dma_start3A_401 = arith.constant 0 : i32
        %dma_start3A_402 = tpu.memref_slice %arg11[%add3A_393, %dma_start3A_401] : memref<80x125xi32, #tpu.memory_space<vmem>> -> memref<1x125xi32, #tpu.memory_space<vmem>>
        %dma_start3A_403 = tpu.memref_squeeze %dma_start3A_402 : memref<1x125xi32, #tpu.memory_space<vmem>> -> memref<125xi32, #tpu.memory_space<vmem>>
        %dma_start3A_404 = arith.constant 0 : i32
        %dma_start3A_405 = arith.constant 0 : i32
        %dma_start3A_406 = tpu.memref_slice %arg4[%arg0, %dma_start3A_404, %dma_start3A_405] : memref<2x10240x64xf32, #tpu.memory_space<hbm>> -> memref<1x10240x64xf32, #tpu.memory_space<hbm>>
        %dma_start3A_407 = tpu.memref_squeeze %dma_start3A_406 : memref<1x10240x64xf32, #tpu.memory_space<hbm>> -> memref<10240x64xf32, #tpu.memory_space<hbm>>
        %dma_start3A_408 = arith.constant 0 : i32
        %dma_start3A_409 = arith.constant 0 : i32
        %dma_start3A_410 = tpu.memref_slice %dma_start3A_407[%dma_start3A_408, %dma_start3A_409] : memref<10240x64xf32, #tpu.memory_space<hbm>> -> memref<10240x64xf32, #tpu.memory_space<hbm>>
        tpu.enqueue_indirect_dma source(%dma_start3A_410 : memref<10240x64xf32, #tpu.memory_space<hbm>>) target(%arg6 : memref<125x64xf32, #tpu.memory_space<vmem>>) offsets(%dma_start3A_403 : memref<125xi32, #tpu.memory_space<vmem>>) semaphore(%arg15 : memref<!tpu.dma_semaphore, #tpu.memory_space<semaphore_mem>>)
        %mul3A_411 = arith.constant 5 : i32
        %mul3A_412 = arith.muli %scan3A_287, %mul3A_411 : i32
        %add3A_413 = arith.constant 1 : i32
        %add3A_414 = arith.addi %mul3A_412, %add3A_413 : i32
        %sub3A_415 = arith.constant 5 : i32
        %sub3A_416 = arith.subi %add3A_414, %sub3A_415 : i32
        %dma_wait3A_417 = arith.constant 0 : i32
        %dma_wait3A_418 = tpu.memref_slice %arg12[%sub3A_416, %dma_wait3A_417] : memref<80x125xi32, #tpu.memory_space<vmem>> -> memref<1x125xi32, #tpu.memory_space<vmem>>
        %dma_wait3A_419 = tpu.memref_squeeze %dma_wait3A_418 : memref<1x125xi32, #tpu.memory_space<vmem>> -> memref<125xi32, #tpu.memory_space<vmem>>
        %dma_wait3A_420 = arith.constant 0 : i32
        %dma_wait3A_421 = arith.constant 0 : i32
        %dma_wait3A_422 = tpu.memref_slice %arg14[%dma_wait3A_420, %dma_wait3A_421] : memref<10240x64xf32, #tpu.memory_space<vmem_shared>> -> memref<10240x64xf32, #tpu.memory_space<vmem_shared>>
        tpu.wait_indirect_dma semaphore(%arg21 : memref<!tpu.dma_semaphore, #tpu.memory_space<semaphore_mem>>) src(%arg7 : memref<125x64xf32, #tpu.memory_space<vmem>>) dst(%dma_wait3A_422 : memref<10240x64xf32, #tpu.memory_space<vmem_shared>>)
        %dma_start3A_423 = arith.constant 0 : i32
        %dma_start3A_424 = tpu.memref_slice %arg11[%add3A_414, %dma_start3A_423] : memref<80x125xi32, #tpu.memory_space<vmem>> -> memref<1x125xi32, #tpu.memory_space<vmem>>
        %dma_start3A_425 = tpu.memref_squeeze %dma_start3A_424 : memref<1x125xi32, #tpu.memory_space<vmem>> -> memref<125xi32, #tpu.memory_space<vmem>>
        %dma_start3A_426 = arith.constant 0 : i32
        %dma_start3A_427 = arith.constant 0 : i32
        %dma_start3A_428 = tpu.memref_slice %arg4[%arg0, %dma_start3A_426, %dma_start3A_427] : memref<2x10240x64xf32, #tpu.memory_space<hbm>> -> memref<1x10240x64xf32, #tpu.memory_space<hbm>>
        %dma_start3A_429 = tpu.memref_squeeze %dma_start3A_428 : memref<1x10240x64xf32, #tpu.memory_space<hbm>> -> memref<10240x64xf32, #tpu.memory_space<hbm>>
        %dma_start3A_430 = arith.constant 0 : i32
        %dma_start3A_431 = arith.constant 0 : i32
        %dma_start3A_432 = tpu.memref_slice %dma_start3A_429[%dma_start3A_430, %dma_start3A_431] : memref<10240x64xf32, #tpu.memory_space<hbm>> -> memref<10240x64xf32, #tpu.memory_space<hbm>>
        tpu.enqueue_indirect_dma source(%dma_start3A_432 : memref<10240x64xf32, #tpu.memory_space<hbm>>) target(%arg7 : memref<125x64xf32, #tpu.memory_space<vmem>>) offsets(%dma_start3A_425 : memref<125xi32, #tpu.memory_space<vmem>>) semaphore(%arg16 : memref<!tpu.dma_semaphore, #tpu.memory_space<semaphore_mem>>)
        %mul3A_433 = arith.constant 5 : i32
        %mul3A_434 = arith.muli %scan3A_287, %mul3A_433 : i32
        %add3A_435 = arith.constant 2 : i32
        %add3A_436 = arith.addi %mul3A_434, %add3A_435 : i32
        %sub3A_437 = arith.constant 5 : i32
        %sub3A_438 = arith.subi %add3A_436, %sub3A_437 : i32
        %dma_wait3A_439 = arith.constant 0 : i32
        %dma_wait3A_440 = tpu.memref_slice %arg12[%sub3A_438, %dma_wait3A_439] : memref<80x125xi32, #tpu.memory_space<vmem>> -> memref<1x125xi32, #tpu.memory_space<vmem>>
        %dma_wait3A_441 = tpu.memref_squeeze %dma_wait3A_440 : memref<1x125xi32, #tpu.memory_space<vmem>> -> memref<125xi32, #tpu.memory_space<vmem>>
        %dma_wait3A_442 = arith.constant 0 : i32
        %dma_wait3A_443 = arith.constant 0 : i32
        %dma_wait3A_444 = tpu.memref_slice %arg14[%dma_wait3A_442, %dma_wait3A_443] : memref<10240x64xf32, #tpu.memory_space<vmem_shared>> -> memref<10240x64xf32, #tpu.memory_space<vmem_shared>>
        tpu.wait_indirect_dma semaphore(%arg22 : memref<!tpu.dma_semaphore, #tpu.memory_space<semaphore_mem>>) src(%arg8 : memref<125x64xf32, #tpu.memory_space<vmem>>) dst(%dma_wait3A_444 : memref<10240x64xf32, #tpu.memory_space<vmem_shared>>)
        %dma_start3A_445 = arith.constant 0 : i32
        %dma_start3A_446 = tpu.memref_slice %arg11[%add3A_436, %dma_start3A_445] : memref<80x125xi32, #tpu.memory_space<vmem>> -> memref<1x125xi32, #tpu.memory_space<vmem>>
        %dma_start3A_447 = tpu.memref_squeeze %dma_start3A_446 : memref<1x125xi32, #tpu.memory_space<vmem>> -> memref<125xi32, #tpu.memory_space<vmem>>
        %dma_start3A_448 = arith.constant 0 : i32
        %dma_start3A_449 = arith.constant 0 : i32
        %dma_start3A_450 = tpu.memref_slice %arg4[%arg0, %dma_start3A_448, %dma_start3A_449] : memref<2x10240x64xf32, #tpu.memory_space<hbm>> -> memref<1x10240x64xf32, #tpu.memory_space<hbm>>
        %dma_start3A_451 = tpu.memref_squeeze %dma_start3A_450 : memref<1x10240x64xf32, #tpu.memory_space<hbm>> -> memref<10240x64xf32, #tpu.memory_space<hbm>>
        %dma_start3A_452 = arith.constant 0 : i32
        %dma_start3A_453 = arith.constant 0 : i32
        %dma_start3A_454 = tpu.memref_slice %dma_start3A_451[%dma_start3A_452, %dma_start3A_453] : memref<10240x64xf32, #tpu.memory_space<hbm>> -> memref<10240x64xf32, #tpu.memory_space<hbm>>
        tpu.enqueue_indirect_dma source(%dma_start3A_454 : memref<10240x64xf32, #tpu.memory_space<hbm>>) target(%arg8 : memref<125x64xf32, #tpu.memory_space<vmem>>) offsets(%dma_start3A_447 : memref<125xi32, #tpu.memory_space<vmem>>) semaphore(%arg17 : memref<!tpu.dma_semaphore, #tpu.memory_space<semaphore_mem>>)
        %mul3A_455 = arith.constant 5 : i32
        %mul3A_456 = arith.muli %scan3A_287, %mul3A_455 : i32
        %add3A_457 = arith.constant 3 : i32
        %add3A_458 = arith.addi %mul3A_456, %add3A_457 : i32
        %sub3A_459 = arith.constant 5 : i32
        %sub3A_460 = arith.subi %add3A_458, %sub3A_459 : i32
        %dma_wait3A_461 = arith.constant 0 : i32
        %dma_wait3A_462 = tpu.memref_slice %arg12[%sub3A_460, %dma_wait3A_461] : memref<80x125xi32, #tpu.memory_space<vmem>> -> memref<1x125xi32, #tpu.memory_space<vmem>>
        %dma_wait3A_463 = tpu.memref_squeeze %dma_wait3A_462 : memref<1x125xi32, #tpu.memory_space<vmem>> -> memref<125xi32, #tpu.memory_space<vmem>>
        %dma_wait3A_464 = arith.constant 0 : i32
        %dma_wait3A_465 = arith.constant 0 : i32
        %dma_wait3A_466 = tpu.memref_slice %arg14[%dma_wait3A_464, %dma_wait3A_465] : memref<10240x64xf32, #tpu.memory_space<vmem_shared>> -> memref<10240x64xf32, #tpu.memory_space<vmem_shared>>
        tpu.wait_indirect_dma semaphore(%arg23 : memref<!tpu.dma_semaphore, #tpu.memory_space<semaphore_mem>>) src(%arg9 : memref<125x64xf32, #tpu.memory_space<vmem>>) dst(%dma_wait3A_466 : memref<10240x64xf32, #tpu.memory_space<vmem_shared>>)
        %dma_start3A_467 = arith.constant 0 : i32
        %dma_start3A_468 = tpu.memref_slice %arg11[%add3A_458, %dma_start3A_467] : memref<80x125xi32, #tpu.memory_space<vmem>> -> memref<1x125xi32, #tpu.memory_space<vmem>>
        %dma_start3A_469 = tpu.memref_squeeze %dma_start3A_468 : memref<1x125xi32, #tpu.memory_space<vmem>> -> memref<125xi32, #tpu.memory_space<vmem>>
        %dma_start3A_470 = arith.constant 0 : i32
        %dma_start3A_471 = arith.constant 0 : i32
        %dma_start3A_472 = tpu.memref_slice %arg4[%arg0, %dma_start3A_470, %dma_start3A_471] : memref<2x10240x64xf32, #tpu.memory_space<hbm>> -> memref<1x10240x64xf32, #tpu.memory_space<hbm>>
        %dma_start3A_473 = tpu.memref_squeeze %dma_start3A_472 : memref<1x10240x64xf32, #tpu.memory_space<hbm>> -> memref<10240x64xf32, #tpu.memory_space<hbm>>
        %dma_start3A_474 = arith.constant 0 : i32
        %dma_start3A_475 = arith.constant 0 : i32
        %dma_start3A_476 = tpu.memref_slice %dma_start3A_473[%dma_start3A_474, %dma_start3A_475] : memref<10240x64xf32, #tpu.memory_space<hbm>> -> memref<10240x64xf32, #tpu.memory_space<hbm>>
        tpu.enqueue_indirect_dma source(%dma_start3A_476 : memref<10240x64xf32, #tpu.memory_space<hbm>>) target(%arg9 : memref<125x64xf32, #tpu.memory_space<vmem>>) offsets(%dma_start3A_469 : memref<125xi32, #tpu.memory_space<vmem>>) semaphore(%arg18 : memref<!tpu.dma_semaphore, #tpu.memory_space<semaphore_mem>>)
        %mul3A_477 = arith.constant 5 : i32
        %mul3A_478 = arith.muli %scan3A_287, %mul3A_477 : i32
        %add3A_479 = arith.constant 4 : i32
        %add3A_480 = arith.addi %mul3A_478, %add3A_479 : i32
        %sub3A_481 = arith.constant 5 : i32
        %sub3A_482 = arith.subi %add3A_480, %sub3A_481 : i32
        %dma_wait3A_483 = arith.constant 0 : i32
        %dma_wait3A_484 = tpu.memref_slice %arg12[%sub3A_482, %dma_wait3A_483] : memref<80x125xi32, #tpu.memory_space<vmem>> -> memref<1x125xi32, #tpu.memory_space<vmem>>
        %dma_wait3A_485 = tpu.memref_squeeze %dma_wait3A_484 : memref<1x125xi32, #tpu.memory_space<vmem>> -> memref<125xi32, #tpu.memory_space<vmem>>
        %dma_wait3A_486 = arith.constant 0 : i32
        %dma_wait3A_487 = arith.constant 0 : i32
        %dma_wait3A_488 = tpu.memref_slice %arg14[%dma_wait3A_486, %dma_wait3A_487] : memref<10240x64xf32, #tpu.memory_space<vmem_shared>> -> memref<10240x64xf32, #tpu.memory_space<vmem_shared>>
        tpu.wait_indirect_dma semaphore(%arg24 : memref<!tpu.dma_semaphore, #tpu.memory_space<semaphore_mem>>) src(%arg10 : memref<125x64xf32, #tpu.memory_space<vmem>>) dst(%dma_wait3A_488 : memref<10240x64xf32, #tpu.memory_space<vmem_shared>>)
        %dma_start3A_489 = arith.constant 0 : i32
        %dma_start3A_490 = tpu.memref_slice %arg11[%add3A_480, %dma_start3A_489] : memref<80x125xi32, #tpu.memory_space<vmem>> -> memref<1x125xi32, #tpu.memory_space<vmem>>
        %dma_start3A_491 = tpu.memref_squeeze %dma_start3A_490 : memref<1x125xi32, #tpu.memory_space<vmem>> -> memref<125xi32, #tpu.memory_space<vmem>>
        %dma_start3A_492 = arith.constant 0 : i32
        %dma_start3A_493 = arith.constant 0 : i32
        %dma_start3A_494 = tpu.memref_slice %arg4[%arg0, %dma_start3A_492, %dma_start3A_493] : memref<2x10240x64xf32, #tpu.memory_space<hbm>> -> memref<1x10240x64xf32, #tpu.memory_space<hbm>>
        %dma_start3A_495 = tpu.memref_squeeze %dma_start3A_494 : memref<1x10240x64xf32, #tpu.memory_space<hbm>> -> memref<10240x64xf32, #tpu.memory_space<hbm>>
        %dma_start3A_496 = arith.constant 0 : i32
        %dma_start3A_497 = arith.constant 0 : i32
        %dma_start3A_498 = tpu.memref_slice %dma_start3A_495[%dma_start3A_496, %dma_start3A_497] : memref<10240x64xf32, #tpu.memory_space<hbm>> -> memref<10240x64xf32, #tpu.memory_space<hbm>>
        tpu.enqueue_indirect_dma source(%dma_start3A_498 : memref<10240x64xf32, #tpu.memory_space<hbm>>) target(%arg10 : memref<125x64xf32, #tpu.memory_space<vmem>>) offsets(%dma_start3A_491 : memref<125xi32, #tpu.memory_space<vmem>>) semaphore(%arg19 : memref<!tpu.dma_semaphore, #tpu.memory_space<semaphore_mem>>)
      } else {
      }
      %mul3A_290 = arith.constant 5 : i32
      %mul3A_291 = arith.muli %scan3A_287, %mul3A_290 : i32
      %add3A_292 = arith.constant 0 : i32
      %add3A_293 = arith.addi %mul3A_291, %add3A_292 : i32
      %dma_wait3A_294 = arith.constant 0 : i32
      %dma_wait3A_295 = tpu.memref_slice %arg11[%add3A_293, %dma_wait3A_294] : memref<80x125xi32, #tpu.memory_space<vmem>> -> memref<1x125xi32, #tpu.memory_space<vmem>>
      %dma_wait3A_296 = tpu.memref_squeeze %dma_wait3A_295 : memref<1x125xi32, #tpu.memory_space<vmem>> -> memref<125xi32, #tpu.memory_space<vmem>>
      %dma_wait3A_297 = arith.constant 0 : i32
      %dma_wait3A_298 = arith.constant 0 : i32
      %dma_wait3A_299 = tpu.memref_slice %arg4[%arg0, %dma_wait3A_297, %dma_wait3A_298] : memref<2x10240x64xf32, #tpu.memory_space<hbm>> -> memref<1x10240x64xf32, #tpu.memory_space<hbm>>
      %dma_wait3A_300 = tpu.memref_squeeze %dma_wait3A_299 : memref<1x10240x64xf32, #tpu.memory_space<hbm>> -> memref<10240x64xf32, #tpu.memory_space<hbm>>
      %dma_wait3A_301 = arith.constant 0 : i32
      %dma_wait3A_302 = arith.constant 0 : i32
      %dma_wait3A_303 = tpu.memref_slice %dma_wait3A_300[%dma_wait3A_301, %dma_wait3A_302] : memref<10240x64xf32, #tpu.memory_space<hbm>> -> memref<10240x64xf32, #tpu.memory_space<hbm>>
      tpu.wait_indirect_dma semaphore(%arg15 : memref<!tpu.dma_semaphore, #tpu.memory_space<semaphore_mem>>) src(%dma_wait3A_303 : memref<10240x64xf32, #tpu.memory_space<hbm>>) dst(%arg6 : memref<125x64xf32, #tpu.memory_space<vmem>>)
      %dma_start3A_304 = arith.constant 0 : i32
      %dma_start3A_305 = tpu.memref_slice %arg12[%add3A_293, %dma_start3A_304] : memref<80x125xi32, #tpu.memory_space<vmem>> -> memref<1x125xi32, #tpu.memory_space<vmem>>
      %dma_start3A_306 = tpu.memref_squeeze %dma_start3A_305 : memref<1x125xi32, #tpu.memory_space<vmem>> -> memref<125xi32, #tpu.memory_space<vmem>>
      %dma_start3A_307 = arith.constant 0 : i32
      %dma_start3A_308 = arith.constant 0 : i32
      %dma_start3A_309 = tpu.memref_slice %arg14[%dma_start3A_307, %dma_start3A_308] : memref<10240x64xf32, #tpu.memory_space<vmem_shared>> -> memref<10240x64xf32, #tpu.memory_space<vmem_shared>>
      tpu.enqueue_indirect_dma source(%arg6 : memref<125x64xf32, #tpu.memory_space<vmem>>) target(%dma_start3A_309 : memref<10240x64xf32, #tpu.memory_space<vmem_shared>>) offsets(%dma_start3A_306 : memref<125xi32, #tpu.memory_space<vmem>>) semaphore(%arg20 : memref<!tpu.dma_semaphore, #tpu.memory_space<semaphore_mem>>) {add = true}
      %mul3A_310 = arith.constant 5 : i32
      %mul3A_311 = arith.muli %scan3A_287, %mul3A_310 : i32
      %add3A_312 = arith.constant 1 : i32
      %add3A_313 = arith.addi %mul3A_311, %add3A_312 : i32
      %dma_wait3A_314 = arith.constant 0 : i32
      %dma_wait3A_315 = tpu.memref_slice %arg11[%add3A_313, %dma_wait3A_314] : memref<80x125xi32, #tpu.memory_space<vmem>> -> memref<1x125xi32, #tpu.memory_space<vmem>>
      %dma_wait3A_316 = tpu.memref_squeeze %dma_wait3A_315 : memref<1x125xi32, #tpu.memory_space<vmem>> -> memref<125xi32, #tpu.memory_space<vmem>>
      %dma_wait3A_317 = arith.constant 0 : i32
      %dma_wait3A_318 = arith.constant 0 : i32
      %dma_wait3A_319 = tpu.memref_slice %arg4[%arg0, %dma_wait3A_317, %dma_wait3A_318] : memref<2x10240x64xf32, #tpu.memory_space<hbm>> -> memref<1x10240x64xf32, #tpu.memory_space<hbm>>
      %dma_wait3A_320 = tpu.memref_squeeze %dma_wait3A_319 : memref<1x10240x64xf32, #tpu.memory_space<hbm>> -> memref<10240x64xf32, #tpu.memory_space<hbm>>
      %dma_wait3A_321 = arith.constant 0 : i32
      %dma_wait3A_322 = arith.constant 0 : i32
      %dma_wait3A_323 = tpu.memref_slice %dma_wait3A_320[%dma_wait3A_321, %dma_wait3A_322] : memref<10240x64xf32, #tpu.memory_space<hbm>> -> memref<10240x64xf32, #tpu.memory_space<hbm>>
      tpu.wait_indirect_dma semaphore(%arg16 : memref<!tpu.dma_semaphore, #tpu.memory_space<semaphore_mem>>) src(%dma_wait3A_323 : memref<10240x64xf32, #tpu.memory_space<hbm>>) dst(%arg7 : memref<125x64xf32, #tpu.memory_space<vmem>>)
      %dma_start3A_324 = arith.constant 0 : i32
      %dma_start3A_325 = tpu.memref_slice %arg12[%add3A_313, %dma_start3A_324] : memref<80x125xi32, #tpu.memory_space<vmem>> -> memref<1x125xi32, #tpu.memory_space<vmem>>
      %dma_start3A_326 = tpu.memref_squeeze %dma_start3A_325 : memref<1x125xi32, #tpu.memory_space<vmem>> -> memref<125xi32, #tpu.memory_space<vmem>>
      %dma_start3A_327 = arith.constant 0 : i32
      %dma_start3A_328 = arith.constant 0 : i32
      %dma_start3A_329 = tpu.memref_slice %arg14[%dma_start3A_327, %dma_start3A_328] : memref<10240x64xf32, #tpu.memory_space<vmem_shared>> -> memref<10240x64xf32, #tpu.memory_space<vmem_shared>>
      tpu.enqueue_indirect_dma source(%arg7 : memref<125x64xf32, #tpu.memory_space<vmem>>) target(%dma_start3A_329 : memref<10240x64xf32, #tpu.memory_space<vmem_shared>>) offsets(%dma_start3A_326 : memref<125xi32, #tpu.memory_space<vmem>>) semaphore(%arg21 : memref<!tpu.dma_semaphore, #tpu.memory_space<semaphore_mem>>) {add = true}
      %mul3A_330 = arith.constant 5 : i32
      %mul3A_331 = arith.muli %scan3A_287, %mul3A_330 : i32
      %add3A_332 = arith.constant 2 : i32
      %add3A_333 = arith.addi %mul3A_331, %add3A_332 : i32
      %dma_wait3A_334 = arith.constant 0 : i32
      %dma_wait3A_335 = tpu.memref_slice %arg11[%add3A_333, %dma_wait3A_334] : memref<80x125xi32, #tpu.memory_space<vmem>> -> memref<1x125xi32, #tpu.memory_space<vmem>>
      %dma_wait3A_336 = tpu.memref_squeeze %dma_wait3A_335 : memref<1x125xi32, #tpu.memory_space<vmem>> -> memref<125xi32, #tpu.memory_space<vmem>>
      %dma_wait3A_337 = arith.constant 0 : i32
      %dma_wait3A_338 = arith.constant 0 : i32
      %dma_wait3A_339 = tpu.memref_slice %arg4[%arg0, %dma_wait3A_337, %dma_wait3A_338] : memref<2x10240x64xf32, #tpu.memory_space<hbm>> -> memref<1x10240x64xf32, #tpu.memory_space<hbm>>
      %dma_wait3A_340 = tpu.memref_squeeze %dma_wait3A_339 : memref<1x10240x64xf32, #tpu.memory_space<hbm>> -> memref<10240x64xf32, #tpu.memory_space<hbm>>
      %dma_wait3A_341 = arith.constant 0 : i32
      %dma_wait3A_342 = arith.constant 0 : i32
      %dma_wait3A_343 = tpu.memref_slice %dma_wait3A_340[%dma_wait3A_341, %dma_wait3A_342] : memref<10240x64xf32, #tpu.memory_space<hbm>> -> memref<10240x64xf32, #tpu.memory_space<hbm>>
      tpu.wait_indirect_dma semaphore(%arg17 : memref<!tpu.dma_semaphore, #tpu.memory_space<semaphore_mem>>) src(%dma_wait3A_343 : memref<10240x64xf32, #tpu.memory_space<hbm>>) dst(%arg8 : memref<125x64xf32, #tpu.memory_space<vmem>>)
      %dma_start3A_344 = arith.constant 0 : i32
      %dma_start3A_345 = tpu.memref_slice %arg12[%add3A_333, %dma_start3A_344] : memref<80x125xi32, #tpu.memory_space<vmem>> -> memref<1x125xi32, #tpu.memory_space<vmem>>
      %dma_start3A_346 = tpu.memref_squeeze %dma_start3A_345 : memref<1x125xi32, #tpu.memory_space<vmem>> -> memref<125xi32, #tpu.memory_space<vmem>>
      %dma_start3A_347 = arith.constant 0 : i32
      %dma_start3A_348 = arith.constant 0 : i32
      %dma_start3A_349 = tpu.memref_slice %arg14[%dma_start3A_347, %dma_start3A_348] : memref<10240x64xf32, #tpu.memory_space<vmem_shared>> -> memref<10240x64xf32, #tpu.memory_space<vmem_shared>>
      tpu.enqueue_indirect_dma source(%arg8 : memref<125x64xf32, #tpu.memory_space<vmem>>) target(%dma_start3A_349 : memref<10240x64xf32, #tpu.memory_space<vmem_shared>>) offsets(%dma_start3A_346 : memref<125xi32, #tpu.memory_space<vmem>>) semaphore(%arg22 : memref<!tpu.dma_semaphore, #tpu.memory_space<semaphore_mem>>) {add = true}
      %mul3A_350 = arith.constant 5 : i32
      %mul3A_351 = arith.muli %scan3A_287, %mul3A_350 : i32
      %add3A_352 = arith.constant 3 : i32
      %add3A_353 = arith.addi %mul3A_351, %add3A_352 : i32
      %dma_wait3A_354 = arith.constant 0 : i32
      %dma_wait3A_355 = tpu.memref_slice %arg11[%add3A_353, %dma_wait3A_354] : memref<80x125xi32, #tpu.memory_space<vmem>> -> memref<1x125xi32, #tpu.memory_space<vmem>>
      %dma_wait3A_356 = tpu.memref_squeeze %dma_wait3A_355 : memref<1x125xi32, #tpu.memory_space<vmem>> -> memref<125xi32, #tpu.memory_space<vmem>>
      %dma_wait3A_357 = arith.constant 0 : i32
      %dma_wait3A_358 = arith.constant 0 : i32
      %dma_wait3A_359 = tpu.memref_slice %arg4[%arg0, %dma_wait3A_357, %dma_wait3A_358] : memref<2x10240x64xf32, #tpu.memory_space<hbm>> -> memref<1x10240x64xf32, #tpu.memory_space<hbm>>
      %dma_wait3A_360 = tpu.memref_squeeze %dma_wait3A_359 : memref<1x10240x64xf32, #tpu.memory_space<hbm>> -> memref<10240x64xf32, #tpu.memory_space<hbm>>
      %dma_wait3A_361 = arith.constant 0 : i32
      %dma_wait3A_362 = arith.constant 0 : i32
      %dma_wait3A_363 = tpu.memref_slice %dma_wait3A_360[%dma_wait3A_361, %dma_wait3A_362] : memref<10240x64xf32, #tpu.memory_space<hbm>> -> memref<10240x64xf32, #tpu.memory_space<hbm>>
      tpu.wait_indirect_dma semaphore(%arg18 : memref<!tpu.dma_semaphore, #tpu.memory_space<semaphore_mem>>) src(%dma_wait3A_363 : memref<10240x64xf32, #tpu.memory_space<hbm>>) dst(%arg9 : memref<125x64xf32, #tpu.memory_space<vmem>>)
      %dma_start3A_364 = arith.constant 0 : i32
      %dma_start3A_365 = tpu.memref_slice %arg12[%add3A_353, %dma_start3A_364] : memref<80x125xi32, #tpu.memory_space<vmem>> -> memref<1x125xi32, #tpu.memory_space<vmem>>
      %dma_start3A_366 = tpu.memref_squeeze %dma_start3A_365 : memref<1x125xi32, #tpu.memory_space<vmem>> -> memref<125xi32, #tpu.memory_space<vmem>>
      %dma_start3A_367 = arith.constant 0 : i32
      %dma_start3A_368 = arith.constant 0 : i32
      %dma_start3A_369 = tpu.memref_slice %arg14[%dma_start3A_367, %dma_start3A_368] : memref<10240x64xf32, #tpu.memory_space<vmem_shared>> -> memref<10240x64xf32, #tpu.memory_space<vmem_shared>>
      tpu.enqueue_indirect_dma source(%arg9 : memref<125x64xf32, #tpu.memory_space<vmem>>) target(%dma_start3A_369 : memref<10240x64xf32, #tpu.memory_space<vmem_shared>>) offsets(%dma_start3A_366 : memref<125xi32, #tpu.memory_space<vmem>>) semaphore(%arg23 : memref<!tpu.dma_semaphore, #tpu.memory_space<semaphore_mem>>) {add = true}
      %mul3A_370 = arith.constant 5 : i32
      %mul3A_371 = arith.muli %scan3A_287, %mul3A_370 : i32
      %add3A_372 = arith.constant 4 : i32
      %add3A_373 = arith.addi %mul3A_371, %add3A_372 : i32
      %dma_wait3A_374 = arith.constant 0 : i32
      %dma_wait3A_375 = tpu.memref_slice %arg11[%add3A_373, %dma_wait3A_374] : memref<80x125xi32, #tpu.memory_space<vmem>> -> memref<1x125xi32, #tpu.memory_space<vmem>>
      %dma_wait3A_376 = tpu.memref_squeeze %dma_wait3A_375 : memref<1x125xi32, #tpu.memory_space<vmem>> -> memref<125xi32, #tpu.memory_space<vmem>>
      %dma_wait3A_377 = arith.constant 0 : i32
      %dma_wait3A_378 = arith.constant 0 : i32
      %dma_wait3A_379 = tpu.memref_slice %arg4[%arg0, %dma_wait3A_377, %dma_wait3A_378] : memref<2x10240x64xf32, #tpu.memory_space<hbm>> -> memref<1x10240x64xf32, #tpu.memory_space<hbm>>
      %dma_wait3A_380 = tpu.memref_squeeze %dma_wait3A_379 : memref<1x10240x64xf32, #tpu.memory_space<hbm>> -> memref<10240x64xf32, #tpu.memory_space<hbm>>
      %dma_wait3A_381 = arith.constant 0 : i32
      %dma_wait3A_382 = arith.constant 0 : i32
      %dma_wait3A_383 = tpu.memref_slice %dma_wait3A_380[%dma_wait3A_381, %dma_wait3A_382] : memref<10240x64xf32, #tpu.memory_space<hbm>> -> memref<10240x64xf32, #tpu.memory_space<hbm>>
      tpu.wait_indirect_dma semaphore(%arg19 : memref<!tpu.dma_semaphore, #tpu.memory_space<semaphore_mem>>) src(%dma_wait3A_383 : memref<10240x64xf32, #tpu.memory_space<hbm>>) dst(%arg10 : memref<125x64xf32, #tpu.memory_space<vmem>>)
      %dma_start3A_384 = arith.constant 0 : i32
      %dma_start3A_385 = tpu.memref_slice %arg12[%add3A_373, %dma_start3A_384] : memref<80x125xi32, #tpu.memory_space<vmem>> -> memref<1x125xi32, #tpu.memory_space<vmem>>
      %dma_start3A_386 = tpu.memref_squeeze %dma_start3A_385 : memref<1x125xi32, #tpu.memory_space<vmem>> -> memref<125xi32, #tpu.memory_space<vmem>>
      %dma_start3A_387 = arith.constant 0 : i32
      %dma_start3A_388 = arith.constant 0 : i32
      %dma_start3A_389 = tpu.memref_slice %arg14[%dma_start3A_387, %dma_start3A_388] : memref<10240x64xf32, #tpu.memory_space<vmem_shared>> -> memref<10240x64xf32, #tpu.memory_space<vmem_shared>>
      tpu.enqueue_indirect_dma source(%arg10 : memref<125x64xf32, #tpu.memory_space<vmem>>) target(%dma_start3A_389 : memref<10240x64xf32, #tpu.memory_space<vmem_shared>>) offsets(%dma_start3A_386 : memref<125xi32, #tpu.memory_space<vmem>>) semaphore(%arg24 : memref<!tpu.dma_semaphore, #tpu.memory_space<semaphore_mem>>) {add = true}
    }
    %scan3A_246 = arith.constant 16 : i32
    %dma_wait3A_247 = arith.constant 75 : i32
    %dma_wait3A_248 = arith.constant 0 : i32
    %dma_wait3A_249 = tpu.memref_slice %arg12[%dma_wait3A_247, %dma_wait3A_248] : memref<80x125xi32, #tpu.memory_space<vmem>> -> memref<1x125xi32, #tpu.memory_space<vmem>>
    %dma_wait3A_250 = tpu.memref_squeeze %dma_wait3A_249 : memref<1x125xi32, #tpu.memory_space<vmem>> -> memref<125xi32, #tpu.memory_space<vmem>>
    %dma_wait3A_251 = arith.constant 0 : i32
    %dma_wait3A_252 = arith.constant 0 : i32
    %dma_wait3A_253 = tpu.memref_slice %arg14[%dma_wait3A_251, %dma_wait3A_252] : memref<10240x64xf32, #tpu.memory_space<vmem_shared>> -> memref<10240x64xf32, #tpu.memory_space<vmem_shared>>
    tpu.wait_indirect_dma semaphore(%arg20 : memref<!tpu.dma_semaphore, #tpu.memory_space<semaphore_mem>>) src(%arg6 : memref<125x64xf32, #tpu.memory_space<vmem>>) dst(%dma_wait3A_253 : memref<10240x64xf32, #tpu.memory_space<vmem_shared>>)
    %dma_wait3A_254 = arith.constant 76 : i32
    %dma_wait3A_255 = arith.constant 0 : i32
    %dma_wait3A_256 = tpu.memref_slice %arg12[%dma_wait3A_254, %dma_wait3A_255] : memref<80x125xi32, #tpu.memory_space<vmem>> -> memref<1x125xi32, #tpu.memory_space<vmem>>
    %dma_wait3A_257 = tpu.memref_squeeze %dma_wait3A_256 : memref<1x125xi32, #tpu.memory_space<vmem>> -> memref<125xi32, #tpu.memory_space<vmem>>
    %dma_wait3A_258 = arith.constant 0 : i32
    %dma_wait3A_259 = arith.constant 0 : i32
    %dma_wait3A_260 = tpu.memref_slice %arg14[%dma_wait3A_258, %dma_wait3A_259] : memref<10240x64xf32, #tpu.memory_space<vmem_shared>> -> memref<10240x64xf32, #tpu.memory_space<vmem_shared>>
    tpu.wait_indirect_dma semaphore(%arg21 : memref<!tpu.dma_semaphore, #tpu.memory_space<semaphore_mem>>) src(%arg7 : memref<125x64xf32, #tpu.memory_space<vmem>>) dst(%dma_wait3A_260 : memref<10240x64xf32, #tpu.memory_space<vmem_shared>>)
    %dma_wait3A_261 = arith.constant 77 : i32
    %dma_wait3A_262 = arith.constant 0 : i32
    %dma_wait3A_263 = tpu.memref_slice %arg12[%dma_wait3A_261, %dma_wait3A_262] : memref<80x125xi32, #tpu.memory_space<vmem>> -> memref<1x125xi32, #tpu.memory_space<vmem>>
    %dma_wait3A_264 = tpu.memref_squeeze %dma_wait3A_263 : memref<1x125xi32, #tpu.memory_space<vmem>> -> memref<125xi32, #tpu.memory_space<vmem>>
    %dma_wait3A_265 = arith.constant 0 : i32
    %dma_wait3A_266 = arith.constant 0 : i32
    %dma_wait3A_267 = tpu.memref_slice %arg14[%dma_wait3A_265, %dma_wait3A_266] : memref<10240x64xf32, #tpu.memory_space<vmem_shared>> -> memref<10240x64xf32, #tpu.memory_space<vmem_shared>>
    tpu.wait_indirect_dma semaphore(%arg22 : memref<!tpu.dma_semaphore, #tpu.memory_space<semaphore_mem>>) src(%arg8 : memref<125x64xf32, #tpu.memory_space<vmem>>) dst(%dma_wait3A_267 : memref<10240x64xf32, #tpu.memory_space<vmem_shared>>)
    %dma_wait3A_268 = arith.constant 78 : i32
    %dma_wait3A_269 = arith.constant 0 : i32
    %dma_wait3A_270 = tpu.memref_slice %arg12[%dma_wait3A_268, %dma_wait3A_269] : memref<80x125xi32, #tpu.memory_space<vmem>> -> memref<1x125xi32, #tpu.memory_space<vmem>>
    %dma_wait3A_271 = tpu.memref_squeeze %dma_wait3A_270 : memref<1x125xi32, #tpu.memory_space<vmem>> -> memref<125xi32, #tpu.memory_space<vmem>>
    %dma_wait3A_272 = arith.constant 0 : i32
    %dma_wait3A_273 = arith.constant 0 : i32
    %dma_wait3A_274 = tpu.memref_slice %arg14[%dma_wait3A_272, %dma_wait3A_273] : memref<10240x64xf32, #tpu.memory_space<vmem_shared>> -> memref<10240x64xf32, #tpu.memory_space<vmem_shared>>
    tpu.wait_indirect_dma semaphore(%arg23 : memref<!tpu.dma_semaphore, #tpu.memory_space<semaphore_mem>>) src(%arg9 : memref<125x64xf32, #tpu.memory_space<vmem>>) dst(%dma_wait3A_274 : memref<10240x64xf32, #tpu.memory_space<vmem_shared>>)
    %dma_wait3A_275 = arith.constant 79 : i32
    %dma_wait3A_276 = arith.constant 0 : i32
    %dma_wait3A_277 = tpu.memref_slice %arg12[%dma_wait3A_275, %dma_wait3A_276] : memref<80x125xi32, #tpu.memory_space<vmem>> -> memref<1x125xi32, #tpu.memory_space<vmem>>
    %dma_wait3A_278 = tpu.memref_squeeze %dma_wait3A_277 : memref<1x125xi32, #tpu.memory_space<vmem>> -> memref<125xi32, #tpu.memory_space<vmem>>
    %dma_wait3A_279 = arith.constant 0 : i32
    %dma_wait3A_280 = arith.constant 0 : i32
    %dma_wait3A_281 = tpu.memref_slice %arg14[%dma_wait3A_279, %dma_wait3A_280] : memref<10240x64xf32, #tpu.memory_space<vmem_shared>> -> memref<10240x64xf32, #tpu.memory_space<vmem_shared>>
    tpu.wait_indirect_dma semaphore(%arg24 : memref<!tpu.dma_semaphore, #tpu.memory_space<semaphore_mem>>) src(%arg10 : memref<125x64xf32, #tpu.memory_space<vmem>>) dst(%dma_wait3A_281 : memref<10240x64xf32, #tpu.memory_space<vmem_shared>>)
    %barrier3A_282 = arith.constant 0 : index
    tpu.barrier barrier_id(%barrier3A_282)
    %mul3A_283 = arith.constant 640 : i32
    %mul3A_284 = arith.muli %arg1, %mul3A_283 : i32
    %mul3A_285 = arith.constant 640 : i32
    %mul3A_286 = arith.muli %arg1, %mul3A_285 : i32
    "tpu.region"() ({
      %run_scoped3A = tpu.sem_alloc : memref<!tpu.dma_semaphore, #tpu.memory_space<semaphore_mem>>
      %dma_start3A_287 = arith.constant 0 : i32
      %dma_start3A_288 = arith.constant 0 : i32
      %dma_start3A_289 = tpu.memref_slice %arg5[%arg0, %dma_start3A_287, %dma_start3A_288] : memref<2x10240x64xf32, #tpu.memory_space<hbm>> -> memref<1x10240x64xf32, #tpu.memory_space<hbm>>
      %dma_start3A_290 = tpu.memref_squeeze %dma_start3A_289 : memref<1x10240x64xf32, #tpu.memory_space<hbm>> -> memref<10240x64xf32, #tpu.memory_space<hbm>>
      %dma_start3A_291 = arith.constant 0 : i32
      %dma_start3A_292 = tpu.memref_slice %dma_start3A_290[%mul3A_286, %dma_start3A_291] : memref<10240x64xf32, #tpu.memory_space<hbm>> -> memref<640x64xf32, #tpu.memory_space<hbm>>
      %dma_start3A_293 = arith.constant 0 : i32
      %dma_start3A_294 = tpu.memref_slice %arg14[%mul3A_284, %dma_start3A_293] : memref<10240x64xf32, #tpu.memory_space<vmem_shared>> -> memref<640x64xf32, #tpu.memory_space<vmem_shared>>
      tpu.enqueue_dma source(%dma_start3A_294 : memref<640x64xf32, #tpu.memory_space<vmem_shared>>) target(%dma_start3A_292 : memref<640x64xf32, #tpu.memory_space<hbm>>) target_semaphore(%run_scoped3A : memref<!tpu.dma_semaphore, #tpu.memory_space<semaphore_mem>>)
      %dma_wait3A_295 = arith.constant 0 : i32
      %dma_wait3A_296 = arith.constant 0 : i32
      %dma_wait3A_297 = tpu.memref_slice %arg5[%arg0, %dma_wait3A_295, %dma_wait3A_296] : memref<2x10240x64xf32, #tpu.memory_space<hbm>> -> memref<1x10240x64xf32, #tpu.memory_space<hbm>>
      %dma_wait3A_298 = tpu.memref_squeeze %dma_wait3A_297 : memref<1x10240x64xf32, #tpu.memory_space<hbm>> -> memref<10240x64xf32, #tpu.memory_space<hbm>>
      %dma_wait3A_299 = arith.constant 0 : i32
      %dma_wait3A_300 = tpu.memref_slice %dma_wait3A_298[%mul3A_286, %dma_wait3A_299] : memref<10240x64xf32, #tpu.memory_space<hbm>> -> memref<640x64xf32, #tpu.memory_space<hbm>>
      %dma_wait3A_301 = arith.constant 0 : i32
      %dma_wait3A_302 = tpu.memref_slice %arg14[%mul3A_284, %dma_wait3A_301] : memref<10240x64xf32, #tpu.memory_space<vmem_shared>> -> memref<640x64xf32, #tpu.memory_space<vmem_shared>>
      tpu.wait_dma2 semaphore(%run_scoped3A : memref<!tpu.dma_semaphore, #tpu.memory_space<semaphore_mem>>) src(%dma_wait3A_302 : memref<640x64xf32, #tpu.memory_space<vmem_shared>>) dst(%dma_wait3A_300 : memref<640x64xf32, #tpu.memory_space<hbm>>)
      tpu.yield
    }) : () -> ()
    return
  }
}

#map = affine_map<(d0, d1) -> (0, 0)>
#map1 = affine_map<(d0, d1) -> (0, 0, 0)>
module attributes {stable_mosaic.version = 14 : i64} {
  func.func @_sc_agg_body(%arg0: i32, %arg1: i32, %arg2: memref<2560x125xi32, #tpu.memory_space<hbm>>, %arg3: memref<2560x125xi32, #tpu.memory_space<hbm>>, %arg4: memref<2x10240x64xf32, #tpu.memory_space<hbm>>, %arg5: memref<2x10240x64xf32, #tpu.memory_space<hbm>>, %arg6: memref<125x64xf32, #tpu.memory_space<vmem>>, %arg7: memref<125x64xf32, #tpu.memory_space<vmem>>, %arg8: memref<125x64xf32, #tpu.memory_space<vmem>>, %arg9: memref<125x64xf32, #tpu.memory_space<vmem>>, %arg10: memref<125x64xf32, #tpu.memory_space<vmem>>, %arg11: memref<80x125xi32, #tpu.memory_space<vmem>>, %arg12: memref<80x125xi32, #tpu.memory_space<vmem>>, %arg13: memref<128x64xf32, #tpu.memory_space<vmem>>, %arg14: memref<10240x64xf32, #tpu.memory_space<vmem_shared>>, %arg15: memref<!tpu.dma_semaphore, #tpu.memory_space<semaphore_mem>>, %arg16: memref<!tpu.dma_semaphore, #tpu.memory_space<semaphore_mem>>, %arg17: memref<!tpu.dma_semaphore, #tpu.memory_space<semaphore_mem>>, %arg18: memref<!tpu.dma_semaphore, #tpu.memory_space<semaphore_mem>>, %arg19: memref<!tpu.dma_semaphore, #tpu.memory_space<semaphore_mem>>, %arg20: memref<!tpu.dma_semaphore, #tpu.memory_space<semaphore_mem>>, %arg21: memref<!tpu.dma_semaphore, #tpu.memory_space<semaphore_mem>>, %arg22: memref<!tpu.dma_semaphore, #tpu.memory_space<semaphore_mem>>, %arg23: memref<!tpu.dma_semaphore, #tpu.memory_space<semaphore_mem>>, %arg24: memref<!tpu.dma_semaphore, #tpu.memory_space<semaphore_mem>>) attributes {dimension_semantics = [#tpu.dimension_semantics<core_parallel>, #tpu.dimension_semantics<subcore_parallel>], iteration_bounds = array<i64: 2, 16>, scalar_prefetch = 0 : i64, scratch_operands = 19 : i64, tpu.core_type = #tpu.core_type<sc_vector_subcore>, window_params = [{transform_indices = #map}, {transform_indices = #map}, {transform_indices = #map1}, {transform_indices = #map1}]} {
    %broadcast_in_dim3A = arith.constant 0.000000e+00 : f32
    %broadcast_in_dim3A_0 = vector.broadcast %broadcast_in_dim3A : f32 to vector<16xf32>
    %scan3A = arith.constant 0 : i32
    %scan3A_1 = arith.constant 0 : i32
    %scan3A_2 = arith.constant 512 : i32
    %scan3A_3 = arith.addi %scan3A_1, %scan3A_2 : i32
    %scan3A_4 = arith.constant 1 : i32
    scf.for %scan3A_287 = %scan3A_1 to %scan3A_3 step %scan3A_4  : i32 {
      %jit3A = arith.constant 4 : i32
      %div3A = arith.divsi %scan3A_287, %jit3A : i32
      %sign3A = arith.constant 0 : i32
      %sign3A_288 = arith.cmpi sgt, %scan3A_287, %sign3A : i32
      %sign3A_289 = arith.extui %sign3A_288 : i1 to i32
      %sign3A_290 = arith.constant 0 : i32
      %sign3A_291 = arith.cmpi slt, %scan3A_287, %sign3A_290 : i32
      %sign3A_292 = arith.extui %sign3A_291 : i1 to i32
      %sign3A_293 = arith.subi %sign3A_289, %sign3A_292 : i32
      %sign3A_294 = arith.constant 0 : i32
      %sign3A_295 = arith.cmpi sgt, %jit3A, %sign3A_294 : i32
      %sign3A_296 = arith.extui %sign3A_295 : i1 to i32
      %sign3A_297 = arith.constant 0 : i32
      %sign3A_298 = arith.cmpi slt, %jit3A, %sign3A_297 : i32
      %sign3A_299 = arith.extui %sign3A_298 : i1 to i32
      %sign3A_300 = arith.subi %sign3A_296, %sign3A_299 : i32
      %ne3A = arith.cmpi ne, %sign3A_293, %sign3A_300 : i32
      %rem3A = arith.remsi %scan3A_287, %jit3A : i32
      %ne3A_301 = arith.constant 0 : i32
      %ne3A_302 = arith.cmpi ne, %rem3A, %ne3A_301 : i32
      %and3A = arith.andi %ne3A, %ne3A_302 : i1
      %sub3A = arith.constant 1 : i32
      %sub3A_303 = arith.subi %div3A, %sub3A : i32
      %select_n3A = arith.select %and3A, %sub3A_303, %div3A : i32
      %jit3A_304 = arith.constant 4 : i32
      %eq3A = arith.constant 0 : i32
      %eq3A_305 = arith.cmpi eq, %jit3A_304, %eq3A : i32
      %jit3A_306 = arith.constant 1 : i32
      %select_n3A_307 = arith.select %eq3A_305, %jit3A_306, %jit3A_304 : i32
      %rem3A_308 = arith.remsi %scan3A_287, %select_n3A_307 : i32
      %ne3A_309 = arith.constant 0 : i32
      %ne3A_310 = arith.cmpi ne, %rem3A_308, %ne3A_309 : i32
      %lt3A = arith.constant 0 : i32
      %lt3A_311 = arith.cmpi slt, %rem3A_308, %lt3A : i32
      %lt3A_312 = arith.constant 0 : i32
      %lt3A_313 = arith.cmpi slt, %select_n3A_307, %lt3A_312 : i32
      %ne3A_314 = arith.xori %lt3A_311, %lt3A_313 : i1
      %and3A_315 = arith.andi %ne3A_314, %ne3A_310 : i1
      %add3A_316 = arith.addi %rem3A_308, %select_n3A_307 : i32
      %select_n3A_317 = arith.select %and3A_315, %add3A_316, %rem3A_308 : i32
      %mul3A_318 = arith.constant 16 : i32
      %mul3A_319 = arith.muli %select_n3A_317, %mul3A_318 : i32
      %swap3A = arith.index_cast %select_n3A : i32 to index
      %swap3A_320 = arith.index_cast %mul3A_319 : i32 to index
      %swap3A_321 = tpu.vector_load %arg13[%swap3A, %swap3A_320] {strides = array<i32>} : memref<128x64xf32, #tpu.memory_space<vmem>>, vector<16xf32>,
      tpu.vector_store %arg13[%swap3A, %swap3A_320], %broadcast_in_dim3A_0 {strides = array<i32>} : memref<128x64xf32, #tpu.memory_space<vmem>>, vector<16xf32>,
    }
    %scan3A_5 = arith.constant 512 : i32
    %mul3A = arith.constant 640 : i32
    %mul3A_6 = arith.muli %arg1, %mul3A : i32
    %add3A = arith.constant 0 : i32
    %add3A_7 = arith.addi %mul3A_6, %add3A : i32
    %dma_start3A = arith.constant 0 : i32
    %dma_start3A_8 = tpu.memref_slice %arg14[%add3A_7, %dma_start3A] : memref<10240x64xf32, #tpu.memory_space<vmem_shared>> -> memref<128x64xf32, #tpu.memory_space<vmem_shared>>
    %dma_start3A_9 = arith.constant 0 : i32
    %dma_start3A_10 = tpu.memref_slice %arg14[%add3A_7, %dma_start3A_9] : memref<10240x64xf32, #tpu.memory_space<vmem_shared>> -> memref<128x64xf32, #tpu.memory_space<vmem_shared>>
    tpu.enqueue_dma source(%arg13 : memref<128x64xf32, #tpu.memory_space<vmem>>) target(%dma_start3A_10 : memref<128x64xf32, #tpu.memory_space<vmem_shared>>) target_semaphore(%arg15 : memref<!tpu.dma_semaphore, #tpu.memory_space<semaphore_mem>>)
    %mul3A_11 = arith.constant 640 : i32
    %mul3A_12 = arith.muli %arg1, %mul3A_11 : i32
    %add3A_13 = arith.constant 128 : i32
    %add3A_14 = arith.addi %mul3A_12, %add3A_13 : i32
    %dma_start3A_15 = arith.constant 0 : i32
    %dma_start3A_16 = tpu.memref_slice %arg14[%add3A_14, %dma_start3A_15] : memref<10240x64xf32, #tpu.memory_space<vmem_shared>> -> memref<128x64xf32, #tpu.memory_space<vmem_shared>>
    %dma_start3A_17 = arith.constant 0 : i32
    %dma_start3A_18 = tpu.memref_slice %arg14[%add3A_14, %dma_start3A_17] : memref<10240x64xf32, #tpu.memory_space<vmem_shared>> -> memref<128x64xf32, #tpu.memory_space<vmem_shared>>
    tpu.enqueue_dma source(%arg13 : memref<128x64xf32, #tpu.memory_space<vmem>>) target(%dma_start3A_18 : memref<128x64xf32, #tpu.memory_space<vmem_shared>>) target_semaphore(%arg16 : memref<!tpu.dma_semaphore, #tpu.memory_space<semaphore_mem>>)
    %mul3A_19 = arith.constant 640 : i32
    %mul3A_20 = arith.muli %arg1, %mul3A_19 : i32
    %add3A_21 = arith.constant 256 : i32
    %add3A_22 = arith.addi %mul3A_20, %add3A_21 : i32
    %dma_start3A_23 = arith.constant 0 : i32
    %dma_start3A_24 = tpu.memref_slice %arg14[%add3A_22, %dma_start3A_23] : memref<10240x64xf32, #tpu.memory_space<vmem_shared>> -> memref<128x64xf32, #tpu.memory_space<vmem_shared>>
    %dma_start3A_25 = arith.constant 0 : i32
    %dma_start3A_26 = tpu.memref_slice %arg14[%add3A_22, %dma_start3A_25] : memref<10240x64xf32, #tpu.memory_space<vmem_shared>> -> memref<128x64xf32, #tpu.memory_space<vmem_shared>>
    tpu.enqueue_dma source(%arg13 : memref<128x64xf32, #tpu.memory_space<vmem>>) target(%dma_start3A_26 : memref<128x64xf32, #tpu.memory_space<vmem_shared>>) target_semaphore(%arg17 : memref<!tpu.dma_semaphore, #tpu.memory_space<semaphore_mem>>)
    %mul3A_27 = arith.constant 640 : i32
    %mul3A_28 = arith.muli %arg1, %mul3A_27 : i32
    %add3A_29 = arith.constant 384 : i32
    %add3A_30 = arith.addi %mul3A_28, %add3A_29 : i32
    %dma_start3A_31 = arith.constant 0 : i32
    %dma_start3A_32 = tpu.memref_slice %arg14[%add3A_30, %dma_start3A_31] : memref<10240x64xf32, #tpu.memory_space<vmem_shared>> -> memref<128x64xf32, #tpu.memory_space<vmem_shared>>
    %dma_start3A_33 = arith.constant 0 : i32
    %dma_start3A_34 = tpu.memref_slice %arg14[%add3A_30, %dma_start3A_33] : memref<10240x64xf32, #tpu.memory_space<vmem_shared>> -> memref<128x64xf32, #tpu.memory_space<vmem_shared>>
    tpu.enqueue_dma source(%arg13 : memref<128x64xf32, #tpu.memory_space<vmem>>) target(%dma_start3A_34 : memref<128x64xf32, #tpu.memory_space<vmem_shared>>) target_semaphore(%arg18 : memref<!tpu.dma_semaphore, #tpu.memory_space<semaphore_mem>>)
    %mul3A_35 = arith.constant 640 : i32
    %mul3A_36 = arith.muli %arg1, %mul3A_35 : i32
    %add3A_37 = arith.constant 512 : i32
    %add3A_38 = arith.addi %mul3A_36, %add3A_37 : i32
    %dma_start3A_39 = arith.constant 0 : i32
    %dma_start3A_40 = tpu.memref_slice %arg14[%add3A_38, %dma_start3A_39] : memref<10240x64xf32, #tpu.memory_space<vmem_shared>> -> memref<128x64xf32, #tpu.memory_space<vmem_shared>>
    %dma_start3A_41 = arith.constant 0 : i32
    %dma_start3A_42 = tpu.memref_slice %arg14[%add3A_38, %dma_start3A_41] : memref<10240x64xf32, #tpu.memory_space<vmem_shared>> -> memref<128x64xf32, #tpu.memory_space<vmem_shared>>
    tpu.enqueue_dma source(%arg13 : memref<128x64xf32, #tpu.memory_space<vmem>>) target(%dma_start3A_42 : memref<128x64xf32, #tpu.memory_space<vmem_shared>>) target_semaphore(%arg19 : memref<!tpu.dma_semaphore, #tpu.memory_space<semaphore_mem>>)
    %mul3A_43 = arith.constant 640 : i32
    %mul3A_44 = arith.muli %arg1, %mul3A_43 : i32
    %add3A_45 = arith.constant 0 : i32
    %add3A_46 = arith.addi %mul3A_44, %add3A_45 : i32
    %dma_wait3A = arith.constant 0 : i32
    %dma_wait3A_47 = tpu.memref_slice %arg14[%add3A_46, %dma_wait3A] : memref<10240x64xf32, #tpu.memory_space<vmem_shared>> -> memref<128x64xf32, #tpu.memory_space<vmem_shared>>
    %dma_wait3A_48 = arith.constant 0 : i32
    %dma_wait3A_49 = tpu.memref_slice %arg14[%add3A_46, %dma_wait3A_48] : memref<10240x64xf32, #tpu.memory_space<vmem_shared>> -> memref<128x64xf32, #tpu.memory_space<vmem_shared>>
    tpu.wait_dma2 semaphore(%arg15 : memref<!tpu.dma_semaphore, #tpu.memory_space<semaphore_mem>>) src(%arg13 : memref<128x64xf32, #tpu.memory_space<vmem>>) dst(%dma_wait3A_49 : memref<128x64xf32, #tpu.memory_space<vmem_shared>>)
    %mul3A_50 = arith.constant 640 : i32
    %mul3A_51 = arith.muli %arg1, %mul3A_50 : i32
    %add3A_52 = arith.constant 128 : i32
    %add3A_53 = arith.addi %mul3A_51, %add3A_52 : i32
    %dma_wait3A_54 = arith.constant 0 : i32
    %dma_wait3A_55 = tpu.memref_slice %arg14[%add3A_53, %dma_wait3A_54] : memref<10240x64xf32, #tpu.memory_space<vmem_shared>> -> memref<128x64xf32, #tpu.memory_space<vmem_shared>>
    %dma_wait3A_56 = arith.constant 0 : i32
    %dma_wait3A_57 = tpu.memref_slice %arg14[%add3A_53, %dma_wait3A_56] : memref<10240x64xf32, #tpu.memory_space<vmem_shared>> -> memref<128x64xf32, #tpu.memory_space<vmem_shared>>
    tpu.wait_dma2 semaphore(%arg16 : memref<!tpu.dma_semaphore, #tpu.memory_space<semaphore_mem>>) src(%arg13 : memref<128x64xf32, #tpu.memory_space<vmem>>) dst(%dma_wait3A_57 : memref<128x64xf32, #tpu.memory_space<vmem_shared>>)
    %mul3A_58 = arith.constant 640 : i32
    %mul3A_59 = arith.muli %arg1, %mul3A_58 : i32
    %add3A_60 = arith.constant 256 : i32
    %add3A_61 = arith.addi %mul3A_59, %add3A_60 : i32
    %dma_wait3A_62 = arith.constant 0 : i32
    %dma_wait3A_63 = tpu.memref_slice %arg14[%add3A_61, %dma_wait3A_62] : memref<10240x64xf32, #tpu.memory_space<vmem_shared>> -> memref<128x64xf32, #tpu.memory_space<vmem_shared>>
    %dma_wait3A_64 = arith.constant 0 : i32
    %dma_wait3A_65 = tpu.memref_slice %arg14[%add3A_61, %dma_wait3A_64] : memref<10240x64xf32, #tpu.memory_space<vmem_shared>> -> memref<128x64xf32, #tpu.memory_space<vmem_shared>>
    tpu.wait_dma2 semaphore(%arg17 : memref<!tpu.dma_semaphore, #tpu.memory_space<semaphore_mem>>) src(%arg13 : memref<128x64xf32, #tpu.memory_space<vmem>>) dst(%dma_wait3A_65 : memref<128x64xf32, #tpu.memory_space<vmem_shared>>)
    %mul3A_66 = arith.constant 640 : i32
    %mul3A_67 = arith.muli %arg1, %mul3A_66 : i32
    %add3A_68 = arith.constant 384 : i32
    %add3A_69 = arith.addi %mul3A_67, %add3A_68 : i32
    %dma_wait3A_70 = arith.constant 0 : i32
    %dma_wait3A_71 = tpu.memref_slice %arg14[%add3A_69, %dma_wait3A_70] : memref<10240x64xf32, #tpu.memory_space<vmem_shared>> -> memref<128x64xf32, #tpu.memory_space<vmem_shared>>
    %dma_wait3A_72 = arith.constant 0 : i32
    %dma_wait3A_73 = tpu.memref_slice %arg14[%add3A_69, %dma_wait3A_72] : memref<10240x64xf32, #tpu.memory_space<vmem_shared>> -> memref<128x64xf32, #tpu.memory_space<vmem_shared>>
    tpu.wait_dma2 semaphore(%arg18 : memref<!tpu.dma_semaphore, #tpu.memory_space<semaphore_mem>>) src(%arg13 : memref<128x64xf32, #tpu.memory_space<vmem>>) dst(%dma_wait3A_73 : memref<128x64xf32, #tpu.memory_space<vmem_shared>>)
    %mul3A_74 = arith.constant 640 : i32
    %mul3A_75 = arith.muli %arg1, %mul3A_74 : i32
    %add3A_76 = arith.constant 512 : i32
    %add3A_77 = arith.addi %mul3A_75, %add3A_76 : i32
    %dma_wait3A_78 = arith.constant 0 : i32
    %dma_wait3A_79 = tpu.memref_slice %arg14[%add3A_77, %dma_wait3A_78] : memref<10240x64xf32, #tpu.memory_space<vmem_shared>> -> memref<128x64xf32, #tpu.memory_space<vmem_shared>>
    %dma_wait3A_80 = arith.constant 0 : i32
    %dma_wait3A_81 = tpu.memref_slice %arg14[%add3A_77, %dma_wait3A_80] : memref<10240x64xf32, #tpu.memory_space<vmem_shared>> -> memref<128x64xf32, #tpu.memory_space<vmem_shared>>
    tpu.wait_dma2 semaphore(%arg19 : memref<!tpu.dma_semaphore, #tpu.memory_space<semaphore_mem>>) src(%arg13 : memref<128x64xf32, #tpu.memory_space<vmem>>) dst(%dma_wait3A_81 : memref<128x64xf32, #tpu.memory_space<vmem_shared>>)
    %barrier3A = arith.constant 0 : index
    tpu.barrier barrier_id(%barrier3A)
    %mul3A_82 = arith.constant 160 : i32
    %mul3A_83 = arith.muli %arg1, %mul3A_82 : i32
    %add3A_84 = arith.constant 0 : i32
    %add3A_85 = arith.addi %mul3A_83, %add3A_84 : i32
    "tpu.region"() ({
      %run_scoped3A = tpu.sem_alloc : memref<!tpu.dma_semaphore, #tpu.memory_space<semaphore_mem>>
      %dma_start3A_287 = arith.constant 0 : i32
      %dma_start3A_288 = tpu.memref_slice %arg2[%add3A_85, %dma_start3A_287] : memref<2560x125xi32, #tpu.memory_space<hbm>> -> memref<80x125xi32, #tpu.memory_space<hbm>>
      %dma_start3A_289 = arith.constant 0 : i32
      %dma_start3A_290 = tpu.memref_slice %arg2[%add3A_85, %dma_start3A_289] : memref<2560x125xi32, #tpu.memory_space<hbm>> -> memref<80x125xi32, #tpu.memory_space<hbm>>
      tpu.enqueue_dma source(%dma_start3A_290 : memref<80x125xi32, #tpu.memory_space<hbm>>) target(%arg11 : memref<80x125xi32, #tpu.memory_space<vmem>>) target_semaphore(%run_scoped3A : memref<!tpu.dma_semaphore, #tpu.memory_space<semaphore_mem>>)
      %dma_wait3A_291 = arith.constant 0 : i32
      %dma_wait3A_292 = tpu.memref_slice %arg2[%add3A_85, %dma_wait3A_291] : memref<2560x125xi32, #tpu.memory_space<hbm>> -> memref<80x125xi32, #tpu.memory_space<hbm>>
      %dma_wait3A_293 = arith.constant 0 : i32
      %dma_wait3A_294 = tpu.memref_slice %arg2[%add3A_85, %dma_wait3A_293] : memref<2560x125xi32, #tpu.memory_space<hbm>> -> memref<80x125xi32, #tpu.memory_space<hbm>>
      tpu.wait_dma2 semaphore(%run_scoped3A : memref<!tpu.dma_semaphore, #tpu.memory_space<semaphore_mem>>) src(%dma_wait3A_294 : memref<80x125xi32, #tpu.memory_space<hbm>>) dst(%arg11 : memref<80x125xi32, #tpu.memory_space<vmem>>)
      tpu.yield
    }) : () -> ()
    "tpu.region"() ({
      %run_scoped3A = tpu.sem_alloc : memref<!tpu.dma_semaphore, #tpu.memory_space<semaphore_mem>>
      %dma_start3A_287 = arith.constant 0 : i32
      %dma_start3A_288 = tpu.memref_slice %arg3[%add3A_85, %dma_start3A_287] : memref<2560x125xi32, #tpu.memory_space<hbm>> -> memref<80x125xi32, #tpu.memory_space<hbm>>
      %dma_start3A_289 = arith.constant 0 : i32
      %dma_start3A_290 = tpu.memref_slice %arg3[%add3A_85, %dma_start3A_289] : memref<2560x125xi32, #tpu.memory_space<hbm>> -> memref<80x125xi32, #tpu.memory_space<hbm>>
      tpu.enqueue_dma source(%dma_start3A_290 : memref<80x125xi32, #tpu.memory_space<hbm>>) target(%arg12 : memref<80x125xi32, #tpu.memory_space<vmem>>) target_semaphore(%run_scoped3A : memref<!tpu.dma_semaphore, #tpu.memory_space<semaphore_mem>>)
      %dma_wait3A_291 = arith.constant 0 : i32
      %dma_wait3A_292 = tpu.memref_slice %arg3[%add3A_85, %dma_wait3A_291] : memref<2560x125xi32, #tpu.memory_space<hbm>> -> memref<80x125xi32, #tpu.memory_space<hbm>>
      %dma_wait3A_293 = arith.constant 0 : i32
      %dma_wait3A_294 = tpu.memref_slice %arg3[%add3A_85, %dma_wait3A_293] : memref<2560x125xi32, #tpu.memory_space<hbm>> -> memref<80x125xi32, #tpu.memory_space<hbm>>
      tpu.wait_dma2 semaphore(%run_scoped3A : memref<!tpu.dma_semaphore, #tpu.memory_space<semaphore_mem>>) src(%dma_wait3A_294 : memref<80x125xi32, #tpu.memory_space<hbm>>) dst(%arg12 : memref<80x125xi32, #tpu.memory_space<vmem>>)
      tpu.yield
    }) : () -> ()
    %dma_start3A_86 = arith.constant 0 : i32
    %dma_start3A_87 = arith.constant 0 : i32
    %dma_start3A_88 = tpu.memref_slice %arg11[%dma_start3A_86, %dma_start3A_87] : memref<80x125xi32, #tpu.memory_space<vmem>> -> memref<1x125xi32, #tpu.memory_space<vmem>>
    %dma_start3A_89 = tpu.memref_squeeze %dma_start3A_88 : memref<1x125xi32, #tpu.memory_space<vmem>> -> memref<125xi32, #tpu.memory_space<vmem>>
    %dma_start3A_90 = arith.constant 0 : i32
    %dma_start3A_91 = arith.constant 0 : i32
    %dma_start3A_92 = tpu.memref_slice %arg4[%arg0, %dma_start3A_90, %dma_start3A_91] : memref<2x10240x64xf32, #tpu.memory_space<hbm>> -> memref<1x10240x64xf32, #tpu.memory_space<hbm>>
    %dma_start3A_93 = tpu.memref_squeeze %dma_start3A_92 : memref<1x10240x64xf32, #tpu.memory_space<hbm>> -> memref<10240x64xf32, #tpu.memory_space<hbm>>
    %dma_start3A_94 = arith.constant 0 : i32
    %dma_start3A_95 = arith.constant 0 : i32
    %dma_start3A_96 = tpu.memref_slice %dma_start3A_93[%dma_start3A_94, %dma_start3A_95] : memref<10240x64xf32, #tpu.memory_space<hbm>> -> memref<10240x64xf32, #tpu.memory_space<hbm>>
    tpu.enqueue_indirect_dma source(%dma_start3A_96 : memref<10240x64xf32, #tpu.memory_space<hbm>>) target(%arg6 : memref<125x64xf32, #tpu.memory_space<vmem>>) offsets(%dma_start3A_89 : memref<125xi32, #tpu.memory_space<vmem>>) semaphore(%arg15 : memref<!tpu.dma_semaphore, #tpu.memory_space<semaphore_mem>>)
    %dma_start3A_97 = arith.constant 1 : i32
    %dma_start3A_98 = arith.constant 0 : i32
    %dma_start3A_99 = tpu.memref_slice %arg11[%dma_start3A_97, %dma_start3A_98] : memref<80x125xi32, #tpu.memory_space<vmem>> -> memref<1x125xi32, #tpu.memory_space<vmem>>
    %dma_start3A_100 = tpu.memref_squeeze %dma_start3A_99 : memref<1x125xi32, #tpu.memory_space<vmem>> -> memref<125xi32, #tpu.memory_space<vmem>>
    %dma_start3A_101 = arith.constant 0 : i32
    %dma_start3A_102 = arith.constant 0 : i32
    %dma_start3A_103 = tpu.memref_slice %arg4[%arg0, %dma_start3A_101, %dma_start3A_102] : memref<2x10240x64xf32, #tpu.memory_space<hbm>> -> memref<1x10240x64xf32, #tpu.memory_space<hbm>>
    %dma_start3A_104 = tpu.memref_squeeze %dma_start3A_103 : memref<1x10240x64xf32, #tpu.memory_space<hbm>> -> memref<10240x64xf32, #tpu.memory_space<hbm>>
    %dma_start3A_105 = arith.constant 0 : i32
    %dma_start3A_106 = arith.constant 0 : i32
    %dma_start3A_107 = tpu.memref_slice %dma_start3A_104[%dma_start3A_105, %dma_start3A_106] : memref<10240x64xf32, #tpu.memory_space<hbm>> -> memref<10240x64xf32, #tpu.memory_space<hbm>>
    tpu.enqueue_indirect_dma source(%dma_start3A_107 : memref<10240x64xf32, #tpu.memory_space<hbm>>) target(%arg7 : memref<125x64xf32, #tpu.memory_space<vmem>>) offsets(%dma_start3A_100 : memref<125xi32, #tpu.memory_space<vmem>>) semaphore(%arg16 : memref<!tpu.dma_semaphore, #tpu.memory_space<semaphore_mem>>)
    %dma_start3A_108 = arith.constant 2 : i32
    %dma_start3A_109 = arith.constant 0 : i32
    %dma_start3A_110 = tpu.memref_slice %arg11[%dma_start3A_108, %dma_start3A_109] : memref<80x125xi32, #tpu.memory_space<vmem>> -> memref<1x125xi32, #tpu.memory_space<vmem>>
    %dma_start3A_111 = tpu.memref_squeeze %dma_start3A_110 : memref<1x125xi32, #tpu.memory_space<vmem>> -> memref<125xi32, #tpu.memory_space<vmem>>
    %dma_start3A_112 = arith.constant 0 : i32
    %dma_start3A_113 = arith.constant 0 : i32
    %dma_start3A_114 = tpu.memref_slice %arg4[%arg0, %dma_start3A_112, %dma_start3A_113] : memref<2x10240x64xf32, #tpu.memory_space<hbm>> -> memref<1x10240x64xf32, #tpu.memory_space<hbm>>
    %dma_start3A_115 = tpu.memref_squeeze %dma_start3A_114 : memref<1x10240x64xf32, #tpu.memory_space<hbm>> -> memref<10240x64xf32, #tpu.memory_space<hbm>>
    %dma_start3A_116 = arith.constant 0 : i32
    %dma_start3A_117 = arith.constant 0 : i32
    %dma_start3A_118 = tpu.memref_slice %dma_start3A_115[%dma_start3A_116, %dma_start3A_117] : memref<10240x64xf32, #tpu.memory_space<hbm>> -> memref<10240x64xf32, #tpu.memory_space<hbm>>
    tpu.enqueue_indirect_dma source(%dma_start3A_118 : memref<10240x64xf32, #tpu.memory_space<hbm>>) target(%arg8 : memref<125x64xf32, #tpu.memory_space<vmem>>) offsets(%dma_start3A_111 : memref<125xi32, #tpu.memory_space<vmem>>) semaphore(%arg17 : memref<!tpu.dma_semaphore, #tpu.memory_space<semaphore_mem>>)
    %dma_start3A_119 = arith.constant 3 : i32
    %dma_start3A_120 = arith.constant 0 : i32
    %dma_start3A_121 = tpu.memref_slice %arg11[%dma_start3A_119, %dma_start3A_120] : memref<80x125xi32, #tpu.memory_space<vmem>> -> memref<1x125xi32, #tpu.memory_space<vmem>>
    %dma_start3A_122 = tpu.memref_squeeze %dma_start3A_121 : memref<1x125xi32, #tpu.memory_space<vmem>> -> memref<125xi32, #tpu.memory_space<vmem>>
    %dma_start3A_123 = arith.constant 0 : i32
    %dma_start3A_124 = arith.constant 0 : i32
    %dma_start3A_125 = tpu.memref_slice %arg4[%arg0, %dma_start3A_123, %dma_start3A_124] : memref<2x10240x64xf32, #tpu.memory_space<hbm>> -> memref<1x10240x64xf32, #tpu.memory_space<hbm>>
    %dma_start3A_126 = tpu.memref_squeeze %dma_start3A_125 : memref<1x10240x64xf32, #tpu.memory_space<hbm>> -> memref<10240x64xf32, #tpu.memory_space<hbm>>
    %dma_start3A_127 = arith.constant 0 : i32
    %dma_start3A_128 = arith.constant 0 : i32
    %dma_start3A_129 = tpu.memref_slice %dma_start3A_126[%dma_start3A_127, %dma_start3A_128] : memref<10240x64xf32, #tpu.memory_space<hbm>> -> memref<10240x64xf32, #tpu.memory_space<hbm>>
    tpu.enqueue_indirect_dma source(%dma_start3A_129 : memref<10240x64xf32, #tpu.memory_space<hbm>>) target(%arg9 : memref<125x64xf32, #tpu.memory_space<vmem>>) offsets(%dma_start3A_122 : memref<125xi32, #tpu.memory_space<vmem>>) semaphore(%arg18 : memref<!tpu.dma_semaphore, #tpu.memory_space<semaphore_mem>>)
    %dma_start3A_130 = arith.constant 4 : i32
    %dma_start3A_131 = arith.constant 0 : i32
    %dma_start3A_132 = tpu.memref_slice %arg11[%dma_start3A_130, %dma_start3A_131] : memref<80x125xi32, #tpu.memory_space<vmem>> -> memref<1x125xi32, #tpu.memory_space<vmem>>
    %dma_start3A_133 = tpu.memref_squeeze %dma_start3A_132 : memref<1x125xi32, #tpu.memory_space<vmem>> -> memref<125xi32, #tpu.memory_space<vmem>>
    %dma_start3A_134 = arith.constant 0 : i32
    %dma_start3A_135 = arith.constant 0 : i32
    %dma_start3A_136 = tpu.memref_slice %arg4[%arg0, %dma_start3A_134, %dma_start3A_135] : memref<2x10240x64xf32, #tpu.memory_space<hbm>> -> memref<1x10240x64xf32, #tpu.memory_space<hbm>>
    %dma_start3A_137 = tpu.memref_squeeze %dma_start3A_136 : memref<1x10240x64xf32, #tpu.memory_space<hbm>> -> memref<10240x64xf32, #tpu.memory_space<hbm>>
    %dma_start3A_138 = arith.constant 0 : i32
    %dma_start3A_139 = arith.constant 0 : i32
    %dma_start3A_140 = tpu.memref_slice %dma_start3A_137[%dma_start3A_138, %dma_start3A_139] : memref<10240x64xf32, #tpu.memory_space<hbm>> -> memref<10240x64xf32, #tpu.memory_space<hbm>>
    tpu.enqueue_indirect_dma source(%dma_start3A_140 : memref<10240x64xf32, #tpu.memory_space<hbm>>) target(%arg10 : memref<125x64xf32, #tpu.memory_space<vmem>>) offsets(%dma_start3A_133 : memref<125xi32, #tpu.memory_space<vmem>>) semaphore(%arg19 : memref<!tpu.dma_semaphore, #tpu.memory_space<semaphore_mem>>)
    %scan3A_141 = arith.constant 0 : i32
    %scan3A_142 = arith.constant 0 : i32
    %scan3A_143 = arith.constant 16 : i32
    %scan3A_144 = arith.addi %scan3A_142, %scan3A_143 : i32
    %scan3A_145 = arith.constant 1 : i32
    scf.for %scan3A_287 = %scan3A_142 to %scan3A_144 step %scan3A_145  : i32 {
      %gt3A = arith.constant 0 : i32
      %gt3A_288 = arith.cmpi sgt, %scan3A_287, %gt3A : i32
      %convert_element_type3A = arith.extui %gt3A_288 : i1 to i32
      %cond3A = arith.constant 0 : i32
      %cond3A_289 = arith.cmpi ne, %convert_element_type3A, %cond3A : i32
      scf.if %cond3A_289 {
        %mul3A_390 = arith.constant 5 : i32
        %mul3A_391 = arith.muli %scan3A_287, %mul3A_390 : i32
        %add3A_392 = arith.constant 0 : i32
        %add3A_393 = arith.addi %mul3A_391, %add3A_392 : i32
        %sub3A = arith.constant 5 : i32
        %sub3A_394 = arith.subi %add3A_393, %sub3A : i32
        %dma_wait3A_395 = arith.constant 0 : i32
        %dma_wait3A_396 = tpu.memref_slice %arg12[%sub3A_394, %dma_wait3A_395] : memref<80x125xi32, #tpu.memory_space<vmem>> -> memref<1x125xi32, #tpu.memory_space<vmem>>
        %dma_wait3A_397 = tpu.memref_squeeze %dma_wait3A_396 : memref<1x125xi32, #tpu.memory_space<vmem>> -> memref<125xi32, #tpu.memory_space<vmem>>
        %dma_wait3A_398 = arith.constant 0 : i32
        %dma_wait3A_399 = arith.constant 0 : i32
        %dma_wait3A_400 = tpu.memref_slice %arg14[%dma_wait3A_398, %dma_wait3A_399] : memref<10240x64xf32, #tpu.memory_space<vmem_shared>> -> memref<10240x64xf32, #tpu.memory_space<vmem_shared>>
        tpu.wait_indirect_dma semaphore(%arg20 : memref<!tpu.dma_semaphore, #tpu.memory_space<semaphore_mem>>) src(%arg6 : memref<125x64xf32, #tpu.memory_space<vmem>>) dst(%dma_wait3A_400 : memref<10240x64xf32, #tpu.memory_space<vmem_shared>>)
        %dma_start3A_401 = arith.constant 0 : i32
        %dma_start3A_402 = tpu.memref_slice %arg11[%add3A_393, %dma_start3A_401] : memref<80x125xi32, #tpu.memory_space<vmem>> -> memref<1x125xi32, #tpu.memory_space<vmem>>
        %dma_start3A_403 = tpu.memref_squeeze %dma_start3A_402 : memref<1x125xi32, #tpu.memory_space<vmem>> -> memref<125xi32, #tpu.memory_space<vmem>>
        %dma_start3A_404 = arith.constant 0 : i32
        %dma_start3A_405 = arith.constant 0 : i32
        %dma_start3A_406 = tpu.memref_slice %arg4[%arg0, %dma_start3A_404, %dma_start3A_405] : memref<2x10240x64xf32, #tpu.memory_space<hbm>> -> memref<1x10240x64xf32, #tpu.memory_space<hbm>>
        %dma_start3A_407 = tpu.memref_squeeze %dma_start3A_406 : memref<1x10240x64xf32, #tpu.memory_space<hbm>> -> memref<10240x64xf32, #tpu.memory_space<hbm>>
        %dma_start3A_408 = arith.constant 0 : i32
        %dma_start3A_409 = arith.constant 0 : i32
        %dma_start3A_410 = tpu.memref_slice %dma_start3A_407[%dma_start3A_408, %dma_start3A_409] : memref<10240x64xf32, #tpu.memory_space<hbm>> -> memref<10240x64xf32, #tpu.memory_space<hbm>>
        tpu.enqueue_indirect_dma source(%dma_start3A_410 : memref<10240x64xf32, #tpu.memory_space<hbm>>) target(%arg6 : memref<125x64xf32, #tpu.memory_space<vmem>>) offsets(%dma_start3A_403 : memref<125xi32, #tpu.memory_space<vmem>>) semaphore(%arg15 : memref<!tpu.dma_semaphore, #tpu.memory_space<semaphore_mem>>)
        %mul3A_411 = arith.constant 5 : i32
        %mul3A_412 = arith.muli %scan3A_287, %mul3A_411 : i32
        %add3A_413 = arith.constant 1 : i32
        %add3A_414 = arith.addi %mul3A_412, %add3A_413 : i32
        %sub3A_415 = arith.constant 5 : i32
        %sub3A_416 = arith.subi %add3A_414, %sub3A_415 : i32
        %dma_wait3A_417 = arith.constant 0 : i32
        %dma_wait3A_418 = tpu.memref_slice %arg12[%sub3A_416, %dma_wait3A_417] : memref<80x125xi32, #tpu.memory_space<vmem>> -> memref<1x125xi32, #tpu.memory_space<vmem>>
        %dma_wait3A_419 = tpu.memref_squeeze %dma_wait3A_418 : memref<1x125xi32, #tpu.memory_space<vmem>> -> memref<125xi32, #tpu.memory_space<vmem>>
        %dma_wait3A_420 = arith.constant 0 : i32
        %dma_wait3A_421 = arith.constant 0 : i32
        %dma_wait3A_422 = tpu.memref_slice %arg14[%dma_wait3A_420, %dma_wait3A_421] : memref<10240x64xf32, #tpu.memory_space<vmem_shared>> -> memref<10240x64xf32, #tpu.memory_space<vmem_shared>>
        tpu.wait_indirect_dma semaphore(%arg21 : memref<!tpu.dma_semaphore, #tpu.memory_space<semaphore_mem>>) src(%arg7 : memref<125x64xf32, #tpu.memory_space<vmem>>) dst(%dma_wait3A_422 : memref<10240x64xf32, #tpu.memory_space<vmem_shared>>)
        %dma_start3A_423 = arith.constant 0 : i32
        %dma_start3A_424 = tpu.memref_slice %arg11[%add3A_414, %dma_start3A_423] : memref<80x125xi32, #tpu.memory_space<vmem>> -> memref<1x125xi32, #tpu.memory_space<vmem>>
        %dma_start3A_425 = tpu.memref_squeeze %dma_start3A_424 : memref<1x125xi32, #tpu.memory_space<vmem>> -> memref<125xi32, #tpu.memory_space<vmem>>
        %dma_start3A_426 = arith.constant 0 : i32
        %dma_start3A_427 = arith.constant 0 : i32
        %dma_start3A_428 = tpu.memref_slice %arg4[%arg0, %dma_start3A_426, %dma_start3A_427] : memref<2x10240x64xf32, #tpu.memory_space<hbm>> -> memref<1x10240x64xf32, #tpu.memory_space<hbm>>
        %dma_start3A_429 = tpu.memref_squeeze %dma_start3A_428 : memref<1x10240x64xf32, #tpu.memory_space<hbm>> -> memref<10240x64xf32, #tpu.memory_space<hbm>>
        %dma_start3A_430 = arith.constant 0 : i32
        %dma_start3A_431 = arith.constant 0 : i32
        %dma_start3A_432 = tpu.memref_slice %dma_start3A_429[%dma_start3A_430, %dma_start3A_431] : memref<10240x64xf32, #tpu.memory_space<hbm>> -> memref<10240x64xf32, #tpu.memory_space<hbm>>
        tpu.enqueue_indirect_dma source(%dma_start3A_432 : memref<10240x64xf32, #tpu.memory_space<hbm>>) target(%arg7 : memref<125x64xf32, #tpu.memory_space<vmem>>) offsets(%dma_start3A_425 : memref<125xi32, #tpu.memory_space<vmem>>) semaphore(%arg16 : memref<!tpu.dma_semaphore, #tpu.memory_space<semaphore_mem>>)
        %mul3A_433 = arith.constant 5 : i32
        %mul3A_434 = arith.muli %scan3A_287, %mul3A_433 : i32
        %add3A_435 = arith.constant 2 : i32
        %add3A_436 = arith.addi %mul3A_434, %add3A_435 : i32
        %sub3A_437 = arith.constant 5 : i32
        %sub3A_438 = arith.subi %add3A_436, %sub3A_437 : i32
        %dma_wait3A_439 = arith.constant 0 : i32
        %dma_wait3A_440 = tpu.memref_slice %arg12[%sub3A_438, %dma_wait3A_439] : memref<80x125xi32, #tpu.memory_space<vmem>> -> memref<1x125xi32, #tpu.memory_space<vmem>>
        %dma_wait3A_441 = tpu.memref_squeeze %dma_wait3A_440 : memref<1x125xi32, #tpu.memory_space<vmem>> -> memref<125xi32, #tpu.memory_space<vmem>>
        %dma_wait3A_442 = arith.constant 0 : i32
        %dma_wait3A_443 = arith.constant 0 : i32
        %dma_wait3A_444 = tpu.memref_slice %arg14[%dma_wait3A_442, %dma_wait3A_443] : memref<10240x64xf32, #tpu.memory_space<vmem_shared>> -> memref<10240x64xf32, #tpu.memory_space<vmem_shared>>
        tpu.wait_indirect_dma semaphore(%arg22 : memref<!tpu.dma_semaphore, #tpu.memory_space<semaphore_mem>>) src(%arg8 : memref<125x64xf32, #tpu.memory_space<vmem>>) dst(%dma_wait3A_444 : memref<10240x64xf32, #tpu.memory_space<vmem_shared>>)
        %dma_start3A_445 = arith.constant 0 : i32
        %dma_start3A_446 = tpu.memref_slice %arg11[%add3A_436, %dma_start3A_445] : memref<80x125xi32, #tpu.memory_space<vmem>> -> memref<1x125xi32, #tpu.memory_space<vmem>>
        %dma_start3A_447 = tpu.memref_squeeze %dma_start3A_446 : memref<1x125xi32, #tpu.memory_space<vmem>> -> memref<125xi32, #tpu.memory_space<vmem>>
        %dma_start3A_448 = arith.constant 0 : i32
        %dma_start3A_449 = arith.constant 0 : i32
        %dma_start3A_450 = tpu.memref_slice %arg4[%arg0, %dma_start3A_448, %dma_start3A_449] : memref<2x10240x64xf32, #tpu.memory_space<hbm>> -> memref<1x10240x64xf32, #tpu.memory_space<hbm>>
        %dma_start3A_451 = tpu.memref_squeeze %dma_start3A_450 : memref<1x10240x64xf32, #tpu.memory_space<hbm>> -> memref<10240x64xf32, #tpu.memory_space<hbm>>
        %dma_start3A_452 = arith.constant 0 : i32
        %dma_start3A_453 = arith.constant 0 : i32
        %dma_start3A_454 = tpu.memref_slice %dma_start3A_451[%dma_start3A_452, %dma_start3A_453] : memref<10240x64xf32, #tpu.memory_space<hbm>> -> memref<10240x64xf32, #tpu.memory_space<hbm>>
        tpu.enqueue_indirect_dma source(%dma_start3A_454 : memref<10240x64xf32, #tpu.memory_space<hbm>>) target(%arg8 : memref<125x64xf32, #tpu.memory_space<vmem>>) offsets(%dma_start3A_447 : memref<125xi32, #tpu.memory_space<vmem>>) semaphore(%arg17 : memref<!tpu.dma_semaphore, #tpu.memory_space<semaphore_mem>>)
        %mul3A_455 = arith.constant 5 : i32
        %mul3A_456 = arith.muli %scan3A_287, %mul3A_455 : i32
        %add3A_457 = arith.constant 3 : i32
        %add3A_458 = arith.addi %mul3A_456, %add3A_457 : i32
        %sub3A_459 = arith.constant 5 : i32
        %sub3A_460 = arith.subi %add3A_458, %sub3A_459 : i32
        %dma_wait3A_461 = arith.constant 0 : i32
        %dma_wait3A_462 = tpu.memref_slice %arg12[%sub3A_460, %dma_wait3A_461] : memref<80x125xi32, #tpu.memory_space<vmem>> -> memref<1x125xi32, #tpu.memory_space<vmem>>
        %dma_wait3A_463 = tpu.memref_squeeze %dma_wait3A_462 : memref<1x125xi32, #tpu.memory_space<vmem>> -> memref<125xi32, #tpu.memory_space<vmem>>
        %dma_wait3A_464 = arith.constant 0 : i32
        %dma_wait3A_465 = arith.constant 0 : i32
        %dma_wait3A_466 = tpu.memref_slice %arg14[%dma_wait3A_464, %dma_wait3A_465] : memref<10240x64xf32, #tpu.memory_space<vmem_shared>> -> memref<10240x64xf32, #tpu.memory_space<vmem_shared>>
        tpu.wait_indirect_dma semaphore(%arg23 : memref<!tpu.dma_semaphore, #tpu.memory_space<semaphore_mem>>) src(%arg9 : memref<125x64xf32, #tpu.memory_space<vmem>>) dst(%dma_wait3A_466 : memref<10240x64xf32, #tpu.memory_space<vmem_shared>>)
        %dma_start3A_467 = arith.constant 0 : i32
        %dma_start3A_468 = tpu.memref_slice %arg11[%add3A_458, %dma_start3A_467] : memref<80x125xi32, #tpu.memory_space<vmem>> -> memref<1x125xi32, #tpu.memory_space<vmem>>
        %dma_start3A_469 = tpu.memref_squeeze %dma_start3A_468 : memref<1x125xi32, #tpu.memory_space<vmem>> -> memref<125xi32, #tpu.memory_space<vmem>>
        %dma_start3A_470 = arith.constant 0 : i32
        %dma_start3A_471 = arith.constant 0 : i32
        %dma_start3A_472 = tpu.memref_slice %arg4[%arg0, %dma_start3A_470, %dma_start3A_471] : memref<2x10240x64xf32, #tpu.memory_space<hbm>> -> memref<1x10240x64xf32, #tpu.memory_space<hbm>>
        %dma_start3A_473 = tpu.memref_squeeze %dma_start3A_472 : memref<1x10240x64xf32, #tpu.memory_space<hbm>> -> memref<10240x64xf32, #tpu.memory_space<hbm>>
        %dma_start3A_474 = arith.constant 0 : i32
        %dma_start3A_475 = arith.constant 0 : i32
        %dma_start3A_476 = tpu.memref_slice %dma_start3A_473[%dma_start3A_474, %dma_start3A_475] : memref<10240x64xf32, #tpu.memory_space<hbm>> -> memref<10240x64xf32, #tpu.memory_space<hbm>>
        tpu.enqueue_indirect_dma source(%dma_start3A_476 : memref<10240x64xf32, #tpu.memory_space<hbm>>) target(%arg9 : memref<125x64xf32, #tpu.memory_space<vmem>>) offsets(%dma_start3A_469 : memref<125xi32, #tpu.memory_space<vmem>>) semaphore(%arg18 : memref<!tpu.dma_semaphore, #tpu.memory_space<semaphore_mem>>)
        %mul3A_477 = arith.constant 5 : i32
        %mul3A_478 = arith.muli %scan3A_287, %mul3A_477 : i32
        %add3A_479 = arith.constant 4 : i32
        %add3A_480 = arith.addi %mul3A_478, %add3A_479 : i32
        %sub3A_481 = arith.constant 5 : i32
        %sub3A_482 = arith.subi %add3A_480, %sub3A_481 : i32
        %dma_wait3A_483 = arith.constant 0 : i32
        %dma_wait3A_484 = tpu.memref_slice %arg12[%sub3A_482, %dma_wait3A_483] : memref<80x125xi32, #tpu.memory_space<vmem>> -> memref<1x125xi32, #tpu.memory_space<vmem>>
        %dma_wait3A_485 = tpu.memref_squeeze %dma_wait3A_484 : memref<1x125xi32, #tpu.memory_space<vmem>> -> memref<125xi32, #tpu.memory_space<vmem>>
        %dma_wait3A_486 = arith.constant 0 : i32
        %dma_wait3A_487 = arith.constant 0 : i32
        %dma_wait3A_488 = tpu.memref_slice %arg14[%dma_wait3A_486, %dma_wait3A_487] : memref<10240x64xf32, #tpu.memory_space<vmem_shared>> -> memref<10240x64xf32, #tpu.memory_space<vmem_shared>>
        tpu.wait_indirect_dma semaphore(%arg24 : memref<!tpu.dma_semaphore, #tpu.memory_space<semaphore_mem>>) src(%arg10 : memref<125x64xf32, #tpu.memory_space<vmem>>) dst(%dma_wait3A_488 : memref<10240x64xf32, #tpu.memory_space<vmem_shared>>)
        %dma_start3A_489 = arith.constant 0 : i32
        %dma_start3A_490 = tpu.memref_slice %arg11[%add3A_480, %dma_start3A_489] : memref<80x125xi32, #tpu.memory_space<vmem>> -> memref<1x125xi32, #tpu.memory_space<vmem>>
        %dma_start3A_491 = tpu.memref_squeeze %dma_start3A_490 : memref<1x125xi32, #tpu.memory_space<vmem>> -> memref<125xi32, #tpu.memory_space<vmem>>
        %dma_start3A_492 = arith.constant 0 : i32
        %dma_start3A_493 = arith.constant 0 : i32
        %dma_start3A_494 = tpu.memref_slice %arg4[%arg0, %dma_start3A_492, %dma_start3A_493] : memref<2x10240x64xf32, #tpu.memory_space<hbm>> -> memref<1x10240x64xf32, #tpu.memory_space<hbm>>
        %dma_start3A_495 = tpu.memref_squeeze %dma_start3A_494 : memref<1x10240x64xf32, #tpu.memory_space<hbm>> -> memref<10240x64xf32, #tpu.memory_space<hbm>>
        %dma_start3A_496 = arith.constant 0 : i32
        %dma_start3A_497 = arith.constant 0 : i32
        %dma_start3A_498 = tpu.memref_slice %dma_start3A_495[%dma_start3A_496, %dma_start3A_497] : memref<10240x64xf32, #tpu.memory_space<hbm>> -> memref<10240x64xf32, #tpu.memory_space<hbm>>
        tpu.enqueue_indirect_dma source(%dma_start3A_498 : memref<10240x64xf32, #tpu.memory_space<hbm>>) target(%arg10 : memref<125x64xf32, #tpu.memory_space<vmem>>) offsets(%dma_start3A_491 : memref<125xi32, #tpu.memory_space<vmem>>) semaphore(%arg19 : memref<!tpu.dma_semaphore, #tpu.memory_space<semaphore_mem>>)
      } else {
      }
      %mul3A_290 = arith.constant 5 : i32
      %mul3A_291 = arith.muli %scan3A_287, %mul3A_290 : i32
      %add3A_292 = arith.constant 0 : i32
      %add3A_293 = arith.addi %mul3A_291, %add3A_292 : i32
      %dma_wait3A_294 = arith.constant 0 : i32
      %dma_wait3A_295 = tpu.memref_slice %arg11[%add3A_293, %dma_wait3A_294] : memref<80x125xi32, #tpu.memory_space<vmem>> -> memref<1x125xi32, #tpu.memory_space<vmem>>
      %dma_wait3A_296 = tpu.memref_squeeze %dma_wait3A_295 : memref<1x125xi32, #tpu.memory_space<vmem>> -> memref<125xi32, #tpu.memory_space<vmem>>
      %dma_wait3A_297 = arith.constant 0 : i32
      %dma_wait3A_298 = arith.constant 0 : i32
      %dma_wait3A_299 = tpu.memref_slice %arg4[%arg0, %dma_wait3A_297, %dma_wait3A_298] : memref<2x10240x64xf32, #tpu.memory_space<hbm>> -> memref<1x10240x64xf32, #tpu.memory_space<hbm>>
      %dma_wait3A_300 = tpu.memref_squeeze %dma_wait3A_299 : memref<1x10240x64xf32, #tpu.memory_space<hbm>> -> memref<10240x64xf32, #tpu.memory_space<hbm>>
      %dma_wait3A_301 = arith.constant 0 : i32
      %dma_wait3A_302 = arith.constant 0 : i32
      %dma_wait3A_303 = tpu.memref_slice %dma_wait3A_300[%dma_wait3A_301, %dma_wait3A_302] : memref<10240x64xf32, #tpu.memory_space<hbm>> -> memref<10240x64xf32, #tpu.memory_space<hbm>>
      tpu.wait_indirect_dma semaphore(%arg15 : memref<!tpu.dma_semaphore, #tpu.memory_space<semaphore_mem>>) src(%dma_wait3A_303 : memref<10240x64xf32, #tpu.memory_space<hbm>>) dst(%arg6 : memref<125x64xf32, #tpu.memory_space<vmem>>)
      %dma_start3A_304 = arith.constant 0 : i32
      %dma_start3A_305 = tpu.memref_slice %arg12[%add3A_293, %dma_start3A_304] : memref<80x125xi32, #tpu.memory_space<vmem>> -> memref<1x125xi32, #tpu.memory_space<vmem>>
      %dma_start3A_306 = tpu.memref_squeeze %dma_start3A_305 : memref<1x125xi32, #tpu.memory_space<vmem>> -> memref<125xi32, #tpu.memory_space<vmem>>
      %dma_start3A_307 = arith.constant 0 : i32
      %dma_start3A_308 = arith.constant 0 : i32
      %dma_start3A_309 = tpu.memref_slice %arg14[%dma_start3A_307, %dma_start3A_308] : memref<10240x64xf32, #tpu.memory_space<vmem_shared>> -> memref<10240x64xf32, #tpu.memory_space<vmem_shared>>
      tpu.enqueue_indirect_dma source(%arg6 : memref<125x64xf32, #tpu.memory_space<vmem>>) target(%dma_start3A_309 : memref<10240x64xf32, #tpu.memory_space<vmem_shared>>) offsets(%dma_start3A_306 : memref<125xi32, #tpu.memory_space<vmem>>) semaphore(%arg20 : memref<!tpu.dma_semaphore, #tpu.memory_space<semaphore_mem>>) {add = true}
      %mul3A_310 = arith.constant 5 : i32
      %mul3A_311 = arith.muli %scan3A_287, %mul3A_310 : i32
      %add3A_312 = arith.constant 1 : i32
      %add3A_313 = arith.addi %mul3A_311, %add3A_312 : i32
      %dma_wait3A_314 = arith.constant 0 : i32
      %dma_wait3A_315 = tpu.memref_slice %arg11[%add3A_313, %dma_wait3A_314] : memref<80x125xi32, #tpu.memory_space<vmem>> -> memref<1x125xi32, #tpu.memory_space<vmem>>
      %dma_wait3A_316 = tpu.memref_squeeze %dma_wait3A_315 : memref<1x125xi32, #tpu.memory_space<vmem>> -> memref<125xi32, #tpu.memory_space<vmem>>
      %dma_wait3A_317 = arith.constant 0 : i32
      %dma_wait3A_318 = arith.constant 0 : i32
      %dma_wait3A_319 = tpu.memref_slice %arg4[%arg0, %dma_wait3A_317, %dma_wait3A_318] : memref<2x10240x64xf32, #tpu.memory_space<hbm>> -> memref<1x10240x64xf32, #tpu.memory_space<hbm>>
      %dma_wait3A_320 = tpu.memref_squeeze %dma_wait3A_319 : memref<1x10240x64xf32, #tpu.memory_space<hbm>> -> memref<10240x64xf32, #tpu.memory_space<hbm>>
      %dma_wait3A_321 = arith.constant 0 : i32
      %dma_wait3A_322 = arith.constant 0 : i32
      %dma_wait3A_323 = tpu.memref_slice %dma_wait3A_320[%dma_wait3A_321, %dma_wait3A_322] : memref<10240x64xf32, #tpu.memory_space<hbm>> -> memref<10240x64xf32, #tpu.memory_space<hbm>>
      tpu.wait_indirect_dma semaphore(%arg16 : memref<!tpu.dma_semaphore, #tpu.memory_space<semaphore_mem>>) src(%dma_wait3A_323 : memref<10240x64xf32, #tpu.memory_space<hbm>>) dst(%arg7 : memref<125x64xf32, #tpu.memory_space<vmem>>)
      %dma_start3A_324 = arith.constant 0 : i32
      %dma_start3A_325 = tpu.memref_slice %arg12[%add3A_313, %dma_start3A_324] : memref<80x125xi32, #tpu.memory_space<vmem>> -> memref<1x125xi32, #tpu.memory_space<vmem>>
      %dma_start3A_326 = tpu.memref_squeeze %dma_start3A_325 : memref<1x125xi32, #tpu.memory_space<vmem>> -> memref<125xi32, #tpu.memory_space<vmem>>
      %dma_start3A_327 = arith.constant 0 : i32
      %dma_start3A_328 = arith.constant 0 : i32
      %dma_start3A_329 = tpu.memref_slice %arg14[%dma_start3A_327, %dma_start3A_328] : memref<10240x64xf32, #tpu.memory_space<vmem_shared>> -> memref<10240x64xf32, #tpu.memory_space<vmem_shared>>
      tpu.enqueue_indirect_dma source(%arg7 : memref<125x64xf32, #tpu.memory_space<vmem>>) target(%dma_start3A_329 : memref<10240x64xf32, #tpu.memory_space<vmem_shared>>) offsets(%dma_start3A_326 : memref<125xi32, #tpu.memory_space<vmem>>) semaphore(%arg21 : memref<!tpu.dma_semaphore, #tpu.memory_space<semaphore_mem>>) {add = true}
      %mul3A_330 = arith.constant 5 : i32
      %mul3A_331 = arith.muli %scan3A_287, %mul3A_330 : i32
      %add3A_332 = arith.constant 2 : i32
      %add3A_333 = arith.addi %mul3A_331, %add3A_332 : i32
      %dma_wait3A_334 = arith.constant 0 : i32
      %dma_wait3A_335 = tpu.memref_slice %arg11[%add3A_333, %dma_wait3A_334] : memref<80x125xi32, #tpu.memory_space<vmem>> -> memref<1x125xi32, #tpu.memory_space<vmem>>
      %dma_wait3A_336 = tpu.memref_squeeze %dma_wait3A_335 : memref<1x125xi32, #tpu.memory_space<vmem>> -> memref<125xi32, #tpu.memory_space<vmem>>
      %dma_wait3A_337 = arith.constant 0 : i32
      %dma_wait3A_338 = arith.constant 0 : i32
      %dma_wait3A_339 = tpu.memref_slice %arg4[%arg0, %dma_wait3A_337, %dma_wait3A_338] : memref<2x10240x64xf32, #tpu.memory_space<hbm>> -> memref<1x10240x64xf32, #tpu.memory_space<hbm>>
      %dma_wait3A_340 = tpu.memref_squeeze %dma_wait3A_339 : memref<1x10240x64xf32, #tpu.memory_space<hbm>> -> memref<10240x64xf32, #tpu.memory_space<hbm>>
      %dma_wait3A_341 = arith.constant 0 : i32
      %dma_wait3A_342 = arith.constant 0 : i32
      %dma_wait3A_343 = tpu.memref_slice %dma_wait3A_340[%dma_wait3A_341, %dma_wait3A_342] : memref<10240x64xf32, #tpu.memory_space<hbm>> -> memref<10240x64xf32, #tpu.memory_space<hbm>>
      tpu.wait_indirect_dma semaphore(%arg17 : memref<!tpu.dma_semaphore, #tpu.memory_space<semaphore_mem>>) src(%dma_wait3A_343 : memref<10240x64xf32, #tpu.memory_space<hbm>>) dst(%arg8 : memref<125x64xf32, #tpu.memory_space<vmem>>)
      %dma_start3A_344 = arith.constant 0 : i32
      %dma_start3A_345 = tpu.memref_slice %arg12[%add3A_333, %dma_start3A_344] : memref<80x125xi32, #tpu.memory_space<vmem>> -> memref<1x125xi32, #tpu.memory_space<vmem>>
      %dma_start3A_346 = tpu.memref_squeeze %dma_start3A_345 : memref<1x125xi32, #tpu.memory_space<vmem>> -> memref<125xi32, #tpu.memory_space<vmem>>
      %dma_start3A_347 = arith.constant 0 : i32
      %dma_start3A_348 = arith.constant 0 : i32
      %dma_start3A_349 = tpu.memref_slice %arg14[%dma_start3A_347, %dma_start3A_348] : memref<10240x64xf32, #tpu.memory_space<vmem_shared>> -> memref<10240x64xf32, #tpu.memory_space<vmem_shared>>
      tpu.enqueue_indirect_dma source(%arg8 : memref<125x64xf32, #tpu.memory_space<vmem>>) target(%dma_start3A_349 : memref<10240x64xf32, #tpu.memory_space<vmem_shared>>) offsets(%dma_start3A_346 : memref<125xi32, #tpu.memory_space<vmem>>) semaphore(%arg22 : memref<!tpu.dma_semaphore, #tpu.memory_space<semaphore_mem>>) {add = true}
      %mul3A_350 = arith.constant 5 : i32
      %mul3A_351 = arith.muli %scan3A_287, %mul3A_350 : i32
      %add3A_352 = arith.constant 3 : i32
      %add3A_353 = arith.addi %mul3A_351, %add3A_352 : i32
      %dma_wait3A_354 = arith.constant 0 : i32
      %dma_wait3A_355 = tpu.memref_slice %arg11[%add3A_353, %dma_wait3A_354] : memref<80x125xi32, #tpu.memory_space<vmem>> -> memref<1x125xi32, #tpu.memory_space<vmem>>
      %dma_wait3A_356 = tpu.memref_squeeze %dma_wait3A_355 : memref<1x125xi32, #tpu.memory_space<vmem>> -> memref<125xi32, #tpu.memory_space<vmem>>
      %dma_wait3A_357 = arith.constant 0 : i32
      %dma_wait3A_358 = arith.constant 0 : i32
      %dma_wait3A_359 = tpu.memref_slice %arg4[%arg0, %dma_wait3A_357, %dma_wait3A_358] : memref<2x10240x64xf32, #tpu.memory_space<hbm>> -> memref<1x10240x64xf32, #tpu.memory_space<hbm>>
      %dma_wait3A_360 = tpu.memref_squeeze %dma_wait3A_359 : memref<1x10240x64xf32, #tpu.memory_space<hbm>> -> memref<10240x64xf32, #tpu.memory_space<hbm>>
      %dma_wait3A_361 = arith.constant 0 : i32
      %dma_wait3A_362 = arith.constant 0 : i32
      %dma_wait3A_363 = tpu.memref_slice %dma_wait3A_360[%dma_wait3A_361, %dma_wait3A_362] : memref<10240x64xf32, #tpu.memory_space<hbm>> -> memref<10240x64xf32, #tpu.memory_space<hbm>>
      tpu.wait_indirect_dma semaphore(%arg18 : memref<!tpu.dma_semaphore, #tpu.memory_space<semaphore_mem>>) src(%dma_wait3A_363 : memref<10240x64xf32, #tpu.memory_space<hbm>>) dst(%arg9 : memref<125x64xf32, #tpu.memory_space<vmem>>)
      %dma_start3A_364 = arith.constant 0 : i32
      %dma_start3A_365 = tpu.memref_slice %arg12[%add3A_353, %dma_start3A_364] : memref<80x125xi32, #tpu.memory_space<vmem>> -> memref<1x125xi32, #tpu.memory_space<vmem>>
      %dma_start3A_366 = tpu.memref_squeeze %dma_start3A_365 : memref<1x125xi32, #tpu.memory_space<vmem>> -> memref<125xi32, #tpu.memory_space<vmem>>
      %dma_start3A_367 = arith.constant 0 : i32
      %dma_start3A_368 = arith.constant 0 : i32
      %dma_start3A_369 = tpu.memref_slice %arg14[%dma_start3A_367, %dma_start3A_368] : memref<10240x64xf32, #tpu.memory_space<vmem_shared>> -> memref<10240x64xf32, #tpu.memory_space<vmem_shared>>
      tpu.enqueue_indirect_dma source(%arg9 : memref<125x64xf32, #tpu.memory_space<vmem>>) target(%dma_start3A_369 : memref<10240x64xf32, #tpu.memory_space<vmem_shared>>) offsets(%dma_start3A_366 : memref<125xi32, #tpu.memory_space<vmem>>) semaphore(%arg23 : memref<!tpu.dma_semaphore, #tpu.memory_space<semaphore_mem>>) {add = true}
      %mul3A_370 = arith.constant 5 : i32
      %mul3A_371 = arith.muli %scan3A_287, %mul3A_370 : i32
      %add3A_372 = arith.constant 4 : i32
      %add3A_373 = arith.addi %mul3A_371, %add3A_372 : i32
      %dma_wait3A_374 = arith.constant 0 : i32
      %dma_wait3A_375 = tpu.memref_slice %arg11[%add3A_373, %dma_wait3A_374] : memref<80x125xi32, #tpu.memory_space<vmem>> -> memref<1x125xi32, #tpu.memory_space<vmem>>
      %dma_wait3A_376 = tpu.memref_squeeze %dma_wait3A_375 : memref<1x125xi32, #tpu.memory_space<vmem>> -> memref<125xi32, #tpu.memory_space<vmem>>
      %dma_wait3A_377 = arith.constant 0 : i32
      %dma_wait3A_378 = arith.constant 0 : i32
      %dma_wait3A_379 = tpu.memref_slice %arg4[%arg0, %dma_wait3A_377, %dma_wait3A_378] : memref<2x10240x64xf32, #tpu.memory_space<hbm>> -> memref<1x10240x64xf32, #tpu.memory_space<hbm>>
      %dma_wait3A_380 = tpu.memref_squeeze %dma_wait3A_379 : memref<1x10240x64xf32, #tpu.memory_space<hbm>> -> memref<10240x64xf32, #tpu.memory_space<hbm>>
      %dma_wait3A_381 = arith.constant 0 : i32
      %dma_wait3A_382 = arith.constant 0 : i32
      %dma_wait3A_383 = tpu.memref_slice %dma_wait3A_380[%dma_wait3A_381, %dma_wait3A_382] : memref<10240x64xf32, #tpu.memory_space<hbm>> -> memref<10240x64xf32, #tpu.memory_space<hbm>>
      tpu.wait_indirect_dma semaphore(%arg19 : memref<!tpu.dma_semaphore, #tpu.memory_space<semaphore_mem>>) src(%dma_wait3A_383 : memref<10240x64xf32, #tpu.memory_space<hbm>>) dst(%arg10 : memref<125x64xf32, #tpu.memory_space<vmem>>)
      %dma_start3A_384 = arith.constant 0 : i32
      %dma_start3A_385 = tpu.memref_slice %arg12[%add3A_373, %dma_start3A_384] : memref<80x125xi32, #tpu.memory_space<vmem>> -> memref<1x125xi32, #tpu.memory_space<vmem>>
      %dma_start3A_386 = tpu.memref_squeeze %dma_start3A_385 : memref<1x125xi32, #tpu.memory_space<vmem>> -> memref<125xi32, #tpu.memory_space<vmem>>
      %dma_start3A_387 = arith.constant 0 : i32
      %dma_start3A_388 = arith.constant 0 : i32
      %dma_start3A_389 = tpu.memref_slice %arg14[%dma_start3A_387, %dma_start3A_388] : memref<10240x64xf32, #tpu.memory_space<vmem_shared>> -> memref<10240x64xf32, #tpu.memory_space<vmem_shared>>
      tpu.enqueue_indirect_dma source(%arg10 : memref<125x64xf32, #tpu.memory_space<vmem>>) target(%dma_start3A_389 : memref<10240x64xf32, #tpu.memory_space<vmem_shared>>) offsets(%dma_start3A_386 : memref<125xi32, #tpu.memory_space<vmem>>) semaphore(%arg24 : memref<!tpu.dma_semaphore, #tpu.memory_space<semaphore_mem>>) {add = true}
    }
    %scan3A_146 = arith.constant 16 : i32
    %dma_wait3A_147 = arith.constant 75 : i32
    %dma_wait3A_148 = arith.constant 0 : i32
    %dma_wait3A_149 = tpu.memref_slice %arg12[%dma_wait3A_147, %dma_wait3A_148] : memref<80x125xi32, #tpu.memory_space<vmem>> -> memref<1x125xi32, #tpu.memory_space<vmem>>
    %dma_wait3A_150 = tpu.memref_squeeze %dma_wait3A_149 : memref<1x125xi32, #tpu.memory_space<vmem>> -> memref<125xi32, #tpu.memory_space<vmem>>
    %dma_wait3A_151 = arith.constant 0 : i32
    %dma_wait3A_152 = arith.constant 0 : i32
    %dma_wait3A_153 = tpu.memref_slice %arg14[%dma_wait3A_151, %dma_wait3A_152] : memref<10240x64xf32, #tpu.memory_space<vmem_shared>> -> memref<10240x64xf32, #tpu.memory_space<vmem_shared>>
    tpu.wait_indirect_dma semaphore(%arg20 : memref<!tpu.dma_semaphore, #tpu.memory_space<semaphore_mem>>) src(%arg6 : memref<125x64xf32, #tpu.memory_space<vmem>>) dst(%dma_wait3A_153 : memref<10240x64xf32, #tpu.memory_space<vmem_shared>>)
    %dma_wait3A_154 = arith.constant 76 : i32
    %dma_wait3A_155 = arith.constant 0 : i32
    %dma_wait3A_156 = tpu.memref_slice %arg12[%dma_wait3A_154, %dma_wait3A_155] : memref<80x125xi32, #tpu.memory_space<vmem>> -> memref<1x125xi32, #tpu.memory_space<vmem>>
    %dma_wait3A_157 = tpu.memref_squeeze %dma_wait3A_156 : memref<1x125xi32, #tpu.memory_space<vmem>> -> memref<125xi32, #tpu.memory_space<vmem>>
    %dma_wait3A_158 = arith.constant 0 : i32
    %dma_wait3A_159 = arith.constant 0 : i32
    %dma_wait3A_160 = tpu.memref_slice %arg14[%dma_wait3A_158, %dma_wait3A_159] : memref<10240x64xf32, #tpu.memory_space<vmem_shared>> -> memref<10240x64xf32, #tpu.memory_space<vmem_shared>>
    tpu.wait_indirect_dma semaphore(%arg21 : memref<!tpu.dma_semaphore, #tpu.memory_space<semaphore_mem>>) src(%arg7 : memref<125x64xf32, #tpu.memory_space<vmem>>) dst(%dma_wait3A_160 : memref<10240x64xf32, #tpu.memory_space<vmem_shared>>)
    %dma_wait3A_161 = arith.constant 77 : i32
    %dma_wait3A_162 = arith.constant 0 : i32
    %dma_wait3A_163 = tpu.memref_slice %arg12[%dma_wait3A_161, %dma_wait3A_162] : memref<80x125xi32, #tpu.memory_space<vmem>> -> memref<1x125xi32, #tpu.memory_space<vmem>>
    %dma_wait3A_164 = tpu.memref_squeeze %dma_wait3A_163 : memref<1x125xi32, #tpu.memory_space<vmem>> -> memref<125xi32, #tpu.memory_space<vmem>>
    %dma_wait3A_165 = arith.constant 0 : i32
    %dma_wait3A_166 = arith.constant 0 : i32
    %dma_wait3A_167 = tpu.memref_slice %arg14[%dma_wait3A_165, %dma_wait3A_166] : memref<10240x64xf32, #tpu.memory_space<vmem_shared>> -> memref<10240x64xf32, #tpu.memory_space<vmem_shared>>
    tpu.wait_indirect_dma semaphore(%arg22 : memref<!tpu.dma_semaphore, #tpu.memory_space<semaphore_mem>>) src(%arg8 : memref<125x64xf32, #tpu.memory_space<vmem>>) dst(%dma_wait3A_167 : memref<10240x64xf32, #tpu.memory_space<vmem_shared>>)
    %dma_wait3A_168 = arith.constant 78 : i32
    %dma_wait3A_169 = arith.constant 0 : i32
    %dma_wait3A_170 = tpu.memref_slice %arg12[%dma_wait3A_168, %dma_wait3A_169] : memref<80x125xi32, #tpu.memory_space<vmem>> -> memref<1x125xi32, #tpu.memory_space<vmem>>
    %dma_wait3A_171 = tpu.memref_squeeze %dma_wait3A_170 : memref<1x125xi32, #tpu.memory_space<vmem>> -> memref<125xi32, #tpu.memory_space<vmem>>
    %dma_wait3A_172 = arith.constant 0 : i32
    %dma_wait3A_173 = arith.constant 0 : i32
    %dma_wait3A_174 = tpu.memref_slice %arg14[%dma_wait3A_172, %dma_wait3A_173] : memref<10240x64xf32, #tpu.memory_space<vmem_shared>> -> memref<10240x64xf32, #tpu.memory_space<vmem_shared>>
    tpu.wait_indirect_dma semaphore(%arg23 : memref<!tpu.dma_semaphore, #tpu.memory_space<semaphore_mem>>) src(%arg9 : memref<125x64xf32, #tpu.memory_space<vmem>>) dst(%dma_wait3A_174 : memref<10240x64xf32, #tpu.memory_space<vmem_shared>>)
    %dma_wait3A_175 = arith.constant 79 : i32
    %dma_wait3A_176 = arith.constant 0 : i32
    %dma_wait3A_177 = tpu.memref_slice %arg12[%dma_wait3A_175, %dma_wait3A_176] : memref<80x125xi32, #tpu.memory_space<vmem>> -> memref<1x125xi32, #tpu.memory_space<vmem>>
    %dma_wait3A_178 = tpu.memref_squeeze %dma_wait3A_177 : memref<1x125xi32, #tpu.memory_space<vmem>> -> memref<125xi32, #tpu.memory_space<vmem>>
    %dma_wait3A_179 = arith.constant 0 : i32
    %dma_wait3A_180 = arith.constant 0 : i32
    %dma_wait3A_181 = tpu.memref_slice %arg14[%dma_wait3A_179, %dma_wait3A_180] : memref<10240x64xf32, #tpu.memory_space<vmem_shared>> -> memref<10240x64xf32, #tpu.memory_space<vmem_shared>>
    tpu.wait_indirect_dma semaphore(%arg24 : memref<!tpu.dma_semaphore, #tpu.memory_space<semaphore_mem>>) src(%arg10 : memref<125x64xf32, #tpu.memory_space<vmem>>) dst(%dma_wait3A_181 : memref<10240x64xf32, #tpu.memory_space<vmem_shared>>)
    %mul3A_182 = arith.constant 160 : i32
    %mul3A_183 = arith.muli %arg1, %mul3A_182 : i32
    %add3A_184 = arith.constant 80 : i32
    %add3A_185 = arith.addi %mul3A_183, %add3A_184 : i32
    "tpu.region"() ({
      %run_scoped3A = tpu.sem_alloc : memref<!tpu.dma_semaphore, #tpu.memory_space<semaphore_mem>>
      %dma_start3A_287 = arith.constant 0 : i32
      %dma_start3A_288 = tpu.memref_slice %arg2[%add3A_185, %dma_start3A_287] : memref<2560x125xi32, #tpu.memory_space<hbm>> -> memref<80x125xi32, #tpu.memory_space<hbm>>
      %dma_start3A_289 = arith.constant 0 : i32
      %dma_start3A_290 = tpu.memref_slice %arg2[%add3A_185, %dma_start3A_289] : memref<2560x125xi32, #tpu.memory_space<hbm>> -> memref<80x125xi32, #tpu.memory_space<hbm>>
      tpu.enqueue_dma source(%dma_start3A_290 : memref<80x125xi32, #tpu.memory_space<hbm>>) target(%arg11 : memref<80x125xi32, #tpu.memory_space<vmem>>) target_semaphore(%run_scoped3A : memref<!tpu.dma_semaphore, #tpu.memory_space<semaphore_mem>>)
      %dma_wait3A_291 = arith.constant 0 : i32
      %dma_wait3A_292 = tpu.memref_slice %arg2[%add3A_185, %dma_wait3A_291] : memref<2560x125xi32, #tpu.memory_space<hbm>> -> memref<80x125xi32, #tpu.memory_space<hbm>>
      %dma_wait3A_293 = arith.constant 0 : i32
      %dma_wait3A_294 = tpu.memref_slice %arg2[%add3A_185, %dma_wait3A_293] : memref<2560x125xi32, #tpu.memory_space<hbm>> -> memref<80x125xi32, #tpu.memory_space<hbm>>
      tpu.wait_dma2 semaphore(%run_scoped3A : memref<!tpu.dma_semaphore, #tpu.memory_space<semaphore_mem>>) src(%dma_wait3A_294 : memref<80x125xi32, #tpu.memory_space<hbm>>) dst(%arg11 : memref<80x125xi32, #tpu.memory_space<vmem>>)
      tpu.yield
    }) : () -> ()
    "tpu.region"() ({
      %run_scoped3A = tpu.sem_alloc : memref<!tpu.dma_semaphore, #tpu.memory_space<semaphore_mem>>
      %dma_start3A_287 = arith.constant 0 : i32
      %dma_start3A_288 = tpu.memref_slice %arg3[%add3A_185, %dma_start3A_287] : memref<2560x125xi32, #tpu.memory_space<hbm>> -> memref<80x125xi32, #tpu.memory_space<hbm>>
      %dma_start3A_289 = arith.constant 0 : i32
      %dma_start3A_290 = tpu.memref_slice %arg3[%add3A_185, %dma_start3A_289] : memref<2560x125xi32, #tpu.memory_space<hbm>> -> memref<80x125xi32, #tpu.memory_space<hbm>>
      tpu.enqueue_dma source(%dma_start3A_290 : memref<80x125xi32, #tpu.memory_space<hbm>>) target(%arg12 : memref<80x125xi32, #tpu.memory_space<vmem>>) target_semaphore(%run_scoped3A : memref<!tpu.dma_semaphore, #tpu.memory_space<semaphore_mem>>)
      %dma_wait3A_291 = arith.constant 0 : i32
      %dma_wait3A_292 = tpu.memref_slice %arg3[%add3A_185, %dma_wait3A_291] : memref<2560x125xi32, #tpu.memory_space<hbm>> -> memref<80x125xi32, #tpu.memory_space<hbm>>
      %dma_wait3A_293 = arith.constant 0 : i32
      %dma_wait3A_294 = tpu.memref_slice %arg3[%add3A_185, %dma_wait3A_293] : memref<2560x125xi32, #tpu.memory_space<hbm>> -> memref<80x125xi32, #tpu.memory_space<hbm>>
      tpu.wait_dma2 semaphore(%run_scoped3A : memref<!tpu.dma_semaphore, #tpu.memory_space<semaphore_mem>>) src(%dma_wait3A_294 : memref<80x125xi32, #tpu.memory_space<hbm>>) dst(%arg12 : memref<80x125xi32, #tpu.memory_space<vmem>>)
      tpu.yield
    }) : () -> ()
    %dma_start3A_186 = arith.constant 0 : i32
    %dma_start3A_187 = arith.constant 0 : i32
    %dma_start3A_188 = tpu.memref_slice %arg11[%dma_start3A_186, %dma_start3A_187] : memref<80x125xi32, #tpu.memory_space<vmem>> -> memref<1x125xi32, #tpu.memory_space<vmem>>
    %dma_start3A_189 = tpu.memref_squeeze %dma_start3A_188 : memref<1x125xi32, #tpu.memory_space<vmem>> -> memref<125xi32, #tpu.memory_space<vmem>>
    %dma_start3A_190 = arith.constant 0 : i32
    %dma_start3A_191 = arith.constant 0 : i32
    %dma_start3A_192 = tpu.memref_slice %arg4[%arg0, %dma_start3A_190, %dma_start3A_191] : memref<2x10240x64xf32, #tpu.memory_space<hbm>> -> memref<1x10240x64xf32, #tpu.memory_space<hbm>>
    %dma_start3A_193 = tpu.memref_squeeze %dma_start3A_192 : memref<1x10240x64xf32, #tpu.memory_space<hbm>> -> memref<10240x64xf32, #tpu.memory_space<hbm>>
    %dma_start3A_194 = arith.constant 0 : i32
    %dma_start3A_195 = arith.constant 0 : i32
    %dma_start3A_196 = tpu.memref_slice %dma_start3A_193[%dma_start3A_194, %dma_start3A_195] : memref<10240x64xf32, #tpu.memory_space<hbm>> -> memref<10240x64xf32, #tpu.memory_space<hbm>>
    tpu.enqueue_indirect_dma source(%dma_start3A_196 : memref<10240x64xf32, #tpu.memory_space<hbm>>) target(%arg6 : memref<125x64xf32, #tpu.memory_space<vmem>>) offsets(%dma_start3A_189 : memref<125xi32, #tpu.memory_space<vmem>>) semaphore(%arg15 : memref<!tpu.dma_semaphore, #tpu.memory_space<semaphore_mem>>)
    %dma_start3A_197 = arith.constant 1 : i32
    %dma_start3A_198 = arith.constant 0 : i32
    %dma_start3A_199 = tpu.memref_slice %arg11[%dma_start3A_197, %dma_start3A_198] : memref<80x125xi32, #tpu.memory_space<vmem>> -> memref<1x125xi32, #tpu.memory_space<vmem>>
    %dma_start3A_200 = tpu.memref_squeeze %dma_start3A_199 : memref<1x125xi32, #tpu.memory_space<vmem>> -> memref<125xi32, #tpu.memory_space<vmem>>
    %dma_start3A_201 = arith.constant 0 : i32
    %dma_start3A_202 = arith.constant 0 : i32
    %dma_start3A_203 = tpu.memref_slice %arg4[%arg0, %dma_start3A_201, %dma_start3A_202] : memref<2x10240x64xf32, #tpu.memory_space<hbm>> -> memref<1x10240x64xf32, #tpu.memory_space<hbm>>
    %dma_start3A_204 = tpu.memref_squeeze %dma_start3A_203 : memref<1x10240x64xf32, #tpu.memory_space<hbm>> -> memref<10240x64xf32, #tpu.memory_space<hbm>>
    %dma_start3A_205 = arith.constant 0 : i32
    %dma_start3A_206 = arith.constant 0 : i32
    %dma_start3A_207 = tpu.memref_slice %dma_start3A_204[%dma_start3A_205, %dma_start3A_206] : memref<10240x64xf32, #tpu.memory_space<hbm>> -> memref<10240x64xf32, #tpu.memory_space<hbm>>
    tpu.enqueue_indirect_dma source(%dma_start3A_207 : memref<10240x64xf32, #tpu.memory_space<hbm>>) target(%arg7 : memref<125x64xf32, #tpu.memory_space<vmem>>) offsets(%dma_start3A_200 : memref<125xi32, #tpu.memory_space<vmem>>) semaphore(%arg16 : memref<!tpu.dma_semaphore, #tpu.memory_space<semaphore_mem>>)
    %dma_start3A_208 = arith.constant 2 : i32
    %dma_start3A_209 = arith.constant 0 : i32
    %dma_start3A_210 = tpu.memref_slice %arg11[%dma_start3A_208, %dma_start3A_209] : memref<80x125xi32, #tpu.memory_space<vmem>> -> memref<1x125xi32, #tpu.memory_space<vmem>>
    %dma_start3A_211 = tpu.memref_squeeze %dma_start3A_210 : memref<1x125xi32, #tpu.memory_space<vmem>> -> memref<125xi32, #tpu.memory_space<vmem>>
    %dma_start3A_212 = arith.constant 0 : i32
    %dma_start3A_213 = arith.constant 0 : i32
    %dma_start3A_214 = tpu.memref_slice %arg4[%arg0, %dma_start3A_212, %dma_start3A_213] : memref<2x10240x64xf32, #tpu.memory_space<hbm>> -> memref<1x10240x64xf32, #tpu.memory_space<hbm>>
    %dma_start3A_215 = tpu.memref_squeeze %dma_start3A_214 : memref<1x10240x64xf32, #tpu.memory_space<hbm>> -> memref<10240x64xf32, #tpu.memory_space<hbm>>
    %dma_start3A_216 = arith.constant 0 : i32
    %dma_start3A_217 = arith.constant 0 : i32
    %dma_start3A_218 = tpu.memref_slice %dma_start3A_215[%dma_start3A_216, %dma_start3A_217] : memref<10240x64xf32, #tpu.memory_space<hbm>> -> memref<10240x64xf32, #tpu.memory_space<hbm>>
    tpu.enqueue_indirect_dma source(%dma_start3A_218 : memref<10240x64xf32, #tpu.memory_space<hbm>>) target(%arg8 : memref<125x64xf32, #tpu.memory_space<vmem>>) offsets(%dma_start3A_211 : memref<125xi32, #tpu.memory_space<vmem>>) semaphore(%arg17 : memref<!tpu.dma_semaphore, #tpu.memory_space<semaphore_mem>>)
    %dma_start3A_219 = arith.constant 3 : i32
    %dma_start3A_220 = arith.constant 0 : i32
    %dma_start3A_221 = tpu.memref_slice %arg11[%dma_start3A_219, %dma_start3A_220] : memref<80x125xi32, #tpu.memory_space<vmem>> -> memref<1x125xi32, #tpu.memory_space<vmem>>
    %dma_start3A_222 = tpu.memref_squeeze %dma_start3A_221 : memref<1x125xi32, #tpu.memory_space<vmem>> -> memref<125xi32, #tpu.memory_space<vmem>>
    %dma_start3A_223 = arith.constant 0 : i32
    %dma_start3A_224 = arith.constant 0 : i32
    %dma_start3A_225 = tpu.memref_slice %arg4[%arg0, %dma_start3A_223, %dma_start3A_224] : memref<2x10240x64xf32, #tpu.memory_space<hbm>> -> memref<1x10240x64xf32, #tpu.memory_space<hbm>>
    %dma_start3A_226 = tpu.memref_squeeze %dma_start3A_225 : memref<1x10240x64xf32, #tpu.memory_space<hbm>> -> memref<10240x64xf32, #tpu.memory_space<hbm>>
    %dma_start3A_227 = arith.constant 0 : i32
    %dma_start3A_228 = arith.constant 0 : i32
    %dma_start3A_229 = tpu.memref_slice %dma_start3A_226[%dma_start3A_227, %dma_start3A_228] : memref<10240x64xf32, #tpu.memory_space<hbm>> -> memref<10240x64xf32, #tpu.memory_space<hbm>>
    tpu.enqueue_indirect_dma source(%dma_start3A_229 : memref<10240x64xf32, #tpu.memory_space<hbm>>) target(%arg9 : memref<125x64xf32, #tpu.memory_space<vmem>>) offsets(%dma_start3A_222 : memref<125xi32, #tpu.memory_space<vmem>>) semaphore(%arg18 : memref<!tpu.dma_semaphore, #tpu.memory_space<semaphore_mem>>)
    %dma_start3A_230 = arith.constant 4 : i32
    %dma_start3A_231 = arith.constant 0 : i32
    %dma_start3A_232 = tpu.memref_slice %arg11[%dma_start3A_230, %dma_start3A_231] : memref<80x125xi32, #tpu.memory_space<vmem>> -> memref<1x125xi32, #tpu.memory_space<vmem>>
    %dma_start3A_233 = tpu.memref_squeeze %dma_start3A_232 : memref<1x125xi32, #tpu.memory_space<vmem>> -> memref<125xi32, #tpu.memory_space<vmem>>
    %dma_start3A_234 = arith.constant 0 : i32
    %dma_start3A_235 = arith.constant 0 : i32
    %dma_start3A_236 = tpu.memref_slice %arg4[%arg0, %dma_start3A_234, %dma_start3A_235] : memref<2x10240x64xf32, #tpu.memory_space<hbm>> -> memref<1x10240x64xf32, #tpu.memory_space<hbm>>
    %dma_start3A_237 = tpu.memref_squeeze %dma_start3A_236 : memref<1x10240x64xf32, #tpu.memory_space<hbm>> -> memref<10240x64xf32, #tpu.memory_space<hbm>>
    %dma_start3A_238 = arith.constant 0 : i32
    %dma_start3A_239 = arith.constant 0 : i32
    %dma_start3A_240 = tpu.memref_slice %dma_start3A_237[%dma_start3A_238, %dma_start3A_239] : memref<10240x64xf32, #tpu.memory_space<hbm>> -> memref<10240x64xf32, #tpu.memory_space<hbm>>
    tpu.enqueue_indirect_dma source(%dma_start3A_240 : memref<10240x64xf32, #tpu.memory_space<hbm>>) target(%arg10 : memref<125x64xf32, #tpu.memory_space<vmem>>) offsets(%dma_start3A_233 : memref<125xi32, #tpu.memory_space<vmem>>) semaphore(%arg19 : memref<!tpu.dma_semaphore, #tpu.memory_space<semaphore_mem>>)
    %scan3A_241 = arith.constant 0 : i32
    %scan3A_242 = arith.constant 0 : i32
    %scan3A_243 = arith.constant 16 : i32
    %scan3A_244 = arith.addi %scan3A_242, %scan3A_243 : i32
    %scan3A_245 = arith.constant 1 : i32
    scf.for %scan3A_287 = %scan3A_242 to %scan3A_244 step %scan3A_245  : i32 {
      %gt3A = arith.constant 0 : i32
      %gt3A_288 = arith.cmpi sgt, %scan3A_287, %gt3A : i32
      %convert_element_type3A = arith.extui %gt3A_288 : i1 to i32
      %cond3A = arith.constant 0 : i32
      %cond3A_289 = arith.cmpi ne, %convert_element_type3A, %cond3A : i32
      scf.if %cond3A_289 {
        %mul3A_390 = arith.constant 5 : i32
        %mul3A_391 = arith.muli %scan3A_287, %mul3A_390 : i32
        %add3A_392 = arith.constant 0 : i32
        %add3A_393 = arith.addi %mul3A_391, %add3A_392 : i32
        %sub3A = arith.constant 5 : i32
        %sub3A_394 = arith.subi %add3A_393, %sub3A : i32
        %dma_wait3A_395 = arith.constant 0 : i32
        %dma_wait3A_396 = tpu.memref_slice %arg12[%sub3A_394, %dma_wait3A_395] : memref<80x125xi32, #tpu.memory_space<vmem>> -> memref<1x125xi32, #tpu.memory_space<vmem>>
        %dma_wait3A_397 = tpu.memref_squeeze %dma_wait3A_396 : memref<1x125xi32, #tpu.memory_space<vmem>> -> memref<125xi32, #tpu.memory_space<vmem>>
        %dma_wait3A_398 = arith.constant 0 : i32
        %dma_wait3A_399 = arith.constant 0 : i32
        %dma_wait3A_400 = tpu.memref_slice %arg14[%dma_wait3A_398, %dma_wait3A_399] : memref<10240x64xf32, #tpu.memory_space<vmem_shared>> -> memref<10240x64xf32, #tpu.memory_space<vmem_shared>>
        tpu.wait_indirect_dma semaphore(%arg20 : memref<!tpu.dma_semaphore, #tpu.memory_space<semaphore_mem>>) src(%arg6 : memref<125x64xf32, #tpu.memory_space<vmem>>) dst(%dma_wait3A_400 : memref<10240x64xf32, #tpu.memory_space<vmem_shared>>)
        %dma_start3A_401 = arith.constant 0 : i32
        %dma_start3A_402 = tpu.memref_slice %arg11[%add3A_393, %dma_start3A_401] : memref<80x125xi32, #tpu.memory_space<vmem>> -> memref<1x125xi32, #tpu.memory_space<vmem>>
        %dma_start3A_403 = tpu.memref_squeeze %dma_start3A_402 : memref<1x125xi32, #tpu.memory_space<vmem>> -> memref<125xi32, #tpu.memory_space<vmem>>
        %dma_start3A_404 = arith.constant 0 : i32
        %dma_start3A_405 = arith.constant 0 : i32
        %dma_start3A_406 = tpu.memref_slice %arg4[%arg0, %dma_start3A_404, %dma_start3A_405] : memref<2x10240x64xf32, #tpu.memory_space<hbm>> -> memref<1x10240x64xf32, #tpu.memory_space<hbm>>
        %dma_start3A_407 = tpu.memref_squeeze %dma_start3A_406 : memref<1x10240x64xf32, #tpu.memory_space<hbm>> -> memref<10240x64xf32, #tpu.memory_space<hbm>>
        %dma_start3A_408 = arith.constant 0 : i32
        %dma_start3A_409 = arith.constant 0 : i32
        %dma_start3A_410 = tpu.memref_slice %dma_start3A_407[%dma_start3A_408, %dma_start3A_409] : memref<10240x64xf32, #tpu.memory_space<hbm>> -> memref<10240x64xf32, #tpu.memory_space<hbm>>
        tpu.enqueue_indirect_dma source(%dma_start3A_410 : memref<10240x64xf32, #tpu.memory_space<hbm>>) target(%arg6 : memref<125x64xf32, #tpu.memory_space<vmem>>) offsets(%dma_start3A_403 : memref<125xi32, #tpu.memory_space<vmem>>) semaphore(%arg15 : memref<!tpu.dma_semaphore, #tpu.memory_space<semaphore_mem>>)
        %mul3A_411 = arith.constant 5 : i32
        %mul3A_412 = arith.muli %scan3A_287, %mul3A_411 : i32
        %add3A_413 = arith.constant 1 : i32
        %add3A_414 = arith.addi %mul3A_412, %add3A_413 : i32
        %sub3A_415 = arith.constant 5 : i32
        %sub3A_416 = arith.subi %add3A_414, %sub3A_415 : i32
        %dma_wait3A_417 = arith.constant 0 : i32
        %dma_wait3A_418 = tpu.memref_slice %arg12[%sub3A_416, %dma_wait3A_417] : memref<80x125xi32, #tpu.memory_space<vmem>> -> memref<1x125xi32, #tpu.memory_space<vmem>>
        %dma_wait3A_419 = tpu.memref_squeeze %dma_wait3A_418 : memref<1x125xi32, #tpu.memory_space<vmem>> -> memref<125xi32, #tpu.memory_space<vmem>>
        %dma_wait3A_420 = arith.constant 0 : i32
        %dma_wait3A_421 = arith.constant 0 : i32
        %dma_wait3A_422 = tpu.memref_slice %arg14[%dma_wait3A_420, %dma_wait3A_421] : memref<10240x64xf32, #tpu.memory_space<vmem_shared>> -> memref<10240x64xf32, #tpu.memory_space<vmem_shared>>
        tpu.wait_indirect_dma semaphore(%arg21 : memref<!tpu.dma_semaphore, #tpu.memory_space<semaphore_mem>>) src(%arg7 : memref<125x64xf32, #tpu.memory_space<vmem>>) dst(%dma_wait3A_422 : memref<10240x64xf32, #tpu.memory_space<vmem_shared>>)
        %dma_start3A_423 = arith.constant 0 : i32
        %dma_start3A_424 = tpu.memref_slice %arg11[%add3A_414, %dma_start3A_423] : memref<80x125xi32, #tpu.memory_space<vmem>> -> memref<1x125xi32, #tpu.memory_space<vmem>>
        %dma_start3A_425 = tpu.memref_squeeze %dma_start3A_424 : memref<1x125xi32, #tpu.memory_space<vmem>> -> memref<125xi32, #tpu.memory_space<vmem>>
        %dma_start3A_426 = arith.constant 0 : i32
        %dma_start3A_427 = arith.constant 0 : i32
        %dma_start3A_428 = tpu.memref_slice %arg4[%arg0, %dma_start3A_426, %dma_start3A_427] : memref<2x10240x64xf32, #tpu.memory_space<hbm>> -> memref<1x10240x64xf32, #tpu.memory_space<hbm>>
        %dma_start3A_429 = tpu.memref_squeeze %dma_start3A_428 : memref<1x10240x64xf32, #tpu.memory_space<hbm>> -> memref<10240x64xf32, #tpu.memory_space<hbm>>
        %dma_start3A_430 = arith.constant 0 : i32
        %dma_start3A_431 = arith.constant 0 : i32
        %dma_start3A_432 = tpu.memref_slice %dma_start3A_429[%dma_start3A_430, %dma_start3A_431] : memref<10240x64xf32, #tpu.memory_space<hbm>> -> memref<10240x64xf32, #tpu.memory_space<hbm>>
        tpu.enqueue_indirect_dma source(%dma_start3A_432 : memref<10240x64xf32, #tpu.memory_space<hbm>>) target(%arg7 : memref<125x64xf32, #tpu.memory_space<vmem>>) offsets(%dma_start3A_425 : memref<125xi32, #tpu.memory_space<vmem>>) semaphore(%arg16 : memref<!tpu.dma_semaphore, #tpu.memory_space<semaphore_mem>>)
        %mul3A_433 = arith.constant 5 : i32
        %mul3A_434 = arith.muli %scan3A_287, %mul3A_433 : i32
        %add3A_435 = arith.constant 2 : i32
        %add3A_436 = arith.addi %mul3A_434, %add3A_435 : i32
        %sub3A_437 = arith.constant 5 : i32
        %sub3A_438 = arith.subi %add3A_436, %sub3A_437 : i32
        %dma_wait3A_439 = arith.constant 0 : i32
        %dma_wait3A_440 = tpu.memref_slice %arg12[%sub3A_438, %dma_wait3A_439] : memref<80x125xi32, #tpu.memory_space<vmem>> -> memref<1x125xi32, #tpu.memory_space<vmem>>
        %dma_wait3A_441 = tpu.memref_squeeze %dma_wait3A_440 : memref<1x125xi32, #tpu.memory_space<vmem>> -> memref<125xi32, #tpu.memory_space<vmem>>
        %dma_wait3A_442 = arith.constant 0 : i32
        %dma_wait3A_443 = arith.constant 0 : i32
        %dma_wait3A_444 = tpu.memref_slice %arg14[%dma_wait3A_442, %dma_wait3A_443] : memref<10240x64xf32, #tpu.memory_space<vmem_shared>> -> memref<10240x64xf32, #tpu.memory_space<vmem_shared>>
        tpu.wait_indirect_dma semaphore(%arg22 : memref<!tpu.dma_semaphore, #tpu.memory_space<semaphore_mem>>) src(%arg8 : memref<125x64xf32, #tpu.memory_space<vmem>>) dst(%dma_wait3A_444 : memref<10240x64xf32, #tpu.memory_space<vmem_shared>>)
        %dma_start3A_445 = arith.constant 0 : i32
        %dma_start3A_446 = tpu.memref_slice %arg11[%add3A_436, %dma_start3A_445] : memref<80x125xi32, #tpu.memory_space<vmem>> -> memref<1x125xi32, #tpu.memory_space<vmem>>
        %dma_start3A_447 = tpu.memref_squeeze %dma_start3A_446 : memref<1x125xi32, #tpu.memory_space<vmem>> -> memref<125xi32, #tpu.memory_space<vmem>>
        %dma_start3A_448 = arith.constant 0 : i32
        %dma_start3A_449 = arith.constant 0 : i32
        %dma_start3A_450 = tpu.memref_slice %arg4[%arg0, %dma_start3A_448, %dma_start3A_449] : memref<2x10240x64xf32, #tpu.memory_space<hbm>> -> memref<1x10240x64xf32, #tpu.memory_space<hbm>>
        %dma_start3A_451 = tpu.memref_squeeze %dma_start3A_450 : memref<1x10240x64xf32, #tpu.memory_space<hbm>> -> memref<10240x64xf32, #tpu.memory_space<hbm>>
        %dma_start3A_452 = arith.constant 0 : i32
        %dma_start3A_453 = arith.constant 0 : i32
        %dma_start3A_454 = tpu.memref_slice %dma_start3A_451[%dma_start3A_452, %dma_start3A_453] : memref<10240x64xf32, #tpu.memory_space<hbm>> -> memref<10240x64xf32, #tpu.memory_space<hbm>>
        tpu.enqueue_indirect_dma source(%dma_start3A_454 : memref<10240x64xf32, #tpu.memory_space<hbm>>) target(%arg8 : memref<125x64xf32, #tpu.memory_space<vmem>>) offsets(%dma_start3A_447 : memref<125xi32, #tpu.memory_space<vmem>>) semaphore(%arg17 : memref<!tpu.dma_semaphore, #tpu.memory_space<semaphore_mem>>)
        %mul3A_455 = arith.constant 5 : i32
        %mul3A_456 = arith.muli %scan3A_287, %mul3A_455 : i32
        %add3A_457 = arith.constant 3 : i32
        %add3A_458 = arith.addi %mul3A_456, %add3A_457 : i32
        %sub3A_459 = arith.constant 5 : i32
        %sub3A_460 = arith.subi %add3A_458, %sub3A_459 : i32
        %dma_wait3A_461 = arith.constant 0 : i32
        %dma_wait3A_462 = tpu.memref_slice %arg12[%sub3A_460, %dma_wait3A_461] : memref<80x125xi32, #tpu.memory_space<vmem>> -> memref<1x125xi32, #tpu.memory_space<vmem>>
        %dma_wait3A_463 = tpu.memref_squeeze %dma_wait3A_462 : memref<1x125xi32, #tpu.memory_space<vmem>> -> memref<125xi32, #tpu.memory_space<vmem>>
        %dma_wait3A_464 = arith.constant 0 : i32
        %dma_wait3A_465 = arith.constant 0 : i32
        %dma_wait3A_466 = tpu.memref_slice %arg14[%dma_wait3A_464, %dma_wait3A_465] : memref<10240x64xf32, #tpu.memory_space<vmem_shared>> -> memref<10240x64xf32, #tpu.memory_space<vmem_shared>>
        tpu.wait_indirect_dma semaphore(%arg23 : memref<!tpu.dma_semaphore, #tpu.memory_space<semaphore_mem>>) src(%arg9 : memref<125x64xf32, #tpu.memory_space<vmem>>) dst(%dma_wait3A_466 : memref<10240x64xf32, #tpu.memory_space<vmem_shared>>)
        %dma_start3A_467 = arith.constant 0 : i32
        %dma_start3A_468 = tpu.memref_slice %arg11[%add3A_458, %dma_start3A_467] : memref<80x125xi32, #tpu.memory_space<vmem>> -> memref<1x125xi32, #tpu.memory_space<vmem>>
        %dma_start3A_469 = tpu.memref_squeeze %dma_start3A_468 : memref<1x125xi32, #tpu.memory_space<vmem>> -> memref<125xi32, #tpu.memory_space<vmem>>
        %dma_start3A_470 = arith.constant 0 : i32
        %dma_start3A_471 = arith.constant 0 : i32
        %dma_start3A_472 = tpu.memref_slice %arg4[%arg0, %dma_start3A_470, %dma_start3A_471] : memref<2x10240x64xf32, #tpu.memory_space<hbm>> -> memref<1x10240x64xf32, #tpu.memory_space<hbm>>
        %dma_start3A_473 = tpu.memref_squeeze %dma_start3A_472 : memref<1x10240x64xf32, #tpu.memory_space<hbm>> -> memref<10240x64xf32, #tpu.memory_space<hbm>>
        %dma_start3A_474 = arith.constant 0 : i32
        %dma_start3A_475 = arith.constant 0 : i32
        %dma_start3A_476 = tpu.memref_slice %dma_start3A_473[%dma_start3A_474, %dma_start3A_475] : memref<10240x64xf32, #tpu.memory_space<hbm>> -> memref<10240x64xf32, #tpu.memory_space<hbm>>
        tpu.enqueue_indirect_dma source(%dma_start3A_476 : memref<10240x64xf32, #tpu.memory_space<hbm>>) target(%arg9 : memref<125x64xf32, #tpu.memory_space<vmem>>) offsets(%dma_start3A_469 : memref<125xi32, #tpu.memory_space<vmem>>) semaphore(%arg18 : memref<!tpu.dma_semaphore, #tpu.memory_space<semaphore_mem>>)
        %mul3A_477 = arith.constant 5 : i32
        %mul3A_478 = arith.muli %scan3A_287, %mul3A_477 : i32
        %add3A_479 = arith.constant 4 : i32
        %add3A_480 = arith.addi %mul3A_478, %add3A_479 : i32
        %sub3A_481 = arith.constant 5 : i32
        %sub3A_482 = arith.subi %add3A_480, %sub3A_481 : i32
        %dma_wait3A_483 = arith.constant 0 : i32
        %dma_wait3A_484 = tpu.memref_slice %arg12[%sub3A_482, %dma_wait3A_483] : memref<80x125xi32, #tpu.memory_space<vmem>> -> memref<1x125xi32, #tpu.memory_space<vmem>>
        %dma_wait3A_485 = tpu.memref_squeeze %dma_wait3A_484 : memref<1x125xi32, #tpu.memory_space<vmem>> -> memref<125xi32, #tpu.memory_space<vmem>>
        %dma_wait3A_486 = arith.constant 0 : i32
        %dma_wait3A_487 = arith.constant 0 : i32
        %dma_wait3A_488 = tpu.memref_slice %arg14[%dma_wait3A_486, %dma_wait3A_487] : memref<10240x64xf32, #tpu.memory_space<vmem_shared>> -> memref<10240x64xf32, #tpu.memory_space<vmem_shared>>
        tpu.wait_indirect_dma semaphore(%arg24 : memref<!tpu.dma_semaphore, #tpu.memory_space<semaphore_mem>>) src(%arg10 : memref<125x64xf32, #tpu.memory_space<vmem>>) dst(%dma_wait3A_488 : memref<10240x64xf32, #tpu.memory_space<vmem_shared>>)
        %dma_start3A_489 = arith.constant 0 : i32
        %dma_start3A_490 = tpu.memref_slice %arg11[%add3A_480, %dma_start3A_489] : memref<80x125xi32, #tpu.memory_space<vmem>> -> memref<1x125xi32, #tpu.memory_space<vmem>>
        %dma_start3A_491 = tpu.memref_squeeze %dma_start3A_490 : memref<1x125xi32, #tpu.memory_space<vmem>> -> memref<125xi32, #tpu.memory_space<vmem>>
        %dma_start3A_492 = arith.constant 0 : i32
        %dma_start3A_493 = arith.constant 0 : i32
        %dma_start3A_494 = tpu.memref_slice %arg4[%arg0, %dma_start3A_492, %dma_start3A_493] : memref<2x10240x64xf32, #tpu.memory_space<hbm>> -> memref<1x10240x64xf32, #tpu.memory_space<hbm>>
        %dma_start3A_495 = tpu.memref_squeeze %dma_start3A_494 : memref<1x10240x64xf32, #tpu.memory_space<hbm>> -> memref<10240x64xf32, #tpu.memory_space<hbm>>
        %dma_start3A_496 = arith.constant 0 : i32
        %dma_start3A_497 = arith.constant 0 : i32
        %dma_start3A_498 = tpu.memref_slice %dma_start3A_495[%dma_start3A_496, %dma_start3A_497] : memref<10240x64xf32, #tpu.memory_space<hbm>> -> memref<10240x64xf32, #tpu.memory_space<hbm>>
        tpu.enqueue_indirect_dma source(%dma_start3A_498 : memref<10240x64xf32, #tpu.memory_space<hbm>>) target(%arg10 : memref<125x64xf32, #tpu.memory_space<vmem>>) offsets(%dma_start3A_491 : memref<125xi32, #tpu.memory_space<vmem>>) semaphore(%arg19 : memref<!tpu.dma_semaphore, #tpu.memory_space<semaphore_mem>>)
      } else {
      }
      %mul3A_290 = arith.constant 5 : i32
      %mul3A_291 = arith.muli %scan3A_287, %mul3A_290 : i32
      %add3A_292 = arith.constant 0 : i32
      %add3A_293 = arith.addi %mul3A_291, %add3A_292 : i32
      %dma_wait3A_294 = arith.constant 0 : i32
      %dma_wait3A_295 = tpu.memref_slice %arg11[%add3A_293, %dma_wait3A_294] : memref<80x125xi32, #tpu.memory_space<vmem>> -> memref<1x125xi32, #tpu.memory_space<vmem>>
      %dma_wait3A_296 = tpu.memref_squeeze %dma_wait3A_295 : memref<1x125xi32, #tpu.memory_space<vmem>> -> memref<125xi32, #tpu.memory_space<vmem>>
      %dma_wait3A_297 = arith.constant 0 : i32
      %dma_wait3A_298 = arith.constant 0 : i32
      %dma_wait3A_299 = tpu.memref_slice %arg4[%arg0, %dma_wait3A_297, %dma_wait3A_298] : memref<2x10240x64xf32, #tpu.memory_space<hbm>> -> memref<1x10240x64xf32, #tpu.memory_space<hbm>>
      %dma_wait3A_300 = tpu.memref_squeeze %dma_wait3A_299 : memref<1x10240x64xf32, #tpu.memory_space<hbm>> -> memref<10240x64xf32, #tpu.memory_space<hbm>>
      %dma_wait3A_301 = arith.constant 0 : i32
      %dma_wait3A_302 = arith.constant 0 : i32
      %dma_wait3A_303 = tpu.memref_slice %dma_wait3A_300[%dma_wait3A_301, %dma_wait3A_302] : memref<10240x64xf32, #tpu.memory_space<hbm>> -> memref<10240x64xf32, #tpu.memory_space<hbm>>
      tpu.wait_indirect_dma semaphore(%arg15 : memref<!tpu.dma_semaphore, #tpu.memory_space<semaphore_mem>>) src(%dma_wait3A_303 : memref<10240x64xf32, #tpu.memory_space<hbm>>) dst(%arg6 : memref<125x64xf32, #tpu.memory_space<vmem>>)
      %dma_start3A_304 = arith.constant 0 : i32
      %dma_start3A_305 = tpu.memref_slice %arg12[%add3A_293, %dma_start3A_304] : memref<80x125xi32, #tpu.memory_space<vmem>> -> memref<1x125xi32, #tpu.memory_space<vmem>>
      %dma_start3A_306 = tpu.memref_squeeze %dma_start3A_305 : memref<1x125xi32, #tpu.memory_space<vmem>> -> memref<125xi32, #tpu.memory_space<vmem>>
      %dma_start3A_307 = arith.constant 0 : i32
      %dma_start3A_308 = arith.constant 0 : i32
      %dma_start3A_309 = tpu.memref_slice %arg14[%dma_start3A_307, %dma_start3A_308] : memref<10240x64xf32, #tpu.memory_space<vmem_shared>> -> memref<10240x64xf32, #tpu.memory_space<vmem_shared>>
      tpu.enqueue_indirect_dma source(%arg6 : memref<125x64xf32, #tpu.memory_space<vmem>>) target(%dma_start3A_309 : memref<10240x64xf32, #tpu.memory_space<vmem_shared>>) offsets(%dma_start3A_306 : memref<125xi32, #tpu.memory_space<vmem>>) semaphore(%arg20 : memref<!tpu.dma_semaphore, #tpu.memory_space<semaphore_mem>>) {add = true}
      %mul3A_310 = arith.constant 5 : i32
      %mul3A_311 = arith.muli %scan3A_287, %mul3A_310 : i32
      %add3A_312 = arith.constant 1 : i32
      %add3A_313 = arith.addi %mul3A_311, %add3A_312 : i32
      %dma_wait3A_314 = arith.constant 0 : i32
      %dma_wait3A_315 = tpu.memref_slice %arg11[%add3A_313, %dma_wait3A_314] : memref<80x125xi32, #tpu.memory_space<vmem>> -> memref<1x125xi32, #tpu.memory_space<vmem>>
      %dma_wait3A_316 = tpu.memref_squeeze %dma_wait3A_315 : memref<1x125xi32, #tpu.memory_space<vmem>> -> memref<125xi32, #tpu.memory_space<vmem>>
      %dma_wait3A_317 = arith.constant 0 : i32
      %dma_wait3A_318 = arith.constant 0 : i32
      %dma_wait3A_319 = tpu.memref_slice %arg4[%arg0, %dma_wait3A_317, %dma_wait3A_318] : memref<2x10240x64xf32, #tpu.memory_space<hbm>> -> memref<1x10240x64xf32, #tpu.memory_space<hbm>>
      %dma_wait3A_320 = tpu.memref_squeeze %dma_wait3A_319 : memref<1x10240x64xf32, #tpu.memory_space<hbm>> -> memref<10240x64xf32, #tpu.memory_space<hbm>>
      %dma_wait3A_321 = arith.constant 0 : i32
      %dma_wait3A_322 = arith.constant 0 : i32
      %dma_wait3A_323 = tpu.memref_slice %dma_wait3A_320[%dma_wait3A_321, %dma_wait3A_322] : memref<10240x64xf32, #tpu.memory_space<hbm>> -> memref<10240x64xf32, #tpu.memory_space<hbm>>
      tpu.wait_indirect_dma semaphore(%arg16 : memref<!tpu.dma_semaphore, #tpu.memory_space<semaphore_mem>>) src(%dma_wait3A_323 : memref<10240x64xf32, #tpu.memory_space<hbm>>) dst(%arg7 : memref<125x64xf32, #tpu.memory_space<vmem>>)
      %dma_start3A_324 = arith.constant 0 : i32
      %dma_start3A_325 = tpu.memref_slice %arg12[%add3A_313, %dma_start3A_324] : memref<80x125xi32, #tpu.memory_space<vmem>> -> memref<1x125xi32, #tpu.memory_space<vmem>>
      %dma_start3A_326 = tpu.memref_squeeze %dma_start3A_325 : memref<1x125xi32, #tpu.memory_space<vmem>> -> memref<125xi32, #tpu.memory_space<vmem>>
      %dma_start3A_327 = arith.constant 0 : i32
      %dma_start3A_328 = arith.constant 0 : i32
      %dma_start3A_329 = tpu.memref_slice %arg14[%dma_start3A_327, %dma_start3A_328] : memref<10240x64xf32, #tpu.memory_space<vmem_shared>> -> memref<10240x64xf32, #tpu.memory_space<vmem_shared>>
      tpu.enqueue_indirect_dma source(%arg7 : memref<125x64xf32, #tpu.memory_space<vmem>>) target(%dma_start3A_329 : memref<10240x64xf32, #tpu.memory_space<vmem_shared>>) offsets(%dma_start3A_326 : memref<125xi32, #tpu.memory_space<vmem>>) semaphore(%arg21 : memref<!tpu.dma_semaphore, #tpu.memory_space<semaphore_mem>>) {add = true}
      %mul3A_330 = arith.constant 5 : i32
      %mul3A_331 = arith.muli %scan3A_287, %mul3A_330 : i32
      %add3A_332 = arith.constant 2 : i32
      %add3A_333 = arith.addi %mul3A_331, %add3A_332 : i32
      %dma_wait3A_334 = arith.constant 0 : i32
      %dma_wait3A_335 = tpu.memref_slice %arg11[%add3A_333, %dma_wait3A_334] : memref<80x125xi32, #tpu.memory_space<vmem>> -> memref<1x125xi32, #tpu.memory_space<vmem>>
      %dma_wait3A_336 = tpu.memref_squeeze %dma_wait3A_335 : memref<1x125xi32, #tpu.memory_space<vmem>> -> memref<125xi32, #tpu.memory_space<vmem>>
      %dma_wait3A_337 = arith.constant 0 : i32
      %dma_wait3A_338 = arith.constant 0 : i32
      %dma_wait3A_339 = tpu.memref_slice %arg4[%arg0, %dma_wait3A_337, %dma_wait3A_338] : memref<2x10240x64xf32, #tpu.memory_space<hbm>> -> memref<1x10240x64xf32, #tpu.memory_space<hbm>>
      %dma_wait3A_340 = tpu.memref_squeeze %dma_wait3A_339 : memref<1x10240x64xf32, #tpu.memory_space<hbm>> -> memref<10240x64xf32, #tpu.memory_space<hbm>>
      %dma_wait3A_341 = arith.constant 0 : i32
      %dma_wait3A_342 = arith.constant 0 : i32
      %dma_wait3A_343 = tpu.memref_slice %dma_wait3A_340[%dma_wait3A_341, %dma_wait3A_342] : memref<10240x64xf32, #tpu.memory_space<hbm>> -> memref<10240x64xf32, #tpu.memory_space<hbm>>
      tpu.wait_indirect_dma semaphore(%arg17 : memref<!tpu.dma_semaphore, #tpu.memory_space<semaphore_mem>>) src(%dma_wait3A_343 : memref<10240x64xf32, #tpu.memory_space<hbm>>) dst(%arg8 : memref<125x64xf32, #tpu.memory_space<vmem>>)
      %dma_start3A_344 = arith.constant 0 : i32
      %dma_start3A_345 = tpu.memref_slice %arg12[%add3A_333, %dma_start3A_344] : memref<80x125xi32, #tpu.memory_space<vmem>> -> memref<1x125xi32, #tpu.memory_space<vmem>>
      %dma_start3A_346 = tpu.memref_squeeze %dma_start3A_345 : memref<1x125xi32, #tpu.memory_space<vmem>> -> memref<125xi32, #tpu.memory_space<vmem>>
      %dma_start3A_347 = arith.constant 0 : i32
      %dma_start3A_348 = arith.constant 0 : i32
      %dma_start3A_349 = tpu.memref_slice %arg14[%dma_start3A_347, %dma_start3A_348] : memref<10240x64xf32, #tpu.memory_space<vmem_shared>> -> memref<10240x64xf32, #tpu.memory_space<vmem_shared>>
      tpu.enqueue_indirect_dma source(%arg8 : memref<125x64xf32, #tpu.memory_space<vmem>>) target(%dma_start3A_349 : memref<10240x64xf32, #tpu.memory_space<vmem_shared>>) offsets(%dma_start3A_346 : memref<125xi32, #tpu.memory_space<vmem>>) semaphore(%arg22 : memref<!tpu.dma_semaphore, #tpu.memory_space<semaphore_mem>>) {add = true}
      %mul3A_350 = arith.constant 5 : i32
      %mul3A_351 = arith.muli %scan3A_287, %mul3A_350 : i32
      %add3A_352 = arith.constant 3 : i32
      %add3A_353 = arith.addi %mul3A_351, %add3A_352 : i32
      %dma_wait3A_354 = arith.constant 0 : i32
      %dma_wait3A_355 = tpu.memref_slice %arg11[%add3A_353, %dma_wait3A_354] : memref<80x125xi32, #tpu.memory_space<vmem>> -> memref<1x125xi32, #tpu.memory_space<vmem>>
      %dma_wait3A_356 = tpu.memref_squeeze %dma_wait3A_355 : memref<1x125xi32, #tpu.memory_space<vmem>> -> memref<125xi32, #tpu.memory_space<vmem>>
      %dma_wait3A_357 = arith.constant 0 : i32
      %dma_wait3A_358 = arith.constant 0 : i32
      %dma_wait3A_359 = tpu.memref_slice %arg4[%arg0, %dma_wait3A_357, %dma_wait3A_358] : memref<2x10240x64xf32, #tpu.memory_space<hbm>> -> memref<1x10240x64xf32, #tpu.memory_space<hbm>>
      %dma_wait3A_360 = tpu.memref_squeeze %dma_wait3A_359 : memref<1x10240x64xf32, #tpu.memory_space<hbm>> -> memref<10240x64xf32, #tpu.memory_space<hbm>>
      %dma_wait3A_361 = arith.constant 0 : i32
      %dma_wait3A_362 = arith.constant 0 : i32
      %dma_wait3A_363 = tpu.memref_slice %dma_wait3A_360[%dma_wait3A_361, %dma_wait3A_362] : memref<10240x64xf32, #tpu.memory_space<hbm>> -> memref<10240x64xf32, #tpu.memory_space<hbm>>
      tpu.wait_indirect_dma semaphore(%arg18 : memref<!tpu.dma_semaphore, #tpu.memory_space<semaphore_mem>>) src(%dma_wait3A_363 : memref<10240x64xf32, #tpu.memory_space<hbm>>) dst(%arg9 : memref<125x64xf32, #tpu.memory_space<vmem>>)
      %dma_start3A_364 = arith.constant 0 : i32
      %dma_start3A_365 = tpu.memref_slice %arg12[%add3A_353, %dma_start3A_364] : memref<80x125xi32, #tpu.memory_space<vmem>> -> memref<1x125xi32, #tpu.memory_space<vmem>>
      %dma_start3A_366 = tpu.memref_squeeze %dma_start3A_365 : memref<1x125xi32, #tpu.memory_space<vmem>> -> memref<125xi32, #tpu.memory_space<vmem>>
      %dma_start3A_367 = arith.constant 0 : i32
      %dma_start3A_368 = arith.constant 0 : i32
      %dma_start3A_369 = tpu.memref_slice %arg14[%dma_start3A_367, %dma_start3A_368] : memref<10240x64xf32, #tpu.memory_space<vmem_shared>> -> memref<10240x64xf32, #tpu.memory_space<vmem_shared>>
      tpu.enqueue_indirect_dma source(%arg9 : memref<125x64xf32, #tpu.memory_space<vmem>>) target(%dma_start3A_369 : memref<10240x64xf32, #tpu.memory_space<vmem_shared>>) offsets(%dma_start3A_366 : memref<125xi32, #tpu.memory_space<vmem>>) semaphore(%arg23 : memref<!tpu.dma_semaphore, #tpu.memory_space<semaphore_mem>>) {add = true}
      %mul3A_370 = arith.constant 5 : i32
      %mul3A_371 = arith.muli %scan3A_287, %mul3A_370 : i32
      %add3A_372 = arith.constant 4 : i32
      %add3A_373 = arith.addi %mul3A_371, %add3A_372 : i32
      %dma_wait3A_374 = arith.constant 0 : i32
      %dma_wait3A_375 = tpu.memref_slice %arg11[%add3A_373, %dma_wait3A_374] : memref<80x125xi32, #tpu.memory_space<vmem>> -> memref<1x125xi32, #tpu.memory_space<vmem>>
      %dma_wait3A_376 = tpu.memref_squeeze %dma_wait3A_375 : memref<1x125xi32, #tpu.memory_space<vmem>> -> memref<125xi32, #tpu.memory_space<vmem>>
      %dma_wait3A_377 = arith.constant 0 : i32
      %dma_wait3A_378 = arith.constant 0 : i32
      %dma_wait3A_379 = tpu.memref_slice %arg4[%arg0, %dma_wait3A_377, %dma_wait3A_378] : memref<2x10240x64xf32, #tpu.memory_space<hbm>> -> memref<1x10240x64xf32, #tpu.memory_space<hbm>>
      %dma_wait3A_380 = tpu.memref_squeeze %dma_wait3A_379 : memref<1x10240x64xf32, #tpu.memory_space<hbm>> -> memref<10240x64xf32, #tpu.memory_space<hbm>>
      %dma_wait3A_381 = arith.constant 0 : i32
      %dma_wait3A_382 = arith.constant 0 : i32
      %dma_wait3A_383 = tpu.memref_slice %dma_wait3A_380[%dma_wait3A_381, %dma_wait3A_382] : memref<10240x64xf32, #tpu.memory_space<hbm>> -> memref<10240x64xf32, #tpu.memory_space<hbm>>
      tpu.wait_indirect_dma semaphore(%arg19 : memref<!tpu.dma_semaphore, #tpu.memory_space<semaphore_mem>>) src(%dma_wait3A_383 : memref<10240x64xf32, #tpu.memory_space<hbm>>) dst(%arg10 : memref<125x64xf32, #tpu.memory_space<vmem>>)
      %dma_start3A_384 = arith.constant 0 : i32
      %dma_start3A_385 = tpu.memref_slice %arg12[%add3A_373, %dma_start3A_384] : memref<80x125xi32, #tpu.memory_space<vmem>> -> memref<1x125xi32, #tpu.memory_space<vmem>>
      %dma_start3A_386 = tpu.memref_squeeze %dma_start3A_385 : memref<1x125xi32, #tpu.memory_space<vmem>> -> memref<125xi32, #tpu.memory_space<vmem>>
      %dma_start3A_387 = arith.constant 0 : i32
      %dma_start3A_388 = arith.constant 0 : i32
      %dma_start3A_389 = tpu.memref_slice %arg14[%dma_start3A_387, %dma_start3A_388] : memref<10240x64xf32, #tpu.memory_space<vmem_shared>> -> memref<10240x64xf32, #tpu.memory_space<vmem_shared>>
      tpu.enqueue_indirect_dma source(%arg10 : memref<125x64xf32, #tpu.memory_space<vmem>>) target(%dma_start3A_389 : memref<10240x64xf32, #tpu.memory_space<vmem_shared>>) offsets(%dma_start3A_386 : memref<125xi32, #tpu.memory_space<vmem>>) semaphore(%arg24 : memref<!tpu.dma_semaphore, #tpu.memory_space<semaphore_mem>>) {add = true}
    }
    %scan3A_246 = arith.constant 16 : i32
    %dma_wait3A_247 = arith.constant 75 : i32
    %dma_wait3A_248 = arith.constant 0 : i32
    %dma_wait3A_249 = tpu.memref_slice %arg12[%dma_wait3A_247, %dma_wait3A_248] : memref<80x125xi32, #tpu.memory_space<vmem>> -> memref<1x125xi32, #tpu.memory_space<vmem>>
    %dma_wait3A_250 = tpu.memref_squeeze %dma_wait3A_249 : memref<1x125xi32, #tpu.memory_space<vmem>> -> memref<125xi32, #tpu.memory_space<vmem>>
    %dma_wait3A_251 = arith.constant 0 : i32
    %dma_wait3A_252 = arith.constant 0 : i32
    %dma_wait3A_253 = tpu.memref_slice %arg14[%dma_wait3A_251, %dma_wait3A_252] : memref<10240x64xf32, #tpu.memory_space<vmem_shared>> -> memref<10240x64xf32, #tpu.memory_space<vmem_shared>>
    tpu.wait_indirect_dma semaphore(%arg20 : memref<!tpu.dma_semaphore, #tpu.memory_space<semaphore_mem>>) src(%arg6 : memref<125x64xf32, #tpu.memory_space<vmem>>) dst(%dma_wait3A_253 : memref<10240x64xf32, #tpu.memory_space<vmem_shared>>)
    %dma_wait3A_254 = arith.constant 76 : i32
    %dma_wait3A_255 = arith.constant 0 : i32
    %dma_wait3A_256 = tpu.memref_slice %arg12[%dma_wait3A_254, %dma_wait3A_255] : memref<80x125xi32, #tpu.memory_space<vmem>> -> memref<1x125xi32, #tpu.memory_space<vmem>>
    %dma_wait3A_257 = tpu.memref_squeeze %dma_wait3A_256 : memref<1x125xi32, #tpu.memory_space<vmem>> -> memref<125xi32, #tpu.memory_space<vmem>>
    %dma_wait3A_258 = arith.constant 0 : i32
    %dma_wait3A_259 = arith.constant 0 : i32
    %dma_wait3A_260 = tpu.memref_slice %arg14[%dma_wait3A_258, %dma_wait3A_259] : memref<10240x64xf32, #tpu.memory_space<vmem_shared>> -> memref<10240x64xf32, #tpu.memory_space<vmem_shared>>
    tpu.wait_indirect_dma semaphore(%arg21 : memref<!tpu.dma_semaphore, #tpu.memory_space<semaphore_mem>>) src(%arg7 : memref<125x64xf32, #tpu.memory_space<vmem>>) dst(%dma_wait3A_260 : memref<10240x64xf32, #tpu.memory_space<vmem_shared>>)
    %dma_wait3A_261 = arith.constant 77 : i32
    %dma_wait3A_262 = arith.constant 0 : i32
    %dma_wait3A_263 = tpu.memref_slice %arg12[%dma_wait3A_261, %dma_wait3A_262] : memref<80x125xi32, #tpu.memory_space<vmem>> -> memref<1x125xi32, #tpu.memory_space<vmem>>
    %dma_wait3A_264 = tpu.memref_squeeze %dma_wait3A_263 : memref<1x125xi32, #tpu.memory_space<vmem>> -> memref<125xi32, #tpu.memory_space<vmem>>
    %dma_wait3A_265 = arith.constant 0 : i32
    %dma_wait3A_266 = arith.constant 0 : i32
    %dma_wait3A_267 = tpu.memref_slice %arg14[%dma_wait3A_265, %dma_wait3A_266] : memref<10240x64xf32, #tpu.memory_space<vmem_shared>> -> memref<10240x64xf32, #tpu.memory_space<vmem_shared>>
    tpu.wait_indirect_dma semaphore(%arg22 : memref<!tpu.dma_semaphore, #tpu.memory_space<semaphore_mem>>) src(%arg8 : memref<125x64xf32, #tpu.memory_space<vmem>>) dst(%dma_wait3A_267 : memref<10240x64xf32, #tpu.memory_space<vmem_shared>>)
    %dma_wait3A_268 = arith.constant 78 : i32
    %dma_wait3A_269 = arith.constant 0 : i32
    %dma_wait3A_270 = tpu.memref_slice %arg12[%dma_wait3A_268, %dma_wait3A_269] : memref<80x125xi32, #tpu.memory_space<vmem>> -> memref<1x125xi32, #tpu.memory_space<vmem>>
    %dma_wait3A_271 = tpu.memref_squeeze %dma_wait3A_270 : memref<1x125xi32, #tpu.memory_space<vmem>> -> memref<125xi32, #tpu.memory_space<vmem>>
    %dma_wait3A_272 = arith.constant 0 : i32
    %dma_wait3A_273 = arith.constant 0 : i32
    %dma_wait3A_274 = tpu.memref_slice %arg14[%dma_wait3A_272, %dma_wait3A_273] : memref<10240x64xf32, #tpu.memory_space<vmem_shared>> -> memref<10240x64xf32, #tpu.memory_space<vmem_shared>>
    tpu.wait_indirect_dma semaphore(%arg23 : memref<!tpu.dma_semaphore, #tpu.memory_space<semaphore_mem>>) src(%arg9 : memref<125x64xf32, #tpu.memory_space<vmem>>) dst(%dma_wait3A_274 : memref<10240x64xf32, #tpu.memory_space<vmem_shared>>)
    %dma_wait3A_275 = arith.constant 79 : i32
    %dma_wait3A_276 = arith.constant 0 : i32
    %dma_wait3A_277 = tpu.memref_slice %arg12[%dma_wait3A_275, %dma_wait3A_276] : memref<80x125xi32, #tpu.memory_space<vmem>> -> memref<1x125xi32, #tpu.memory_space<vmem>>
    %dma_wait3A_278 = tpu.memref_squeeze %dma_wait3A_277 : memref<1x125xi32, #tpu.memory_space<vmem>> -> memref<125xi32, #tpu.memory_space<vmem>>
    %dma_wait3A_279 = arith.constant 0 : i32
    %dma_wait3A_280 = arith.constant 0 : i32
    %dma_wait3A_281 = tpu.memref_slice %arg14[%dma_wait3A_279, %dma_wait3A_280] : memref<10240x64xf32, #tpu.memory_space<vmem_shared>> -> memref<10240x64xf32, #tpu.memory_space<vmem_shared>>
    tpu.wait_indirect_dma semaphore(%arg24 : memref<!tpu.dma_semaphore, #tpu.memory_space<semaphore_mem>>) src(%arg10 : memref<125x64xf32, #tpu.memory_space<vmem>>) dst(%dma_wait3A_281 : memref<10240x64xf32, #tpu.memory_space<vmem_shared>>)
    %barrier3A_282 = arith.constant 0 : index
    tpu.barrier barrier_id(%barrier3A_282)
    %mul3A_283 = arith.constant 640 : i32
    %mul3A_284 = arith.muli %arg1, %mul3A_283 : i32
    %mul3A_285 = arith.constant 640 : i32
    %mul3A_286 = arith.muli %arg1, %mul3A_285 : i32
    "tpu.region"() ({
      %run_scoped3A = tpu.sem_alloc : memref<!tpu.dma_semaphore, #tpu.memory_space<semaphore_mem>>
      %dma_start3A_287 = arith.constant 0 : i32
      %dma_start3A_288 = arith.constant 0 : i32
      %dma_start3A_289 = tpu.memref_slice %arg5[%arg0, %dma_start3A_287, %dma_start3A_288] : memref<2x10240x64xf32, #tpu.memory_space<hbm>> -> memref<1x10240x64xf32, #tpu.memory_space<hbm>>
      %dma_start3A_290 = tpu.memref_squeeze %dma_start3A_289 : memref<1x10240x64xf32, #tpu.memory_space<hbm>> -> memref<10240x64xf32, #tpu.memory_space<hbm>>
      %dma_start3A_291 = arith.constant 0 : i32
      %dma_start3A_292 = tpu.memref_slice %dma_start3A_290[%mul3A_286, %dma_start3A_291] : memref<10240x64xf32, #tpu.memory_space<hbm>> -> memref<640x64xf32, #tpu.memory_space<hbm>>
      %dma_start3A_293 = arith.constant 0 : i32
      %dma_start3A_294 = tpu.memref_slice %arg14[%mul3A_284, %dma_start3A_293] : memref<10240x64xf32, #tpu.memory_space<vmem_shared>> -> memref<640x64xf32, #tpu.memory_space<vmem_shared>>
      tpu.enqueue_dma source(%dma_start3A_294 : memref<640x64xf32, #tpu.memory_space<vmem_shared>>) target(%dma_start3A_292 : memref<640x64xf32, #tpu.memory_space<hbm>>) target_semaphore(%run_scoped3A : memref<!tpu.dma_semaphore, #tpu.memory_space<semaphore_mem>>)
      %dma_wait3A_295 = arith.constant 0 : i32
      %dma_wait3A_296 = arith.constant 0 : i32
      %dma_wait3A_297 = tpu.memref_slice %arg5[%arg0, %dma_wait3A_295, %dma_wait3A_296] : memref<2x10240x64xf32, #tpu.memory_space<hbm>> -> memref<1x10240x64xf32, #tpu.memory_space<hbm>>
      %dma_wait3A_298 = tpu.memref_squeeze %dma_wait3A_297 : memref<1x10240x64xf32, #tpu.memory_space<hbm>> -> memref<10240x64xf32, #tpu.memory_space<hbm>>
      %dma_wait3A_299 = arith.constant 0 : i32
      %dma_wait3A_300 = tpu.memref_slice %dma_wait3A_298[%mul3A_286, %dma_wait3A_299] : memref<10240x64xf32, #tpu.memory_space<hbm>> -> memref<640x64xf32, #tpu.memory_space<hbm>>
      %dma_wait3A_301 = arith.constant 0 : i32
      %dma_wait3A_302 = tpu.memref_slice %arg14[%mul3A_284, %dma_wait3A_301] : memref<10240x64xf32, #tpu.memory_space<vmem_shared>> -> memref<640x64xf32, #tpu.memory_space<vmem_shared>>
      tpu.wait_dma2 semaphore(%run_scoped3A : memref<!tpu.dma_semaphore, #tpu.memory_space<semaphore_mem>>) src(%dma_wait3A_302 : memref<640x64xf32, #tpu.memory_space<vmem_shared>>) dst(%dma_wait3A_300 : memref<640x64xf32, #tpu.memory_space<hbm>>)
      tpu.yield
    }) : () -> ()
    return
  }
}

#map = affine_map<(d0, d1) -> (0)>
#map1 = affine_map<(d0, d1) -> (0, 0)>
module attributes {stable_mosaic.version = 14 : i64} {
  func.func @_sc_s_body(%arg0: i32, %arg1: i32, %arg2: memref<320000xi32, #tpu.memory_space<hbm>>, %arg3: memref<320000xi32, #tpu.memory_space<hbm>>, %arg4: memref<10240xf32, #tpu.memory_space<hbm>>, %arg5: memref<32x10240xf32, #tpu.memory_space<hbm>>, %arg6: memref<10000xi32, #tpu.memory_space<vmem>>, %arg7: memref<10000xi32, #tpu.memory_space<vmem>>, %arg8: memref<10240xf32, #tpu.memory_space<vmem>>, %arg9: memref<10240xf32, #tpu.memory_space<vmem>>) attributes {dimension_semantics = [#tpu.dimension_semantics<core_parallel>, #tpu.dimension_semantics<subcore_parallel>], iteration_bounds = array<i64: 2, 16>, scalar_prefetch = 0 : i64, scratch_operands = 4 : i64, tpu.core_type = #tpu.core_type<sc_vector_subcore>, window_params = [{transform_indices = #map}, {transform_indices = #map}, {transform_indices = #map}, {transform_indices = #map1}]} {
    %mul3A = arith.constant 2 : i32
    %mul3A_0 = arith.muli %arg1, %mul3A : i32
    %add3A = arith.addi %mul3A_0, %arg0 : i32
    %mul3A_1 = arith.constant 10000 : i32
    %mul3A_2 = arith.muli %add3A, %mul3A_1 : i32
    "tpu.region"() ({
      %run_scoped3A = tpu.sem_alloc : memref<!tpu.dma_semaphore, #tpu.memory_space<semaphore_mem>>
      %dma_start3A = tpu.memref_slice %arg2[%mul3A_2] : memref<320000xi32, #tpu.memory_space<hbm>> -> memref<10000xi32, #tpu.memory_space<hbm>>
      %dma_start3A_17 = tpu.memref_slice %arg2[%mul3A_2] : memref<320000xi32, #tpu.memory_space<hbm>> -> memref<10000xi32, #tpu.memory_space<hbm>>
      tpu.enqueue_dma source(%dma_start3A_17 : memref<10000xi32, #tpu.memory_space<hbm>>) target(%arg6 : memref<10000xi32, #tpu.memory_space<vmem>>) target_semaphore(%run_scoped3A : memref<!tpu.dma_semaphore, #tpu.memory_space<semaphore_mem>>)
      %dma_wait3A = tpu.memref_slice %arg2[%mul3A_2] : memref<320000xi32, #tpu.memory_space<hbm>> -> memref<10000xi32, #tpu.memory_space<hbm>>
      %dma_wait3A_18 = tpu.memref_slice %arg2[%mul3A_2] : memref<320000xi32, #tpu.memory_space<hbm>> -> memref<10000xi32, #tpu.memory_space<hbm>>
      tpu.wait_dma2 semaphore(%run_scoped3A : memref<!tpu.dma_semaphore, #tpu.memory_space<semaphore_mem>>) src(%dma_wait3A_18 : memref<10000xi32, #tpu.memory_space<hbm>>) dst(%arg6 : memref<10000xi32, #tpu.memory_space<vmem>>)
      tpu.yield
    }) : () -> ()
    %mul3A_3 = arith.constant 10000 : i32
    %mul3A_4 = arith.muli %add3A, %mul3A_3 : i32
    "tpu.region"() ({
      %run_scoped3A = tpu.sem_alloc : memref<!tpu.dma_semaphore, #tpu.memory_space<semaphore_mem>>
      %dma_start3A = tpu.memref_slice %arg3[%mul3A_4] : memref<320000xi32, #tpu.memory_space<hbm>> -> memref<10000xi32, #tpu.memory_space<hbm>>
      %dma_start3A_17 = tpu.memref_slice %arg3[%mul3A_4] : memref<320000xi32, #tpu.memory_space<hbm>> -> memref<10000xi32, #tpu.memory_space<hbm>>
      tpu.enqueue_dma source(%dma_start3A_17 : memref<10000xi32, #tpu.memory_space<hbm>>) target(%arg7 : memref<10000xi32, #tpu.memory_space<vmem>>) target_semaphore(%run_scoped3A : memref<!tpu.dma_semaphore, #tpu.memory_space<semaphore_mem>>)
      %dma_wait3A = tpu.memref_slice %arg3[%mul3A_4] : memref<320000xi32, #tpu.memory_space<hbm>> -> memref<10000xi32, #tpu.memory_space<hbm>>
      %dma_wait3A_18 = tpu.memref_slice %arg3[%mul3A_4] : memref<320000xi32, #tpu.memory_space<hbm>> -> memref<10000xi32, #tpu.memory_space<hbm>>
      tpu.wait_dma2 semaphore(%run_scoped3A : memref<!tpu.dma_semaphore, #tpu.memory_space<semaphore_mem>>) src(%dma_wait3A_18 : memref<10000xi32, #tpu.memory_space<hbm>>) dst(%arg7 : memref<10000xi32, #tpu.memory_space<vmem>>)
      tpu.yield
    }) : () -> ()
    "tpu.region"() ({
      %run_scoped3A = tpu.sem_alloc : memref<!tpu.dma_semaphore, #tpu.memory_space<semaphore_mem>>
      tpu.enqueue_dma source(%arg4 : memref<10240xf32, #tpu.memory_space<hbm>>) target(%arg8 : memref<10240xf32, #tpu.memory_space<vmem>>) target_semaphore(%run_scoped3A : memref<!tpu.dma_semaphore, #tpu.memory_space<semaphore_mem>>)
      tpu.wait_dma2 semaphore(%run_scoped3A : memref<!tpu.dma_semaphore, #tpu.memory_space<semaphore_mem>>) src(%arg4 : memref<10240xf32, #tpu.memory_space<hbm>>) dst(%arg8 : memref<10240xf32, #tpu.memory_space<vmem>>)
      tpu.yield
    }) : () -> ()
    %broadcast_in_dim3A = arith.constant 0.000000e+00 : f32
    %broadcast_in_dim3A_5 = vector.broadcast %broadcast_in_dim3A : f32 to vector<16xf32>
    %scan3A = arith.constant 0 : i32
    %scan3A_6 = arith.constant 0 : i32
    %scan3A_7 = arith.constant 640 : i32
    %scan3A_8 = arith.addi %scan3A_6, %scan3A_7 : i32
    %scan3A_9 = arith.constant 1 : i32
    scf.for %scan3A_17 = %scan3A_6 to %scan3A_8 step %scan3A_9  : i32 {
      %mul3A_18 = arith.constant 16 : i32
      %mul3A_19 = arith.muli %scan3A_17, %mul3A_18 : i32
      %swap3A = arith.index_cast %mul3A_19 : i32 to index
      %swap3A_20 = tpu.vector_load %arg9[%swap3A] {strides = array<i32>} : memref<10240xf32, #tpu.memory_space<vmem>>, vector<16xf32>,
      tpu.vector_store %arg9[%swap3A], %broadcast_in_dim3A_5 {strides = array<i32>} : memref<10240xf32, #tpu.memory_space<vmem>>, vector<16xf32>,
    }
    %scan3A_10 = arith.constant 640 : i32
    %scan3A_11 = arith.constant 0 : i32
    %scan3A_12 = arith.constant 0 : i32
    %scan3A_13 = arith.constant 625 : i32
    %scan3A_14 = arith.addi %scan3A_12, %scan3A_13 : i32
    %scan3A_15 = arith.constant 1 : i32
    scf.for %scan3A_17 = %scan3A_12 to %scan3A_14 step %scan3A_15  : i32 {
      %mul3A_18 = arith.constant 16 : i32
      %mul3A_19 = arith.muli %scan3A_17, %mul3A_18 : i32
      %get3A = arith.index_cast %mul3A_19 : i32 to index
      %get3A_20 = tpu.vector_load %arg7[%get3A] {strides = array<i32>} : memref<10000xi32, #tpu.memory_space<vmem>>, vector<16xi32>,
      %mul3A_21 = arith.constant 16 : i32
      %mul3A_22 = arith.muli %scan3A_17, %mul3A_21 : i32
      %get3A_23 = arith.index_cast %mul3A_22 : i32 to index
      %get3A_24 = tpu.vector_load %arg6[%get3A_23] {strides = array<i32>} : memref<10000xi32, #tpu.memory_space<vmem>>, vector<16xi32>,
      %gather3A = tpu.vector_load_idx %arg8[%get3A_20] : memref<10240xf32, #tpu.memory_space<vmem>>[vector<16xi32>], vector<16xf32>,
      tpu.vector_store_idx %arg9[%get3A_24], %gather3A {add = true} : memref<10240xf32, #tpu.memory_space<vmem>>[vector<16xi32>], vector<16xf32>,
    }
    %scan3A_16 = arith.constant 625 : i32
    "tpu.region"() ({
      %run_scoped3A = tpu.sem_alloc : memref<!tpu.dma_semaphore, #tpu.memory_space<semaphore_mem>>
      %dma_start3A = arith.constant 0 : i32
      %dma_start3A_17 = tpu.memref_slice %arg5[%add3A, %dma_start3A] : memref<32x10240xf32, #tpu.memory_space<hbm>> -> memref<1x10240xf32, #tpu.memory_space<hbm>>
      %dma_start3A_18 = tpu.memref_squeeze %dma_start3A_17 : memref<1x10240xf32, #tpu.memory_space<hbm>> -> memref<10240xf32, #tpu.memory_space<hbm>>
      %dma_start3A_19 = arith.constant 0 : i32
      %dma_start3A_20 = tpu.memref_slice %arg5[%add3A, %dma_start3A_19] : memref<32x10240xf32, #tpu.memory_space<hbm>> -> memref<1x10240xf32, #tpu.memory_space<hbm>>
      %dma_start3A_21 = tpu.memref_squeeze %dma_start3A_20 : memref<1x10240xf32, #tpu.memory_space<hbm>> -> memref<10240xf32, #tpu.memory_space<hbm>>
      tpu.enqueue_dma source(%arg9 : memref<10240xf32, #tpu.memory_space<vmem>>) target(%dma_start3A_21 : memref<10240xf32, #tpu.memory_space<hbm>>) target_semaphore(%run_scoped3A : memref<!tpu.dma_semaphore, #tpu.memory_space<semaphore_mem>>)
      %dma_wait3A = arith.constant 0 : i32
      %dma_wait3A_22 = tpu.memref_slice %arg5[%add3A, %dma_wait3A] : memref<32x10240xf32, #tpu.memory_space<hbm>> -> memref<1x10240xf32, #tpu.memory_space<hbm>>
      %dma_wait3A_23 = tpu.memref_squeeze %dma_wait3A_22 : memref<1x10240xf32, #tpu.memory_space<hbm>> -> memref<10240xf32, #tpu.memory_space<hbm>>
      %dma_wait3A_24 = arith.constant 0 : i32
      %dma_wait3A_25 = tpu.memref_slice %arg5[%add3A, %dma_wait3A_24] : memref<32x10240xf32, #tpu.memory_space<hbm>> -> memref<1x10240xf32, #tpu.memory_space<hbm>>
      %dma_wait3A_26 = tpu.memref_squeeze %dma_wait3A_25 : memref<1x10240xf32, #tpu.memory_space<hbm>> -> memref<10240xf32, #tpu.memory_space<hbm>>
      tpu.wait_dma2 semaphore(%run_scoped3A : memref<!tpu.dma_semaphore, #tpu.memory_space<semaphore_mem>>) src(%arg9 : memref<10240xf32, #tpu.memory_space<vmem>>) dst(%dma_wait3A_26 : memref<10240xf32, #tpu.memory_space<hbm>>)
      tpu.yield
    }) : () -> ()
    return
  }
}

module attributes {stable_mosaic.version = 14 : i64} {
  func.func @_tc_prep_body(%arg0: i32, %arg1: memref<32x1024xf32, #tpu.memory_space<vmem>>, %arg2: memref<1024x128xf32, #tpu.memory_space<vmem>>, %arg3: memref<1024x1xf32, #tpu.memory_space<vmem>>, %arg4: memref<2x1024x64xf32, #tpu.memory_space<vmem>>) attributes {dimension_semantics = [#tpu.dimension_semantics<arbitrary>], iteration_bounds = array<i64: 10>, scalar_prefetch = 0 : i64, scratch_operands = 0 : i64, tpu.core_type = #tpu.core_type<tc>, window_params = [{transform_indices = @transform_0, window_bounds = array<i64: 32, 1024>}, {transform_indices = @transform_1, window_bounds = array<i64: 1024, 128>}, {transform_indices = @transform_2, window_bounds = array<i64: 1024, 1>}, {transform_indices = @transform_3, window_bounds = array<i64: 2, 1024, 64>}]} {
    %get3A = arith.constant 0 : index
    %get3A_0 = arith.constant 0 : index
    %get3A_1 = vector.load %arg1[%get3A, %get3A_0] : memref<32x1024xf32, #tpu.memory_space<vmem>>, vector<32x1024xf32>
    %reduce_sum3A = arith.constant dense<0.000000e+00> : vector<1024xf32>
    %reduce_sum3A_2 = vector.multi_reduction <add>, %get3A_1, %reduce_sum3A [0] : vector<32x1024xf32> to vector<1024xf32>
    %add3A = arith.constant 1.000000e+00 : f32
    %add3A_3 = vector.broadcast %add3A : f32 to vector<1024xf32>
    %add3A_4 = arith.addf %add3A_3, %reduce_sum3A_2 : vector<1024xf32>
    %rsqrt3A = math.rsqrt %add3A_4 : vector<1024xf32>
    %broadcast_in_dim3A = vector.shape_cast %rsqrt3A : vector<1024xf32> to vector<1024x1xf32>
    %swap3A = arith.constant 0 : index
    %swap3A_5 = arith.constant 0 : index
    %swap3A_6 = vector.load %arg3[%swap3A, %swap3A_5] : memref<1024x1xf32, #tpu.memory_space<vmem>>, vector<1024x1xf32>
    tpu.vector_store %arg3[%swap3A, %swap3A_5], %broadcast_in_dim3A {strides = array<i32>} : memref<1024x1xf32, #tpu.memory_space<vmem>>, vector<1024x1xf32>,
    %get3A_7 = arith.constant 0 : index
    %get3A_8 = arith.constant 0 : index
    %get3A_9 = vector.load %arg2[%get3A_7, %get3A_8] : memref<1024x128xf32, #tpu.memory_space<vmem>>, vector<1024x128xf32>
    %broadcast_in_dim3A_10 = vector.shape_cast %rsqrt3A : vector<1024xf32> to vector<1024x1xf32>
    %mul3A = vector.broadcast %broadcast_in_dim3A_10 : vector<1024x1xf32> to vector<1024x128xf32>
    %mul3A_11 = arith.mulf %get3A_9, %mul3A : vector<1024x128xf32>
    %slice3A = vector.extract_strided_slice %mul3A_11 {offsets = [0, 0], sizes = [1024, 64], strides = [1, 1]} : vector<1024x128xf32> to vector<1024x64xf32>
    %swap3A_12 = arith.constant 0 : index
    %swap3A_13 = arith.constant 0 : index
    %swap3A_14 = arith.constant 0 : index
    %swap3A_15 = vector.load %arg4[%swap3A_12, %swap3A_13, %swap3A_14] : memref<2x1024x64xf32, #tpu.memory_space<vmem>>, vector<1x1024x64xf32>
    %swap3A_16 = vector.shape_cast %swap3A_15 : vector<1x1024x64xf32> to vector<1024x64xf32>
    %swap3A_17 = vector.shape_cast %slice3A : vector<1024x64xf32> to vector<1x1024x64xf32>
    tpu.vector_store %arg4[%swap3A_12, %swap3A_13, %swap3A_14], %swap3A_17 {strides = array<i32>} : memref<2x1024x64xf32, #tpu.memory_space<vmem>>, vector<1x1024x64xf32>,
    %slice3A_18 = vector.extract_strided_slice %mul3A_11 {offsets = [0, 64], sizes = [1024, 64], strides = [1, 1]} : vector<1024x128xf32> to vector<1024x64xf32>
    %swap3A_19 = arith.constant 1 : index
    %swap3A_20 = arith.constant 0 : index
    %swap3A_21 = arith.constant 0 : index
    %swap3A_22 = vector.load %arg4[%swap3A_19, %swap3A_20, %swap3A_21] : memref<2x1024x64xf32, #tpu.memory_space<vmem>>, vector<1x1024x64xf32>
    %swap3A_23 = vector.shape_cast %swap3A_22 : vector<1x1024x64xf32> to vector<1024x64xf32>
    %swap3A_24 = vector.shape_cast %slice3A_18 : vector<1024x64xf32> to vector<1x1024x64xf32>
    tpu.vector_store %arg4[%swap3A_19, %swap3A_20, %swap3A_21], %swap3A_24 {strides = array<i32>} : memref<2x1024x64xf32, #tpu.memory_space<vmem>>, vector<1x1024x64xf32>,
    return
  }
  func.func @transform_0(%arg0: i32) -> (i32, i32) {
    %c0_i32 = arith.constant 0 : i32
    %c0_i32_0 = arith.constant 0 : i32
    return %c0_i32, %arg0 : i32, i32
  }
  func.func @transform_1(%arg0: i32) -> (i32, i32) {
    %c0_i32 = arith.constant 0 : i32
    %c0_i32_0 = arith.constant 0 : i32
    return %arg0, %c0_i32 : i32, i32
  }
  func.func @transform_2(%arg0: i32) -> (i32, i32) {
    %c0_i32 = arith.constant 0 : i32
    %c0_i32_0 = arith.constant 0 : i32
    return %arg0, %c0_i32 : i32, i32
  }
  func.func @transform_3(%arg0: i32) -> (i32, i32, i32) {
    %c0_i32 = arith.constant 0 : i32
    %c0_i32_0 = arith.constant 0 : i32
    %c0_i32_1 = arith.constant 0 : i32
    return %c0_i32, %arg0, %c0_i32_0 : i32, i32, i32
  }
}

module attributes {stable_mosaic.version = 14 : i64} {
  func.func @_tc_layer_body(%arg0: i32, %arg1: memref<2x1024x64xf32, #tpu.memory_space<vmem>>, %arg2: memref<2x1024x64xf32, #tpu.memory_space<vmem>>, %arg3: memref<1024x1xf32, #tpu.memory_space<vmem>>, %arg4: memref<128x128xf32, #tpu.memory_space<vmem>>, %arg5: memref<128xf32, #tpu.memory_space<vmem>>, %arg6: memref<2x1024x64xf32, #tpu.memory_space<vmem>>) attributes {dimension_semantics = [#tpu.dimension_semantics<arbitrary>], iteration_bounds = array<i64: 10>, scalar_prefetch = 0 : i64, scratch_operands = 0 : i64, tpu.core_type = #tpu.core_type<tc>, window_params = [{transform_indices = @transform_0, window_bounds = array<i64: 2, 1024, 64>}, {transform_indices = @transform_1, window_bounds = array<i64: 2, 1024, 64>}, {transform_indices = @transform_2, window_bounds = array<i64: 1024, 1>}, {pipeline_mode = #tpu.pipeline_mode<synchronous>, transform_indices = @transform_3, window_bounds = array<i64: 128, 128>}, {pipeline_mode = #tpu.pipeline_mode<synchronous>, transform_indices = @transform_4, window_bounds = array<i64: 128>}, {transform_indices = @transform_5, window_bounds = array<i64: 2, 1024, 64>}]} {
    %get3A = arith.constant 0 : index
    %get3A_0 = arith.constant 0 : index
    %get3A_1 = vector.load %arg3[%get3A, %get3A_0] : memref<1024x1xf32, #tpu.memory_space<vmem>>, vector<1024x1xf32>
    %get3A_2 = arith.constant 0 : index
    %get3A_3 = arith.constant 0 : index
    %get3A_4 = arith.constant 0 : index
    %get3A_5 = vector.load %arg1[%get3A_2, %get3A_3, %get3A_4] : memref<2x1024x64xf32, #tpu.memory_space<vmem>>, vector<1x1024x64xf32>
    %get3A_6 = vector.shape_cast %get3A_5 : vector<1x1024x64xf32> to vector<1024x64xf32>
    %get3A_7 = arith.constant 0 : index
    %get3A_8 = arith.constant 0 : index
    %get3A_9 = arith.constant 0 : index
    %get3A_10 = vector.load %arg2[%get3A_7, %get3A_8, %get3A_9] : memref<2x1024x64xf32, #tpu.memory_space<vmem>>, vector<1x1024x64xf32>
    %get3A_11 = vector.shape_cast %get3A_10 : vector<1x1024x64xf32> to vector<1024x64xf32>
    %add3A = arith.addf %get3A_6, %get3A_11 : vector<1024x64xf32>
    %mul3A = vector.broadcast %get3A_1 : vector<1024x1xf32> to vector<1024x64xf32>
    %mul3A_12 = arith.mulf %mul3A, %add3A : vector<1024x64xf32>
    %get3A_13 = arith.constant 1 : index
    %get3A_14 = arith.constant 0 : index
    %get3A_15 = arith.constant 0 : index
    %get3A_16 = vector.load %arg1[%get3A_13, %get3A_14, %get3A_15] : memref<2x1024x64xf32, #tpu.memory_space<vmem>>, vector<1x1024x64xf32>
    %get3A_17 = vector.shape_cast %get3A_16 : vector<1x1024x64xf32> to vector<1024x64xf32>
    %get3A_18 = arith.constant 1 : index
    %get3A_19 = arith.constant 0 : index
    %get3A_20 = arith.constant 0 : index
    %get3A_21 = vector.load %arg2[%get3A_18, %get3A_19, %get3A_20] : memref<2x1024x64xf32, #tpu.memory_space<vmem>>, vector<1x1024x64xf32>
    %get3A_22 = vector.shape_cast %get3A_21 : vector<1x1024x64xf32> to vector<1024x64xf32>
    %add3A_23 = arith.addf %get3A_17, %get3A_22 : vector<1024x64xf32>
    %mul3A_24 = vector.broadcast %get3A_1 : vector<1024x1xf32> to vector<1024x64xf32>
    %mul3A_25 = arith.mulf %mul3A_24, %add3A_23 : vector<1024x64xf32>
    %get3A_26 = arith.constant 0 : index
    %get3A_27 = arith.constant 0 : index
    %get3A_28 = vector.load %arg4[%get3A_26, %get3A_27] : memref<128x128xf32, #tpu.memory_space<vmem>>, vector<64x128xf32>
    %dot_general3A = arith.constant dense<0.000000e+00> : vector<1024x128xf32>
    %dot_general3A_29 = tpu.matmul %mul3A_12, %get3A_28, %dot_general3A {dimension_numbers = #tpu.dot_dimension_numbers<[1], [0], [0], [1], [0, 0, 1, 1], [], []>, transpose_lhs_hint = false} : vector<1024x64xf32>, vector<64x128xf32>, vector<1024x128xf32> -> vector<1024x128xf32>
    %get3A_30 = arith.constant 64 : index
    %get3A_31 = arith.constant 0 : index
    %get3A_32 = vector.load %arg4[%get3A_30, %get3A_31] : memref<128x128xf32, #tpu.memory_space<vmem>>, vector<64x128xf32>
    %dot_general3A_33 = arith.constant dense<0.000000e+00> : vector<1024x128xf32>
    %dot_general3A_34 = tpu.matmul %mul3A_25, %get3A_32, %dot_general3A_33 {dimension_numbers = #tpu.dot_dimension_numbers<[1], [0], [0], [1], [0, 0, 1, 1], [], []>, transpose_lhs_hint = false} : vector<1024x64xf32>, vector<64x128xf32>, vector<1024x128xf32> -> vector<1024x128xf32>
    %add3A_35 = arith.addf %dot_general3A_29, %dot_general3A_34 : vector<1024x128xf32>
    %get3A_36 = arith.constant 0 : index
    %get3A_37 = vector.load %arg5[%get3A_36] : memref<128xf32, #tpu.memory_space<vmem>>, vector<128xf32>
    %broadcast_in_dim3A = vector.shape_cast %get3A_37 : vector<128xf32> to vector<1x128xf32>
    %add3A_38 = vector.broadcast %broadcast_in_dim3A : vector<1x128xf32> to vector<1024x128xf32>
    %add3A_39 = arith.addf %add3A_35, %add3A_38 : vector<1024x128xf32>
    %max3A = arith.constant 0.000000e+00 : f32
    %max3A_40 = vector.broadcast %max3A : f32 to vector<1024x128xf32>
    %max3A_41 = arith.maximumf %add3A_39, %max3A_40 : vector<1024x128xf32>
    %get3A_42 = arith.constant 0 : index
    %get3A_43 = arith.constant 0 : index
    %get3A_44 = vector.load %arg3[%get3A_42, %get3A_43] : memref<1024x1xf32, #tpu.memory_space<vmem>>, vector<1024x1xf32>
    %mul3A_45 = vector.broadcast %get3A_44 : vector<1024x1xf32> to vector<1024x128xf32>
    %mul3A_46 = arith.mulf %max3A_41, %mul3A_45 : vector<1024x128xf32>
    %slice3A = vector.extract_strided_slice %mul3A_46 {offsets = [0, 0], sizes = [1024, 64], strides = [1, 1]} : vector<1024x128xf32> to vector<1024x64xf32>
    %swap3A = arith.constant 0 : index
    %swap3A_47 = arith.constant 0 : index
    %swap3A_48 = arith.constant 0 : index
    %swap3A_49 = vector.load %arg6[%swap3A, %swap3A_47, %swap3A_48] : memref<2x1024x64xf32, #tpu.memory_space<vmem>>, vector<1x1024x64xf32>
    %swap3A_50 = vector.shape_cast %swap3A_49 : vector<1x1024x64xf32> to vector<1024x64xf32>
    %swap3A_51 = vector.shape_cast %slice3A : vector<1024x64xf32> to vector<1x1024x64xf32>
    tpu.vector_store %arg6[%swap3A, %swap3A_47, %swap3A_48], %swap3A_51 {strides = array<i32>} : memref<2x1024x64xf32, #tpu.memory_space<vmem>>, vector<1x1024x64xf32>,
    %slice3A_52 = vector.extract_strided_slice %mul3A_46 {offsets = [0, 64], sizes = [1024, 64], strides = [1, 1]} : vector<1024x128xf32> to vector<1024x64xf32>
    %swap3A_53 = arith.constant 1 : index
    %swap3A_54 = arith.constant 0 : index
    %swap3A_55 = arith.constant 0 : index
    %swap3A_56 = vector.load %arg6[%swap3A_53, %swap3A_54, %swap3A_55] : memref<2x1024x64xf32, #tpu.memory_space<vmem>>, vector<1x1024x64xf32>
    %swap3A_57 = vector.shape_cast %swap3A_56 : vector<1x1024x64xf32> to vector<1024x64xf32>
    %swap3A_58 = vector.shape_cast %slice3A_52 : vector<1024x64xf32> to vector<1x1024x64xf32>
    tpu.vector_store %arg6[%swap3A_53, %swap3A_54, %swap3A_55], %swap3A_58 {strides = array<i32>} : memref<2x1024x64xf32, #tpu.memory_space<vmem>>, vector<1x1024x64xf32>,
    return
  }
  func.func @transform_0(%arg0: i32) -> (i32, i32, i32) {
    %c0_i32 = arith.constant 0 : i32
    %c0_i32_0 = arith.constant 0 : i32
    %c0_i32_1 = arith.constant 0 : i32
    return %c0_i32, %arg0, %c0_i32_0 : i32, i32, i32
  }
  func.func @transform_1(%arg0: i32) -> (i32, i32, i32) {
    %c0_i32 = arith.constant 0 : i32
    %c0_i32_0 = arith.constant 0 : i32
    %c0_i32_1 = arith.constant 0 : i32
    return %c0_i32, %arg0, %c0_i32_0 : i32, i32, i32
  }
  func.func @transform_2(%arg0: i32) -> (i32, i32) {
    %c0_i32 = arith.constant 0 : i32
    %c0_i32_0 = arith.constant 0 : i32
    return %arg0, %c0_i32 : i32, i32
  }
  func.func @transform_3(%arg0: i32) -> (i32, i32) {
    %c0_i32 = arith.constant 0 : i32
    %c0_i32_0 = arith.constant 0 : i32
    %c0_i32_1 = arith.constant 0 : i32
    return %c0_i32, %c0_i32_0 : i32, i32
  }
  func.func @transform_4(%arg0: i32) -> i32 {
    %c0_i32 = arith.constant 0 : i32
    %c0_i32_0 = arith.constant 0 : i32
    return %c0_i32 : i32
  }
  func.func @transform_5(%arg0: i32) -> (i32, i32, i32) {
    %c0_i32 = arith.constant 0 : i32
    %c0_i32_0 = arith.constant 0 : i32
    %c0_i32_1 = arith.constant 0 : i32
    return %c0_i32, %arg0, %c0_i32_0 : i32, i32, i32
  }
}

module attributes {stable_mosaic.version = 14 : i64} {
  func.func @_tc_final_body(%arg0: i32, %arg1: memref<2x1024x64xf32, #tpu.memory_space<vmem>>, %arg2: memref<2x1024x64xf32, #tpu.memory_space<vmem>>, %arg3: memref<1024x1xf32, #tpu.memory_space<vmem>>, %arg4: memref<32x1024xf32, #tpu.memory_space<vmem>>, %arg5: memref<1024x1xf32, #tpu.memory_space<vmem>>, %arg6: memref<128x128xf32, #tpu.memory_space<vmem>>, %arg7: memref<128xf32, #tpu.memory_space<vmem>>, %arg8: memref<128x40xf32, #tpu.memory_space<vmem>>, %arg9: memref<40xf32, #tpu.memory_space<vmem>>, %arg10: memref<1x40xf32, #tpu.memory_space<vmem>>, %arg11: memref<1x128xf32, #tpu.memory_space<vmem>>) attributes {dimension_semantics = [#tpu.dimension_semantics<arbitrary>], iteration_bounds = array<i64: 10>, scalar_prefetch = 0 : i64, scratch_operands = 1 : i64, tpu.core_type = #tpu.core_type<tc>, window_params = [{transform_indices = @transform_0, window_bounds = array<i64: 2, 1024, 64>}, {transform_indices = @transform_1, window_bounds = array<i64: 2, 1024, 64>}, {transform_indices = @transform_2, window_bounds = array<i64: 1024, 1>}, {transform_indices = @transform_3, window_bounds = array<i64: 32, 1024>}, {transform_indices = @transform_4, window_bounds = array<i64: 1024, 1>}, {pipeline_mode = #tpu.pipeline_mode<synchronous>, transform_indices = @transform_5, window_bounds = array<i64: 128, 128>}, {pipeline_mode = #tpu.pipeline_mode<synchronous>, transform_indices = @transform_6, window_bounds = array<i64: 128>}, {pipeline_mode = #tpu.pipeline_mode<synchronous>, transform_indices = @transform_7, window_bounds = array<i64: 128, 40>}, {pipeline_mode = #tpu.pipeline_mode<synchronous>, transform_indices = @transform_8, window_bounds = array<i64: 40>}, {pipeline_mode = #tpu.pipeline_mode<synchronous>, transform_indices = @transform_9, window_bounds = array<i64: 1, 40>}]} {
    %get3A = arith.constant 0 : index
    %get3A_0 = arith.constant 0 : index
    %get3A_1 = vector.load %arg3[%get3A, %get3A_0] : memref<1024x1xf32, #tpu.memory_space<vmem>>, vector<1024x1xf32>
    %get3A_2 = arith.constant 0 : index
    %get3A_3 = arith.constant 0 : index
    %get3A_4 = arith.constant 0 : index
    %get3A_5 = vector.load %arg1[%get3A_2, %get3A_3, %get3A_4] : memref<2x1024x64xf32, #tpu.memory_space<vmem>>, vector<1x1024x64xf32>
    %get3A_6 = vector.shape_cast %get3A_5 : vector<1x1024x64xf32> to vector<1024x64xf32>
    %get3A_7 = arith.constant 0 : index
    %get3A_8 = arith.constant 0 : index
    %get3A_9 = arith.constant 0 : index
    %get3A_10 = vector.load %arg2[%get3A_7, %get3A_8, %get3A_9] : memref<2x1024x64xf32, #tpu.memory_space<vmem>>, vector<1x1024x64xf32>
    %get3A_11 = vector.shape_cast %get3A_10 : vector<1x1024x64xf32> to vector<1024x64xf32>
    %add3A = arith.addf %get3A_6, %get3A_11 : vector<1024x64xf32>
    %mul3A = vector.broadcast %get3A_1 : vector<1024x1xf32> to vector<1024x64xf32>
    %mul3A_12 = arith.mulf %mul3A, %add3A : vector<1024x64xf32>
    %get3A_13 = arith.constant 1 : index
    %get3A_14 = arith.constant 0 : index
    %get3A_15 = arith.constant 0 : index
    %get3A_16 = vector.load %arg1[%get3A_13, %get3A_14, %get3A_15] : memref<2x1024x64xf32, #tpu.memory_space<vmem>>, vector<1x1024x64xf32>
    %get3A_17 = vector.shape_cast %get3A_16 : vector<1x1024x64xf32> to vector<1024x64xf32>
    %get3A_18 = arith.constant 1 : index
    %get3A_19 = arith.constant 0 : index
    %get3A_20 = arith.constant 0 : index
    %get3A_21 = vector.load %arg2[%get3A_18, %get3A_19, %get3A_20] : memref<2x1024x64xf32, #tpu.memory_space<vmem>>, vector<1x1024x64xf32>
    %get3A_22 = vector.shape_cast %get3A_21 : vector<1x1024x64xf32> to vector<1024x64xf32>
    %add3A_23 = arith.addf %get3A_17, %get3A_22 : vector<1024x64xf32>
    %mul3A_24 = vector.broadcast %get3A_1 : vector<1024x1xf32> to vector<1024x64xf32>
    %mul3A_25 = arith.mulf %mul3A_24, %add3A_23 : vector<1024x64xf32>
    %get3A_26 = arith.constant 0 : index
    %get3A_27 = arith.constant 0 : index
    %get3A_28 = vector.load %arg6[%get3A_26, %get3A_27] : memref<128x128xf32, #tpu.memory_space<vmem>>, vector<64x128xf32>
    %dot_general3A = arith.constant dense<0.000000e+00> : vector<1024x128xf32>
    %dot_general3A_29 = tpu.matmul %mul3A_12, %get3A_28, %dot_general3A {dimension_numbers = #tpu.dot_dimension_numbers<[1], [0], [0], [1], [0, 0, 1, 1], [], []>, transpose_lhs_hint = false} : vector<1024x64xf32>, vector<64x128xf32>, vector<1024x128xf32> -> vector<1024x128xf32>
    %get3A_30 = arith.constant 64 : index
    %get3A_31 = arith.constant 0 : index
    %get3A_32 = vector.load %arg6[%get3A_30, %get3A_31] : memref<128x128xf32, #tpu.memory_space<vmem>>, vector<64x128xf32>
    %dot_general3A_33 = arith.constant dense<0.000000e+00> : vector<1024x128xf32>
    %dot_general3A_34 = tpu.matmul %mul3A_25, %get3A_32, %dot_general3A_33 {dimension_numbers = #tpu.dot_dimension_numbers<[1], [0], [0], [1], [0, 0, 1, 1], [], []>, transpose_lhs_hint = false} : vector<1024x64xf32>, vector<64x128xf32>, vector<1024x128xf32> -> vector<1024x128xf32>
    %add3A_35 = arith.addf %dot_general3A_29, %dot_general3A_34 : vector<1024x128xf32>
    %get3A_36 = arith.constant 0 : index
    %get3A_37 = vector.load %arg7[%get3A_36] : memref<128xf32, #tpu.memory_space<vmem>>, vector<128xf32>
    %broadcast_in_dim3A = vector.shape_cast %get3A_37 : vector<128xf32> to vector<1x128xf32>
    %add3A_38 = vector.broadcast %broadcast_in_dim3A : vector<1x128xf32> to vector<1024x128xf32>
    %add3A_39 = arith.addf %add3A_35, %add3A_38 : vector<1024x128xf32>
    %max3A = arith.constant 0.000000e+00 : f32
    %max3A_40 = vector.broadcast %max3A : f32 to vector<1024x128xf32>
    %max3A_41 = arith.maximumf %add3A_39, %max3A_40 : vector<1024x128xf32>
    %get3A_42 = arith.constant 0 : index
    %get3A_43 = arith.constant 0 : index
    %get3A_44 = vector.load %arg3[%get3A_42, %get3A_43] : memref<1024x1xf32, #tpu.memory_space<vmem>>, vector<1024x1xf32>
    %get3A_45 = arith.constant 0 : index
    %get3A_46 = arith.constant 0 : index
    %get3A_47 = vector.load %arg4[%get3A_45, %get3A_46] : memref<32x1024xf32, #tpu.memory_space<vmem>>, vector<32x1024xf32>
    %reduce_sum3A = arith.constant dense<0.000000e+00> : vector<1024xf32>
    %reduce_sum3A_48 = vector.multi_reduction <add>, %get3A_47, %reduce_sum3A [0] : vector<32x1024xf32> to vector<1024xf32>
    %broadcast_in_dim3A_49 = vector.shape_cast %reduce_sum3A_48 : vector<1024xf32> to vector<1024x1xf32>
    %get3A_50 = arith.constant 0 : index
    %get3A_51 = arith.constant 0 : index
    %get3A_52 = vector.load %arg5[%get3A_50, %get3A_51] : memref<1024x1xf32, #tpu.memory_space<vmem>>, vector<1024x1xf32>
    %mul3A_53 = arith.mulf %get3A_52, %get3A_44 : vector<1024x1xf32>
    %add3A_54 = arith.addf %get3A_44, %broadcast_in_dim3A_49 : vector<1024x1xf32>
    %mul3A_55 = arith.mulf %mul3A_53, %add3A_54 : vector<1024x1xf32>
    %mul3A_56 = vector.broadcast %mul3A_55 : vector<1024x1xf32> to vector<1024x128xf32>
    %mul3A_57 = arith.mulf %mul3A_56, %max3A_41 : vector<1024x128xf32>
    %reduce_sum3A_58 = arith.constant dense<0.000000e+00> : vector<128xf32>
    %reduce_sum3A_59 = vector.multi_reduction <add>, %mul3A_57, %reduce_sum3A_58 [0] : vector<1024x128xf32> to vector<128xf32>
    %broadcast_in_dim3A_60 = vector.shape_cast %reduce_sum3A_59 : vector<128xf32> to vector<1x128xf32>
    %eq3A = arith.constant 0 : i32
    %eq3A_61 = arith.cmpi eq, %arg0, %eq3A : i32
    %convert_element_type3A = arith.extui %eq3A_61 : i1 to i32
    %cond3A = arith.constant 0 : i32
    %cond3A_62 = arith.cmpi ne, %convert_element_type3A, %cond3A : i32
    scf.if %cond3A_62 {
      %swap3A = arith.constant 0 : index
      %swap3A_72 = arith.constant 0 : index
      %swap3A_73 = vector.load %arg11[%swap3A, %swap3A_72] : memref<1x128xf32, #tpu.memory_space<vmem>>, vector<1x128xf32>
      tpu.vector_store %arg11[%swap3A, %swap3A_72], %broadcast_in_dim3A_60 {strides = array<i32>} : memref<1x128xf32, #tpu.memory_space<vmem>>, vector<1x128xf32>,
    } else {
    }
    %gt3A = arith.constant 0 : i32
    %gt3A_63 = arith.cmpi sgt, %arg0, %gt3A : i32
    %convert_element_type3A_64 = arith.extui %gt3A_63 : i1 to i32
    %cond3A_65 = arith.constant 0 : i32
    %cond3A_66 = arith.cmpi ne, %convert_element_type3A_64, %cond3A_65 : i32
    scf.if %cond3A_66 {
      %get3A_72 = arith.constant 0 : index
      %get3A_73 = arith.constant 0 : index
      %get3A_74 = vector.load %arg11[%get3A_72, %get3A_73] : memref<1x128xf32, #tpu.memory_space<vmem>>, vector<1x128xf32>
      %add3A_75 = arith.addf %get3A_74, %broadcast_in_dim3A_60 : vector<1x128xf32>
      %swap3A = arith.constant 0 : index
      %swap3A_76 = arith.constant 0 : index
      %swap3A_77 = vector.load %arg11[%swap3A, %swap3A_76] : memref<1x128xf32, #tpu.memory_space<vmem>>, vector<1x128xf32>
      tpu.vector_store %arg11[%swap3A, %swap3A_76], %add3A_75 {strides = array<i32>} : memref<1x128xf32, #tpu.memory_space<vmem>>, vector<1x128xf32>,
    } else {
    }
    %eq3A_67 = arith.constant 9 : i32
    %eq3A_68 = arith.cmpi eq, %arg0, %eq3A_67 : i32
    %convert_element_type3A_69 = arith.extui %eq3A_68 : i1 to i32
    %cond3A_70 = arith.constant 0 : i32
    %cond3A_71 = arith.cmpi ne, %convert_element_type3A_69, %cond3A_70 : i32
    scf.if %cond3A_71 {
      %get3A_72 = arith.constant 0 : index
      %get3A_73 = arith.constant 0 : index
      %get3A_74 = vector.load %arg11[%get3A_72, %get3A_73] : memref<1x128xf32, #tpu.memory_space<vmem>>, vector<1x128xf32>
      %mul3A_75 = arith.constant 9.99999974E-5 : f32
      %mul3A_76 = vector.broadcast %mul3A_75 : f32 to vector<1x128xf32>
      %mul3A_77 = arith.mulf %get3A_74, %mul3A_76 : vector<1x128xf32>
      %get3A_78 = arith.constant 0 : index
      %get3A_79 = arith.constant 0 : index
      %get3A_80 = vector.load %arg8[%get3A_78, %get3A_79] : memref<128x40xf32, #tpu.memory_space<vmem>>, vector<128x40xf32>
      %dot_general3A_81 = arith.constant dense<0.000000e+00> : vector<1x40xf32>
      %dot_general3A_82 = tpu.matmul %mul3A_77, %get3A_80, %dot_general3A_81 {dimension_numbers = #tpu.dot_dimension_numbers<[1], [0], [0], [1], [0, 0, 1, 1], [], []>, transpose_lhs_hint = false} : vector<1x128xf32>, vector<128x40xf32>, vector<1x40xf32> -> vector<1x40xf32>
      %get3A_83 = arith.constant 0 : index
      %get3A_84 = vector.load %arg9[%get3A_83] : memref<40xf32, #tpu.memory_space<vmem>>, vector<40xf32>
      %broadcast_in_dim3A_85 = vector.shape_cast %get3A_84 : vector<40xf32> to vector<1x40xf32>
      %add3A_86 = arith.addf %dot_general3A_82, %broadcast_in_dim3A_85 : vector<1x40xf32>
      %swap3A = arith.constant 0 : index
      %swap3A_87 = arith.constant 0 : index
      %swap3A_88 = vector.load %arg10[%swap3A, %swap3A_87] : memref<1x40xf32, #tpu.memory_space<vmem>>, vector<1x40xf32>
      tpu.vector_store %arg10[%swap3A, %swap3A_87], %add3A_86 {strides = array<i32>} : memref<1x40xf32, #tpu.memory_space<vmem>>, vector<1x40xf32>,
    } else {
    }
    return
  }
  func.func @transform_0(%arg0: i32) -> (i32, i32, i32) {
    %c0_i32 = arith.constant 0 : i32
    %c0_i32_0 = arith.constant 0 : i32
    %c0_i32_1 = arith.constant 0 : i32
    return %c0_i32, %arg0, %c0_i32_0 : i32, i32, i32
  }
  func.func @transform_1(%arg0: i32) -> (i32, i32, i32) {
    %c0_i32 = arith.constant 0 : i32
    %c0_i32_0 = arith.constant 0 : i32
    %c0_i32_1 = arith.constant 0 : i32
    return %c0_i32, %arg0, %c0_i32_0 : i32, i32, i32
  }
  func.func @transform_2(%arg0: i32) -> (i32, i32) {
    %c0_i32 = arith.constant 0 : i32
    %c0_i32_0 = arith.constant 0 : i32
    return %arg0, %c0_i32 : i32, i32
  }
  func.func @transform_3(%arg0: i32) -> (i32, i32) {
    %c0_i32 = arith.constant 0 : i32
    %c0_i32_0 = arith.constant 0 : i32
    return %c0_i32, %arg0 : i32, i32
  }
  func.func @transform_4(%arg0: i32) -> (i32, i32) {
    %c0_i32 = arith.constant 0 : i32
    %c0_i32_0 = arith.constant 0 : i32
    return %arg0, %c0_i32 : i32, i32
  }
  func.func @transform_5(%arg0: i32) -> (i32, i32) {
    %c0_i32 = arith.constant 0 : i32
    %c0_i32_0 = arith.constant 0 : i32
    %c0_i32_1 = arith.constant 0 : i32
    return %c0_i32, %c0_i32_0 : i32, i32
  }
  func.func @transform_6(%arg0: i32) -> i32 {
    %c0_i32 = arith.constant 0 : i32
    %c0_i32_0 = arith.constant 0 : i32
    return %c0_i32 : i32
  }
  func.func @transform_7(%arg0: i32) -> (i32, i32) {
    %c0_i32 = arith.constant 0 : i32
    %c0_i32_0 = arith.constant 0 : i32
    %c0_i32_1 = arith.constant 0 : i32
    return %c0_i32, %c0_i32_0 : i32, i32
  }
  func.func @transform_8(%arg0: i32) -> i32 {
    %c0_i32 = arith.constant 0 : i32
    %c0_i32_0 = arith.constant 0 : i32
    return %c0_i32 : i32
  }
  func.func @transform_9(%arg0: i32) -> (i32, i32) {
    %c0_i32 = arith.constant 0 : i32
    %c0_i32_0 = arith.constant 0 : i32
    %c0_i32_1 = arith.constant 0 : i32
    return %c0_i32, %c0_i32_0 : i32, i32
  }
}

</mosaic_0001>

<sc_bundles>
// kernel: kernel.11.cloned.1.call-start
scs
__scs_entry_jumppad:
0x0: {  	(pc) =	sbr.rel $0x88, $3  }
0x1: {  	(tag) =	ssettag $0x0;
	lr =	simm.s32 $0x1  }
0x2: {  	[smem:$0x3F97] =	sst lr;
	_ =	strace $0xD0000000  }
0x3: {  	_ = 	snop  }
0x4: {  	_ = 	snop  }
0x5: {  	_ = 	snop  }
0x6: {  	_ = 	snop  }
0x7: {  	_ = 	snop  }
__scs_overlays_trampoline_lowered:
0x8: {  	[smem:$0x3FA6] =	sst s0  }
0x9: {  	[smem:$0x3FA7] =	sst s1  }
0xa: {  	[smem:$0x3FA8] =	sst s2  }
0xb: {  	[smem:$0x3FA9] =	sst s3  }
0xc: {  	[smem:$0x3FAA] =	sst s4  }
0xd: {  	[smem:$0x3FAB] =	sst s5  }
0xe: {  	[smem:$0x3FAC] =	sst s6  }
0xf: {  	[smem:$0x3FAD] =	sst s7  }
0x10: {  	[smem:$0x3FAE] =	sst s8  }
0x11: {  	[smem:$0x3FAF] =	sst s9;
	s0 =	simm.s32 @!p0 $0x0  }
0x12: {  	s1 =	sld [smem:$0x3F95];
	s0 =	simm.s32 @p0 $0x1  }
0x13: {  	[smem:$0x3FB0] =	sst s0;
	s0 =	simm.s32 @!p1 $0x0  }
0x14: {  	s2 =	sld [smem:$0x3F94];
	s0 =	simm.s32 @p1 $0x1  }
0x15: {  	[smem:$0x3FB1] =	sst s0;
	s0 =	simm.s32 @!p2 $0x0  }
0x16: {  	s3 =	sld [smem:$0x3FDB];
	s0 =	simm.s32 @p2 $0x1  }
0x17: {  	s4 =	simm.s32 $0x1BF5;
	[smem:$0x3FB3] =	sst s0  }
0x18: {  	s0 =	sld [smem:$0x3F96];
	_ =	swait.ge [sflag:s4], $0x0  }
0x19: {  	s7 =	sld [smem:$0x3F97]  }
0x1a: {  	s8 =	sadd.s32 $0xFFFFE003, lr  }
0x1b: {  	s9 =	sadd.s32 $0xFFFFFEF7, lr;
	s5 =	simm.s32 $0xFFFFFFFF;
	p2 =	slt.u32 s8, $0xFFFFF086  }
0x1c: {  	p1 =	slt.u32 s9, $0xF7A;
	s5 =	simm.s32 @!p2 $0x0  }
0x1d: {  	s5 =	simm.s32 @p1 $0x1;
	p0 =	seq.s32 s7, s2  }
0x1e: {  	s7 =	smul.u32 @!p0 $0xF7A, s2;
	p2 =	seq.s32 @!p0 s5, $0x0  }
0x1f: {  	s9 =	smul.u32 $0xF7A, s1;
	s8 =	simm.s32 @!p0 $0x1BF5;
	p2 =	por !p2, p0  }
0x20: {  	[sflag:s8] =	ssyncset.s32 @!p0 $0xFFFFF086;
	s6 =	sadd.s32 @!p0 s3, s7;
	s7 =	simm.s32 @!p0 $0x108  }
0x21: {  	s3 =	sadd.s32 s3, s9;
	s6 =	sadd.s32 @!p0 $0x88, s6;
	s7 =	simm.s32 @p2 $0x1082  }
0x22: {  	[simem:s7], [sflag:s8] =	dma.local @!p0 [hbm:s6], $0xF7A  }
0x23: {  	s9 =	sor.u32 $0xD0000000, s2;
	s6 =	simm.s32 $0x108;
	_ =	swait.ge @!p0 [sflag:s8], $0x0  }
0x24: {  	s3 =	sadd.s32 $0x88, s3;
	s6 =	simm.s32 @!p1 $0x1082;
	[sflag:s4] =	ssyncset.s32 $0xFFFFF086  }
0x25: {  	[simem:s6], [sflag:s4] =	dma.local [hbm:s3], $0xF7A  }
0x26: {  	[smem:$0x3F97] =	sst s1;
	(tag) =	ssettag s2;
	_ =	strace s9  }
0x27: {  	s1 =	sld [smem:$0x3FA7]  }
0x28: {  	s2 =	sld [smem:$0x3FA8]  }
0x29: {  	s4 =	sld [smem:$0x3FAA]  }
0x2a: {  	p0 =	seq.s32 s5, $0x0;
	s5 =	sld [smem:$0x3FAB]  }
0x2b: {  	s6 =	sld [smem:$0x3FAC]  }
0x2c: {  	s7 =	sld [smem:$0x3FAD]  }
0x2d: {  	s3 =	simm.s32 $0x108;
	s8 =	sld [smem:$0x3FAE]  }
0x2e: {  	s3 =	simm.s32 @!p0 $0x1082;
	s9 =	sld [smem:$0x3FAF]  }
0x2f: {  	lr =	sadd.s32 s0, s3;
	s0 =	sld [smem:$0x3FA6]  }
0x30: {  	s3 =	sld [smem:$0x3FA9]  }
0x31: {  	[smem:$0x3FB2] =	sst s10  }
0x32: {  	s10 =	sld [smem:$0x3FB0];
	_ =	sdelay $0x3  }
0x33: {  	p0 =	seq.s32 s10, $0x1;
	s10 =	sld [smem:$0x3FB2];
	_ =	sdelay $0x3  }
0x34: {  	[smem:$0x3FB2] =	sst s10  }
0x35: {  	s10 =	sld [smem:$0x3FB1];
	_ =	sdelay $0x3  }
0x36: {  	p1 =	seq.s32 s10, $0x1;
	s10 =	sld [smem:$0x3FB2];
	_ =	sdelay $0x3  }
0x37: {  	[smem:$0x3FB2] =	sst s10  }
0x38: {  	s10 =	sld [smem:$0x3FB3]  }
0x39: {  	_ = 	snop;
	(pc) =	sbr.ind lr, $3  }
0x3a: {  	_ = 	snop  }
0x3b: {  	_ = 	snop  }
0x3c: {  	p2 =	seq.s32 s10, $0x1;
	s10 =	sld [smem:$0x3FB2]  }
0x3d: {  	_ =	shalt  }
0x3e: {  	_ =	shalt  }
0x3f: {  	_ =	shalt  }
0x40: {  	_ =	shalt  }
0x41: {  	_ =	shalt  }
0x42: {  	_ =	shalt  }
0x43: {  	_ =	shalt  }
0x44: {  	_ =	shalt  }
0x45: {  	_ =	shalt  }
0x46: {  	_ =	shalt  }
0x47: {  	_ =	shalt  }
0x48: {  	_ =	shalt  }
0x49: {  	_ =	shalt  }
0x4a: {  	_ =	shalt  }
0x4b: {  	_ =	shalt  }
0x4c: {  	_ =	shalt  }
0x4d: {  	_ =	shalt  }
0x4e: {  	_ =	shalt  }
0x4f: {  	_ =	shalt  }
0x50: {  	_ =	shalt  }
0x51: {  	_ =	shalt  }
0x52: {  	_ =	shalt  }
0x53: {  	_ =	shalt  }
0x54: {  	_ =	shalt  }
0x55: {  	_ =	shalt  }
0x56: {  	_ =	shalt  }
0x57: {  	_ =	shalt  }
0x58: {  	_ =	shalt  }
0x59: {  	_ =	shalt  }
0x5a: {  	_ =	shalt  }
0x5b: {  	_ =	shalt  }
0x5c: {  	_ =	shalt  }
0x5d: {  	_ =	shalt  }
0x5e: {  	_ =	shalt  }
0x5f: {  	_ =	shalt  }
0x60: {  	_ =	shalt  }
0x61: {  	_ =	shalt  }
0x62: {  	_ =	shalt  }
0x63: {  	_ =	shalt  }
0x64: {  	_ =	shalt  }
0x65: {  	_ =	shalt  }
0x66: {  	_ =	shalt  }
0x67: {  	_ =	shalt  }
0x68: {  	_ =	shalt  }
0x69: {  	_ =	shalt  }
0x6a: {  	_ =	shalt  }
0x6b: {  	_ =	shalt  }
0x6c: {  	_ =	shalt  }
0x6d: {  	_ =	shalt  }
0x6e: {  	_ =	shalt  }
0x6f: {  	_ =	shalt  }
0x70: {  	_ =	shalt  }
0x71: {  	_ =	shalt  }
0x72: {  	_ =	shalt  }
0x73: {  	_ =	shalt  }
0x74: {  	_ =	shalt  }
0x75: {  	_ =	shalt  }
0x76: {  	_ =	shalt  }
0x77: {  	_ =	shalt  }
0x78: {  	_ =	shalt  }
0x79: {  	_ =	shalt  }
0x7a: {  	_ =	shalt  }
0x7b: {  	_ =	shalt  }
0x7c: {  	_ =	shalt  }
0x7d: {  	_ =	shalt  }
0x7e: {  	_ =	shalt  }
0x7f: {  	_ =	shalt  }
0x80: {  	_ =	shalt  }
0x81: {  	_ =	shalt  }
0x82: {  	_ =	shalt  }
0x83: {  	_ =	shalt  }
0x84: {  	_ =	shalt  }
0x85: {  	_ =	shalt  }
0x86: {  	_ =	shalt  }
0x87: {  	_ =	shalt  }
.Lfunc_end0:
.L_simem_size_0:
called_computation_lowered:
.L_overlay_start_0:
0x88: {  	s2 =	sld [smem:$0x3FD9]  }
0x89: {  	s3 =	sld [smem:$0x3FFE];
	_ =	sdelay $0x1  }
0x8a: {  	s1 =	srdreg.scid  }
0x8b: {  	s0 =	sand.u32 $0x1, s1  }
0x8c: {  	s16 =	sshll.u32 s0, $0xA;
	s2 =	sadd.s32 s3, s2  }
0x8d: {  	s2 =	sadd.s32 s2, s16  }
0x8e: {  	[smem:$0x3FBE] =	sst s2  }
0x8f: {  	_ = 	snop  }
0x90: {  	(tm) =	ssettm $0x1  }
0x91: {  	s17 =	sld [smem:$0x3FFB];
	_ =	sdelay $0x3  }
0x92: {  	_ =	strace s17  }
0x93: {  	s2 =	sld [smem:$0x3FFC];
	_ =	sdelay $0x3  }
0x94: {  	_ =	strace s2  }
0x95: {  	s2 =	sld [smem:$0x3FFD];
	_ =	sdelay $0x3  }
0x96: {  	_ =	strace s2  }
0x97: {  	_ =	strace $0x8FFFFFFF  }
0x98: {  	s18 =	sld [smem:$0x3FDB];
	_ =	sdelay $0x1  }
0x99: {  	s19 =	simm.s32 $_scs_section_size  }
0x9a: {  	s4 =	simm.s32 $_size__tile_overlayer_lowered;
	s5 =	simm.s32 $_tile_overlayer_lowered  }
0x9b: {  	s22 =	simm.s32 $0x1BFF;
	s21 =	sshll.u32 s5, $0x1;
	s2 =	sadd.s32 s19, s18  }
0x9c: {  	s6 =	simm.s32 $0x0;
	s20 =	sshll.u32 s4, $0x1;
	s4 =	sadd.s32 s21, s2  }
0x9d: {  	[timem:s6], [sflag:s22] =	dma.local [hbm:s4], s20  }
0x9e: {  	_ =	swait.ge [sflag:s22], s20  }
0x9f: {  	s3 =	ssub.s32 $0x0, s20;
	[sflag:s22] =	ssyncset.done $0x0  }
0xa0: {  	[sflag:s22] =	ssyncadd.s32 s3;
	_ =	sdelay $0x1  }
0xa1: {  	s23 =	simm.s32 $0x1B8B  }
0xa2: {  	_ =	swait.ge [sflag:s23], $0x1  }
0xa3: {  	[sflag:s23] =	ssyncset.done $0x0  }
0xa4: {  	s25 =	simm.s32 $0x1B8E;
	s24 =	sld [smem:$0x3FFE];
	[sflag:s23] =	ssyncadd.s32 $0xFFFFFFFF  }
0xa5: {  	s26 =	simm.s32 $execute0_lowered;
	[smem:$0x3FD2] =	sst s25  }
0xa6: {  	s4 =	sshll.u32 s26, $0x1;
	_ =	strace $0x80000046;
	[dreg:$0x1] =	wrdreg $0xFFFFFFFF  }
0xa7: {  	s28 =	simm.s32 $_size_execute0_lowered;
	s2 =	sadd.s32 s2, s4;
	[dreg:$0x0] =	wrdreg $0x0  }
0xa8: {  	s4 =	sshll.u32 s28, $0x1;
	[dreg:$0x2] =	wrdreg s2  }
0xa9: {  	[dreg:$0x3] =	wrdreg s4  }
0xaa: {  	[dreg:$0x4] =	wrdreg $0xC0  }
0xab: {  	_ =	task [dreg:s6], $0x5FFFF  }
0xac: {  	[dreg:$0x1] =	wrdreg $0xFFFFFFFF  }
0xad: {  	[dreg:$0x0] =	wrdreg $0x60  }
0xae: {  	[dreg:$0x2] =	wrdreg s24  }
0xaf: {  	[dreg:$0x3] =	wrdreg $0x9  }
0xb0: {  	_ =	task.clear_ibuf [dreg:s6], $0x4FFFF;
	_ =	strace $0x90000046  }
0xb1: {  	s29 =	simm.s32 $0x9;
	_ =	strace $0x80000048  }
0xb2: {  	_ =	swait.ge [sflag:s29], $0x1  }
0xb3: {  	[sflag:s29] =	ssyncadd.s32 $0xFFFFFFFF  }
0xb4: {  	_ =	strace $0x90000048  }
0xb5: {  	_ =	sfence  }
0xb6: {  	s30 =	sld [smem:$0x0];
	_ =	sdelay $0x2  }
0xb7: {  	s31 =	sshll.u32 s1, $0xD;
	s1 =	sshrl.u32 s1, $0x2  }
0xb8: {  	s3 =	sand.u32 $0x4000, s31;
	s1 =	sadd.s32 s1, s30  }
0xb9: {  	s0 =	sor.u32 s3, s0;
	s1 =	sshll.u32 s1, $0x11  }
0xba: {  	s0 =	sor.u32 s1, s0  }
0xbb: {  	s0 =	sadd.s32 $0x8F2B, s0  }
0xbc: {  	[sflag:s0] =	ssyncadd.remote.s32 $0x1  }
0xbd: {  	_ =	sfence.sel $0xFFFF  }
0xbe: {  	[dreg:$0x0] =	wrdreg $0xFFFFFFFF;
	(pc) =	sbr.abs _section_cstart, $3  }
0xbf: {  	[dreg:$0x1] =	wrdreg $0xFFFFFFFF  }
0xc0: {  	_ =	task.clear_ibuf [dreg:s6], $0x2FFFF;
	_ =	strace $0x9FFFFFFF  }
0xc1: {  	(tm) =	ssettm $0x7FFFFFFF  }
tec
execute0_lowered:
.L_overlay_start_1:
0x0: {  	(tag) =	ssettag $0x1  }
0x1: {  	s1 =	srdreg.scid  }
0x2: {  	s0 =	stileid.u32;
	s5 =	rddreg [dreg:$0x0]  }
0x3: {  	s2 =	simm.s32 $0x0;
	s8 =	simm.s32 $0x80;
	s9 =	simm.s32 $0x400  }
0x4: {  	s10 =	simm.s32 $0x0;
	s3 =	sand.u32 $0x1, s1;
	s29 =	sshll.u32 s0, $0x1  }
0x5: {  	s30 =	sshrl.u32 s0, $0x2;
	s1 =	rddreg [dreg:$0x1];
	s4 =	sor.u32 s3, s29  }
0x6: {  	[smem:$0x7FF] =	sst s2;
	s6 =	smul.u32 $0x14000, s30;
	s7 =	sshll.u32 s4, $0x7  }
0x7: {  	s3 =	ssub.s32 $0x2, s3;
	s4 =	smul.u32 $0x4E2, s4;
	s7 =	sand.u32 $0x380, s7  }
0x8: {  	_ =	strace $0x80000047;
	s31 =	sshrl.u32 s3, $0x1;
	s6 =	sor.u32 s6, s7  }
0x9: {  	s4 =	sadd.s32 s4, s5;
	s7 =	simm.s32 $0x2780;
	s6 =	sshrl.u32 s6, $0x3  }
0xa: {  	s5 =	sadd.s32 s6, s5;
	s6 =	ssub.s32 s3, s31;
	s3 =	sadd.s32 $0x3800, s4  }
0xb: {  	v0 =	vimm.f32 $0.0e+00;
	v1 =	vimm.f32 $1.000000000e+00;
	s4 =	sadd.s32 $0x17400, s5;
	s5 =	smax.u32 s6, $0x1;
	s6 =	simm.s32 $0x1  }
.LBB2_1:
0xc: {  	[tilespmem:s2], [sflag:$0x1] =	stream.linear.gather [hbm4b:s3+s2], $0x2710, $0x38;
	[tilespmem:$0x4F80] =	vst v63  }
0xd: {  	_ =	swait.ge [sflag:s6], $0x2710  }
0xe: {  	[sflag:s6] =	ssyncset.done $0x0  }
0xf: {  	s11 =	simm.s32 $0x0;
	[sflag:s6] =	ssyncadd.s32 $0xFFFFD8F0  }
.LBB2_2:
0x10: {  	p0 =	sne.s32 s11, $0x9FC0  }
.Ltmp0:
0x11: {  	_ = 	snop;
	(pc) =	sbr.rel @p0 .LBB2_2-.Ltmp0, $3  }
0x12: {  	_ =	sdelay $0x1  }
0x13: {  	s12 =	sshra.s32 s11, $0x2  }
0x14: {  	s11 =	sadd.s32 $0x40, s11;
	[tilespmem:s12+$0x2780] =	vst v0  }
0x15: {  	s12 =	simm.s32 $0x0;
	s11 =	simm.s32 $0x40  }
.LBB2_4:
0x16: {  	p0 =	sne.s32 s11, $0x9C00;
	v2 =	vld [tilespmem:s12+$0x0];
	_ =	sdelay $0x3  }
.Ltmp1:
0x17: {  	(pc) =	sbr.rel @p0 .LBB2_4-.Ltmp1, $2  }
0x18: {  	_ =	sdelay $0x2  }
0x19: {  	s12 =	sshra.s32 s11, $0x2;
	s11 =	sadd.s32 $0x40, s11;
	[tilespmem:v2+s7+$0x0] =	vst.idx.add.f32.msk $0xffff, v1  }
0x1a: {  	v2 =	vld [tilespmem:s12+$0x0];
	_ =	sdelay $0x5  }
0x1b: {  	s10 =	sadd.s32 $0x1, s10  }
0x1c: {  	p0 =	sne.s32 s10, s5  }
.Ltmp2:
0x1d: {  	[tilespmem:v2+s7+$0x0] =	vst.idx.add.f32.msk $0xffff, v1;
	(pc) =	sbr.rel @p0 .LBB2_1-.Ltmp2, $4  }
0x1e: {  	[hbm4b:s4+s8] =	stream.strided.scatter [tilespmem:s7], [sflag:$0x1], $0x2800, s9, s8, $0x38;
	[tilespmem:$0x4F80] =	vst v63  }
0x1f: {  	_ =	swait.ge [sflag:s6], $0x2800  }
0x20: {  	[sflag:s6] =	ssyncset.done $0x0  }
0x21: {  	[sflag:s6] =	ssyncadd.s32 $0xFFFFD800  }
0x22: {  	_ =	sfence.sel $0x180000  }
0x23: {  	[bflag:$0x0] =	sbarrier.arrive $0xFFFF  }
0x24: {  	p0 =	sne.s32 s0, $0x0;
	_ =	strace $0x90000047  }
0x25: {  	s0 =	sadd.s32 @!p0 $0x100000, s1;
	[bflag:$0x2] =	sbarrier.arrive $0xFFFF  }
0x26: {  	[sflag:s0] =	ssyncadd.tile.s32 @!p0 $0x1;
	_ =	shalt  }
.Lfunc_end2:
_tile_overlayer_lowered:
.L_overlay_start_2:
0x27: {  	(tag) =	ssettag $0x2  }
0x28: {  	s0 =	rddreg [dreg:$0x0];
	s2 =	stileid.u32  }
0x29: {  	s1 =	rddreg [dreg:$0x1];
	p0 =	sne.s32 s2, $0x0  }
0x2a: {  	s3 =	rddreg [dreg:$0x2];
	[bflag:$0x3] =	sbarrier.arrive $0xFFFF;
	s2 =	simm.s32 @!p0 $0x1C01  }
0x2b: {  	[timem:s3], [sflag:s2] =	dma.local @!p0 [hbm:s0], s1  }
0x2c: {  	s0 =	simm.s32 @!p0 $0x1  }
0x2d: {  	_ =	swait.ge @!p0 [sflag:s0], s1  }
0x2e: {  	s1 =	ssub.s32 @!p0 $0x0, s1;
	[sflag:s0] =	ssyncset.done @!p0 $0x0  }
0x2f: {  	[sflag:s0] =	ssyncadd.s32 @!p0 s1  }
0x30: {  	[bflag:$0x3] =	sbarrier.arrive $0xFFFF  }
0x31: {  	_ =	shalt  }

// kernel: kernel.14.cloned.1.call-start
scs
__scs_entry_jumppad:
0x0: {  	(pc) =	sbr.rel $0x88, $3  }
0x1: {  	(tag) =	ssettag $0x0;
	lr =	simm.s32 $0x1  }
0x2: {  	[smem:$0x3F97] =	sst lr;
	_ =	strace $0xD0000000  }
0x3: {  	_ = 	snop  }
0x4: {  	_ = 	snop  }
0x5: {  	_ = 	snop  }
0x6: {  	_ = 	snop  }
0x7: {  	_ = 	snop  }
__scs_overlays_trampoline_lowered:
0x8: {  	[smem:$0x3FA6] =	sst s0  }
0x9: {  	[smem:$0x3FA7] =	sst s1  }
0xa: {  	[smem:$0x3FA8] =	sst s2  }
0xb: {  	[smem:$0x3FA9] =	sst s3  }
0xc: {  	[smem:$0x3FAA] =	sst s4  }
0xd: {  	[smem:$0x3FAB] =	sst s5  }
0xe: {  	[smem:$0x3FAC] =	sst s6  }
0xf: {  	[smem:$0x3FAD] =	sst s7  }
0x10: {  	[smem:$0x3FAE] =	sst s8  }
0x11: {  	[smem:$0x3FAF] =	sst s9;
	s0 =	simm.s32 @!p0 $0x0  }
0x12: {  	s1 =	sld [smem:$0x3F95];
	s0 =	simm.s32 @p0 $0x1  }
0x13: {  	[smem:$0x3FB0] =	sst s0;
	s0 =	simm.s32 @!p1 $0x0  }
0x14: {  	s2 =	sld [smem:$0x3F94];
	s0 =	simm.s32 @p1 $0x1  }
0x15: {  	[smem:$0x3FB1] =	sst s0;
	s0 =	simm.s32 @!p2 $0x0  }
0x16: {  	s3 =	sld [smem:$0x3FDB];
	s0 =	simm.s32 @p2 $0x1  }
0x17: {  	s4 =	simm.s32 $0x1BF5;
	[smem:$0x3FB3] =	sst s0  }
0x18: {  	s0 =	sld [smem:$0x3F96];
	_ =	swait.ge [sflag:s4], $0x0  }
0x19: {  	s7 =	sld [smem:$0x3F97]  }
0x1a: {  	s8 =	sadd.s32 $0xFFFFE003, lr  }
0x1b: {  	s9 =	sadd.s32 $0xFFFFFEF7, lr;
	s5 =	simm.s32 $0xFFFFFFFF;
	p2 =	slt.u32 s8, $0xFFFFF086  }
0x1c: {  	p1 =	slt.u32 s9, $0xF7A;
	s5 =	simm.s32 @!p2 $0x0  }
0x1d: {  	s5 =	simm.s32 @p1 $0x1;
	p0 =	seq.s32 s7, s2  }
0x1e: {  	s7 =	smul.u32 @!p0 $0xF7A, s2;
	p2 =	seq.s32 @!p0 s5, $0x0  }
0x1f: {  	s9 =	smul.u32 $0xF7A, s1;
	s8 =	simm.s32 @!p0 $0x1BF5;
	p2 =	por !p2, p0  }
0x20: {  	[sflag:s8] =	ssyncset.s32 @!p0 $0xFFFFF086;
	s6 =	sadd.s32 @!p0 s3, s7;
	s7 =	simm.s32 @!p0 $0x108  }
0x21: {  	s3 =	sadd.s32 s3, s9;
	s6 =	sadd.s32 @!p0 $0x88, s6;
	s7 =	simm.s32 @p2 $0x1082  }
0x22: {  	[simem:s7], [sflag:s8] =	dma.local @!p0 [hbm:s6], $0xF7A  }
0x23: {  	s9 =	sor.u32 $0xD0000000, s2;
	s6 =	simm.s32 $0x108;
	_ =	swait.ge @!p0 [sflag:s8], $0x0  }
0x24: {  	s3 =	sadd.s32 $0x88, s3;
	s6 =	simm.s32 @!p1 $0x1082;
	[sflag:s4] =	ssyncset.s32 $0xFFFFF086  }
0x25: {  	[simem:s6], [sflag:s4] =	dma.local [hbm:s3], $0xF7A  }
0x26: {  	[smem:$0x3F97] =	sst s1;
	(tag) =	ssettag s2;
	_ =	strace s9  }
0x27: {  	s1 =	sld [smem:$0x3FA7]  }
0x28: {  	s2 =	sld [smem:$0x3FA8]  }
0x29: {  	s4 =	sld [smem:$0x3FAA]  }
0x2a: {  	p0 =	seq.s32 s5, $0x0;
	s5 =	sld [smem:$0x3FAB]  }
0x2b: {  	s6 =	sld [smem:$0x3FAC]  }
0x2c: {  	s7 =	sld [smem:$0x3FAD]  }
0x2d: {  	s3 =	simm.s32 $0x108;
	s8 =	sld [smem:$0x3FAE]  }
0x2e: {  	s3 =	simm.s32 @!p0 $0x1082;
	s9 =	sld [smem:$0x3FAF]  }
0x2f: {  	lr =	sadd.s32 s0, s3;
	s0 =	sld [smem:$0x3FA6]  }
0x30: {  	s3 =	sld [smem:$0x3FA9]  }
0x31: {  	[smem:$0x3FB2] =	sst s10  }
0x32: {  	s10 =	sld [smem:$0x3FB0];
	_ =	sdelay $0x3  }
0x33: {  	p0 =	seq.s32 s10, $0x1;
	s10 =	sld [smem:$0x3FB2];
	_ =	sdelay $0x3  }
0x34: {  	[smem:$0x3FB2] =	sst s10  }
0x35: {  	s10 =	sld [smem:$0x3FB1];
	_ =	sdelay $0x3  }
0x36: {  	p1 =	seq.s32 s10, $0x1;
	s10 =	sld [smem:$0x3FB2];
	_ =	sdelay $0x3  }
0x37: {  	[smem:$0x3FB2] =	sst s10  }
0x38: {  	s10 =	sld [smem:$0x3FB3]  }
0x39: {  	_ = 	snop;
	(pc) =	sbr.ind lr, $3  }
0x3a: {  	_ = 	snop  }
0x3b: {  	_ = 	snop  }
0x3c: {  	p2 =	seq.s32 s10, $0x1;
	s10 =	sld [smem:$0x3FB2]  }
0x3d: {  	_ =	shalt  }
0x3e: {  	_ =	shalt  }
0x3f: {  	_ =	shalt  }
0x40: {  	_ =	shalt  }
0x41: {  	_ =	shalt  }
0x42: {  	_ =	shalt  }
0x43: {  	_ =	shalt  }
0x44: {  	_ =	shalt  }
0x45: {  	_ =	shalt  }
0x46: {  	_ =	shalt  }
0x47: {  	_ =	shalt  }
0x48: {  	_ =	shalt  }
0x49: {  	_ =	shalt  }
0x4a: {  	_ =	shalt  }
0x4b: {  	_ =	shalt  }
0x4c: {  	_ =	shalt  }
0x4d: {  	_ =	shalt  }
0x4e: {  	_ =	shalt  }
0x4f: {  	_ =	shalt  }
0x50: {  	_ =	shalt  }
0x51: {  	_ =	shalt  }
0x52: {  	_ =	shalt  }
0x53: {  	_ =	shalt  }
0x54: {  	_ =	shalt  }
0x55: {  	_ =	shalt  }
0x56: {  	_ =	shalt  }
0x57: {  	_ =	shalt  }
0x58: {  	_ =	shalt  }
0x59: {  	_ =	shalt  }
0x5a: {  	_ =	shalt  }
0x5b: {  	_ =	shalt  }
0x5c: {  	_ =	shalt  }
0x5d: {  	_ =	shalt  }
0x5e: {  	_ =	shalt  }
0x5f: {  	_ =	shalt  }
0x60: {  	_ =	shalt  }
0x61: {  	_ =	shalt  }
0x62: {  	_ =	shalt  }
0x63: {  	_ =	shalt  }
0x64: {  	_ =	shalt  }
0x65: {  	_ =	shalt  }
0x66: {  	_ =	shalt  }
0x67: {  	_ =	shalt  }
0x68: {  	_ =	shalt  }
0x69: {  	_ =	shalt  }
0x6a: {  	_ =	shalt  }
0x6b: {  	_ =	shalt  }
0x6c: {  	_ =	shalt  }
0x6d: {  	_ =	shalt  }
0x6e: {  	_ =	shalt  }
0x6f: {  	_ =	shalt  }
0x70: {  	_ =	shalt  }
0x71: {  	_ =	shalt  }
0x72: {  	_ =	shalt  }
0x73: {  	_ =	shalt  }
0x74: {  	_ =	shalt  }
0x75: {  	_ =	shalt  }
0x76: {  	_ =	shalt  }
0x77: {  	_ =	shalt  }
0x78: {  	_ =	shalt  }
0x79: {  	_ =	shalt  }
0x7a: {  	_ =	shalt  }
0x7b: {  	_ =	shalt  }
0x7c: {  	_ =	shalt  }
0x7d: {  	_ =	shalt  }
0x7e: {  	_ =	shalt  }
0x7f: {  	_ =	shalt  }
0x80: {  	_ =	shalt  }
0x81: {  	_ =	shalt  }
0x82: {  	_ =	shalt  }
0x83: {  	_ =	shalt  }
0x84: {  	_ =	shalt  }
0x85: {  	_ =	shalt  }
0x86: {  	_ =	shalt  }
0x87: {  	_ =	shalt  }
.Lfunc_end0:
.L_simem_size_0:
called_computation.1_lowered:
.L_overlay_start_0:
0x88: {  	s2 =	sld [smem:$0x3FD9]  }
0x89: {  	s3 =	sld [smem:$0x3FFE];
	_ =	sdelay $0x1  }
0x8a: {  	s1 =	srdreg.scid  }
0x8b: {  	s0 =	sand.u32 $0x1, s1  }
0x8c: {  	s16 =	sshll.u32 s0, $0xA;
	s2 =	sadd.s32 s3, s2  }
0x8d: {  	s2 =	sadd.s32 s2, s16  }
0x8e: {  	[smem:$0x3FBE] =	sst s2  }
0x8f: {  	_ = 	snop  }
0x90: {  	(tm) =	ssettm $0x1  }
0x91: {  	s17 =	sld [smem:$0x3FFB];
	_ =	sdelay $0x3  }
0x92: {  	_ =	strace s17  }
0x93: {  	s2 =	sld [smem:$0x3FFC];
	_ =	sdelay $0x3  }
0x94: {  	_ =	strace s2  }
0x95: {  	s2 =	sld [smem:$0x3FFD];
	_ =	sdelay $0x3  }
0x96: {  	_ =	strace s2  }
0x97: {  	_ =	strace $0x8FFFFFFF  }
0x98: {  	s18 =	sld [smem:$0x3FDB];
	_ =	sdelay $0x1  }
0x99: {  	s19 =	simm.s32 $_scs_section_size  }
0x9a: {  	s4 =	simm.s32 $_size__tile_overlayer_lowered;
	s5 =	simm.s32 $_tile_overlayer_lowered  }
0x9b: {  	s22 =	simm.s32 $0x1BFF;
	s21 =	sshll.u32 s5, $0x1;
	s2 =	sadd.s32 s19, s18  }
0x9c: {  	s6 =	simm.s32 $0x0;
	s20 =	sshll.u32 s4, $0x1;
	s4 =	sadd.s32 s21, s2  }
0x9d: {  	[timem:s6], [sflag:s22] =	dma.local [hbm:s4], s20  }
0x9e: {  	_ =	swait.ge [sflag:s22], s20  }
0x9f: {  	s3 =	ssub.s32 $0x0, s20;
	[sflag:s22] =	ssyncset.done $0x0  }
0xa0: {  	[sflag:s22] =	ssyncadd.s32 s3;
	_ =	sdelay $0x1  }
0xa1: {  	s23 =	simm.s32 $0x1B8B  }
0xa2: {  	_ =	swait.ge [sflag:s23], $0x1  }
0xa3: {  	[sflag:s23] =	ssyncset.done $0x0  }
0xa4: {  	s25 =	simm.s32 $0x1B8E;
	s24 =	sld [smem:$0x3FFE];
	[sflag:s23] =	ssyncadd.s32 $0xFFFFFFFF  }
0xa5: {  	s26 =	simm.s32 $execute0_lowered;
	[smem:$0x3FD2] =	sst s25  }
0xa6: {  	s4 =	sshll.u32 s26, $0x1;
	_ =	strace $0x80000049;
	[dreg:$0x1] =	wrdreg $0xFFFFFFFF  }
0xa7: {  	s28 =	simm.s32 $_size_execute0_lowered;
	s2 =	sadd.s32 s2, s4;
	[dreg:$0x0] =	wrdreg $0x0  }
0xa8: {  	s4 =	sshll.u32 s28, $0x1;
	[dreg:$0x2] =	wrdreg s2  }
0xa9: {  	[dreg:$0x3] =	wrdreg s4  }
0xaa: {  	[dreg:$0x4] =	wrdreg $0xC0  }
0xab: {  	_ =	task [dreg:s6], $0x5FFFF  }
0xac: {  	[dreg:$0x1] =	wrdreg $0xFFFFFFFF  }
0xad: {  	[dreg:$0x0] =	wrdreg $0x60  }
0xae: {  	[dreg:$0x2] =	wrdreg s24  }
0xaf: {  	[dreg:$0x3] =	wrdreg $0x10C400  }
0xb0: {  	[dreg:$0x4] =	wrdreg $0x9  }
0xb1: {  	_ =	task.clear_ibuf [dreg:s6], $0x5FFFF;
	_ =	strace $0x90000049  }
0xb2: {  	s29 =	simm.s32 $0x9;
	_ =	strace $0x8000004B  }
0xb3: {  	_ =	swait.ge [sflag:s29], $0x1  }
0xb4: {  	[sflag:s29] =	ssyncadd.s32 $0xFFFFFFFF  }
0xb5: {  	_ =	strace $0x9000004B  }
0xb6: {  	_ =	sfence  }
0xb7: {  	s30 =	sld [smem:$0x0];
	_ =	sdelay $0x2  }
0xb8: {  	s31 =	sshll.u32 s1, $0xD;
	s1 =	sshrl.u32 s1, $0x2  }
0xb9: {  	s3 =	sand.u32 $0x4000, s31;
	s1 =	sadd.s32 s1, s30  }
0xba: {  	s0 =	sor.u32 s3, s0;
	s1 =	sshll.u32 s1, $0x11  }
0xbb: {  	s0 =	sor.u32 s1, s0  }
0xbc: {  	s0 =	sadd.s32 $0x8F2B, s0  }
0xbd: {  	[sflag:s0] =	ssyncadd.remote.s32 $0x1  }
0xbe: {  	_ =	sfence.sel $0xFFFF  }
0xbf: {  	[dreg:$0x0] =	wrdreg $0xFFFFFFFF;
	(pc) =	sbr.abs _section_cstart, $3  }
0xc0: {  	[dreg:$0x1] =	wrdreg $0xFFFFFFFF  }
0xc1: {  	_ =	task.clear_ibuf [dreg:s6], $0x2FFFF;
	_ =	strace $0x9FFFFFFF  }
0xc2: {  	(tm) =	ssettm $0x7FFFFFFF  }
0xc3: {  	_ =	shalt  }
tec
execute0_lowered:
.L_overlay_start_1:
0x0: {  	(tag) =	ssettag $0x1  }
0x1: {  	s0 =	rddreg [dreg:$0x0]  }
0x2: {  	s1 =	rddreg [dreg:$0x1];
	s2 =	simm.s32 $0x0;
	s3 =	srdreg.scid  }
0x3: {  	s10 =	stileid.u32;
	s15 =	simm.s32 $0xEC40;
	s16 =	simm.s32 $0x1  }
0x4: {  	s17 =	simm.s32 $0x2;
	s18 =	simm.s32 $0x3;
	s19 =	simm.s32 $0x4  }
0x5: {  	s28 =	simm.s32 $0x1F40;
	s30 =	simm.s32 $0x3E80;
	s6 =	smul.u32 $0x28000, s10  }
0x6: {  	s12 =	simm.s32 $0x7;
	s13 =	simm.s32 $0x8;
	s8 =	smul.u32 $0xA000, s10  }
0x7: {  	s14 =	simm.s32 $0x9;
	s29 =	simm.s32 $0x0;
	s9 =	smul.u32 $0x5000, s10  }
0x8: {  	[smem:$0x7FF] =	sst s2;
	s3 =	sand.u32 $0x1, s3;
	s10 =	smul.u32 $0xA00, s10  }
0x9: {  	s5 =	sadd.s32 $0x2B400, s0;
	s4 =	smul.u32 $0x14000, s3;
	s3 =	ssub.s32 $0x2, s3  }
0xa: {  	s7 =	sadd.s32 $0x21400, s0;
	_ =	strace $0x8000004A;
	s20 =	sshrl.u32 s3, $0x1  }
0xb: {  	s6 =	sshrl.u32 s6, $0x2;
	s9 =	sshrl.u32 s9, $0x3;
	s23 =	sadd.s32 s5, s10  }
0xc: {  	s25 =	sadd.s32 s7, s10;
	s31 =	sshrl.u32 s8, $0x3;
	s10 =	simm.s32 $0x6  }
0xd: {  	s0 =	sadd.s32 s4, s0;
	s3 =	ssub.s32 s3, s20;
	s6 =	sadd.s32 s6, s1  }
0xe: {  	s4 =	sadd.s32 s8, s1;
	[dreg:$0x7] =	wrdreg s23;
	s24 =	sadd.s32 $0x500, s9  }
0xf: {  	[dreg:$0x8] =	wrdreg s25;
	s20 =	simm.s32 $0x5;
	s11 =	sadd.s32 $0x2000, s6  }
0x10: {  	s23 =	simm.s32 $0xC440;
	s21 =	sadd.s32 $0x4000, s6;
	[dreg:$0x3] =	wrdreg s11  }
0x11: {  	s25 =	simm.s32 $0x7D;
	s22 =	sadd.s32 $0x6000, s6;
	[dreg:$0x4] =	wrdreg s21  }
0x12: {  	s8 =	simm.s32 $0xC5C0;
	s6 =	sadd.s32 $0x8000, s6;
	[dreg:$0x5] =	wrdreg s22  }
0x13: {  	s9 =	simm.s32 $0xC640;
	s5 =	sadd.s32 s5, s24;
	[dreg:$0x6] =	wrdreg s6  }
0x14: {  	s26 =	sadd.s32 s7, s24;
	s3 =	smax.u32 s3, $0x1;
	[dreg:$0x9] =	wrdreg s5  }
0x15: {  	s7 =	simm.s32 $0xC540;
	s11 =	sadd.s32 $0xAD400, s0;
	[dreg:$0xa] =	wrdreg s26  }
0x16: {  	s0 =	sadd.s32 $0xD5400, s0;
	[dreg:$0xb] =	wrdreg s3;
	s21 =	simm.s32 $0x9C40  }
0x17: {  	s22 =	simm.s32 $0xB;
	s5 =	simm.s32 $0x7D00;
	s0 =	sadd.s32 s31, s0  }
0x18: {  	v0 =	vimm.f32 $0.0e+00;
	s26 =	simm.s32 $0xA;
	[dreg:$0xc] =	wrdreg s0;
	s0 =	simm.s32 $0x5DC0  }
.LBB2_1:
0x19: {  	s3 =	sand.u32 $0x7F00, s2  }
0x1a: {  	s31 =	sand.u32 $0x30, s2;
	s3 =	sshrl.u32 s3, $0x2  }
0x1b: {  	s24 =	simm.s32 $0x40;
	s3 =	sor.u32 s31, s3;
	s31 =	simm.s32 $0x0  }
.LBB2_2:
0x1c: {  	p0 =	sne.s32 s24, $0x7FC0  }
0x1d: {  	[tilespmem:s3+$0xEC40] =	vst v0;
	s31 =	sadd.s32 $0x10, s31;
	s3 =	smov.u32 s24;
	s24 =	sadd.s32 $0x40, s24  }
.Ltmp0:
0x1e: {  	(pc) =	sbr.rel @p0 .LBB2_2-.Ltmp0, $4  }
0x1f: {  	_ = 	snop  }
0x20: {  	s3 =	sand.u32 $0x7F00, s3  }
0x21: {  	s6 =	sand.u32 $0x30, s31;
	s3 =	sshrl.u32 s3, $0x2  }
0x22: {  	s3 =	sor.u32 s6, s3  }
0x23: {  	[tilespmem:s3+$0xEC40] =	vst v0  }
0x24: {  	[spmem:s4] =	stream.linear.scatter [tilespmem:s15], [sflag:$0x1], $0x2000, $0x38;
	[tilespmem:$0x1AC40] =	vst v63  }
0x25: {  	s24 =	rddreg [dreg:$0x3]  }
0x26: {  	[spmem:s24] =	stream.linear.scatter [tilespmem:s15], [sflag:$0x2], $0x2000, $0x38;
	[tilespmem:$0x1AC40] =	vst v63  }
0x27: {  	s6 =	rddreg [dreg:$0x4]  }
0x28: {  	[spmem:s6] =	stream.linear.scatter [tilespmem:s15], [sflag:$0x3], $0x2000, $0x38;
	[tilespmem:$0x1AC40] =	vst v63  }
0x29: {  	s24 =	rddreg [dreg:$0x5]  }
0x2a: {  	[spmem:s24] =	stream.linear.scatter [tilespmem:s15], [sflag:$0x4], $0x2000, $0x38;
	[tilespmem:$0x1AC40] =	vst v63  }
0x2b: {  	s6 =	rddreg [dreg:$0x6]  }
0x2c: {  	[spmem:s6] =	stream.linear.scatter [tilespmem:s15], [sflag:$0x5], $0x2000, $0x38;
	[tilespmem:$0x1AC40] =	vst v63  }
0x2d: {  	_ =	swait.ge [sflag:s16], $0x2000  }
0x2e: {  	[sflag:s16] =	ssyncset.done $0x0  }
0x2f: {  	[sflag:s16] =	ssyncadd.s32 $0xFFFFE000  }
0x30: {  	_ =	swait.ge [sflag:s17], $0x2000  }
0x31: {  	[sflag:s17] =	ssyncset.done $0x0  }
0x32: {  	[sflag:s17] =	ssyncadd.s32 $0xFFFFE000  }
0x33: {  	_ =	swait.ge [sflag:s18], $0x2000  }
0x34: {  	[sflag:s18] =	ssyncset.done $0x0  }
0x35: {  	[sflag:s18] =	ssyncadd.s32 $0xFFFFE000  }
0x36: {  	_ =	swait.ge [sflag:s19], $0x2000  }
0x37: {  	[sflag:s19] =	ssyncset.done $0x0  }
0x38: {  	[sflag:s19] =	ssyncadd.s32 $0xFFFFE000  }
0x39: {  	_ =	swait.ge [sflag:s20], $0x2000  }
0x3a: {  	[sflag:s20] =	ssyncset.done $0x0  }
0x3b: {  	[sflag:s20] =	ssyncadd.s32 $0xFFFFE000  }
0x3c: {  	[bflag:$0x0] =	sbarrier.arrive $0xFFFF  }
0x3d: {  	s3 =	simm.s32 $0x0;
	s6 =	rddreg [dreg:$0x7]  }
0x3e: {  	[tilespmem:s21], [sflag:$0xB] =	stream.linear.gather [hbm4b:s6+s3], $0x2800, $0x38;
	[tilespmem:$0x1AC40] =	vst v63  }
0x3f: {  	_ =	swait.ge [sflag:s22], $0x2800  }
0x40: {  	[sflag:s22] =	ssyncset.done $0x0  }
0x41: {  	s24 =	rddreg [dreg:$0x8];
	[sflag:s22] =	ssyncadd.s32 $0xFFFFD800  }
0x42: {  	[tilespmem:s23], [sflag:$0xB] =	stream.linear.gather [hbm4b:s24+s3], $0x2800, $0x38;
	[tilespmem:$0x1AC40] =	vst v63  }
0x43: {  	_ =	swait.ge [sflag:s22], $0x2800  }
0x44: {  	[sflag:s22] =	ssyncset.done $0x0  }
0x45: {  	[sflag:s22] =	ssyncadd.s32 $0xFFFFD800  }
0x46: {  	[tilespmem:s3], [sflag:$0x1] =	stream.indirect.gather [hbm4b:s11+s25], $0x40, s21, s25, $0xb8;
	[tilespmem:$0x1AC40] =	vst v63  }
0x47: {  	s24 =	simm.s32 $0x9CC0  }
0x48: {  	[tilespmem:s28], [sflag:$0x2] =	stream.indirect.gather [hbm4b:s11+s25], $0x40, s24, s25, $0xb8;
	[tilespmem:$0x1AC40] =	vst v63  }
0x49: {  	s24 =	simm.s32 $0x9D40  }
0x4a: {  	[tilespmem:s30], [sflag:$0x3] =	stream.indirect.gather [hbm4b:s11+s25], $0x40, s24, s25, $0xb8;
	[tilespmem:$0x1AC40] =	vst v63  }
0x4b: {  	s24 =	simm.s32 $0x9DC0  }
0x4c: {  	[tilespmem:s0], [sflag:$0x4] =	stream.indirect.gather [hbm4b:s11+s25], $0x40, s24, s25, $0xb8;
	[tilespmem:$0x1AC40] =	vst v63  }
0x4d: {  	s24 =	simm.s32 $0x9E40  }
0x4e: {  	[tilespmem:s5], [sflag:$0x5] =	stream.indirect.gather [hbm4b:s11+s25], $0x40, s24, s25, $0xb8;
	[tilespmem:$0x1AC40] =	vst v63  }
0x4f: {  	_ =	swait.ge [sflag:s16], $0x1F40  }
0x50: {  	[sflag:s16] =	ssyncset.done $0x0  }
0x51: {  	[sflag:s16] =	ssyncadd.s32 $0xFFFFE0C0  }
0x52: {  	[spmem:s1] =	stream.indirect.scatter.add.f32 [tilespmem:s3], [sflag:$0x6], $0x40, s23, s25, $0xb8;
	[tilespmem:$0x1AC40] =	vst v63  }
0x53: {  	_ =	swait.ge [sflag:s17], $0x1F40  }
0x54: {  	[sflag:s17] =	ssyncset.done $0x0  }
0x55: {  	s6 =	simm.s32 $0xC4C0;
	[sflag:s17] =	ssyncadd.s32 $0xFFFFE0C0  }
0x56: {  	[spmem:s1] =	stream.indirect.scatter.add.f32 [tilespmem:s28], [sflag:$0x7], $0x40, s6, s25, $0xb8;
	[tilespmem:$0x1AC40] =	vst v63  }
0x57: {  	_ =	swait.ge [sflag:s18], $0x1F40  }
0x58: {  	[sflag:s18] =	ssyncset.done $0x0  }
0x59: {  	[sflag:s18] =	ssyncadd.s32 $0xFFFFE0C0  }
0x5a: {  	[spmem:s1] =	stream.indirect.scatter.add.f32 [tilespmem:s30], [sflag:$0x8], $0x40, s7, s25, $0xb8;
	[tilespmem:$0x1AC40] =	vst v63  }
0x5b: {  	_ =	swait.ge [sflag:s19], $0x1F40  }
0x5c: {  	[sflag:s19] =	ssyncset.done $0x0  }
0x5d: {  	[sflag:s19] =	ssyncadd.s32 $0xFFFFE0C0  }
0x5e: {  	[spmem:s1] =	stream.indirect.scatter.add.f32 [tilespmem:s0], [sflag:$0x9], $0x40, s8, s25, $0xb8;
	[tilespmem:$0x1AC40] =	vst v63  }
0x5f: {  	_ =	swait.ge [sflag:s20], $0x1F40  }
0x60: {  	[sflag:s20] =	ssyncset.done $0x0  }
0x61: {  	[sflag:s20] =	ssyncadd.s32 $0xFFFFE0C0  }
0x62: {  	[spmem:s1] =	stream.indirect.scatter.add.f32 [tilespmem:s5], [sflag:$0xA], $0x40, s9, s25, $0xb8;
	[tilespmem:$0x1AC40] =	vst v63  }
0x63: {  	_ =	swait.ge [sflag:s10], $0x1F40  }
0x64: {  	[sflag:s10] =	ssyncset.done $0x0  }
0x65: {  	s24 =	simm.s32 $0x9EC0;
	[sflag:s10] =	ssyncadd.s32 $0xFFFFE0C0  }
0x66: {  	[tilespmem:s2], [sflag:$0x1] =	stream.indirect.gather [hbm4b:s11+s25], $0x40, s24, s25, $0xb8;
	[tilespmem:$0x1AC40] =	vst v63  }
0x67: {  	_ =	swait.ge [sflag:s12], $0x1F40  }
0x68: {  	[sflag:s12] =	ssyncset.done $0x0  }
0x69: {  	s6 =	simm.s32 $0x9F40;
	[sflag:s12] =	ssyncadd.s32 $0xFFFFE0C0  }
0x6a: {  	[tilespmem:s28], [sflag:$0x2] =	stream.indirect.gather [hbm4b:s11+s25], $0x40, s6, s25, $0xb8;
	[tilespmem:$0x1AC40] =	vst v63  }
0x6b: {  	_ =	swait.ge [sflag:s13], $0x1F40  }
0x6c: {  	[sflag:s13] =	ssyncset.done $0x0  }
0x6d: {  	s24 =	simm.s32 $0x9FC0;
	[sflag:s13] =	ssyncadd.s32 $0xFFFFE0C0  }
0x6e: {  	[tilespmem:s30], [sflag:$0x3] =	stream.indirect.gather [hbm4b:s11+s25], $0x40, s24, s25, $0xb8;
	[tilespmem:$0x1AC40] =	vst v63  }
0x6f: {  	_ =	swait.ge [sflag:s14], $0x1F40  }
0x70: {  	[sflag:s14] =	ssyncset.done $0x0  }
0x71: {  	s6 =	simm.s32 $0xA040;
	[sflag:s14] =	ssyncadd.s32 $0xFFFFE0C0  }
0x72: {  	[tilespmem:s0], [sflag:$0x4] =	stream.indirect.gather [hbm4b:s11+s25], $0x40, s6, s25, $0xb8;
	[tilespmem:$0x1AC40] =	vst v63  }
0x73: {  	_ =	swait.ge [sflag:s26], $0x1F40  }
0x74: {  	[sflag:s26] =	ssyncset.done $0x0  }
0x75: {  	s24 =	simm.s32 $0xA0C0;
	[sflag:s26] =	ssyncadd.s32 $0xFFFFE0C0  }
0x76: {  	[tilespmem:s5], [sflag:$0x5] =	stream.indirect.gather [hbm4b:s11+s25], $0x40, s24, s25, $0xb8;
	[tilespmem:$0x1AC40] =	vst v63  }
0x77: {  	_ =	swait.ge [sflag:s16], $0x1F40  }
0x78: {  	[sflag:s16] =	ssyncset.done $0x0  }
0x79: {  	s6 =	simm.s32 $0xC6C0;
	[sflag:s16] =	ssyncadd.s32 $0xFFFFE0C0  }
0x7a: {  	[spmem:s1] =	stream.indirect.scatter.add.f32 [tilespmem:s2], [sflag:$0x6], $0x40, s6, s25, $0xb8;
	[tilespmem:$0x1AC40] =	vst v63  }
0x7b: {  	_ =	swait.ge [sflag:s17], $0x1F40  }
0x7c: {  	[sflag:s17] =	ssyncset.done $0x0  }
0x7d: {  	s24 =	simm.s32 $0xC740;
	[sflag:s17] =	ssyncadd.s32 $0xFFFFE0C0  }
0x7e: {  	[spmem:s1] =	stream.indirect.scatter.add.f32 [tilespmem:s28], [sflag:$0x7], $0x40, s24, s25, $0xb8;
	[tilespmem:$0x1AC40] =	vst v63  }
0x7f: {  	_ =	swait.ge [sflag:s18], $0x1F40  }
0x80: {  	[sflag:s18] =	ssyncset.done $0x0  }
0x81: {  	s6 =	simm.s32 $0xC7C0;
	[sflag:s18] =	ssyncadd.s32 $0xFFFFE0C0  }
0x82: {  	[spmem:s1] =	stream.indirect.scatter.add.f32 [tilespmem:s30], [sflag:$0x8], $0x40, s6, s25, $0xb8;
	[tilespmem:$0x1AC40] =	vst v63  }
0x83: {  	_ =	swait.ge [sflag:s19], $0x1F40  }
0x84: {  	[sflag:s19] =	ssyncset.done $0x0  }
0x85: {  	s24 =	simm.s32 $0xC840;
	[sflag:s19] =	ssyncadd.s32 $0xFFFFE0C0  }
0x86: {  	[spmem:s1] =	stream.indirect.scatter.add.f32 [tilespmem:s0], [sflag:$0x9], $0x40, s24, s25, $0xb8;
	[tilespmem:$0x1AC40] =	vst v63  }
0x87: {  	_ =	swait.ge [sflag:s20], $0x1F40  }
0x88: {  	[sflag:s20] =	ssyncset.done $0x0  }
0x89: {  	s31 =	simm.s32 $0xA00;
	s3 =	simm.s32 $0xC8C0;
	[sflag:s20] =	ssyncadd.s32 $0xFFFFE0C0  }
.LBB2_4:
0x8a: {  	[spmem:s1] =	stream.indirect.scatter.add.f32 [tilespmem:s5], [sflag:$0xA], $0x40, s3, s25, $0xb8;
	[tilespmem:$0x1AC40] =	vst v63  }
0x8b: {  	s3 =	smov.u32 s31  }
0x8c: {  	p0 =	sne.s32 s31, $0x8C00;
	s31 =	sadd.s32 $0xA00, s31;
	_ =	swait.ge [sflag:s10], $0x1F40  }
0x8d: {  	s24 =	sshra.s32 s3, $0x2;
	[sflag:s10] =	ssyncset.done $0x0  }
0x8e: {  	s3 =	sadd.s32 $0x9EC0, s24;
	[sflag:s10] =	ssyncadd.s32 $0xFFFFE0C0  }
0x8f: {  	[tilespmem:s2], [sflag:$0x1] =	stream.indirect.gather [hbm4b:s11+s25], $0x40, s3, s25, $0xb8;
	[tilespmem:$0x1AC40] =	vst v63  }
0x90: {  	_ =	swait.ge [sflag:s12], $0x1F40  }
0x91: {  	[sflag:s12] =	ssyncset.done $0x0  }
0x92: {  	s3 =	sadd.s32 $0x9F40, s24;
	[sflag:s12] =	ssyncadd.s32 $0xFFFFE0C0  }
0x93: {  	[tilespmem:s28], [sflag:$0x2] =	stream.indirect.gather [hbm4b:s11+s25], $0x40, s3, s25, $0xb8;
	[tilespmem:$0x1AC40] =	vst v63  }
0x94: {  	_ =	swait.ge [sflag:s13], $0x1F40  }
0x95: {  	[sflag:s13] =	ssyncset.done $0x0  }
0x96: {  	s3 =	sadd.s32 $0x9FC0, s24;
	[sflag:s13] =	ssyncadd.s32 $0xFFFFE0C0  }
0x97: {  	[tilespmem:s30], [sflag:$0x3] =	stream.indirect.gather [hbm4b:s11+s25], $0x40, s3, s25, $0xb8;
	[tilespmem:$0x1AC40] =	vst v63  }
0x98: {  	_ =	swait.ge [sflag:s14], $0x1F40  }
0x99: {  	[sflag:s14] =	ssyncset.done $0x0  }
0x9a: {  	s3 =	sadd.s32 $0xA040, s24;
	[sflag:s14] =	ssyncadd.s32 $0xFFFFE0C0  }
0x9b: {  	[tilespmem:s0], [sflag:$0x4] =	stream.indirect.gather [hbm4b:s11+s25], $0x40, s3, s25, $0xb8;
	[tilespmem:$0x1AC40] =	vst v63  }
0x9c: {  	_ =	swait.ge [sflag:s26], $0x1F40  }
0x9d: {  	[sflag:s26] =	ssyncset.done $0x0  }
0x9e: {  	s3 =	sadd.s32 $0xA0C0, s24;
	[sflag:s26] =	ssyncadd.s32 $0xFFFFE0C0  }
0x9f: {  	[tilespmem:s5], [sflag:$0x5] =	stream.indirect.gather [hbm4b:s11+s25], $0x40, s3, s25, $0xb8;
	[tilespmem:$0x1AC40] =	vst v63  }
0xa0: {  	_ =	swait.ge [sflag:s16], $0x1F40  }
0xa1: {  	[sflag:s16] =	ssyncset.done $0x0  }
0xa2: {  	s3 =	sadd.s32 $0xC6C0, s24;
	[sflag:s16] =	ssyncadd.s32 $0xFFFFE0C0  }
0xa3: {  	[spmem:s1] =	stream.indirect.scatter.add.f32 [tilespmem:s2], [sflag:$0x6], $0x40, s3, s25, $0xb8;
	[tilespmem:$0x1AC40] =	vst v63  }
0xa4: {  	_ =	swait.ge [sflag:s17], $0x1F40  }
0xa5: {  	[sflag:s17] =	ssyncset.done $0x0  }
0xa6: {  	s3 =	sadd.s32 $0xC740, s24;
	[sflag:s17] =	ssyncadd.s32 $0xFFFFE0C0  }
0xa7: {  	[spmem:s1] =	stream.indirect.scatter.add.f32 [tilespmem:s28], [sflag:$0x7], $0x40, s3, s25, $0xb8;
	[tilespmem:$0x1AC40] =	vst v63  }
0xa8: {  	_ =	swait.ge [sflag:s18], $0x1F40  }
0xa9: {  	[sflag:s18] =	ssyncset.done $0x0  }
0xaa: {  	s3 =	sadd.s32 $0xC7C0, s24;
	[sflag:s18] =	ssyncadd.s32 $0xFFFFE0C0  }
0xab: {  	[spmem:s1] =	stream.indirect.scatter.add.f32 [tilespmem:s30], [sflag:$0x8], $0x40, s3, s25, $0xb8;
	[tilespmem:$0x1AC40] =	vst v63  }
0xac: {  	_ =	swait.ge [sflag:s19], $0x1F40  }
0xad: {  	[sflag:s19] =	ssyncset.done $0x0  }
.Ltmp1:
0xae: {  	s3 =	sadd.s32 $0xC840, s24;
	[sflag:s19] =	ssyncadd.s32 $0xFFFFE0C0;
	(pc) =	sbr.rel @p0 .LBB2_4-.Ltmp1, $4  }
0xaf: {  	[spmem:s1] =	stream.indirect.scatter.add.f32 [tilespmem:s0], [sflag:$0x9], $0x40, s3, s25, $0xb8;
	[tilespmem:$0x1AC40] =	vst v63  }
0xb0: {  	_ =	swait.ge [sflag:s20], $0x1F40  }
0xb1: {  	[sflag:s20] =	ssyncset.done $0x0  }
0xb2: {  	s3 =	sadd.s32 $0xC8C0, s24;
	[sflag:s20] =	ssyncadd.s32 $0xFFFFE0C0  }
0xb3: {  	[spmem:s1] =	stream.indirect.scatter.add.f32 [tilespmem:s5], [sflag:$0xA], $0x40, s3, s25, $0xb8;
	[tilespmem:$0x1AC40] =	vst v63  }
0xb4: {  	_ =	swait.ge [sflag:s10], $0x1F40  }
0xb5: {  	[sflag:s10] =	ssyncset.done $0x0  }
0xb6: {  	[sflag:s10] =	ssyncadd.s32 $0xFFFFE0C0  }
0xb7: {  	_ =	swait.ge [sflag:s12], $0x1F40  }
0xb8: {  	[sflag:s12] =	ssyncset.done $0x0  }
0xb9: {  	[sflag:s12] =	ssyncadd.s32 $0xFFFFE0C0  }
0xba: {  	_ =	swait.ge [sflag:s13], $0x1F40  }
0xbb: {  	[sflag:s13] =	ssyncset.done $0x0  }
0xbc: {  	[sflag:s13] =	ssyncadd.s32 $0xFFFFE0C0  }
0xbd: {  	_ =	swait.ge [sflag:s14], $0x1F40  }
0xbe: {  	[sflag:s14] =	ssyncset.done $0x0  }
0xbf: {  	[sflag:s14] =	ssyncadd.s32 $0xFFFFE0C0  }
0xc0: {  	_ =	swait.ge [sflag:s26], $0x1F40  }
0xc1: {  	[sflag:s26] =	ssyncset.done $0x0  }
0xc2: {  	s3 =	simm.s32 $0x0;
	s6 =	rddreg [dreg:$0x9];
	[sflag:s26] =	ssyncadd.s32 $0xFFFFE0C0  }
0xc3: {  	[tilespmem:s21], [sflag:$0xB] =	stream.linear.gather [hbm4b:s6+s3], $0x2800, $0x38;
	[tilespmem:$0x1AC40] =	vst v63  }
0xc4: {  	_ =	swait.ge [sflag:s22], $0x2800  }
0xc5: {  	[sflag:s22] =	ssyncset.done $0x0  }
0xc6: {  	s24 =	rddreg [dreg:$0xa];
	[sflag:s22] =	ssyncadd.s32 $0xFFFFD800  }
0xc7: {  	[tilespmem:s23], [sflag:$0xB] =	stream.linear.gather [hbm4b:s24+s3], $0x2800, $0x38;
	[tilespmem:$0x1AC40] =	vst v63  }
0xc8: {  	_ =	swait.ge [sflag:s22], $0x2800  }
0xc9: {  	[sflag:s22] =	ssyncset.done $0x0  }
0xca: {  	[sflag:s22] =	ssyncadd.s32 $0xFFFFD800  }
0xcb: {  	[tilespmem:s3], [sflag:$0x1] =	stream.indirect.gather [hbm4b:s11+s25], $0x40, s21, s25, $0xb8;
	[tilespmem:$0x1AC40] =	vst v63  }
0xcc: {  	s24 =	simm.s32 $0x9CC0  }
0xcd: {  	[tilespmem:s28], [sflag:$0x2] =	stream.indirect.gather [hbm4b:s11+s25], $0x40, s24, s25, $0xb8;
	[tilespmem:$0x1AC40] =	vst v63  }
0xce: {  	s24 =	simm.s32 $0x9D40  }
0xcf: {  	[tilespmem:s30], [sflag:$0x3] =	stream.indirect.gather [hbm4b:s11+s25], $0x40, s24, s25, $0xb8;
	[tilespmem:$0x1AC40] =	vst v63  }
0xd0: {  	s24 =	simm.s32 $0x9DC0  }
0xd1: {  	[tilespmem:s0], [sflag:$0x4] =	stream.indirect.gather [hbm4b:s11+s25], $0x40, s24, s25, $0xb8;
	[tilespmem:$0x1AC40] =	vst v63  }
0xd2: {  	s24 =	simm.s32 $0x9E40  }
0xd3: {  	[tilespmem:s5], [sflag:$0x5] =	stream.indirect.gather [hbm4b:s11+s25], $0x40, s24, s25, $0xb8;
	[tilespmem:$0x1AC40] =	vst v63  }
0xd4: {  	_ =	swait.ge [sflag:s16], $0x1F40  }
0xd5: {  	[sflag:s16] =	ssyncset.done $0x0  }
0xd6: {  	[sflag:s16] =	ssyncadd.s32 $0xFFFFE0C0  }
0xd7: {  	[spmem:s1] =	stream.indirect.scatter.add.f32 [tilespmem:s3], [sflag:$0x6], $0x40, s23, s25, $0xb8;
	[tilespmem:$0x1AC40] =	vst v63  }
0xd8: {  	_ =	swait.ge [sflag:s17], $0x1F40  }
0xd9: {  	[sflag:s17] =	ssyncset.done $0x0  }
0xda: {  	s6 =	simm.s32 $0xC4C0;
	[sflag:s17] =	ssyncadd.s32 $0xFFFFE0C0  }
0xdb: {  	[spmem:s1] =	stream.indirect.scatter.add.f32 [tilespmem:s28], [sflag:$0x7], $0x40, s6, s25, $0xb8;
	[tilespmem:$0x1AC40] =	vst v63  }
0xdc: {  	_ =	swait.ge [sflag:s18], $0x1F40  }
0xdd: {  	[sflag:s18] =	ssyncset.done $0x0  }
0xde: {  	[sflag:s18] =	ssyncadd.s32 $0xFFFFE0C0  }
0xdf: {  	[spmem:s1] =	stream.indirect.scatter.add.f32 [tilespmem:s30], [sflag:$0x8], $0x40, s7, s25, $0xb8;
	[tilespmem:$0x1AC40] =	vst v63  }
0xe0: {  	_ =	swait.ge [sflag:s19], $0x1F40  }
0xe1: {  	[sflag:s19] =	ssyncset.done $0x0  }
0xe2: {  	[sflag:s19] =	ssyncadd.s32 $0xFFFFE0C0  }
0xe3: {  	[spmem:s1] =	stream.indirect.scatter.add.f32 [tilespmem:s0], [sflag:$0x9], $0x40, s8, s25, $0xb8;
	[tilespmem:$0x1AC40] =	vst v63  }
0xe4: {  	_ =	swait.ge [sflag:s20], $0x1F40  }
0xe5: {  	[sflag:s20] =	ssyncset.done $0x0  }
0xe6: {  	[sflag:s20] =	ssyncadd.s32 $0xFFFFE0C0  }
0xe7: {  	[spmem:s1] =	stream.indirect.scatter.add.f32 [tilespmem:s5], [sflag:$0xA], $0x40, s9, s25, $0xb8;
	[tilespmem:$0x1AC40] =	vst v63  }
0xe8: {  	_ =	swait.ge [sflag:s10], $0x1F40  }
0xe9: {  	[sflag:s10] =	ssyncset.done $0x0  }
0xea: {  	s24 =	simm.s32 $0x9EC0;
	[sflag:s10] =	ssyncadd.s32 $0xFFFFE0C0  }
0xeb: {  	[tilespmem:s2], [sflag:$0x1] =	stream.indirect.gather [hbm4b:s11+s25], $0x40, s24, s25, $0xb8;
	[tilespmem:$0x1AC40] =	vst v63  }
0xec: {  	_ =	swait.ge [sflag:s12], $0x1F40  }
0xed: {  	[sflag:s12] =	ssyncset.done $0x0  }
0xee: {  	s6 =	simm.s32 $0x9F40;
	[sflag:s12] =	ssyncadd.s32 $0xFFFFE0C0  }
0xef: {  	[tilespmem:s28], [sflag:$0x2] =	stream.indirect.gather [hbm4b:s11+s25], $0x40, s6, s25, $0xb8;
	[tilespmem:$0x1AC40] =	vst v63  }
0xf0: {  	_ =	swait.ge [sflag:s13], $0x1F40  }
0xf1: {  	[sflag:s13] =	ssyncset.done $0x0  }
0xf2: {  	s24 =	simm.s32 $0x9FC0;
	[sflag:s13] =	ssyncadd.s32 $0xFFFFE0C0  }
0xf3: {  	[tilespmem:s30], [sflag:$0x3] =	stream.indirect.gather [hbm4b:s11+s25], $0x40, s24, s25, $0xb8;
	[tilespmem:$0x1AC40] =	vst v63  }
0xf4: {  	_ =	swait.ge [sflag:s14], $0x1F40  }
0xf5: {  	[sflag:s14] =	ssyncset.done $0x0  }
0xf6: {  	s6 =	simm.s32 $0xA040;
	[sflag:s14] =	ssyncadd.s32 $0xFFFFE0C0  }
0xf7: {  	[tilespmem:s0], [sflag:$0x4] =	stream.indirect.gather [hbm4b:s11+s25], $0x40, s6, s25, $0xb8;
	[tilespmem:$0x1AC40] =	vst v63  }
0xf8: {  	_ =	swait.ge [sflag:s26], $0x1F40  }
0xf9: {  	[sflag:s26] =	ssyncset.done $0x0  }
0xfa: {  	s24 =	simm.s32 $0xA0C0;
	[sflag:s26] =	ssyncadd.s32 $0xFFFFE0C0  }
0xfb: {  	[tilespmem:s5], [sflag:$0x5] =	stream.indirect.gather [hbm4b:s11+s25], $0x40, s24, s25, $0xb8;
	[tilespmem:$0x1AC40] =	vst v63  }
0xfc: {  	_ =	swait.ge [sflag:s16], $0x1F40  }
0xfd: {  	[sflag:s16] =	ssyncset.done $0x0  }
0xfe: {  	s6 =	simm.s32 $0xC6C0;
	[sflag:s16] =	ssyncadd.s32 $0xFFFFE0C0  }
0xff: {  	[spmem:s1] =	stream.indirect.scatter.add.f32 [tilespmem:s2], [sflag:$0x6], $0x40, s6, s25, $0xb8;
	[tilespmem:$0x1AC40] =	vst v63  }
0x100: {  	_ =	swait.ge [sflag:s17], $0x1F40  }
0x101: {  	[sflag:s17] =	ssyncset.done $0x0  }
0x102: {  	s24 =	simm.s32 $0xC740;
	[sflag:s17] =	ssyncadd.s32 $0xFFFFE0C0  }
0x103: {  	[spmem:s1] =	stream.indirect.scatter.add.f32 [tilespmem:s28], [sflag:$0x7], $0x40, s24, s25, $0xb8;
	[tilespmem:$0x1AC40] =	vst v63  }
0x104: {  	_ =	swait.ge [sflag:s18], $0x1F40  }
0x105: {  	[sflag:s18] =	ssyncset.done $0x0  }
0x106: {  	s6 =	simm.s32 $0xC7C0;
	[sflag:s18] =	ssyncadd.s32 $0xFFFFE0C0  }
0x107: {  	[spmem:s1] =	stream.indirect.scatter.add.f32 [tilespmem:s30], [sflag:$0x8], $0x40, s6, s25, $0xb8;
	[tilespmem:$0x1AC40] =	vst v63  }
0x108: {  	_ =	swait.ge [sflag:s19], $0x1F40  }
0x109: {  	[sflag:s19] =	ssyncset.done $0x0  }
0x10a: {  	s24 =	simm.s32 $0xC840;
	[sflag:s19] =	ssyncadd.s32 $0xFFFFE0C0  }
0x10b: {  	[spmem:s1] =	stream.indirect.scatter.add.f32 [tilespmem:s0], [sflag:$0x9], $0x40, s24, s25, $0xb8;
	[tilespmem:$0x1AC40] =	vst v63  }
0x10c: {  	_ =	swait.ge [sflag:s20], $0x1F40  }
0x10d: {  	[sflag:s20] =	ssyncset.done $0x0  }
0x10e: {  	s31 =	simm.s32 $0xA00;
	s3 =	simm.s32 $0xC8C0;
	[sflag:s20] =	ssyncadd.s32 $0xFFFFE0C0  }
.LBB2_6:
0x10f: {  	[spmem:s1] =	stream.indirect.scatter.add.f32 [tilespmem:s5], [sflag:$0xA], $0x40, s3, s25, $0xb8;
	[tilespmem:$0x1AC40] =	vst v63  }
0x110: {  	s3 =	smov.u32 s31  }
0x111: {  	p0 =	sne.s32 s31, $0x8C00;
	s31 =	sadd.s32 $0xA00, s31;
	_ =	swait.ge [sflag:s10], $0x1F40  }
0x112: {  	s24 =	sshra.s32 s3, $0x2;
	[sflag:s10] =	ssyncset.done $0x0  }
0x113: {  	s3 =	sadd.s32 $0x9EC0, s24;
	[sflag:s10] =	ssyncadd.s32 $0xFFFFE0C0  }
0x114: {  	[tilespmem:s2], [sflag:$0x1] =	stream.indirect.gather [hbm4b:s11+s25], $0x40, s3, s25, $0xb8;
	[tilespmem:$0x1AC40] =	vst v63  }
0x115: {  	_ =	swait.ge [sflag:s12], $0x1F40  }
0x116: {  	[sflag:s12] =	ssyncset.done $0x0  }
0x117: {  	s3 =	sadd.s32 $0x9F40, s24;
	[sflag:s12] =	ssyncadd.s32 $0xFFFFE0C0  }
0x118: {  	[tilespmem:s28], [sflag:$0x2] =	stream.indirect.gather [hbm4b:s11+s25], $0x40, s3, s25, $0xb8;
	[tilespmem:$0x1AC40] =	vst v63  }
0x119: {  	_ =	swait.ge [sflag:s13], $0x1F40  }
0x11a: {  	[sflag:s13] =	ssyncset.done $0x0  }
0x11b: {  	s3 =	sadd.s32 $0x9FC0, s24;
	[sflag:s13] =	ssyncadd.s32 $0xFFFFE0C0  }
0x11c: {  	[tilespmem:s30], [sflag:$0x3] =	stream.indirect.gather [hbm4b:s11+s25], $0x40, s3, s25, $0xb8;
	[tilespmem:$0x1AC40] =	vst v63  }
0x11d: {  	_ =	swait.ge [sflag:s14], $0x1F40  }
0x11e: {  	[sflag:s14] =	ssyncset.done $0x0  }
0x11f: {  	s3 =	sadd.s32 $0xA040, s24;
	[sflag:s14] =	ssyncadd.s32 $0xFFFFE0C0  }
0x120: {  	[tilespmem:s0], [sflag:$0x4] =	stream.indirect.gather [hbm4b:s11+s25], $0x40, s3, s25, $0xb8;
	[tilespmem:$0x1AC40] =	vst v63  }
0x121: {  	_ =	swait.ge [sflag:s26], $0x1F40  }
0x122: {  	[sflag:s26] =	ssyncset.done $0x0  }
0x123: {  	s3 =	sadd.s32 $0xA0C0, s24;
	[sflag:s26] =	ssyncadd.s32 $0xFFFFE0C0  }
0x124: {  	[tilespmem:s5], [sflag:$0x5] =	stream.indirect.gather [hbm4b:s11+s25], $0x40, s3, s25, $0xb8;
	[tilespmem:$0x1AC40] =	vst v63  }
0x125: {  	_ =	swait.ge [sflag:s16], $0x1F40  }
0x126: {  	[sflag:s16] =	ssyncset.done $0x0  }
0x127: {  	s3 =	sadd.s32 $0xC6C0, s24;
	[sflag:s16] =	ssyncadd.s32 $0xFFFFE0C0  }
0x128: {  	[spmem:s1] =	stream.indirect.scatter.add.f32 [tilespmem:s2], [sflag:$0x6], $0x40, s3, s25, $0xb8;
	[tilespmem:$0x1AC40] =	vst v63  }
0x129: {  	_ =	swait.ge [sflag:s17], $0x1F40  }
0x12a: {  	[sflag:s17] =	ssyncset.done $0x0  }
0x12b: {  	s3 =	sadd.s32 $0xC740, s24;
	[sflag:s17] =	ssyncadd.s32 $0xFFFFE0C0  }
0x12c: {  	[spmem:s1] =	stream.indirect.scatter.add.f32 [tilespmem:s28], [sflag:$0x7], $0x40, s3, s25, $0xb8;
	[tilespmem:$0x1AC40] =	vst v63  }
0x12d: {  	_ =	swait.ge [sflag:s18], $0x1F40  }
0x12e: {  	[sflag:s18] =	ssyncset.done $0x0  }
0x12f: {  	s3 =	sadd.s32 $0xC7C0, s24;
	[sflag:s18] =	ssyncadd.s32 $0xFFFFE0C0  }
0x130: {  	[spmem:s1] =	stream.indirect.scatter.add.f32 [tilespmem:s30], [sflag:$0x8], $0x40, s3, s25, $0xb8;
	[tilespmem:$0x1AC40] =	vst v63  }
0x131: {  	_ =	swait.ge [sflag:s19], $0x1F40  }
0x132: {  	[sflag:s19] =	ssyncset.done $0x0  }
.Ltmp2:
0x133: {  	s3 =	sadd.s32 $0xC840, s24;
	[sflag:s19] =	ssyncadd.s32 $0xFFFFE0C0;
	(pc) =	sbr.rel @p0 .LBB2_6-.Ltmp2, $4  }
0x134: {  	[spmem:s1] =	stream.indirect.scatter.add.f32 [tilespmem:s0], [sflag:$0x9], $0x40, s3, s25, $0xb8;
	[tilespmem:$0x1AC40] =	vst v63  }
0x135: {  	_ =	swait.ge [sflag:s20], $0x1F40  }
0x136: {  	[sflag:s20] =	ssyncset.done $0x0  }
0x137: {  	s3 =	sadd.s32 $0xC8C0, s24;
	[sflag:s20] =	ssyncadd.s32 $0xFFFFE0C0  }
0x138: {  	[spmem:s1] =	stream.indirect.scatter.add.f32 [tilespmem:s5], [sflag:$0xA], $0x40, s3, s25, $0xb8;
	[tilespmem:$0x1AC40] =	vst v63  }
0x139: {  	_ =	swait.ge [sflag:s10], $0x1F40  }
0x13a: {  	[sflag:s10] =	ssyncset.done $0x0  }
0x13b: {  	[sflag:s10] =	ssyncadd.s32 $0xFFFFE0C0  }
0x13c: {  	_ =	swait.ge [sflag:s12], $0x1F40  }
0x13d: {  	[sflag:s12] =	ssyncset.done $0x0  }
0x13e: {  	[sflag:s12] =	ssyncadd.s32 $0xFFFFE0C0  }
0x13f: {  	_ =	swait.ge [sflag:s13], $0x1F40  }
0x140: {  	[sflag:s13] =	ssyncset.done $0x0  }
0x141: {  	[sflag:s13] =	ssyncadd.s32 $0xFFFFE0C0  }
0x142: {  	_ =	swait.ge [sflag:s14], $0x1F40  }
0x143: {  	[sflag:s14] =	ssyncset.done $0x0  }
0x144: {  	[sflag:s14] =	ssyncadd.s32 $0xFFFFE0C0  }
0x145: {  	_ =	swait.ge [sflag:s26], $0x1F40  }
0x146: {  	[sflag:s26] =	ssyncset.done $0x0  }
0x147: {  	s24 =	stileid.u32;
	[sflag:s26] =	ssyncadd.s32 $0xFFFFE0C0  }
0x148: {  	s3 =	sshll.u32 s24, $0x6;
	[bflag:$0x0] =	sbarrier.arrive $0xFFFF  }
0x149: {  	s6 =	sshrl.u32 s4, $0x3;
	s3 =	sor.u32 $0x1C0B, s3;
	s24 =	rddreg [dreg:$0xc]  }
0x14a: {  	[hbm:s24], [sflag:s3] =	dma.local [spmem:s6], $0x1400  }
0x14b: {  	_ =	swait.ge [sflag:s22], $0x1400  }
0x14c: {  	s29 =	sadd.s32 $0x1, s29;
	s31 =	rddreg [dreg:$0xb]  }
0x14d: {  	p0 =	sne.s32 s29, s31  }
.Ltmp3:
0x14e: {  	_ = 	snop;
	(pc) =	sbr.rel @p0 .LBB2_1-.Ltmp3, $3  }
0x14f: {  	_ =	sdelay $0x1  }
0x150: {  	[sflag:s22] =	ssyncset.done $0x0  }
0x151: {  	[sflag:s22] =	ssyncadd.s32 $0xFFFFEC00  }
0x152: {  	_ =	sfence.sel $0x180000  }
0x153: {  	[bflag:$0x0] =	sbarrier.arrive $0xFFFF  }
0x154: {  	_ =	strace $0x9000004A  }
0x155: {  	s0 =	stileid.u32;
	[bflag:$0x2] =	sbarrier.arrive $0xFFFF  }
0x156: {  	p0 =	sne.s32 s0, $0x0;
	s0 =	rddreg [dreg:$0x2]  }
0x157: {  	s0 =	sadd.s32 @!p0 $0x100000, s0  }
0x158: {  	[sflag:s0] =	ssyncadd.tile.s32 @!p0 $0x1;
	_ =	shalt  }
.Lfunc_end2:
_tile_overlayer_lowered:
.L_overlay_start_2:
0x159: {  	(tag) =	ssettag $0x2  }
0x15a: {  	s0 =	rddreg [dreg:$0x0];
	s2 =	stileid.u32  }
0x15b: {  	s1 =	rddreg [dreg:$0x1];
	p0 =	sne.s32 s2, $0x0  }
0x15c: {  	s3 =	rddreg [dreg:$0x2];
	[bflag:$0x3] =	sbarrier.arrive $0xFFFF;
	s2 =	simm.s32 @!p0 $0x1C0B  }
0x15d: {  	[timem:s3], [sflag:s2] =	dma.local @!p0 [hbm:s0], s1  }
0x15e: {  	s0 =	simm.s32 @!p0 $0xB  }
0x15f: {  	_ =	swait.ge @!p0 [sflag:s0], s1  }
0x160: {  	s1 =	ssub.s32 @!p0 $0x0, s1;
	[sflag:s0] =	ssyncset.done @!p0 $0x0  }
0x161: {  	[sflag:s0] =	ssyncadd.s32 @!p0 s1  }
0x162: {  	[bflag:$0x3] =	sbarrier.arrive $0xFFFF  }
0x163: {  	_ =	shalt  }

// kernel: kernel.17.cloned.1.call-start
scs
__scs_entry_jumppad:
0x0: {  	(pc) =	sbr.rel $0x88, $3  }
0x1: {  	(tag) =	ssettag $0x0;
	lr =	simm.s32 $0x1  }
0x2: {  	[smem:$0x3F97] =	sst lr;
	_ =	strace $0xD0000000  }
0x3: {  	_ = 	snop  }
0x4: {  	_ = 	snop  }
0x5: {  	_ = 	snop  }
0x6: {  	_ = 	snop  }
0x7: {  	_ = 	snop  }
__scs_overlays_trampoline_lowered:
0x8: {  	[smem:$0x3FA6] =	sst s0  }
0x9: {  	[smem:$0x3FA7] =	sst s1  }
0xa: {  	[smem:$0x3FA8] =	sst s2  }
0xb: {  	[smem:$0x3FA9] =	sst s3  }
0xc: {  	[smem:$0x3FAA] =	sst s4  }
0xd: {  	[smem:$0x3FAB] =	sst s5  }
0xe: {  	[smem:$0x3FAC] =	sst s6  }
0xf: {  	[smem:$0x3FAD] =	sst s7  }
0x10: {  	[smem:$0x3FAE] =	sst s8  }
0x11: {  	[smem:$0x3FAF] =	sst s9;
	s0 =	simm.s32 @!p0 $0x0  }
0x12: {  	s1 =	sld [smem:$0x3F95];
	s0 =	simm.s32 @p0 $0x1  }
0x13: {  	[smem:$0x3FB0] =	sst s0;
	s0 =	simm.s32 @!p1 $0x0  }
0x14: {  	s2 =	sld [smem:$0x3F94];
	s0 =	simm.s32 @p1 $0x1  }
0x15: {  	[smem:$0x3FB1] =	sst s0;
	s0 =	simm.s32 @!p2 $0x0  }
0x16: {  	s3 =	sld [smem:$0x3FDB];
	s0 =	simm.s32 @p2 $0x1  }
0x17: {  	s4 =	simm.s32 $0x1BF5;
	[smem:$0x3FB3] =	sst s0  }
0x18: {  	s0 =	sld [smem:$0x3F96];
	_ =	swait.ge [sflag:s4], $0x0  }
0x19: {  	s7 =	sld [smem:$0x3F97]  }
0x1a: {  	s8 =	sadd.s32 $0xFFFFE003, lr  }
0x1b: {  	s9 =	sadd.s32 $0xFFFFFEF7, lr;
	s5 =	simm.s32 $0xFFFFFFFF;
	p2 =	slt.u32 s8, $0xFFFFF086  }
0x1c: {  	p1 =	slt.u32 s9, $0xF7A;
	s5 =	simm.s32 @!p2 $0x0  }
0x1d: {  	s5 =	simm.s32 @p1 $0x1;
	p0 =	seq.s32 s7, s2  }
0x1e: {  	s7 =	smul.u32 @!p0 $0xF7A, s2;
	p2 =	seq.s32 @!p0 s5, $0x0  }
0x1f: {  	s9 =	smul.u32 $0xF7A, s1;
	s8 =	simm.s32 @!p0 $0x1BF5;
	p2 =	por !p2, p0  }
0x20: {  	[sflag:s8] =	ssyncset.s32 @!p0 $0xFFFFF086;
	s6 =	sadd.s32 @!p0 s3, s7;
	s7 =	simm.s32 @!p0 $0x108  }
0x21: {  	s3 =	sadd.s32 s3, s9;
	s6 =	sadd.s32 @!p0 $0x88, s6;
	s7 =	simm.s32 @p2 $0x1082  }
0x22: {  	[simem:s7], [sflag:s8] =	dma.local @!p0 [hbm:s6], $0xF7A  }
0x23: {  	s9 =	sor.u32 $0xD0000000, s2;
	s6 =	simm.s32 $0x108;
	_ =	swait.ge @!p0 [sflag:s8], $0x0  }
0x24: {  	s3 =	sadd.s32 $0x88, s3;
	s6 =	simm.s32 @!p1 $0x1082;
	[sflag:s4] =	ssyncset.s32 $0xFFFFF086  }
0x25: {  	[simem:s6], [sflag:s4] =	dma.local [hbm:s3], $0xF7A  }
0x26: {  	[smem:$0x3F97] =	sst s1;
	(tag) =	ssettag s2;
	_ =	strace s9  }
0x27: {  	s1 =	sld [smem:$0x3FA7]  }
0x28: {  	s2 =	sld [smem:$0x3FA8]  }
0x29: {  	s4 =	sld [smem:$0x3FAA]  }
0x2a: {  	p0 =	seq.s32 s5, $0x0;
	s5 =	sld [smem:$0x3FAB]  }
0x2b: {  	s6 =	sld [smem:$0x3FAC]  }
0x2c: {  	s7 =	sld [smem:$0x3FAD]  }
0x2d: {  	s3 =	simm.s32 $0x108;
	s8 =	sld [smem:$0x3FAE]  }
0x2e: {  	s3 =	simm.s32 @!p0 $0x1082;
	s9 =	sld [smem:$0x3FAF]  }
0x2f: {  	lr =	sadd.s32 s0, s3;
	s0 =	sld [smem:$0x3FA6]  }
0x30: {  	s3 =	sld [smem:$0x3FA9]  }
0x31: {  	[smem:$0x3FB2] =	sst s10  }
0x32: {  	s10 =	sld [smem:$0x3FB0];
	_ =	sdelay $0x3  }
0x33: {  	p0 =	seq.s32 s10, $0x1;
	s10 =	sld [smem:$0x3FB2];
	_ =	sdelay $0x3  }
0x34: {  	[smem:$0x3FB2] =	sst s10  }
0x35: {  	s10 =	sld [smem:$0x3FB1];
	_ =	sdelay $0x3  }
0x36: {  	p1 =	seq.s32 s10, $0x1;
	s10 =	sld [smem:$0x3FB2];
	_ =	sdelay $0x3  }
0x37: {  	[smem:$0x3FB2] =	sst s10  }
0x38: {  	s10 =	sld [smem:$0x3FB3]  }
0x39: {  	_ = 	snop;
	(pc) =	sbr.ind lr, $3  }
0x3a: {  	_ = 	snop  }
0x3b: {  	_ = 	snop  }
0x3c: {  	p2 =	seq.s32 s10, $0x1;
	s10 =	sld [smem:$0x3FB2]  }
0x3d: {  	_ =	shalt  }
0x3e: {  	_ =	shalt  }
0x3f: {  	_ =	shalt  }
0x40: {  	_ =	shalt  }
0x41: {  	_ =	shalt  }
0x42: {  	_ =	shalt  }
0x43: {  	_ =	shalt  }
0x44: {  	_ =	shalt  }
0x45: {  	_ =	shalt  }
0x46: {  	_ =	shalt  }
0x47: {  	_ =	shalt  }
0x48: {  	_ =	shalt  }
0x49: {  	_ =	shalt  }
0x4a: {  	_ =	shalt  }
0x4b: {  	_ =	shalt  }
0x4c: {  	_ =	shalt  }
0x4d: {  	_ =	shalt  }
0x4e: {  	_ =	shalt  }
0x4f: {  	_ =	shalt  }
0x50: {  	_ =	shalt  }
0x51: {  	_ =	shalt  }
0x52: {  	_ =	shalt  }
0x53: {  	_ =	shalt  }
0x54: {  	_ =	shalt  }
0x55: {  	_ =	shalt  }
0x56: {  	_ =	shalt  }
0x57: {  	_ =	shalt  }
0x58: {  	_ =	shalt  }
0x59: {  	_ =	shalt  }
0x5a: {  	_ =	shalt  }
0x5b: {  	_ =	shalt  }
0x5c: {  	_ =	shalt  }
0x5d: {  	_ =	shalt  }
0x5e: {  	_ =	shalt  }
0x5f: {  	_ =	shalt  }
0x60: {  	_ =	shalt  }
0x61: {  	_ =	shalt  }
0x62: {  	_ =	shalt  }
0x63: {  	_ =	shalt  }
0x64: {  	_ =	shalt  }
0x65: {  	_ =	shalt  }
0x66: {  	_ =	shalt  }
0x67: {  	_ =	shalt  }
0x68: {  	_ =	shalt  }
0x69: {  	_ =	shalt  }
0x6a: {  	_ =	shalt  }
0x6b: {  	_ =	shalt  }
0x6c: {  	_ =	shalt  }
0x6d: {  	_ =	shalt  }
0x6e: {  	_ =	shalt  }
0x6f: {  	_ =	shalt  }
0x70: {  	_ =	shalt  }
0x71: {  	_ =	shalt  }
0x72: {  	_ =	shalt  }
0x73: {  	_ =	shalt  }
0x74: {  	_ =	shalt  }
0x75: {  	_ =	shalt  }
0x76: {  	_ =	shalt  }
0x77: {  	_ =	shalt  }
0x78: {  	_ =	shalt  }
0x79: {  	_ =	shalt  }
0x7a: {  	_ =	shalt  }
0x7b: {  	_ =	shalt  }
0x7c: {  	_ =	shalt  }
0x7d: {  	_ =	shalt  }
0x7e: {  	_ =	shalt  }
0x7f: {  	_ =	shalt  }
0x80: {  	_ =	shalt  }
0x81: {  	_ =	shalt  }
0x82: {  	_ =	shalt  }
0x83: {  	_ =	shalt  }
0x84: {  	_ =	shalt  }
0x85: {  	_ =	shalt  }
0x86: {  	_ =	shalt  }
0x87: {  	_ =	shalt  }
.Lfunc_end0:
.L_simem_size_0:
called_computation.2_lowered:
.L_overlay_start_0:
0x88: {  	s2 =	sld [smem:$0x3FD9]  }
0x89: {  	s3 =	sld [smem:$0x3FFE];
	_ =	sdelay $0x1  }
0x8a: {  	s1 =	srdreg.scid  }
0x8b: {  	s0 =	sand.u32 $0x1, s1  }
0x8c: {  	s17 =	sshll.u32 s0, $0xA;
	s2 =	sadd.s32 s3, s2  }
0x8d: {  	s2 =	sadd.s32 s2, s17  }
0x8e: {  	[smem:$0x3FBE] =	sst s2  }
0x8f: {  	_ = 	snop  }
0x90: {  	(tm) =	ssettm $0x1  }
0x91: {  	s18 =	sld [smem:$0x3FFB];
	_ =	sdelay $0x3  }
0x92: {  	_ =	strace s18  }
0x93: {  	s2 =	sld [smem:$0x3FFC];
	_ =	sdelay $0x3  }
0x94: {  	_ =	strace s2  }
0x95: {  	s2 =	sld [smem:$0x3FFD];
	_ =	sdelay $0x3  }
0x96: {  	_ =	strace s2  }
0x97: {  	_ =	strace $0x8FFFFFFF  }
0x98: {  	s19 =	sld [smem:$0x3FDB];
	_ =	sdelay $0x1  }
0x99: {  	s20 =	simm.s32 $_scs_section_size  }
0x9a: {  	s4 =	simm.s32 $_size__tile_overlayer_lowered;
	s5 =	simm.s32 $_tile_overlayer_lowered  }
0x9b: {  	s6 =	simm.s32 $0x1BFF;
	s21 =	sshll.u32 s5, $0x1;
	s3 =	sadd.s32 s20, s19  }
0x9c: {  	s22 =	simm.s32 $0x0;
	s4 =	sshll.u32 s4, $0x1;
	s5 =	sadd.s32 s21, s3  }
0x9d: {  	[timem:s22], [sflag:s6] =	dma.local [hbm:s5], s4  }
0x9e: {  	_ =	swait.ge [sflag:s6], s4  }
0x9f: {  	s4 =	ssub.s32 $0x0, s4;
	[sflag:s6] =	ssyncset.done $0x0  }
0xa0: {  	[sflag:s6] =	ssyncadd.s32 s4;
	_ =	sdelay $0x1  }
0xa1: {  	s23 =	simm.s32 $0x1B8B  }
0xa2: {  	_ =	swait.ge [sflag:s23], $0x1  }
0xa3: {  	[sflag:s23] =	ssyncset.done $0x0  }
0xa4: {  	[sflag:s23] =	ssyncadd.s32 $0xFFFFFFFF  }
0xa5: {  	s4 =	sld [smem:$0x0]  }
0xa6: {  	s5 =	sand.u32 $0xFFFFFFFE, s1  }
0xa7: {  	p0 =	sne.s32 s1, s5  }
0xa8: {  	s5 =	sshll.u32 @p0 s5, $0xE  }
0xa9: {  	s5 =	sadd.s32 @p0 $0x11B8D, s5;
	s6 =	sshll.u32 @p0 s4, $0x11  }
0xaa: {  	s5 =	sor.u32 @p0 s6, s5  }
0xab: {  	[sflag:s5] =	ssyncadd.remote.s32 @p0 $0x1;
	_ =	sdelay $0x1  }
0xac: {  	s5 =	simm.s32 @p0 $0x1B8D  }
0xad: {  	_ =	swait.eq @p0 [sflag:s5], $0x1  }
0xae: {  	[sflag:s5] =	ssyncadd.s32 @p0 $0xFFFFFFFF  }
0xaf: {  	s6 =	sshll.u32 @!p0 s1, $0xE  }
0xb0: {  	s6 =	sor.u32 @!p0 $0x4000, s6;
	s5 =	simm.s32 @!p0 $0x1B8D  }
0xb1: {  	s4 =	sshll.u32 @!p0 s4, $0x11;
	s6 =	sadd.s32 @!p0 $0x11B8D, s6;
	_ =	swait.eq @!p0 [sflag:s5], $0x1  }
0xb2: {  	s4 =	sor.u32 @!p0 s4, s6;
	[sflag:s5] =	ssyncadd.s32 @!p0 $0xFFFFFFFF  }
0xb3: {  	s25 =	simm.s32 $0x1B8E;
	s24 =	sld [smem:$0x3FFE];
	[sflag:s4] =	ssyncadd.remote.s32 @!p0 $0x1  }
0xb4: {  	s26 =	simm.s32 $execute0_lowered;
	[smem:$0x3FD2] =	sst s25  }
0xb5: {  	s5 =	sshll.u32 s26, $0x1;
	_ =	strace $0x80000052;
	[dreg:$0x1] =	wrdreg $0xFFFFFFFF  }
0xb6: {  	s28 =	simm.s32 $_size_execute0_lowered;
	s3 =	sadd.s32 s3, s5;
	[dreg:$0x0] =	wrdreg $0x0  }
0xb7: {  	s5 =	sshll.u32 s28, $0x1;
	[dreg:$0x2] =	wrdreg s3  }
0xb8: {  	[dreg:$0x3] =	wrdreg s5  }
0xb9: {  	[dreg:$0x4] =	wrdreg $0xC0  }
0xba: {  	_ =	task [dreg:s22], $0x5FFFF  }
0xbb: {  	[dreg:$0x1] =	wrdreg $0xFFFFFFFF  }
0xbc: {  	[dreg:$0x0] =	wrdreg $0x60  }
0xbd: {  	[dreg:$0x2] =	wrdreg s24  }
0xbe: {  	[dreg:$0x3] =	wrdreg $0x9  }
0xbf: {  	_ =	task.clear_ibuf [dreg:s22], $0x4FFFF;
	_ =	strace $0x90000052  }
0xc0: {  	s29 =	simm.s32 $0x9;
	_ =	strace $0x80000054  }
0xc1: {  	_ =	swait.ge [sflag:s29], $0x1  }
0xc2: {  	[sflag:s29] =	ssyncadd.s32 $0xFFFFFFFF  }
0xc3: {  	_ =	strace $0x90000054  }
0xc4: {  	_ =	sfence  }
0xc5: {  	s30 =	sld [smem:$0x0];
	_ =	sdelay $0x2  }
0xc6: {  	s31 =	sshll.u32 s1, $0xD;
	s1 =	sshrl.u32 s1, $0x2  }
0xc7: {  	s4 =	sand.u32 $0x4000, s31;
	s1 =	sadd.s32 s1, s30  }
0xc8: {  	s0 =	sor.u32 s4, s0;
	s1 =	sshll.u32 s1, $0x11  }
0xc9: {  	s0 =	sor.u32 s1, s0  }
0xca: {  	s0 =	sadd.s32 $0x8F2B, s0  }
0xcb: {  	[sflag:s0] =	ssyncadd.remote.s32 $0x1  }
0xcc: {  	_ =	sfence.sel $0xFFFF  }
0xcd: {  	[dreg:$0x0] =	wrdreg $0xFFFFFFFF;
	(pc) =	sbr.abs _section_cstart, $3  }
0xce: {  	[dreg:$0x1] =	wrdreg $0xFFFFFFFF  }
0xcf: {  	_ =	task.clear_ibuf [dreg:s22], $0x2FFFF;
	_ =	strace $0x9FFFFFFF  }
0xd0: {  	(tm) =	ssettm $0x7FFFFFFF  }
0xd1: {  	_ =	shalt  }
tec
execute0_lowered:
.L_overlay_start_1:
0x0: {  	(tag) =	ssettag $0x1  }
0x1: {  	s1 =	srdreg.scid  }
0x2: {  	s0 =	stileid.u32;
	s4 =	rddreg [dreg:$0x0];
	s8 =	simm.s32 $0x1  }
0x3: {  	s9 =	simm.s32 $0x2780;
	s10 =	simm.s32 $0x4F00;
	s11 =	simm.s32 $0x7700  }
0x4: {  	s12 =	simm.s32 $0x80;
	s13 =	simm.s32 $0x400;
	s14 =	simm.s32 $0x0  }
0x5: {  	s3 =	sand.u32 $0x1, s1;
	s2 =	sshll.u32 s0, $0x1;
	s1 =	rddreg [dreg:$0x1]  }
0x6: {  	s6 =	sshrl.u32 s0, $0x2;
	s5 =	sor.u32 s3, s2;
	s2 =	simm.s32 $0x0  }
0x7: {  	s6 =	smul.u32 $0x14000, s6;
	s30 =	ssub.s32 $0x2, s3;
	s7 =	sshll.u32 s5, $0x7  }
0x8: {  	s3 =	sadd.s32 $0x17400, s4;
	[smem:$0x7FF] =	sst s2;
	s7 =	sand.u32 $0x380, s7  }
0x9: {  	s5 =	smul.u32 $0x4E2, s5;
	s31 =	sshrl.u32 s30, $0x1;
	s6 =	sor.u32 s6, s7  }
0xa: {  	_ =	strace $0x80000053;
	s7 =	ssub.s32 s30, s31;
	s6 =	sshrl.u32 s6, $0x3  }
0xb: {  	s5 =	sadd.s32 s5, s4;
	s7 =	smax.u32 s7, $0x1;
	s6 =	sadd.s32 s6, s4  }
0xc: {  	v0 =	vimm.f32 $0.0e+00;
	s4 =	sadd.s32 $0xD600, s5;
	s5 =	sadd.s32 $0x3800, s5;
	s6 =	sadd.s32 $0xFD400, s6  }
.LBB2_1:
0xd: {  	[tilespmem:s2], [sflag:$0x1] =	stream.linear.gather [hbm4b:s4+s2], $0x2710, $0x38;
	[tilespmem:$0x9F00] =	vst v63  }
0xe: {  	_ =	swait.ge [sflag:s8], $0x2710  }
0xf: {  	[sflag:s8] =	ssyncset.done $0x0  }
0x10: {  	[sflag:s8] =	ssyncadd.s32 $0xFFFFD8F0  }
0x11: {  	[tilespmem:s9], [sflag:$0x1] =	stream.linear.gather [hbm4b:s5+s2], $0x2710, $0x38;
	[tilespmem:$0x9F00] =	vst v63  }
0x12: {  	_ =	swait.ge [sflag:s8], $0x2710  }
0x13: {  	[sflag:s8] =	ssyncset.done $0x0  }
0x14: {  	[sflag:s8] =	ssyncadd.s32 $0xFFFFD8F0  }
0x15: {  	[tilespmem:s10], [sflag:$0x1] =	stream.linear.gather [hbm4b:s3+s2], $0x2800, $0x38;
	[tilespmem:$0x9F00] =	vst v63  }
0x16: {  	_ =	swait.ge [sflag:s8], $0x2800  }
0x17: {  	[sflag:s8] =	ssyncset.done $0x0  }
0x18: {  	s15 =	simm.s32 $0x0;
	[sflag:s8] =	ssyncadd.s32 $0xFFFFD800  }
.LBB2_2:
0x19: {  	p0 =	sne.s32 s15, $0x9FC0  }
.Ltmp0:
0x1a: {  	_ = 	snop;
	(pc) =	sbr.rel @p0 .LBB2_2-.Ltmp0, $3  }
0x1b: {  	_ =	sdelay $0x1  }
0x1c: {  	s16 =	sshra.s32 s15, $0x2  }
0x1d: {  	s15 =	sadd.s32 $0x40, s15;
	[tilespmem:s16+$0x7700] =	vst v0  }
0x1e: {  	s16 =	simm.s32 $0x0;
	s15 =	simm.s32 $0x40  }
.LBB2_4:
0x1f: {  	p0 =	sne.s32 s15, $0x9C00;
	v1 =	vld [tilespmem:s16+$0x2780];
	_ =	sdelay $0x5  }
0x20: {  	v2 =	vld [tilespmem:s16+$0x0];
	_ =	sdelay $0x1  }
0x21: {  	v1 =	vld.idx.msk [tilespmem:v1+s10+$0x0], $0xffff;
	_ =	sdelay $0x1  }
.Ltmp1:
0x22: {  	(pc) =	sbr.rel @p0 .LBB2_4-.Ltmp1, $2  }
0x23: {  	_ =	sdelay $0x2  }
0x24: {  	s16 =	sshra.s32 s15, $0x2;
	s15 =	sadd.s32 $0x40, s15;
	[tilespmem:v2+s11+$0x0] =	vst.idx.add.f32.msk $0xffff, v1  }
0x25: {  	v1 =	vld [tilespmem:s16+$0x2780];
	_ =	sdelay $0x4  }
0x26: {  	v2 =	vld [tilespmem:s16+$0x0];
	_ =	sdelay $0x2  }
0x27: {  	v1 =	vld.idx.msk [tilespmem:v1+s10+$0x0], $0xffff;
	_ =	sdelay $0x2  }
0x28: {  	s14 =	sadd.s32 $0x1, s14  }
0x29: {  	p0 =	sne.s32 s14, s7  }
.Ltmp2:
0x2a: {  	[tilespmem:v2+s11+$0x0] =	vst.idx.add.f32.msk $0xffff, v1;
	(pc) =	sbr.rel @p0 .LBB2_1-.Ltmp2, $4  }
0x2b: {  	[hbm4b:s6+s12] =	stream.strided.scatter [tilespmem:s11], [sflag:$0x1], $0x2800, s13, s12, $0x38;
	[tilespmem:$0x9F00] =	vst v63  }
0x2c: {  	_ =	swait.ge [sflag:s8], $0x2800  }
0x2d: {  	[sflag:s8] =	ssyncset.done $0x0  }
0x2e: {  	[sflag:s8] =	ssyncadd.s32 $0xFFFFD800  }
0x2f: {  	_ =	sfence.sel $0x180000  }
0x30: {  	[bflag:$0x0] =	sbarrier.arrive $0xFFFF  }
0x31: {  	p0 =	sne.s32 s0, $0x0;
	_ =	strace $0x90000053  }
0x32: {  	s0 =	sadd.s32 @!p0 $0x100000, s1;
	[bflag:$0x2] =	sbarrier.arrive $0xFFFF  }
0x33: {  	[sflag:s0] =	ssyncadd.tile.s32 @!p0 $0x1;
	_ =	shalt  }
.Lfunc_end2:
_tile_overlayer_lowered:
.L_overlay_start_2:
0x34: {  	(tag) =	ssettag $0x2  }
0x35: {  	s0 =	rddreg [dreg:$0x0];
	s2 =	stileid.u32  }
0x36: {  	s1 =	rddreg [dreg:$0x1];
	p0 =	sne.s32 s2, $0x0  }
0x37: {  	s3 =	rddreg [dreg:$0x2];
	[bflag:$0x3] =	sbarrier.arrive $0xFFFF;
	s2 =	simm.s32 @!p0 $0x1C01  }
0x38: {  	[timem:s3], [sflag:s2] =	dma.local @!p0 [hbm:s0], s1  }
0x39: {  	s0 =	simm.s32 @!p0 $0x1  }
0x3a: {  	_ =	swait.ge @!p0 [sflag:s0], s1  }
0x3b: {  	s1 =	ssub.s32 @!p0 $0x0, s1;
	[sflag:s0] =	ssyncset.done @!p0 $0x0  }
0x3c: {  	[sflag:s0] =	ssyncadd.s32 @!p0 s1  }
0x3d: {  	[bflag:$0x3] =	sbarrier.arrive $0xFFFF  }
0x3e: {  	_ =	shalt  }

// kernel: kernel.20.cloned.1.call-start
scs
__scs_entry_jumppad:
0x0: {  	(pc) =	sbr.rel $0x88, $3  }
0x1: {  	(tag) =	ssettag $0x0;
	lr =	simm.s32 $0x1  }
0x2: {  	[smem:$0x3F97] =	sst lr;
	_ =	strace $0xD0000000  }
0x3: {  	_ = 	snop  }
0x4: {  	_ = 	snop  }
0x5: {  	_ = 	snop  }
0x6: {  	_ = 	snop  }
0x7: {  	_ = 	snop  }
__scs_overlays_trampoline_lowered:
0x8: {  	[smem:$0x3FA6] =	sst s0  }
0x9: {  	[smem:$0x3FA7] =	sst s1  }
0xa: {  	[smem:$0x3FA8] =	sst s2  }
0xb: {  	[smem:$0x3FA9] =	sst s3  }
0xc: {  	[smem:$0x3FAA] =	sst s4  }
0xd: {  	[smem:$0x3FAB] =	sst s5  }
0xe: {  	[smem:$0x3FAC] =	sst s6  }
0xf: {  	[smem:$0x3FAD] =	sst s7  }
0x10: {  	[smem:$0x3FAE] =	sst s8  }
0x11: {  	[smem:$0x3FAF] =	sst s9;
	s0 =	simm.s32 @!p0 $0x0  }
0x12: {  	s1 =	sld [smem:$0x3F95];
	s0 =	simm.s32 @p0 $0x1  }
0x13: {  	[smem:$0x3FB0] =	sst s0;
	s0 =	simm.s32 @!p1 $0x0  }
0x14: {  	s2 =	sld [smem:$0x3F94];
	s0 =	simm.s32 @p1 $0x1  }
0x15: {  	[smem:$0x3FB1] =	sst s0;
	s0 =	simm.s32 @!p2 $0x0  }
0x16: {  	s3 =	sld [smem:$0x3FDB];
	s0 =	simm.s32 @p2 $0x1  }
0x17: {  	s4 =	simm.s32 $0x1BF5;
	[smem:$0x3FB3] =	sst s0  }
0x18: {  	s0 =	sld [smem:$0x3F96];
	_ =	swait.ge [sflag:s4], $0x0  }
0x19: {  	s7 =	sld [smem:$0x3F97]  }
0x1a: {  	s8 =	sadd.s32 $0xFFFFE003, lr  }
0x1b: {  	s9 =	sadd.s32 $0xFFFFFEF7, lr;
	s5 =	simm.s32 $0xFFFFFFFF;
	p2 =	slt.u32 s8, $0xFFFFF086  }
0x1c: {  	p1 =	slt.u32 s9, $0xF7A;
	s5 =	simm.s32 @!p2 $0x0  }
0x1d: {  	s5 =	simm.s32 @p1 $0x1;
	p0 =	seq.s32 s7, s2  }
0x1e: {  	s7 =	smul.u32 @!p0 $0xF7A, s2;
	p2 =	seq.s32 @!p0 s5, $0x0  }
0x1f: {  	s9 =	smul.u32 $0xF7A, s1;
	s8 =	simm.s32 @!p0 $0x1BF5;
	p2 =	por !p2, p0  }
0x20: {  	[sflag:s8] =	ssyncset.s32 @!p0 $0xFFFFF086;
	s6 =	sadd.s32 @!p0 s3, s7;
	s7 =	simm.s32 @!p0 $0x108  }
0x21: {  	s3 =	sadd.s32 s3, s9;
	s6 =	sadd.s32 @!p0 $0x88, s6;
	s7 =	simm.s32 @p2 $0x1082  }
0x22: {  	[simem:s7], [sflag:s8] =	dma.local @!p0 [hbm:s6], $0xF7A  }
0x23: {  	s9 =	sor.u32 $0xD0000000, s2;
	s6 =	simm.s32 $0x108;
	_ =	swait.ge @!p0 [sflag:s8], $0x0  }
0x24: {  	s3 =	sadd.s32 $0x88, s3;
	s6 =	simm.s32 @!p1 $0x1082;
	[sflag:s4] =	ssyncset.s32 $0xFFFFF086  }
0x25: {  	[simem:s6], [sflag:s4] =	dma.local [hbm:s3], $0xF7A  }
0x26: {  	[smem:$0x3F97] =	sst s1;
	(tag) =	ssettag s2;
	_ =	strace s9  }
0x27: {  	s1 =	sld [smem:$0x3FA7]  }
0x28: {  	s2 =	sld [smem:$0x3FA8]  }
0x29: {  	s4 =	sld [smem:$0x3FAA]  }
0x2a: {  	p0 =	seq.s32 s5, $0x0;
	s5 =	sld [smem:$0x3FAB]  }
0x2b: {  	s6 =	sld [smem:$0x3FAC]  }
0x2c: {  	s7 =	sld [smem:$0x3FAD]  }
0x2d: {  	s3 =	simm.s32 $0x108;
	s8 =	sld [smem:$0x3FAE]  }
0x2e: {  	s3 =	simm.s32 @!p0 $0x1082;
	s9 =	sld [smem:$0x3FAF]  }
0x2f: {  	lr =	sadd.s32 s0, s3;
	s0 =	sld [smem:$0x3FA6]  }
0x30: {  	s3 =	sld [smem:$0x3FA9]  }
0x31: {  	[smem:$0x3FB2] =	sst s10  }
0x32: {  	s10 =	sld [smem:$0x3FB0];
	_ =	sdelay $0x3  }
0x33: {  	p0 =	seq.s32 s10, $0x1;
	s10 =	sld [smem:$0x3FB2];
	_ =	sdelay $0x3  }
0x34: {  	[smem:$0x3FB2] =	sst s10  }
0x35: {  	s10 =	sld [smem:$0x3FB1];
	_ =	sdelay $0x3  }
0x36: {  	p1 =	seq.s32 s10, $0x1;
	s10 =	sld [smem:$0x3FB2];
	_ =	sdelay $0x3  }
0x37: {  	[smem:$0x3FB2] =	sst s10  }
0x38: {  	s10 =	sld [smem:$0x3FB3]  }
0x39: {  	_ = 	snop;
	(pc) =	sbr.ind lr, $3  }
0x3a: {  	_ = 	snop  }
0x3b: {  	_ = 	snop  }
0x3c: {  	p2 =	seq.s32 s10, $0x1;
	s10 =	sld [smem:$0x3FB2]  }
0x3d: {  	_ =	shalt  }
0x3e: {  	_ =	shalt  }
0x3f: {  	_ =	shalt  }
0x40: {  	_ =	shalt  }
0x41: {  	_ =	shalt  }
0x42: {  	_ =	shalt  }
0x43: {  	_ =	shalt  }
0x44: {  	_ =	shalt  }
0x45: {  	_ =	shalt  }
0x46: {  	_ =	shalt  }
0x47: {  	_ =	shalt  }
0x48: {  	_ =	shalt  }
0x49: {  	_ =	shalt  }
0x4a: {  	_ =	shalt  }
0x4b: {  	_ =	shalt  }
0x4c: {  	_ =	shalt  }
0x4d: {  	_ =	shalt  }
0x4e: {  	_ =	shalt  }
0x4f: {  	_ =	shalt  }
0x50: {  	_ =	shalt  }
0x51: {  	_ =	shalt  }
0x52: {  	_ =	shalt  }
0x53: {  	_ =	shalt  }
0x54: {  	_ =	shalt  }
0x55: {  	_ =	shalt  }
0x56: {  	_ =	shalt  }
0x57: {  	_ =	shalt  }
0x58: {  	_ =	shalt  }
0x59: {  	_ =	shalt  }
0x5a: {  	_ =	shalt  }
0x5b: {  	_ =	shalt  }
0x5c: {  	_ =	shalt  }
0x5d: {  	_ =	shalt  }
0x5e: {  	_ =	shalt  }
0x5f: {  	_ =	shalt  }
0x60: {  	_ =	shalt  }
0x61: {  	_ =	shalt  }
0x62: {  	_ =	shalt  }
0x63: {  	_ =	shalt  }
0x64: {  	_ =	shalt  }
0x65: {  	_ =	shalt  }
0x66: {  	_ =	shalt  }
0x67: {  	_ =	shalt  }
0x68: {  	_ =	shalt  }
0x69: {  	_ =	shalt  }
0x6a: {  	_ =	shalt  }
0x6b: {  	_ =	shalt  }
0x6c: {  	_ =	shalt  }
0x6d: {  	_ =	shalt  }
0x6e: {  	_ =	shalt  }
0x6f: {  	_ =	shalt  }
0x70: {  	_ =	shalt  }
0x71: {  	_ =	shalt  }
0x72: {  	_ =	shalt  }
0x73: {  	_ =	shalt  }
0x74: {  	_ =	shalt  }
0x75: {  	_ =	shalt  }
0x76: {  	_ =	shalt  }
0x77: {  	_ =	shalt  }
0x78: {  	_ =	shalt  }
0x79: {  	_ =	shalt  }
0x7a: {  	_ =	shalt  }
0x7b: {  	_ =	shalt  }
0x7c: {  	_ =	shalt  }
0x7d: {  	_ =	shalt  }
0x7e: {  	_ =	shalt  }
0x7f: {  	_ =	shalt  }
0x80: {  	_ =	shalt  }
0x81: {  	_ =	shalt  }
0x82: {  	_ =	shalt  }
0x83: {  	_ =	shalt  }
0x84: {  	_ =	shalt  }
0x85: {  	_ =	shalt  }
0x86: {  	_ =	shalt  }
0x87: {  	_ =	shalt  }
.Lfunc_end0:
.L_simem_size_0:
called_computation.3_lowered:
.L_overlay_start_0:
0x88: {  	s2 =	sld [smem:$0x3FD9]  }
0x89: {  	s3 =	sld [smem:$0x3FFE];
	_ =	sdelay $0x1  }
0x8a: {  	s1 =	srdreg.scid  }
0x8b: {  	s0 =	sand.u32 $0x1, s1  }
0x8c: {  	s16 =	sshll.u32 s0, $0xA;
	s2 =	sadd.s32 s3, s2  }
0x8d: {  	s2 =	sadd.s32 s2, s16  }
0x8e: {  	[smem:$0x3FBE] =	sst s2  }
0x8f: {  	_ = 	snop  }
0x90: {  	(tm) =	ssettm $0x1  }
0x91: {  	s17 =	sld [smem:$0x3FFB];
	_ =	sdelay $0x3  }
0x92: {  	_ =	strace s17  }
0x93: {  	s2 =	sld [smem:$0x3FFC];
	_ =	sdelay $0x3  }
0x94: {  	_ =	strace s2  }
0x95: {  	s2 =	sld [smem:$0x3FFD];
	_ =	sdelay $0x3  }
0x96: {  	_ =	strace s2  }
0x97: {  	_ =	strace $0x8FFFFFFF  }
0x98: {  	s18 =	sld [smem:$0x3FDB];
	_ =	sdelay $0x1  }
0x99: {  	s19 =	simm.s32 $_scs_section_size  }
0x9a: {  	s4 =	simm.s32 $_size__tile_overlayer_lowered;
	s5 =	simm.s32 $_tile_overlayer_lowered  }
0x9b: {  	s22 =	simm.s32 $0x1BFF;
	s21 =	sshll.u32 s5, $0x1;
	s2 =	sadd.s32 s19, s18  }
0x9c: {  	s6 =	simm.s32 $0x0;
	s20 =	sshll.u32 s4, $0x1;
	s4 =	sadd.s32 s21, s2  }
0x9d: {  	[timem:s6], [sflag:s22] =	dma.local [hbm:s4], s20  }
0x9e: {  	_ =	swait.ge [sflag:s22], s20  }
0x9f: {  	s3 =	ssub.s32 $0x0, s20;
	[sflag:s22] =	ssyncset.done $0x0  }
0xa0: {  	[sflag:s22] =	ssyncadd.s32 s3;
	_ =	sdelay $0x1  }
0xa1: {  	s23 =	simm.s32 $0x1B8B  }
0xa2: {  	_ =	swait.ge [sflag:s23], $0x1  }
0xa3: {  	[sflag:s23] =	ssyncset.done $0x0  }
0xa4: {  	s25 =	simm.s32 $0x1B8E;
	s24 =	sld [smem:$0x3FFE];
	[sflag:s23] =	ssyncadd.s32 $0xFFFFFFFF  }
0xa5: {  	s26 =	simm.s32 $execute0_lowered;
	[smem:$0x3FD2] =	sst s25  }
0xa6: {  	s4 =	sshll.u32 s26, $0x1;
	_ =	strace $0x8000004C;
	[dreg:$0x1] =	wrdreg $0xFFFFFFFF  }
0xa7: {  	s28 =	simm.s32 $_size_execute0_lowered;
	s2 =	sadd.s32 s2, s4;
	[dreg:$0x0] =	wrdreg $0x0  }
0xa8: {  	s4 =	sshll.u32 s28, $0x1;
	[dreg:$0x2] =	wrdreg s2  }
0xa9: {  	[dreg:$0x3] =	wrdreg s4  }
0xaa: {  	[dreg:$0x4] =	wrdreg $0xC0  }
0xab: {  	_ =	task [dreg:s6], $0x5FFFF  }
0xac: {  	[dreg:$0x1] =	wrdreg $0xFFFFFFFF  }
0xad: {  	[dreg:$0x0] =	wrdreg $0x60  }
0xae: {  	[dreg:$0x2] =	wrdreg s24  }
0xaf: {  	[dreg:$0x3] =	wrdreg $0x10C400  }
0xb0: {  	[dreg:$0x4] =	wrdreg $0x9  }
0xb1: {  	_ =	task.clear_ibuf [dreg:s6], $0x5FFFF;
	_ =	strace $0x9000004C  }
0xb2: {  	s29 =	simm.s32 $0x9;
	_ =	strace $0x8000004E  }
0xb3: {  	_ =	swait.ge [sflag:s29], $0x1  }
0xb4: {  	[sflag:s29] =	ssyncadd.s32 $0xFFFFFFFF  }
0xb5: {  	_ =	strace $0x9000004E  }
0xb6: {  	_ =	sfence  }
0xb7: {  	s30 =	sld [smem:$0x0];
	_ =	sdelay $0x2  }
0xb8: {  	s31 =	sshll.u32 s1, $0xD;
	s1 =	sshrl.u32 s1, $0x2  }
0xb9: {  	s3 =	sand.u32 $0x4000, s31;
	s1 =	sadd.s32 s1, s30  }
0xba: {  	s0 =	sor.u32 s3, s0;
	s1 =	sshll.u32 s1, $0x11  }
0xbb: {  	s0 =	sor.u32 s1, s0  }
0xbc: {  	s0 =	sadd.s32 $0x8F2B, s0  }
0xbd: {  	[sflag:s0] =	ssyncadd.remote.s32 $0x1  }
0xbe: {  	_ =	sfence.sel $0xFFFF  }
0xbf: {  	[dreg:$0x0] =	wrdreg $0xFFFFFFFF;
	(pc) =	sbr.abs _section_cstart, $3  }
0xc0: {  	[dreg:$0x1] =	wrdreg $0xFFFFFFFF  }
0xc1: {  	_ =	task.clear_ibuf [dreg:s6], $0x2FFFF;
	_ =	strace $0x9FFFFFFF  }
0xc2: {  	(tm) =	ssettm $0x7FFFFFFF  }
0xc3: {  	_ =	shalt  }
tec
execute0_lowered:
.L_overlay_start_1:
0x0: {  	(tag) =	ssettag $0x1  }
0x1: {  	s0 =	rddreg [dreg:$0x0]  }
0x2: {  	s1 =	rddreg [dreg:$0x1];
	s2 =	simm.s32 $0x0;
	s3 =	srdreg.scid  }
0x3: {  	s10 =	stileid.u32;
	s15 =	simm.s32 $0xEC40;
	s16 =	simm.s32 $0x1  }
0x4: {  	s17 =	simm.s32 $0x2;
	s18 =	simm.s32 $0x3;
	s19 =	simm.s32 $0x4  }
0x5: {  	s28 =	simm.s32 $0x1F40;
	s30 =	simm.s32 $0x3E80;
	s6 =	smul.u32 $0x28000, s10  }
0x6: {  	s12 =	simm.s32 $0x7;
	s13 =	simm.s32 $0x8;
	s8 =	smul.u32 $0xA000, s10  }
0x7: {  	s14 =	simm.s32 $0x9;
	s29 =	simm.s32 $0x0;
	s9 =	smul.u32 $0x5000, s10  }
0x8: {  	[smem:$0x7FF] =	sst s2;
	s3 =	sand.u32 $0x1, s3;
	s10 =	smul.u32 $0xA00, s10  }
0x9: {  	s5 =	sadd.s32 $0x2B400, s0;
	s4 =	smul.u32 $0x14000, s3;
	s3 =	ssub.s32 $0x2, s3  }
0xa: {  	s7 =	sadd.s32 $0x21400, s0;
	_ =	strace $0x8000004D;
	s20 =	sshrl.u32 s3, $0x1  }
0xb: {  	s6 =	sshrl.u32 s6, $0x2;
	s9 =	sshrl.u32 s9, $0x3;
	s23 =	sadd.s32 s5, s10  }
0xc: {  	s25 =	sadd.s32 s7, s10;
	s31 =	sshrl.u32 s8, $0x3;
	s10 =	simm.s32 $0x6  }
0xd: {  	s0 =	sadd.s32 s4, s0;
	s3 =	ssub.s32 s3, s20;
	s6 =	sadd.s32 s6, s1  }
0xe: {  	s4 =	sadd.s32 s8, s1;
	[dreg:$0x7] =	wrdreg s23;
	s24 =	sadd.s32 $0x500, s9  }
0xf: {  	[dreg:$0x8] =	wrdreg s25;
	s20 =	simm.s32 $0x5;
	s11 =	sadd.s32 $0x2000, s6  }
0x10: {  	s23 =	simm.s32 $0xC440;
	s21 =	sadd.s32 $0x4000, s6;
	[dreg:$0x3] =	wrdreg s11  }
0x11: {  	s25 =	simm.s32 $0x7D;
	s22 =	sadd.s32 $0x6000, s6;
	[dreg:$0x4] =	wrdreg s21  }
0x12: {  	s8 =	simm.s32 $0xC5C0;
	s6 =	sadd.s32 $0x8000, s6;
	[dreg:$0x5] =	wrdreg s22  }
0x13: {  	s9 =	simm.s32 $0xC640;
	s5 =	sadd.s32 s5, s24;
	[dreg:$0x6] =	wrdreg s6  }
0x14: {  	s26 =	sadd.s32 s7, s24;
	s3 =	smax.u32 s3, $0x1;
	[dreg:$0x9] =	wrdreg s5  }
0x15: {  	s7 =	simm.s32 $0xC540;
	s11 =	sadd.s32 $0xAD400, s0;
	[dreg:$0xa] =	wrdreg s26  }
0x16: {  	s0 =	sadd.s32 $0xD5400, s0;
	[dreg:$0xb] =	wrdreg s3;
	s21 =	simm.s32 $0x9C40  }
0x17: {  	s22 =	simm.s32 $0xB;
	s5 =	simm.s32 $0x7D00;
	s0 =	sadd.s32 s31, s0  }
0x18: {  	v0 =	vimm.f32 $0.0e+00;
	s26 =	simm.s32 $0xA;
	[dreg:$0xc] =	wrdreg s0;
	s0 =	simm.s32 $0x5DC0  }
.LBB2_1:
0x19: {  	s3 =	sand.u32 $0x7F00, s2  }
0x1a: {  	s31 =	sand.u32 $0x30, s2;
	s3 =	sshrl.u32 s3, $0x2  }
0x1b: {  	s24 =	simm.s32 $0x40;
	s3 =	sor.u32 s31, s3;
	s31 =	simm.s32 $0x0  }
.LBB2_2:
0x1c: {  	p0 =	sne.s32 s24, $0x7FC0  }
0x1d: {  	[tilespmem:s3+$0xEC40] =	vst v0;
	s31 =	sadd.s32 $0x10, s31;
	s3 =	smov.u32 s24;
	s24 =	sadd.s32 $0x40, s24  }
.Ltmp0:
0x1e: {  	(pc) =	sbr.rel @p0 .LBB2_2-.Ltmp0, $4  }
0x1f: {  	_ = 	snop  }
0x20: {  	s3 =	sand.u32 $0x7F00, s3  }
0x21: {  	s6 =	sand.u32 $0x30, s31;
	s3 =	sshrl.u32 s3, $0x2  }
0x22: {  	s3 =	sor.u32 s6, s3  }
0x23: {  	[tilespmem:s3+$0xEC40] =	vst v0  }
0x24: {  	[spmem:s4] =	stream.linear.scatter [tilespmem:s15], [sflag:$0x1], $0x2000, $0x38;
	[tilespmem:$0x1AC40] =	vst v63  }
0x25: {  	s24 =	rddreg [dreg:$0x3]  }
0x26: {  	[spmem:s24] =	stream.linear.scatter [tilespmem:s15], [sflag:$0x2], $0x2000, $0x38;
	[tilespmem:$0x1AC40] =	vst v63  }
0x27: {  	s6 =	rddreg [dreg:$0x4]  }
0x28: {  	[spmem:s6] =	stream.linear.scatter [tilespmem:s15], [sflag:$0x3], $0x2000, $0x38;
	[tilespmem:$0x1AC40] =	vst v63  }
0x29: {  	s24 =	rddreg [dreg:$0x5]  }
0x2a: {  	[spmem:s24] =	stream.linear.scatter [tilespmem:s15], [sflag:$0x4], $0x2000, $0x38;
	[tilespmem:$0x1AC40] =	vst v63  }
0x2b: {  	s6 =	rddreg [dreg:$0x6]  }
0x2c: {  	[spmem:s6] =	stream.linear.scatter [tilespmem:s15], [sflag:$0x5], $0x2000, $0x38;
	[tilespmem:$0x1AC40] =	vst v63  }
0x2d: {  	_ =	swait.ge [sflag:s16], $0x2000  }
0x2e: {  	[sflag:s16] =	ssyncset.done $0x0  }
0x2f: {  	[sflag:s16] =	ssyncadd.s32 $0xFFFFE000  }
0x30: {  	_ =	swait.ge [sflag:s17], $0x2000  }
0x31: {  	[sflag:s17] =	ssyncset.done $0x0  }
0x32: {  	[sflag:s17] =	ssyncadd.s32 $0xFFFFE000  }
0x33: {  	_ =	swait.ge [sflag:s18], $0x2000  }
0x34: {  	[sflag:s18] =	ssyncset.done $0x0  }
0x35: {  	[sflag:s18] =	ssyncadd.s32 $0xFFFFE000  }
0x36: {  	_ =	swait.ge [sflag:s19], $0x2000  }
0x37: {  	[sflag:s19] =	ssyncset.done $0x0  }
0x38: {  	[sflag:s19] =	ssyncadd.s32 $0xFFFFE000  }
0x39: {  	_ =	swait.ge [sflag:s20], $0x2000  }
0x3a: {  	[sflag:s20] =	ssyncset.done $0x0  }
0x3b: {  	[sflag:s20] =	ssyncadd.s32 $0xFFFFE000  }
0x3c: {  	[bflag:$0x0] =	sbarrier.arrive $0xFFFF  }
0x3d: {  	s3 =	simm.s32 $0x0;
	s6 =	rddreg [dreg:$0x7]  }
0x3e: {  	[tilespmem:s21], [sflag:$0xB] =	stream.linear.gather [hbm4b:s6+s3], $0x2800, $0x38;
	[tilespmem:$0x1AC40] =	vst v63  }
0x3f: {  	_ =	swait.ge [sflag:s22], $0x2800  }
0x40: {  	[sflag:s22] =	ssyncset.done $0x0  }
0x41: {  	s24 =	rddreg [dreg:$0x8];
	[sflag:s22] =	ssyncadd.s32 $0xFFFFD800  }
0x42: {  	[tilespmem:s23], [sflag:$0xB] =	stream.linear.gather [hbm4b:s24+s3], $0x2800, $0x38;
	[tilespmem:$0x1AC40] =	vst v63  }
0x43: {  	_ =	swait.ge [sflag:s22], $0x2800  }
0x44: {  	[sflag:s22] =	ssyncset.done $0x0  }
0x45: {  	[sflag:s22] =	ssyncadd.s32 $0xFFFFD800  }
0x46: {  	[tilespmem:s3], [sflag:$0x1] =	stream.indirect.gather [hbm4b:s11+s25], $0x40, s21, s25, $0xb8;
	[tilespmem:$0x1AC40] =	vst v63  }
0x47: {  	s24 =	simm.s32 $0x9CC0  }
0x48: {  	[tilespmem:s28], [sflag:$0x2] =	stream.indirect.gather [hbm4b:s11+s25], $0x40, s24, s25, $0xb8;
	[tilespmem:$0x1AC40] =	vst v63  }
0x49: {  	s24 =	simm.s32 $0x9D40  }
0x4a: {  	[tilespmem:s30], [sflag:$0x3] =	stream.indirect.gather [hbm4b:s11+s25], $0x40, s24, s25, $0xb8;
	[tilespmem:$0x1AC40] =	vst v63  }
0x4b: {  	s24 =	simm.s32 $0x9DC0  }
0x4c: {  	[tilespmem:s0], [sflag:$0x4] =	stream.indirect.gather [hbm4b:s11+s25], $0x40, s24, s25, $0xb8;
	[tilespmem:$0x1AC40] =	vst v63  }
0x4d: {  	s24 =	simm.s32 $0x9E40  }
0x4e: {  	[tilespmem:s5], [sflag:$0x5] =	stream.indirect.gather [hbm4b:s11+s25], $0x40, s24, s25, $0xb8;
	[tilespmem:$0x1AC40] =	vst v63  }
0x4f: {  	_ =	swait.ge [sflag:s16], $0x1F40  }
0x50: {  	[sflag:s16] =	ssyncset.done $0x0  }
0x51: {  	[sflag:s16] =	ssyncadd.s32 $0xFFFFE0C0  }
0x52: {  	[spmem:s1] =	stream.indirect.scatter.add.f32 [tilespmem:s3], [sflag:$0x6], $0x40, s23, s25, $0xb8;
	[tilespmem:$0x1AC40] =	vst v63  }
0x53: {  	_ =	swait.ge [sflag:s17], $0x1F40  }
0x54: {  	[sflag:s17] =	ssyncset.done $0x0  }
0x55: {  	s6 =	simm.s32 $0xC4C0;
	[sflag:s17] =	ssyncadd.s32 $0xFFFFE0C0  }
0x56: {  	[spmem:s1] =	stream.indirect.scatter.add.f32 [tilespmem:s28], [sflag:$0x7], $0x40, s6, s25, $0xb8;
	[tilespmem:$0x1AC40] =	vst v63  }
0x57: {  	_ =	swait.ge [sflag:s18], $0x1F40  }
0x58: {  	[sflag:s18] =	ssyncset.done $0x0  }
0x59: {  	[sflag:s18] =	ssyncadd.s32 $0xFFFFE0C0  }
0x5a: {  	[spmem:s1] =	stream.indirect.scatter.add.f32 [tilespmem:s30], [sflag:$0x8], $0x40, s7, s25, $0xb8;
	[tilespmem:$0x1AC40] =	vst v63  }
0x5b: {  	_ =	swait.ge [sflag:s19], $0x1F40  }
0x5c: {  	[sflag:s19] =	ssyncset.done $0x0  }
0x5d: {  	[sflag:s19] =	ssyncadd.s32 $0xFFFFE0C0  }
0x5e: {  	[spmem:s1] =	stream.indirect.scatter.add.f32 [tilespmem:s0], [sflag:$0x9], $0x40, s8, s25, $0xb8;
	[tilespmem:$0x1AC40] =	vst v63  }
0x5f: {  	_ =	swait.ge [sflag:s20], $0x1F40  }
0x60: {  	[sflag:s20] =	ssyncset.done $0x0  }
0x61: {  	[sflag:s20] =	ssyncadd.s32 $0xFFFFE0C0  }
0x62: {  	[spmem:s1] =	stream.indirect.scatter.add.f32 [tilespmem:s5], [sflag:$0xA], $0x40, s9, s25, $0xb8;
	[tilespmem:$0x1AC40] =	vst v63  }
0x63: {  	_ =	swait.ge [sflag:s10], $0x1F40  }
0x64: {  	[sflag:s10] =	ssyncset.done $0x0  }
0x65: {  	s24 =	simm.s32 $0x9EC0;
	[sflag:s10] =	ssyncadd.s32 $0xFFFFE0C0  }
0x66: {  	[tilespmem:s2], [sflag:$0x1] =	stream.indirect.gather [hbm4b:s11+s25], $0x40, s24, s25, $0xb8;
	[tilespmem:$0x1AC40] =	vst v63  }
0x67: {  	_ =	swait.ge [sflag:s12], $0x1F40  }
0x68: {  	[sflag:s12] =	ssyncset.done $0x0  }
0x69: {  	s6 =	simm.s32 $0x9F40;
	[sflag:s12] =	ssyncadd.s32 $0xFFFFE0C0  }
0x6a: {  	[tilespmem:s28], [sflag:$0x2] =	stream.indirect.gather [hbm4b:s11+s25], $0x40, s6, s25, $0xb8;
	[tilespmem:$0x1AC40] =	vst v63  }
0x6b: {  	_ =	swait.ge [sflag:s13], $0x1F40  }
0x6c: {  	[sflag:s13] =	ssyncset.done $0x0  }
0x6d: {  	s24 =	simm.s32 $0x9FC0;
	[sflag:s13] =	ssyncadd.s32 $0xFFFFE0C0  }
0x6e: {  	[tilespmem:s30], [sflag:$0x3] =	stream.indirect.gather [hbm4b:s11+s25], $0x40, s24, s25, $0xb8;
	[tilespmem:$0x1AC40] =	vst v63  }
0x6f: {  	_ =	swait.ge [sflag:s14], $0x1F40  }
0x70: {  	[sflag:s14] =	ssyncset.done $0x0  }
0x71: {  	s6 =	simm.s32 $0xA040;
	[sflag:s14] =	ssyncadd.s32 $0xFFFFE0C0  }
0x72: {  	[tilespmem:s0], [sflag:$0x4] =	stream.indirect.gather [hbm4b:s11+s25], $0x40, s6, s25, $0xb8;
	[tilespmem:$0x1AC40] =	vst v63  }
0x73: {  	_ =	swait.ge [sflag:s26], $0x1F40  }
0x74: {  	[sflag:s26] =	ssyncset.done $0x0  }
0x75: {  	s24 =	simm.s32 $0xA0C0;
	[sflag:s26] =	ssyncadd.s32 $0xFFFFE0C0  }
0x76: {  	[tilespmem:s5], [sflag:$0x5] =	stream.indirect.gather [hbm4b:s11+s25], $0x40, s24, s25, $0xb8;
	[tilespmem:$0x1AC40] =	vst v63  }
0x77: {  	_ =	swait.ge [sflag:s16], $0x1F40  }
0x78: {  	[sflag:s16] =	ssyncset.done $0x0  }
0x79: {  	s6 =	simm.s32 $0xC6C0;
	[sflag:s16] =	ssyncadd.s32 $0xFFFFE0C0  }
0x7a: {  	[spmem:s1] =	stream.indirect.scatter.add.f32 [tilespmem:s2], [sflag:$0x6], $0x40, s6, s25, $0xb8;
	[tilespmem:$0x1AC40] =	vst v63  }
0x7b: {  	_ =	swait.ge [sflag:s17], $0x1F40  }
0x7c: {  	[sflag:s17] =	ssyncset.done $0x0  }
0x7d: {  	s24 =	simm.s32 $0xC740;
	[sflag:s17] =	ssyncadd.s32 $0xFFFFE0C0  }
0x7e: {  	[spmem:s1] =	stream.indirect.scatter.add.f32 [tilespmem:s28], [sflag:$0x7], $0x40, s24, s25, $0xb8;
	[tilespmem:$0x1AC40] =	vst v63  }
0x7f: {  	_ =	swait.ge [sflag:s18], $0x1F40  }
0x80: {  	[sflag:s18] =	ssyncset.done $0x0  }
0x81: {  	s6 =	simm.s32 $0xC7C0;
	[sflag:s18] =	ssyncadd.s32 $0xFFFFE0C0  }
0x82: {  	[spmem:s1] =	stream.indirect.scatter.add.f32 [tilespmem:s30], [sflag:$0x8], $0x40, s6, s25, $0xb8;
	[tilespmem:$0x1AC40] =	vst v63  }
0x83: {  	_ =	swait.ge [sflag:s19], $0x1F40  }
0x84: {  	[sflag:s19] =	ssyncset.done $0x0  }
0x85: {  	s24 =	simm.s32 $0xC840;
	[sflag:s19] =	ssyncadd.s32 $0xFFFFE0C0  }
0x86: {  	[spmem:s1] =	stream.indirect.scatter.add.f32 [tilespmem:s0], [sflag:$0x9], $0x40, s24, s25, $0xb8;
	[tilespmem:$0x1AC40] =	vst v63  }
0x87: {  	_ =	swait.ge [sflag:s20], $0x1F40  }
0x88: {  	[sflag:s20] =	ssyncset.done $0x0  }
0x89: {  	s31 =	simm.s32 $0xA00;
	s3 =	simm.s32 $0xC8C0;
	[sflag:s20] =	ssyncadd.s32 $0xFFFFE0C0  }
.LBB2_4:
0x8a: {  	[spmem:s1] =	stream.indirect.scatter.add.f32 [tilespmem:s5], [sflag:$0xA], $0x40, s3, s25, $0xb8;
	[tilespmem:$0x1AC40] =	vst v63  }
0x8b: {  	s3 =	smov.u32 s31  }
0x8c: {  	p0 =	sne.s32 s31, $0x8C00;
	s31 =	sadd.s32 $0xA00, s31;
	_ =	swait.ge [sflag:s10], $0x1F40  }
0x8d: {  	s24 =	sshra.s32 s3, $0x2;
	[sflag:s10] =	ssyncset.done $0x0  }
0x8e: {  	s3 =	sadd.s32 $0x9EC0, s24;
	[sflag:s10] =	ssyncadd.s32 $0xFFFFE0C0  }
0x8f: {  	[tilespmem:s2], [sflag:$0x1] =	stream.indirect.gather [hbm4b:s11+s25], $0x40, s3, s25, $0xb8;
	[tilespmem:$0x1AC40] =	vst v63  }
0x90: {  	_ =	swait.ge [sflag:s12], $0x1F40  }
0x91: {  	[sflag:s12] =	ssyncset.done $0x0  }
0x92: {  	s3 =	sadd.s32 $0x9F40, s24;
	[sflag:s12] =	ssyncadd.s32 $0xFFFFE0C0  }
0x93: {  	[tilespmem:s28], [sflag:$0x2] =	stream.indirect.gather [hbm4b:s11+s25], $0x40, s3, s25, $0xb8;
	[tilespmem:$0x1AC40] =	vst v63  }
0x94: {  	_ =	swait.ge [sflag:s13], $0x1F40  }
0x95: {  	[sflag:s13] =	ssyncset.done $0x0  }
0x96: {  	s3 =	sadd.s32 $0x9FC0, s24;
	[sflag:s13] =	ssyncadd.s32 $0xFFFFE0C0  }
0x97: {  	[tilespmem:s30], [sflag:$0x3] =	stream.indirect.gather [hbm4b:s11+s25], $0x40, s3, s25, $0xb8;
	[tilespmem:$0x1AC40] =	vst v63  }
0x98: {  	_ =	swait.ge [sflag:s14], $0x1F40  }
0x99: {  	[sflag:s14] =	ssyncset.done $0x0  }
0x9a: {  	s3 =	sadd.s32 $0xA040, s24;
	[sflag:s14] =	ssyncadd.s32 $0xFFFFE0C0  }
0x9b: {  	[tilespmem:s0], [sflag:$0x4] =	stream.indirect.gather [hbm4b:s11+s25], $0x40, s3, s25, $0xb8;
	[tilespmem:$0x1AC40] =	vst v63  }
0x9c: {  	_ =	swait.ge [sflag:s26], $0x1F40  }
0x9d: {  	[sflag:s26] =	ssyncset.done $0x0  }
0x9e: {  	s3 =	sadd.s32 $0xA0C0, s24;
	[sflag:s26] =	ssyncadd.s32 $0xFFFFE0C0  }
0x9f: {  	[tilespmem:s5], [sflag:$0x5] =	stream.indirect.gather [hbm4b:s11+s25], $0x40, s3, s25, $0xb8;
	[tilespmem:$0x1AC40] =	vst v63  }
0xa0: {  	_ =	swait.ge [sflag:s16], $0x1F40  }
0xa1: {  	[sflag:s16] =	ssyncset.done $0x0  }
0xa2: {  	s3 =	sadd.s32 $0xC6C0, s24;
	[sflag:s16] =	ssyncadd.s32 $0xFFFFE0C0  }
0xa3: {  	[spmem:s1] =	stream.indirect.scatter.add.f32 [tilespmem:s2], [sflag:$0x6], $0x40, s3, s25, $0xb8;
	[tilespmem:$0x1AC40] =	vst v63  }
0xa4: {  	_ =	swait.ge [sflag:s17], $0x1F40  }
0xa5: {  	[sflag:s17] =	ssyncset.done $0x0  }
0xa6: {  	s3 =	sadd.s32 $0xC740, s24;
	[sflag:s17] =	ssyncadd.s32 $0xFFFFE0C0  }
0xa7: {  	[spmem:s1] =	stream.indirect.scatter.add.f32 [tilespmem:s28], [sflag:$0x7], $0x40, s3, s25, $0xb8;
	[tilespmem:$0x1AC40] =	vst v63  }
0xa8: {  	_ =	swait.ge [sflag:s18], $0x1F40  }
0xa9: {  	[sflag:s18] =	ssyncset.done $0x0  }
0xaa: {  	s3 =	sadd.s32 $0xC7C0, s24;
	[sflag:s18] =	ssyncadd.s32 $0xFFFFE0C0  }
0xab: {  	[spmem:s1] =	stream.indirect.scatter.add.f32 [tilespmem:s30], [sflag:$0x8], $0x40, s3, s25, $0xb8;
	[tilespmem:$0x1AC40] =	vst v63  }
0xac: {  	_ =	swait.ge [sflag:s19], $0x1F40  }
0xad: {  	[sflag:s19] =	ssyncset.done $0x0  }
.Ltmp1:
0xae: {  	s3 =	sadd.s32 $0xC840, s24;
	[sflag:s19] =	ssyncadd.s32 $0xFFFFE0C0;
	(pc) =	sbr.rel @p0 .LBB2_4-.Ltmp1, $4  }
0xaf: {  	[spmem:s1] =	stream.indirect.scatter.add.f32 [tilespmem:s0], [sflag:$0x9], $0x40, s3, s25, $0xb8;
	[tilespmem:$0x1AC40] =	vst v63  }
0xb0: {  	_ =	swait.ge [sflag:s20], $0x1F40  }
0xb1: {  	[sflag:s20] =	ssyncset.done $0x0  }
0xb2: {  	s3 =	sadd.s32 $0xC8C0, s24;
	[sflag:s20] =	ssyncadd.s32 $0xFFFFE0C0  }
0xb3: {  	[spmem:s1] =	stream.indirect.scatter.add.f32 [tilespmem:s5], [sflag:$0xA], $0x40, s3, s25, $0xb8;
	[tilespmem:$0x1AC40] =	vst v63  }
0xb4: {  	_ =	swait.ge [sflag:s10], $0x1F40  }
0xb5: {  	[sflag:s10] =	ssyncset.done $0x0  }
0xb6: {  	[sflag:s10] =	ssyncadd.s32 $0xFFFFE0C0  }
0xb7: {  	_ =	swait.ge [sflag:s12], $0x1F40  }
0xb8: {  	[sflag:s12] =	ssyncset.done $0x0  }
0xb9: {  	[sflag:s12] =	ssyncadd.s32 $0xFFFFE0C0  }
0xba: {  	_ =	swait.ge [sflag:s13], $0x1F40  }
0xbb: {  	[sflag:s13] =	ssyncset.done $0x0  }
0xbc: {  	[sflag:s13] =	ssyncadd.s32 $0xFFFFE0C0  }
0xbd: {  	_ =	swait.ge [sflag:s14], $0x1F40  }
0xbe: {  	[sflag:s14] =	ssyncset.done $0x0  }
0xbf: {  	[sflag:s14] =	ssyncadd.s32 $0xFFFFE0C0  }
0xc0: {  	_ =	swait.ge [sflag:s26], $0x1F40  }
0xc1: {  	[sflag:s26] =	ssyncset.done $0x0  }
0xc2: {  	s3 =	simm.s32 $0x0;
	s6 =	rddreg [dreg:$0x9];
	[sflag:s26] =	ssyncadd.s32 $0xFFFFE0C0  }
0xc3: {  	[tilespmem:s21], [sflag:$0xB] =	stream.linear.gather [hbm4b:s6+s3], $0x2800, $0x38;
	[tilespmem:$0x1AC40] =	vst v63  }
0xc4: {  	_ =	swait.ge [sflag:s22], $0x2800  }
0xc5: {  	[sflag:s22] =	ssyncset.done $0x0  }
0xc6: {  	s24 =	rddreg [dreg:$0xa];
	[sflag:s22] =	ssyncadd.s32 $0xFFFFD800  }
0xc7: {  	[tilespmem:s23], [sflag:$0xB] =	stream.linear.gather [hbm4b:s24+s3], $0x2800, $0x38;
	[tilespmem:$0x1AC40] =	vst v63  }
0xc8: {  	_ =	swait.ge [sflag:s22], $0x2800  }
0xc9: {  	[sflag:s22] =	ssyncset.done $0x0  }
0xca: {  	[sflag:s22] =	ssyncadd.s32 $0xFFFFD800  }
0xcb: {  	[tilespmem:s3], [sflag:$0x1] =	stream.indirect.gather [hbm4b:s11+s25], $0x40, s21, s25, $0xb8;
	[tilespmem:$0x1AC40] =	vst v63  }
0xcc: {  	s24 =	simm.s32 $0x9CC0  }
0xcd: {  	[tilespmem:s28], [sflag:$0x2] =	stream.indirect.gather [hbm4b:s11+s25], $0x40, s24, s25, $0xb8;
	[tilespmem:$0x1AC40] =	vst v63  }
0xce: {  	s24 =	simm.s32 $0x9D40  }
0xcf: {  	[tilespmem:s30], [sflag:$0x3] =	stream.indirect.gather [hbm4b:s11+s25], $0x40, s24, s25, $0xb8;
	[tilespmem:$0x1AC40] =	vst v63  }
0xd0: {  	s24 =	simm.s32 $0x9DC0  }
0xd1: {  	[tilespmem:s0], [sflag:$0x4] =	stream.indirect.gather [hbm4b:s11+s25], $0x40, s24, s25, $0xb8;
	[tilespmem:$0x1AC40] =	vst v63  }
0xd2: {  	s24 =	simm.s32 $0x9E40  }
0xd3: {  	[tilespmem:s5], [sflag:$0x5] =	stream.indirect.gather [hbm4b:s11+s25], $0x40, s24, s25, $0xb8;
	[tilespmem:$0x1AC40] =	vst v63  }
0xd4: {  	_ =	swait.ge [sflag:s16], $0x1F40  }
0xd5: {  	[sflag:s16] =	ssyncset.done $0x0  }
0xd6: {  	[sflag:s16] =	ssyncadd.s32 $0xFFFFE0C0  }
0xd7: {  	[spmem:s1] =	stream.indirect.scatter.add.f32 [tilespmem:s3], [sflag:$0x6], $0x40, s23, s25, $0xb8;
	[tilespmem:$0x1AC40] =	vst v63  }
0xd8: {  	_ =	swait.ge [sflag:s17], $0x1F40  }
0xd9: {  	[sflag:s17] =	ssyncset.done $0x0  }
0xda: {  	s6 =	simm.s32 $0xC4C0;
	[sflag:s17] =	ssyncadd.s32 $0xFFFFE0C0  }
0xdb: {  	[spmem:s1] =	stream.indirect.scatter.add.f32 [tilespmem:s28], [sflag:$0x7], $0x40, s6, s25, $0xb8;
	[tilespmem:$0x1AC40] =	vst v63  }
0xdc: {  	_ =	swait.ge [sflag:s18], $0x1F40  }
0xdd: {  	[sflag:s18] =	ssyncset.done $0x0  }
0xde: {  	[sflag:s18] =	ssyncadd.s32 $0xFFFFE0C0  }
0xdf: {  	[spmem:s1] =	stream.indirect.scatter.add.f32 [tilespmem:s30], [sflag:$0x8], $0x40, s7, s25, $0xb8;
	[tilespmem:$0x1AC40] =	vst v63  }
0xe0: {  	_ =	swait.ge [sflag:s19], $0x1F40  }
0xe1: {  	[sflag:s19] =	ssyncset.done $0x0  }
0xe2: {  	[sflag:s19] =	ssyncadd.s32 $0xFFFFE0C0  }
0xe3: {  	[spmem:s1] =	stream.indirect.scatter.add.f32 [tilespmem:s0], [sflag:$0x9], $0x40, s8, s25, $0xb8;
	[tilespmem:$0x1AC40] =	vst v63  }
0xe4: {  	_ =	swait.ge [sflag:s20], $0x1F40  }
0xe5: {  	[sflag:s20] =	ssyncset.done $0x0  }
0xe6: {  	[sflag:s20] =	ssyncadd.s32 $0xFFFFE0C0  }
0xe7: {  	[spmem:s1] =	stream.indirect.scatter.add.f32 [tilespmem:s5], [sflag:$0xA], $0x40, s9, s25, $0xb8;
	[tilespmem:$0x1AC40] =	vst v63  }
0xe8: {  	_ =	swait.ge [sflag:s10], $0x1F40  }
0xe9: {  	[sflag:s10] =	ssyncset.done $0x0  }
0xea: {  	s24 =	simm.s32 $0x9EC0;
	[sflag:s10] =	ssyncadd.s32 $0xFFFFE0C0  }
0xeb: {  	[tilespmem:s2], [sflag:$0x1] =	stream.indirect.gather [hbm4b:s11+s25], $0x40, s24, s25, $0xb8;
	[tilespmem:$0x1AC40] =	vst v63  }
0xec: {  	_ =	swait.ge [sflag:s12], $0x1F40  }
0xed: {  	[sflag:s12] =	ssyncset.done $0x0  }
0xee: {  	s6 =	simm.s32 $0x9F40;
	[sflag:s12] =	ssyncadd.s32 $0xFFFFE0C0  }
0xef: {  	[tilespmem:s28], [sflag:$0x2] =	stream.indirect.gather [hbm4b:s11+s25], $0x40, s6, s25, $0xb8;
	[tilespmem:$0x1AC40] =	vst v63  }
0xf0: {  	_ =	swait.ge [sflag:s13], $0x1F40  }
0xf1: {  	[sflag:s13] =	ssyncset.done $0x0  }
0xf2: {  	s24 =	simm.s32 $0x9FC0;
	[sflag:s13] =	ssyncadd.s32 $0xFFFFE0C0  }
0xf3: {  	[tilespmem:s30], [sflag:$0x3] =	stream.indirect.gather [hbm4b:s11+s25], $0x40, s24, s25, $0xb8;
	[tilespmem:$0x1AC40] =	vst v63  }
0xf4: {  	_ =	swait.ge [sflag:s14], $0x1F40  }
0xf5: {  	[sflag:s14] =	ssyncset.done $0x0  }
0xf6: {  	s6 =	simm.s32 $0xA040;
	[sflag:s14] =	ssyncadd.s32 $0xFFFFE0C0  }
0xf7: {  	[tilespmem:s0], [sflag:$0x4] =	stream.indirect.gather [hbm4b:s11+s25], $0x40, s6, s25, $0xb8;
	[tilespmem:$0x1AC40] =	vst v63  }
0xf8: {  	_ =	swait.ge [sflag:s26], $0x1F40  }
0xf9: {  	[sflag:s26] =	ssyncset.done $0x0  }
0xfa: {  	s24 =	simm.s32 $0xA0C0;
	[sflag:s26] =	ssyncadd.s32 $0xFFFFE0C0  }
0xfb: {  	[tilespmem:s5], [sflag:$0x5] =	stream.indirect.gather [hbm4b:s11+s25], $0x40, s24, s25, $0xb8;
	[tilespmem:$0x1AC40] =	vst v63  }
0xfc: {  	_ =	swait.ge [sflag:s16], $0x1F40  }
0xfd: {  	[sflag:s16] =	ssyncset.done $0x0  }
0xfe: {  	s6 =	simm.s32 $0xC6C0;
	[sflag:s16] =	ssyncadd.s32 $0xFFFFE0C0  }
0xff: {  	[spmem:s1] =	stream.indirect.scatter.add.f32 [tilespmem:s2], [sflag:$0x6], $0x40, s6, s25, $0xb8;
	[tilespmem:$0x1AC40] =	vst v63  }
0x100: {  	_ =	swait.ge [sflag:s17], $0x1F40  }
0x101: {  	[sflag:s17] =	ssyncset.done $0x0  }
0x102: {  	s24 =	simm.s32 $0xC740;
	[sflag:s17] =	ssyncadd.s32 $0xFFFFE0C0  }
0x103: {  	[spmem:s1] =	stream.indirect.scatter.add.f32 [tilespmem:s28], [sflag:$0x7], $0x40, s24, s25, $0xb8;
	[tilespmem:$0x1AC40] =	vst v63  }
0x104: {  	_ =	swait.ge [sflag:s18], $0x1F40  }
0x105: {  	[sflag:s18] =	ssyncset.done $0x0  }
0x106: {  	s6 =	simm.s32 $0xC7C0;
	[sflag:s18] =	ssyncadd.s32 $0xFFFFE0C0  }
0x107: {  	[spmem:s1] =	stream.indirect.scatter.add.f32 [tilespmem:s30], [sflag:$0x8], $0x40, s6, s25, $0xb8;
	[tilespmem:$0x1AC40] =	vst v63  }
0x108: {  	_ =	swait.ge [sflag:s19], $0x1F40  }
0x109: {  	[sflag:s19] =	ssyncset.done $0x0  }
0x10a: {  	s24 =	simm.s32 $0xC840;
	[sflag:s19] =	ssyncadd.s32 $0xFFFFE0C0  }
0x10b: {  	[spmem:s1] =	stream.indirect.scatter.add.f32 [tilespmem:s0], [sflag:$0x9], $0x40, s24, s25, $0xb8;
	[tilespmem:$0x1AC40] =	vst v63  }
0x10c: {  	_ =	swait.ge [sflag:s20], $0x1F40  }
0x10d: {  	[sflag:s20] =	ssyncset.done $0x0  }
0x10e: {  	s31 =	simm.s32 $0xA00;
	s3 =	simm.s32 $0xC8C0;
	[sflag:s20] =	ssyncadd.s32 $0xFFFFE0C0  }
.LBB2_6:
0x10f: {  	[spmem:s1] =	stream.indirect.scatter.add.f32 [tilespmem:s5], [sflag:$0xA], $0x40, s3, s25, $0xb8;
	[tilespmem:$0x1AC40] =	vst v63  }
0x110: {  	s3 =	smov.u32 s31  }
0x111: {  	p0 =	sne.s32 s31, $0x8C00;
	s31 =	sadd.s32 $0xA00, s31;
	_ =	swait.ge [sflag:s10], $0x1F40  }
0x112: {  	s24 =	sshra.s32 s3, $0x2;
	[sflag:s10] =	ssyncset.done $0x0  }
0x113: {  	s3 =	sadd.s32 $0x9EC0, s24;
	[sflag:s10] =	ssyncadd.s32 $0xFFFFE0C0  }
0x114: {  	[tilespmem:s2], [sflag:$0x1] =	stream.indirect.gather [hbm4b:s11+s25], $0x40, s3, s25, $0xb8;
	[tilespmem:$0x1AC40] =	vst v63  }
0x115: {  	_ =	swait.ge [sflag:s12], $0x1F40  }
0x116: {  	[sflag:s12] =	ssyncset.done $0x0  }
0x117: {  	s3 =	sadd.s32 $0x9F40, s24;
	[sflag:s12] =	ssyncadd.s32 $0xFFFFE0C0  }
0x118: {  	[tilespmem:s28], [sflag:$0x2] =	stream.indirect.gather [hbm4b:s11+s25], $0x40, s3, s25, $0xb8;
	[tilespmem:$0x1AC40] =	vst v63  }
0x119: {  	_ =	swait.ge [sflag:s13], $0x1F40  }
0x11a: {  	[sflag:s13] =	ssyncset.done $0x0  }
0x11b: {  	s3 =	sadd.s32 $0x9FC0, s24;
	[sflag:s13] =	ssyncadd.s32 $0xFFFFE0C0  }
0x11c: {  	[tilespmem:s30], [sflag:$0x3] =	stream.indirect.gather [hbm4b:s11+s25], $0x40, s3, s25, $0xb8;
	[tilespmem:$0x1AC40] =	vst v63  }
0x11d: {  	_ =	swait.ge [sflag:s14], $0x1F40  }
0x11e: {  	[sflag:s14] =	ssyncset.done $0x0  }
0x11f: {  	s3 =	sadd.s32 $0xA040, s24;
	[sflag:s14] =	ssyncadd.s32 $0xFFFFE0C0  }
0x120: {  	[tilespmem:s0], [sflag:$0x4] =	stream.indirect.gather [hbm4b:s11+s25], $0x40, s3, s25, $0xb8;
	[tilespmem:$0x1AC40] =	vst v63  }
0x121: {  	_ =	swait.ge [sflag:s26], $0x1F40  }
0x122: {  	[sflag:s26] =	ssyncset.done $0x0  }
0x123: {  	s3 =	sadd.s32 $0xA0C0, s24;
	[sflag:s26] =	ssyncadd.s32 $0xFFFFE0C0  }
0x124: {  	[tilespmem:s5], [sflag:$0x5] =	stream.indirect.gather [hbm4b:s11+s25], $0x40, s3, s25, $0xb8;
	[tilespmem:$0x1AC40] =	vst v63  }
0x125: {  	_ =	swait.ge [sflag:s16], $0x1F40  }
0x126: {  	[sflag:s16] =	ssyncset.done $0x0  }
0x127: {  	s3 =	sadd.s32 $0xC6C0, s24;
	[sflag:s16] =	ssyncadd.s32 $0xFFFFE0C0  }
0x128: {  	[spmem:s1] =	stream.indirect.scatter.add.f32 [tilespmem:s2], [sflag:$0x6], $0x40, s3, s25, $0xb8;
	[tilespmem:$0x1AC40] =	vst v63  }
0x129: {  	_ =	swait.ge [sflag:s17], $0x1F40  }
0x12a: {  	[sflag:s17] =	ssyncset.done $0x0  }
0x12b: {  	s3 =	sadd.s32 $0xC740, s24;
	[sflag:s17] =	ssyncadd.s32 $0xFFFFE0C0  }
0x12c: {  	[spmem:s1] =	stream.indirect.scatter.add.f32 [tilespmem:s28], [sflag:$0x7], $0x40, s3, s25, $0xb8;
	[tilespmem:$0x1AC40] =	vst v63  }
0x12d: {  	_ =	swait.ge [sflag:s18], $0x1F40  }
0x12e: {  	[sflag:s18] =	ssyncset.done $0x0  }
0x12f: {  	s3 =	sadd.s32 $0xC7C0, s24;
	[sflag:s18] =	ssyncadd.s32 $0xFFFFE0C0  }
0x130: {  	[spmem:s1] =	stream.indirect.scatter.add.f32 [tilespmem:s30], [sflag:$0x8], $0x40, s3, s25, $0xb8;
	[tilespmem:$0x1AC40] =	vst v63  }
0x131: {  	_ =	swait.ge [sflag:s19], $0x1F40  }
0x132: {  	[sflag:s19] =	ssyncset.done $0x0  }
.Ltmp2:
0x133: {  	s3 =	sadd.s32 $0xC840, s24;
	[sflag:s19] =	ssyncadd.s32 $0xFFFFE0C0;
	(pc) =	sbr.rel @p0 .LBB2_6-.Ltmp2, $4  }
0x134: {  	[spmem:s1] =	stream.indirect.scatter.add.f32 [tilespmem:s0], [sflag:$0x9], $0x40, s3, s25, $0xb8;
	[tilespmem:$0x1AC40] =	vst v63  }
0x135: {  	_ =	swait.ge [sflag:s20], $0x1F40  }
0x136: {  	[sflag:s20] =	ssyncset.done $0x0  }
0x137: {  	s3 =	sadd.s32 $0xC8C0, s24;
	[sflag:s20] =	ssyncadd.s32 $0xFFFFE0C0  }
0x138: {  	[spmem:s1] =	stream.indirect.scatter.add.f32 [tilespmem:s5], [sflag:$0xA], $0x40, s3, s25, $0xb8;
	[tilespmem:$0x1AC40] =	vst v63  }
0x139: {  	_ =	swait.ge [sflag:s10], $0x1F40  }
0x13a: {  	[sflag:s10] =	ssyncset.done $0x0  }
0x13b: {  	[sflag:s10] =	ssyncadd.s32 $0xFFFFE0C0  }
0x13c: {  	_ =	swait.ge [sflag:s12], $0x1F40  }
0x13d: {  	[sflag:s12] =	ssyncset.done $0x0  }
0x13e: {  	[sflag:s12] =	ssyncadd.s32 $0xFFFFE0C0  }
0x13f: {  	_ =	swait.ge [sflag:s13], $0x1F40  }
0x140: {  	[sflag:s13] =	ssyncset.done $0x0  }
0x141: {  	[sflag:s13] =	ssyncadd.s32 $0xFFFFE0C0  }
0x142: {  	_ =	swait.ge [sflag:s14], $0x1F40  }
0x143: {  	[sflag:s14] =	ssyncset.done $0x0  }
0x144: {  	[sflag:s14] =	ssyncadd.s32 $0xFFFFE0C0  }
0x145: {  	_ =	swait.ge [sflag:s26], $0x1F40  }
0x146: {  	[sflag:s26] =	ssyncset.done $0x0  }
0x147: {  	s24 =	stileid.u32;
	[sflag:s26] =	ssyncadd.s32 $0xFFFFE0C0  }
0x148: {  	s3 =	sshll.u32 s24, $0x6;
	[bflag:$0x0] =	sbarrier.arrive $0xFFFF  }
0x149: {  	s6 =	sshrl.u32 s4, $0x3;
	s3 =	sor.u32 $0x1C0B, s3;
	s24 =	rddreg [dreg:$0xc]  }
0x14a: {  	[hbm:s24], [sflag:s3] =	dma.local [spmem:s6], $0x1400  }
0x14b: {  	_ =	swait.ge [sflag:s22], $0x1400  }
0x14c: {  	s29 =	sadd.s32 $0x1, s29;
	s31 =	rddreg [dreg:$0xb]  }
0x14d: {  	p0 =	sne.s32 s29, s31  }
.Ltmp3:
0x14e: {  	_ = 	snop;
	(pc) =	sbr.rel @p0 .LBB2_1-.Ltmp3, $3  }
0x14f: {  	_ =	sdelay $0x1  }
0x150: {  	[sflag:s22] =	ssyncset.done $0x0  }
0x151: {  	[sflag:s22] =	ssyncadd.s32 $0xFFFFEC00  }
0x152: {  	_ =	sfence.sel $0x180000  }
0x153: {  	[bflag:$0x0] =	sbarrier.arrive $0xFFFF  }
0x154: {  	_ =	strace $0x9000004D  }
0x155: {  	s0 =	stileid.u32;
	[bflag:$0x2] =	sbarrier.arrive $0xFFFF  }
0x156: {  	p0 =	sne.s32 s0, $0x0;
	s0 =	rddreg [dreg:$0x2]  }
0x157: {  	s0 =	sadd.s32 @!p0 $0x100000, s0  }
0x158: {  	[sflag:s0] =	ssyncadd.tile.s32 @!p0 $0x1;
	_ =	shalt  }
.Lfunc_end2:
_tile_overlayer_lowered:
.L_overlay_start_2:
0x159: {  	(tag) =	ssettag $0x2  }
0x15a: {  	s0 =	rddreg [dreg:$0x0];
	s2 =	stileid.u32  }
0x15b: {  	s1 =	rddreg [dreg:$0x1];
	p0 =	sne.s32 s2, $0x0  }
0x15c: {  	s3 =	rddreg [dreg:$0x2];
	[bflag:$0x3] =	sbarrier.arrive $0xFFFF;
	s2 =	simm.s32 @!p0 $0x1C0B  }
0x15d: {  	[timem:s3], [sflag:s2] =	dma.local @!p0 [hbm:s0], s1  }
0x15e: {  	s0 =	simm.s32 @!p0 $0xB  }
0x15f: {  	_ =	swait.ge @!p0 [sflag:s0], s1  }
0x160: {  	s1 =	ssub.s32 @!p0 $0x0, s1;
	[sflag:s0] =	ssyncset.done @!p0 $0x0  }
0x161: {  	[sflag:s0] =	ssyncadd.s32 @!p0 s1  }
0x162: {  	[bflag:$0x3] =	sbarrier.arrive $0xFFFF  }
0x163: {  	_ =	shalt  }

// kernel: kernel.23.cloned.1.call-start
scs
__scs_entry_jumppad:
0x0: {  	(pc) =	sbr.rel $0x88, $3  }
0x1: {  	(tag) =	ssettag $0x0;
	lr =	simm.s32 $0x1  }
0x2: {  	[smem:$0x3F97] =	sst lr;
	_ =	strace $0xD0000000  }
0x3: {  	_ = 	snop  }
0x4: {  	_ = 	snop  }
0x5: {  	_ = 	snop  }
0x6: {  	_ = 	snop  }
0x7: {  	_ = 	snop  }
__scs_overlays_trampoline_lowered:
0x8: {  	[smem:$0x3FA6] =	sst s0  }
0x9: {  	[smem:$0x3FA7] =	sst s1  }
0xa: {  	[smem:$0x3FA8] =	sst s2  }
0xb: {  	[smem:$0x3FA9] =	sst s3  }
0xc: {  	[smem:$0x3FAA] =	sst s4  }
0xd: {  	[smem:$0x3FAB] =	sst s5  }
0xe: {  	[smem:$0x3FAC] =	sst s6  }
0xf: {  	[smem:$0x3FAD] =	sst s7  }
0x10: {  	[smem:$0x3FAE] =	sst s8  }
0x11: {  	[smem:$0x3FAF] =	sst s9;
	s0 =	simm.s32 @!p0 $0x0  }
0x12: {  	s1 =	sld [smem:$0x3F95];
	s0 =	simm.s32 @p0 $0x1  }
0x13: {  	[smem:$0x3FB0] =	sst s0;
	s0 =	simm.s32 @!p1 $0x0  }
0x14: {  	s2 =	sld [smem:$0x3F94];
	s0 =	simm.s32 @p1 $0x1  }
0x15: {  	[smem:$0x3FB1] =	sst s0;
	s0 =	simm.s32 @!p2 $0x0  }
0x16: {  	s3 =	sld [smem:$0x3FDB];
	s0 =	simm.s32 @p2 $0x1  }
0x17: {  	s4 =	simm.s32 $0x1BF5;
	[smem:$0x3FB3] =	sst s0  }
0x18: {  	s0 =	sld [smem:$0x3F96];
	_ =	swait.ge [sflag:s4], $0x0  }
0x19: {  	s7 =	sld [smem:$0x3F97]  }
0x1a: {  	s8 =	sadd.s32 $0xFFFFE003, lr  }
0x1b: {  	s9 =	sadd.s32 $0xFFFFFEF7, lr;
	s5 =	simm.s32 $0xFFFFFFFF;
	p2 =	slt.u32 s8, $0xFFFFF086  }
0x1c: {  	p1 =	slt.u32 s9, $0xF7A;
	s5 =	simm.s32 @!p2 $0x0  }
0x1d: {  	s5 =	simm.s32 @p1 $0x1;
	p0 =	seq.s32 s7, s2  }
0x1e: {  	s7 =	smul.u32 @!p0 $0xF7A, s2;
	p2 =	seq.s32 @!p0 s5, $0x0  }
0x1f: {  	s9 =	smul.u32 $0xF7A, s1;
	s8 =	simm.s32 @!p0 $0x1BF5;
	p2 =	por !p2, p0  }
0x20: {  	[sflag:s8] =	ssyncset.s32 @!p0 $0xFFFFF086;
	s6 =	sadd.s32 @!p0 s3, s7;
	s7 =	simm.s32 @!p0 $0x108  }
0x21: {  	s3 =	sadd.s32 s3, s9;
	s6 =	sadd.s32 @!p0 $0x88, s6;
	s7 =	simm.s32 @p2 $0x1082  }
0x22: {  	[simem:s7], [sflag:s8] =	dma.local @!p0 [hbm:s6], $0xF7A  }
0x23: {  	s9 =	sor.u32 $0xD0000000, s2;
	s6 =	simm.s32 $0x108;
	_ =	swait.ge @!p0 [sflag:s8], $0x0  }
0x24: {  	s3 =	sadd.s32 $0x88, s3;
	s6 =	simm.s32 @!p1 $0x1082;
	[sflag:s4] =	ssyncset.s32 $0xFFFFF086  }
0x25: {  	[simem:s6], [sflag:s4] =	dma.local [hbm:s3], $0xF7A  }
0x26: {  	[smem:$0x3F97] =	sst s1;
	(tag) =	ssettag s2;
	_ =	strace s9  }
0x27: {  	s1 =	sld [smem:$0x3FA7]  }
0x28: {  	s2 =	sld [smem:$0x3FA8]  }
0x29: {  	s4 =	sld [smem:$0x3FAA]  }
0x2a: {  	p0 =	seq.s32 s5, $0x0;
	s5 =	sld [smem:$0x3FAB]  }
0x2b: {  	s6 =	sld [smem:$0x3FAC]  }
0x2c: {  	s7 =	sld [smem:$0x3FAD]  }
0x2d: {  	s3 =	simm.s32 $0x108;
	s8 =	sld [smem:$0x3FAE]  }
0x2e: {  	s3 =	simm.s32 @!p0 $0x1082;
	s9 =	sld [smem:$0x3FAF]  }
0x2f: {  	lr =	sadd.s32 s0, s3;
	s0 =	sld [smem:$0x3FA6]  }
0x30: {  	s3 =	sld [smem:$0x3FA9]  }
0x31: {  	[smem:$0x3FB2] =	sst s10  }
0x32: {  	s10 =	sld [smem:$0x3FB0];
	_ =	sdelay $0x3  }
0x33: {  	p0 =	seq.s32 s10, $0x1;
	s10 =	sld [smem:$0x3FB2];
	_ =	sdelay $0x3  }
0x34: {  	[smem:$0x3FB2] =	sst s10  }
0x35: {  	s10 =	sld [smem:$0x3FB1];
	_ =	sdelay $0x3  }
0x36: {  	p1 =	seq.s32 s10, $0x1;
	s10 =	sld [smem:$0x3FB2];
	_ =	sdelay $0x3  }
0x37: {  	[smem:$0x3FB2] =	sst s10  }
0x38: {  	s10 =	sld [smem:$0x3FB3]  }
0x39: {  	_ = 	snop;
	(pc) =	sbr.ind lr, $3  }
0x3a: {  	_ = 	snop  }
0x3b: {  	_ = 	snop  }
0x3c: {  	p2 =	seq.s32 s10, $0x1;
	s10 =	sld [smem:$0x3FB2]  }
0x3d: {  	_ =	shalt  }
0x3e: {  	_ =	shalt  }
0x3f: {  	_ =	shalt  }
0x40: {  	_ =	shalt  }
0x41: {  	_ =	shalt  }
0x42: {  	_ =	shalt  }
0x43: {  	_ =	shalt  }
0x44: {  	_ =	shalt  }
0x45: {  	_ =	shalt  }
0x46: {  	_ =	shalt  }
0x47: {  	_ =	shalt  }
0x48: {  	_ =	shalt  }
0x49: {  	_ =	shalt  }
0x4a: {  	_ =	shalt  }
0x4b: {  	_ =	shalt  }
0x4c: {  	_ =	shalt  }
0x4d: {  	_ =	shalt  }
0x4e: {  	_ =	shalt  }
0x4f: {  	_ =	shalt  }
0x50: {  	_ =	shalt  }
0x51: {  	_ =	shalt  }
0x52: {  	_ =	shalt  }
0x53: {  	_ =	shalt  }
0x54: {  	_ =	shalt  }
0x55: {  	_ =	shalt  }
0x56: {  	_ =	shalt  }
0x57: {  	_ =	shalt  }
0x58: {  	_ =	shalt  }
0x59: {  	_ =	shalt  }
0x5a: {  	_ =	shalt  }
0x5b: {  	_ =	shalt  }
0x5c: {  	_ =	shalt  }
0x5d: {  	_ =	shalt  }
0x5e: {  	_ =	shalt  }
0x5f: {  	_ =	shalt  }
0x60: {  	_ =	shalt  }
0x61: {  	_ =	shalt  }
0x62: {  	_ =	shalt  }
0x63: {  	_ =	shalt  }
0x64: {  	_ =	shalt  }
0x65: {  	_ =	shalt  }
0x66: {  	_ =	shalt  }
0x67: {  	_ =	shalt  }
0x68: {  	_ =	shalt  }
0x69: {  	_ =	shalt  }
0x6a: {  	_ =	shalt  }
0x6b: {  	_ =	shalt  }
0x6c: {  	_ =	shalt  }
0x6d: {  	_ =	shalt  }
0x6e: {  	_ =	shalt  }
0x6f: {  	_ =	shalt  }
0x70: {  	_ =	shalt  }
0x71: {  	_ =	shalt  }
0x72: {  	_ =	shalt  }
0x73: {  	_ =	shalt  }
0x74: {  	_ =	shalt  }
0x75: {  	_ =	shalt  }
0x76: {  	_ =	shalt  }
0x77: {  	_ =	shalt  }
0x78: {  	_ =	shalt  }
0x79: {  	_ =	shalt  }
0x7a: {  	_ =	shalt  }
0x7b: {  	_ =	shalt  }
0x7c: {  	_ =	shalt  }
0x7d: {  	_ =	shalt  }
0x7e: {  	_ =	shalt  }
0x7f: {  	_ =	shalt  }
0x80: {  	_ =	shalt  }
0x81: {  	_ =	shalt  }
0x82: {  	_ =	shalt  }
0x83: {  	_ =	shalt  }
0x84: {  	_ =	shalt  }
0x85: {  	_ =	shalt  }
0x86: {  	_ =	shalt  }
0x87: {  	_ =	shalt  }
.Lfunc_end0:
.L_simem_size_0:
called_computation.4_lowered:
.L_overlay_start_0:
0x88: {  	s2 =	sld [smem:$0x3FD9]  }
0x89: {  	s3 =	sld [smem:$0x3FFE];
	_ =	sdelay $0x1  }
0x8a: {  	s1 =	srdreg.scid  }
0x8b: {  	s0 =	sand.u32 $0x1, s1  }
0x8c: {  	s16 =	sshll.u32 s0, $0xA;
	s2 =	sadd.s32 s3, s2  }
0x8d: {  	s2 =	sadd.s32 s2, s16  }
0x8e: {  	[smem:$0x3FBE] =	sst s2  }
0x8f: {  	_ = 	snop  }
0x90: {  	(tm) =	ssettm $0x1  }
0x91: {  	s17 =	sld [smem:$0x3FFB];
	_ =	sdelay $0x3  }
0x92: {  	_ =	strace s17  }
0x93: {  	s2 =	sld [smem:$0x3FFC];
	_ =	sdelay $0x3  }
0x94: {  	_ =	strace s2  }
0x95: {  	s2 =	sld [smem:$0x3FFD];
	_ =	sdelay $0x3  }
0x96: {  	_ =	strace s2  }
0x97: {  	_ =	strace $0x8FFFFFFF  }
0x98: {  	s18 =	sld [smem:$0x3FDB];
	_ =	sdelay $0x1  }
0x99: {  	s19 =	simm.s32 $_scs_section_size  }
0x9a: {  	s4 =	simm.s32 $_size__tile_overlayer_lowered;
	s5 =	simm.s32 $_tile_overlayer_lowered  }
0x9b: {  	s22 =	simm.s32 $0x1BFF;
	s21 =	sshll.u32 s5, $0x1;
	s2 =	sadd.s32 s19, s18  }
0x9c: {  	s6 =	simm.s32 $0x0;
	s20 =	sshll.u32 s4, $0x1;
	s4 =	sadd.s32 s21, s2  }
0x9d: {  	[timem:s6], [sflag:s22] =	dma.local [hbm:s4], s20  }
0x9e: {  	_ =	swait.ge [sflag:s22], s20  }
0x9f: {  	s3 =	ssub.s32 $0x0, s20;
	[sflag:s22] =	ssyncset.done $0x0  }
0xa0: {  	[sflag:s22] =	ssyncadd.s32 s3;
	_ =	sdelay $0x1  }
0xa1: {  	s23 =	simm.s32 $0x1B8B  }
0xa2: {  	_ =	swait.ge [sflag:s23], $0x1  }
0xa3: {  	[sflag:s23] =	ssyncset.done $0x0  }
0xa4: {  	s25 =	simm.s32 $0x1B8E;
	s24 =	sld [smem:$0x3FFE];
	[sflag:s23] =	ssyncadd.s32 $0xFFFFFFFF  }
0xa5: {  	s26 =	simm.s32 $execute0_lowered;
	[smem:$0x3FD2] =	sst s25  }
0xa6: {  	s4 =	sshll.u32 s26, $0x1;
	_ =	strace $0x8000004F;
	[dreg:$0x1] =	wrdreg $0xFFFFFFFF  }
0xa7: {  	s28 =	simm.s32 $_size_execute0_lowered;
	s2 =	sadd.s32 s2, s4;
	[dreg:$0x0] =	wrdreg $0x0  }
0xa8: {  	s4 =	sshll.u32 s28, $0x1;
	[dreg:$0x2] =	wrdreg s2  }
0xa9: {  	[dreg:$0x3] =	wrdreg s4  }
0xaa: {  	[dreg:$0x4] =	wrdreg $0xC0  }
0xab: {  	_ =	task [dreg:s6], $0x5FFFF  }
0xac: {  	[dreg:$0x1] =	wrdreg $0xFFFFFFFF  }
0xad: {  	[dreg:$0x0] =	wrdreg $0x60  }
0xae: {  	[dreg:$0x2] =	wrdreg s24  }
0xaf: {  	[dreg:$0x3] =	wrdreg $0x10C400  }
0xb0: {  	[dreg:$0x4] =	wrdreg $0xA  }
0xb1: {  	_ =	task.clear_ibuf [dreg:s6], $0x5FFFF;
	_ =	strace $0x9000004F  }
0xb2: {  	s29 =	simm.s32 $0xA;
	_ =	strace $0x80000051  }
0xb3: {  	_ =	swait.ge [sflag:s29], $0x1  }
0xb4: {  	[sflag:s29] =	ssyncadd.s32 $0xFFFFFFFF  }
0xb5: {  	_ =	strace $0x90000051  }
0xb6: {  	_ =	sfence  }
0xb7: {  	s30 =	sld [smem:$0x0];
	_ =	sdelay $0x2  }
0xb8: {  	s31 =	sshll.u32 s1, $0xD;
	s1 =	sshrl.u32 s1, $0x2  }
0xb9: {  	s3 =	sand.u32 $0x4000, s31;
	s1 =	sadd.s32 s1, s30  }
0xba: {  	s0 =	sor.u32 s3, s0;
	s1 =	sshll.u32 s1, $0x11  }
0xbb: {  	s0 =	sor.u32 s1, s0  }
0xbc: {  	s0 =	sadd.s32 $0x8F2B, s0  }
0xbd: {  	[sflag:s0] =	ssyncadd.remote.s32 $0x1  }
0xbe: {  	_ =	sfence.sel $0xFFFF  }
0xbf: {  	[dreg:$0x0] =	wrdreg $0xFFFFFFFF;
	(pc) =	sbr.abs _section_cstart, $3  }
0xc0: {  	[dreg:$0x1] =	wrdreg $0xFFFFFFFF  }
0xc1: {  	_ =	task.clear_ibuf [dreg:s6], $0x2FFFF;
	_ =	strace $0x9FFFFFFF  }
0xc2: {  	(tm) =	ssettm $0x7FFFFFFF  }
0xc3: {  	_ =	shalt  }
tec
execute0_lowered:
.L_overlay_start_1:
0x0: {  	(tag) =	ssettag $0x1  }
0x1: {  	s0 =	rddreg [dreg:$0x0]  }
0x2: {  	s1 =	rddreg [dreg:$0x1];
	s2 =	simm.s32 $0x0;
	s3 =	srdreg.scid  }
0x3: {  	s10 =	stileid.u32;
	s15 =	simm.s32 $0xEC40;
	s16 =	simm.s32 $0x1  }
0x4: {  	s17 =	simm.s32 $0x2;
	s18 =	simm.s32 $0x3;
	s19 =	simm.s32 $0x4  }
0x5: {  	s28 =	simm.s32 $0x1F40;
	s30 =	simm.s32 $0x3E80;
	s6 =	smul.u32 $0x28000, s10  }
0x6: {  	s12 =	simm.s32 $0x7;
	s13 =	simm.s32 $0x8;
	s8 =	smul.u32 $0xA000, s10  }
0x7: {  	s14 =	simm.s32 $0x9;
	s29 =	simm.s32 $0x0;
	s9 =	smul.u32 $0x5000, s10  }
0x8: {  	[smem:$0x7FF] =	sst s2;
	s3 =	sand.u32 $0x1, s3;
	s10 =	smul.u32 $0xA00, s10  }
0x9: {  	s5 =	sadd.s32 $0x2B400, s0;
	s4 =	smul.u32 $0x14000, s3;
	s3 =	ssub.s32 $0x2, s3  }
0xa: {  	s7 =	sadd.s32 $0x21400, s0;
	_ =	strace $0x80000050;
	s20 =	sshrl.u32 s3, $0x1  }
0xb: {  	s6 =	sshrl.u32 s6, $0x2;
	s9 =	sshrl.u32 s9, $0x3;
	s23 =	sadd.s32 s5, s10  }
0xc: {  	s25 =	sadd.s32 s7, s10;
	s31 =	sshrl.u32 s8, $0x3;
	s10 =	simm.s32 $0x6  }
0xd: {  	s0 =	sadd.s32 s4, s0;
	s3 =	ssub.s32 s3, s20;
	s6 =	sadd.s32 s6, s1  }
0xe: {  	s4 =	sadd.s32 s8, s1;
	[dreg:$0x7] =	wrdreg s23;
	s24 =	sadd.s32 $0x500, s9  }
0xf: {  	[dreg:$0x8] =	wrdreg s25;
	s20 =	simm.s32 $0x5;
	s11 =	sadd.s32 $0x2000, s6  }
0x10: {  	s23 =	simm.s32 $0xC440;
	s21 =	sadd.s32 $0x4000, s6;
	[dreg:$0x3] =	wrdreg s11  }
0x11: {  	s25 =	simm.s32 $0x7D;
	s22 =	sadd.s32 $0x6000, s6;
	[dreg:$0x4] =	wrdreg s21  }
0x12: {  	s8 =	simm.s32 $0xC5C0;
	s6 =	sadd.s32 $0x8000, s6;
	[dreg:$0x5] =	wrdreg s22  }
0x13: {  	s9 =	simm.s32 $0xC640;
	s5 =	sadd.s32 s5, s24;
	[dreg:$0x6] =	wrdreg s6  }
0x14: {  	s26 =	sadd.s32 s7, s24;
	s3 =	smax.u32 s3, $0x1;
	[dreg:$0x9] =	wrdreg s5  }
0x15: {  	s7 =	simm.s32 $0xC540;
	s11 =	sadd.s32 $0xAD400, s0;
	[dreg:$0xa] =	wrdreg s26  }
0x16: {  	s0 =	sadd.s32 $0xD5400, s0;
	[dreg:$0xb] =	wrdreg s3;
	s21 =	simm.s32 $0x9C40  }
0x17: {  	s22 =	simm.s32 $0xB;
	s5 =	simm.s32 $0x7D00;
	s0 =	sadd.s32 s31, s0  }
0x18: {  	v0 =	vimm.f32 $0.0e+00;
	s26 =	simm.s32 $0xA;
	[dreg:$0xc] =	wrdreg s0;
	s0 =	simm.s32 $0x5DC0  }
.LBB2_1:
0x19: {  	s3 =	sand.u32 $0x7F00, s2  }
0x1a: {  	s31 =	sand.u32 $0x30, s2;
	s3 =	sshrl.u32 s3, $0x2  }
0x1b: {  	s24 =	simm.s32 $0x40;
	s3 =	sor.u32 s31, s3;
	s31 =	simm.s32 $0x0  }
.LBB2_2:
0x1c: {  	p0 =	sne.s32 s24, $0x7FC0  }
0x1d: {  	[tilespmem:s3+$0xEC40] =	vst v0;
	s31 =	sadd.s32 $0x10, s31;
	s3 =	smov.u32 s24;
	s24 =	sadd.s32 $0x40, s24  }
.Ltmp0:
0x1e: {  	(pc) =	sbr.rel @p0 .LBB2_2-.Ltmp0, $4  }
0x1f: {  	_ = 	snop  }
0x20: {  	s3 =	sand.u32 $0x7F00, s3  }
0x21: {  	s6 =	sand.u32 $0x30, s31;
	s3 =	sshrl.u32 s3, $0x2  }
0x22: {  	s3 =	sor.u32 s6, s3  }
0x23: {  	[tilespmem:s3+$0xEC40] =	vst v0  }
0x24: {  	[spmem:s4] =	stream.linear.scatter [tilespmem:s15], [sflag:$0x1], $0x2000, $0x38;
	[tilespmem:$0x1AC40] =	vst v63  }
0x25: {  	s24 =	rddreg [dreg:$0x3]  }
0x26: {  	[spmem:s24] =	stream.linear.scatter [tilespmem:s15], [sflag:$0x2], $0x2000, $0x38;
	[tilespmem:$0x1AC40] =	vst v63  }
0x27: {  	s6 =	rddreg [dreg:$0x4]  }
0x28: {  	[spmem:s6] =	stream.linear.scatter [tilespmem:s15], [sflag:$0x3], $0x2000, $0x38;
	[tilespmem:$0x1AC40] =	vst v63  }
0x29: {  	s24 =	rddreg [dreg:$0x5]  }
0x2a: {  	[spmem:s24] =	stream.linear.scatter [tilespmem:s15], [sflag:$0x4], $0x2000, $0x38;
	[tilespmem:$0x1AC40] =	vst v63  }
0x2b: {  	s6 =	rddreg [dreg:$0x6]  }
0x2c: {  	[spmem:s6] =	stream.linear.scatter [tilespmem:s15], [sflag:$0x5], $0x2000, $0x38;
	[tilespmem:$0x1AC40] =	vst v63  }
0x2d: {  	_ =	swait.ge [sflag:s16], $0x2000  }
0x2e: {  	[sflag:s16] =	ssyncset.done $0x0  }
0x2f: {  	[sflag:s16] =	ssyncadd.s32 $0xFFFFE000  }
0x30: {  	_ =	swait.ge [sflag:s17], $0x2000  }
0x31: {  	[sflag:s17] =	ssyncset.done $0x0  }
0x32: {  	[sflag:s17] =	ssyncadd.s32 $0xFFFFE000  }
0x33: {  	_ =	swait.ge [sflag:s18], $0x2000  }
0x34: {  	[sflag:s18] =	ssyncset.done $0x0  }
0x35: {  	[sflag:s18] =	ssyncadd.s32 $0xFFFFE000  }
0x36: {  	_ =	swait.ge [sflag:s19], $0x2000  }
0x37: {  	[sflag:s19] =	ssyncset.done $0x0  }
0x38: {  	[sflag:s19] =	ssyncadd.s32 $0xFFFFE000  }
0x39: {  	_ =	swait.ge [sflag:s20], $0x2000  }
0x3a: {  	[sflag:s20] =	ssyncset.done $0x0  }
0x3b: {  	[sflag:s20] =	ssyncadd.s32 $0xFFFFE000  }
0x3c: {  	[bflag:$0x0] =	sbarrier.arrive $0xFFFF  }
0x3d: {  	s3 =	simm.s32 $0x0;
	s6 =	rddreg [dreg:$0x7]  }
0x3e: {  	[tilespmem:s21], [sflag:$0xB] =	stream.linear.gather [hbm4b:s6+s3], $0x2800, $0x38;
	[tilespmem:$0x1AC40] =	vst v63  }
0x3f: {  	_ =	swait.ge [sflag:s22], $0x2800  }
0x40: {  	[sflag:s22] =	ssyncset.done $0x0  }
0x41: {  	s24 =	rddreg [dreg:$0x8];
	[sflag:s22] =	ssyncadd.s32 $0xFFFFD800  }
0x42: {  	[tilespmem:s23], [sflag:$0xB] =	stream.linear.gather [hbm4b:s24+s3], $0x2800, $0x38;
	[tilespmem:$0x1AC40] =	vst v63  }
0x43: {  	_ =	swait.ge [sflag:s22], $0x2800  }
0x44: {  	[sflag:s22] =	ssyncset.done $0x0  }
0x45: {  	[sflag:s22] =	ssyncadd.s32 $0xFFFFD800  }
0x46: {  	[tilespmem:s3], [sflag:$0x1] =	stream.indirect.gather [hbm4b:s11+s25], $0x40, s21, s25, $0xb8;
	[tilespmem:$0x1AC40] =	vst v63  }
0x47: {  	s24 =	simm.s32 $0x9CC0  }
0x48: {  	[tilespmem:s28], [sflag:$0x2] =	stream.indirect.gather [hbm4b:s11+s25], $0x40, s24, s25, $0xb8;
	[tilespmem:$0x1AC40] =	vst v63  }
0x49: {  	s24 =	simm.s32 $0x9D40  }
0x4a: {  	[tilespmem:s30], [sflag:$0x3] =	stream.indirect.gather [hbm4b:s11+s25], $0x40, s24, s25, $0xb8;
	[tilespmem:$0x1AC40] =	vst v63  }
0x4b: {  	s24 =	simm.s32 $0x9DC0  }
0x4c: {  	[tilespmem:s0], [sflag:$0x4] =	stream.indirect.gather [hbm4b:s11+s25], $0x40, s24, s25, $0xb8;
	[tilespmem:$0x1AC40] =	vst v63  }
0x4d: {  	s24 =	simm.s32 $0x9E40  }
0x4e: {  	[tilespmem:s5], [sflag:$0x5] =	stream.indirect.gather [hbm4b:s11+s25], $0x40, s24, s25, $0xb8;
	[tilespmem:$0x1AC40] =	vst v63  }
0x4f: {  	_ =	swait.ge [sflag:s16], $0x1F40  }
0x50: {  	[sflag:s16] =	ssyncset.done $0x0  }
0x51: {  	[sflag:s16] =	ssyncadd.s32 $0xFFFFE0C0  }
0x52: {  	[spmem:s1] =	stream.indirect.scatter.add.f32 [tilespmem:s3], [sflag:$0x6], $0x40, s23, s25, $0xb8;
	[tilespmem:$0x1AC40] =	vst v63  }
0x53: {  	_ =	swait.ge [sflag:s17], $0x1F40  }
0x54: {  	[sflag:s17] =	ssyncset.done $0x0  }
0x55: {  	s6 =	simm.s32 $0xC4C0;
	[sflag:s17] =	ssyncadd.s32 $0xFFFFE0C0  }
0x56: {  	[spmem:s1] =	stream.indirect.scatter.add.f32 [tilespmem:s28], [sflag:$0x7], $0x40, s6, s25, $0xb8;
	[tilespmem:$0x1AC40] =	vst v63  }
0x57: {  	_ =	swait.ge [sflag:s18], $0x1F40  }
0x58: {  	[sflag:s18] =	ssyncset.done $0x0  }
0x59: {  	[sflag:s18] =	ssyncadd.s32 $0xFFFFE0C0  }
0x5a: {  	[spmem:s1] =	stream.indirect.scatter.add.f32 [tilespmem:s30], [sflag:$0x8], $0x40, s7, s25, $0xb8;
	[tilespmem:$0x1AC40] =	vst v63  }
0x5b: {  	_ =	swait.ge [sflag:s19], $0x1F40  }
0x5c: {  	[sflag:s19] =	ssyncset.done $0x0  }
0x5d: {  	[sflag:s19] =	ssyncadd.s32 $0xFFFFE0C0  }
0x5e: {  	[spmem:s1] =	stream.indirect.scatter.add.f32 [tilespmem:s0], [sflag:$0x9], $0x40, s8, s25, $0xb8;
	[tilespmem:$0x1AC40] =	vst v63  }
0x5f: {  	_ =	swait.ge [sflag:s20], $0x1F40  }
0x60: {  	[sflag:s20] =	ssyncset.done $0x0  }
0x61: {  	[sflag:s20] =	ssyncadd.s32 $0xFFFFE0C0  }
0x62: {  	[spmem:s1] =	stream.indirect.scatter.add.f32 [tilespmem:s5], [sflag:$0xA], $0x40, s9, s25, $0xb8;
	[tilespmem:$0x1AC40] =	vst v63  }
0x63: {  	_ =	swait.ge [sflag:s10], $0x1F40  }
0x64: {  	[sflag:s10] =	ssyncset.done $0x0  }
0x65: {  	s24 =	simm.s32 $0x9EC0;
	[sflag:s10] =	ssyncadd.s32 $0xFFFFE0C0  }
0x66: {  	[tilespmem:s2], [sflag:$0x1] =	stream.indirect.gather [hbm4b:s11+s25], $0x40, s24, s25, $0xb8;
	[tilespmem:$0x1AC40] =	vst v63  }
0x67: {  	_ =	swait.ge [sflag:s12], $0x1F40  }
0x68: {  	[sflag:s12] =	ssyncset.done $0x0  }
0x69: {  	s6 =	simm.s32 $0x9F40;
	[sflag:s12] =	ssyncadd.s32 $0xFFFFE0C0  }
0x6a: {  	[tilespmem:s28], [sflag:$0x2] =	stream.indirect.gather [hbm4b:s11+s25], $0x40, s6, s25, $0xb8;
	[tilespmem:$0x1AC40] =	vst v63  }
0x6b: {  	_ =	swait.ge [sflag:s13], $0x1F40  }
0x6c: {  	[sflag:s13] =	ssyncset.done $0x0  }
0x6d: {  	s24 =	simm.s32 $0x9FC0;
	[sflag:s13] =	ssyncadd.s32 $0xFFFFE0C0  }
0x6e: {  	[tilespmem:s30], [sflag:$0x3] =	stream.indirect.gather [hbm4b:s11+s25], $0x40, s24, s25, $0xb8;
	[tilespmem:$0x1AC40] =	vst v63  }
0x6f: {  	_ =	swait.ge [sflag:s14], $0x1F40  }
0x70: {  	[sflag:s14] =	ssyncset.done $0x0  }
0x71: {  	s6 =	simm.s32 $0xA040;
	[sflag:s14] =	ssyncadd.s32 $0xFFFFE0C0  }
0x72: {  	[tilespmem:s0], [sflag:$0x4] =	stream.indirect.gather [hbm4b:s11+s25], $0x40, s6, s25, $0xb8;
	[tilespmem:$0x1AC40] =	vst v63  }
0x73: {  	_ =	swait.ge [sflag:s26], $0x1F40  }
0x74: {  	[sflag:s26] =	ssyncset.done $0x0  }
0x75: {  	s24 =	simm.s32 $0xA0C0;
	[sflag:s26] =	ssyncadd.s32 $0xFFFFE0C0  }
0x76: {  	[tilespmem:s5], [sflag:$0x5] =	stream.indirect.gather [hbm4b:s11+s25], $0x40, s24, s25, $0xb8;
	[tilespmem:$0x1AC40] =	vst v63  }
0x77: {  	_ =	swait.ge [sflag:s16], $0x1F40  }
0x78: {  	[sflag:s16] =	ssyncset.done $0x0  }
0x79: {  	s6 =	simm.s32 $0xC6C0;
	[sflag:s16] =	ssyncadd.s32 $0xFFFFE0C0  }
0x7a: {  	[spmem:s1] =	stream.indirect.scatter.add.f32 [tilespmem:s2], [sflag:$0x6], $0x40, s6, s25, $0xb8;
	[tilespmem:$0x1AC40] =	vst v63  }
0x7b: {  	_ =	swait.ge [sflag:s17], $0x1F40  }
0x7c: {  	[sflag:s17] =	ssyncset.done $0x0  }
0x7d: {  	s24 =	simm.s32 $0xC740;
	[sflag:s17] =	ssyncadd.s32 $0xFFFFE0C0  }
0x7e: {  	[spmem:s1] =	stream.indirect.scatter.add.f32 [tilespmem:s28], [sflag:$0x7], $0x40, s24, s25, $0xb8;
	[tilespmem:$0x1AC40] =	vst v63  }
0x7f: {  	_ =	swait.ge [sflag:s18], $0x1F40  }
0x80: {  	[sflag:s18] =	ssyncset.done $0x0  }
0x81: {  	s6 =	simm.s32 $0xC7C0;
	[sflag:s18] =	ssyncadd.s32 $0xFFFFE0C0  }
0x82: {  	[spmem:s1] =	stream.indirect.scatter.add.f32 [tilespmem:s30], [sflag:$0x8], $0x40, s6, s25, $0xb8;
	[tilespmem:$0x1AC40] =	vst v63  }
0x83: {  	_ =	swait.ge [sflag:s19], $0x1F40  }
0x84: {  	[sflag:s19] =	ssyncset.done $0x0  }
0x85: {  	s24 =	simm.s32 $0xC840;
	[sflag:s19] =	ssyncadd.s32 $0xFFFFE0C0  }
0x86: {  	[spmem:s1] =	stream.indirect.scatter.add.f32 [tilespmem:s0], [sflag:$0x9], $0x40, s24, s25, $0xb8;
	[tilespmem:$0x1AC40] =	vst v63  }
0x87: {  	_ =	swait.ge [sflag:s20], $0x1F40  }
0x88: {  	[sflag:s20] =	ssyncset.done $0x0  }
0x89: {  	s31 =	simm.s32 $0xA00;
	s3 =	simm.s32 $0xC8C0;
	[sflag:s20] =	ssyncadd.s32 $0xFFFFE0C0  }
.LBB2_4:
0x8a: {  	[spmem:s1] =	stream.indirect.scatter.add.f32 [tilespmem:s5], [sflag:$0xA], $0x40, s3, s25, $0xb8;
	[tilespmem:$0x1AC40] =	vst v63  }
0x8b: {  	s3 =	smov.u32 s31  }
0x8c: {  	p0 =	sne.s32 s31, $0x8C00;
	s31 =	sadd.s32 $0xA00, s31;
	_ =	swait.ge [sflag:s10], $0x1F40  }
0x8d: {  	s24 =	sshra.s32 s3, $0x2;
	[sflag:s10] =	ssyncset.done $0x0  }
0x8e: {  	s3 =	sadd.s32 $0x9EC0, s24;
	[sflag:s10] =	ssyncadd.s32 $0xFFFFE0C0  }
0x8f: {  	[tilespmem:s2], [sflag:$0x1] =	stream.indirect.gather [hbm4b:s11+s25], $0x40, s3, s25, $0xb8;
	[tilespmem:$0x1AC40] =	vst v63  }
0x90: {  	_ =	swait.ge [sflag:s12], $0x1F40  }
0x91: {  	[sflag:s12] =	ssyncset.done $0x0  }
0x92: {  	s3 =	sadd.s32 $0x9F40, s24;
	[sflag:s12] =	ssyncadd.s32 $0xFFFFE0C0  }
0x93: {  	[tilespmem:s28], [sflag:$0x2] =	stream.indirect.gather [hbm4b:s11+s25], $0x40, s3, s25, $0xb8;
	[tilespmem:$0x1AC40] =	vst v63  }
0x94: {  	_ =	swait.ge [sflag:s13], $0x1F40  }
0x95: {  	[sflag:s13] =	ssyncset.done $0x0  }
0x96: {  	s3 =	sadd.s32 $0x9FC0, s24;
	[sflag:s13] =	ssyncadd.s32 $0xFFFFE0C0  }
0x97: {  	[tilespmem:s30], [sflag:$0x3] =	stream.indirect.gather [hbm4b:s11+s25], $0x40, s3, s25, $0xb8;
	[tilespmem:$0x1AC40] =	vst v63  }
0x98: {  	_ =	swait.ge [sflag:s14], $0x1F40  }
0x99: {  	[sflag:s14] =	ssyncset.done $0x0  }
0x9a: {  	s3 =	sadd.s32 $0xA040, s24;
	[sflag:s14] =	ssyncadd.s32 $0xFFFFE0C0  }
0x9b: {  	[tilespmem:s0], [sflag:$0x4] =	stream.indirect.gather [hbm4b:s11+s25], $0x40, s3, s25, $0xb8;
	[tilespmem:$0x1AC40] =	vst v63  }
0x9c: {  	_ =	swait.ge [sflag:s26], $0x1F40  }
0x9d: {  	[sflag:s26] =	ssyncset.done $0x0  }
0x9e: {  	s3 =	sadd.s32 $0xA0C0, s24;
	[sflag:s26] =	ssyncadd.s32 $0xFFFFE0C0  }
0x9f: {  	[tilespmem:s5], [sflag:$0x5] =	stream.indirect.gather [hbm4b:s11+s25], $0x40, s3, s25, $0xb8;
	[tilespmem:$0x1AC40] =	vst v63  }
0xa0: {  	_ =	swait.ge [sflag:s16], $0x1F40  }
0xa1: {  	[sflag:s16] =	ssyncset.done $0x0  }
0xa2: {  	s3 =	sadd.s32 $0xC6C0, s24;
	[sflag:s16] =	ssyncadd.s32 $0xFFFFE0C0  }
0xa3: {  	[spmem:s1] =	stream.indirect.scatter.add.f32 [tilespmem:s2], [sflag:$0x6], $0x40, s3, s25, $0xb8;
	[tilespmem:$0x1AC40] =	vst v63  }
0xa4: {  	_ =	swait.ge [sflag:s17], $0x1F40  }
0xa5: {  	[sflag:s17] =	ssyncset.done $0x0  }
0xa6: {  	s3 =	sadd.s32 $0xC740, s24;
	[sflag:s17] =	ssyncadd.s32 $0xFFFFE0C0  }
0xa7: {  	[spmem:s1] =	stream.indirect.scatter.add.f32 [tilespmem:s28], [sflag:$0x7], $0x40, s3, s25, $0xb8;
	[tilespmem:$0x1AC40] =	vst v63  }
0xa8: {  	_ =	swait.ge [sflag:s18], $0x1F40  }
0xa9: {  	[sflag:s18] =	ssyncset.done $0x0  }
0xaa: {  	s3 =	sadd.s32 $0xC7C0, s24;
	[sflag:s18] =	ssyncadd.s32 $0xFFFFE0C0  }
0xab: {  	[spmem:s1] =	stream.indirect.scatter.add.f32 [tilespmem:s30], [sflag:$0x8], $0x40, s3, s25, $0xb8;
	[tilespmem:$0x1AC40] =	vst v63  }
0xac: {  	_ =	swait.ge [sflag:s19], $0x1F40  }
0xad: {  	[sflag:s19] =	ssyncset.done $0x0  }
.Ltmp1:
0xae: {  	s3 =	sadd.s32 $0xC840, s24;
	[sflag:s19] =	ssyncadd.s32 $0xFFFFE0C0;
	(pc) =	sbr.rel @p0 .LBB2_4-.Ltmp1, $4  }
0xaf: {  	[spmem:s1] =	stream.indirect.scatter.add.f32 [tilespmem:s0], [sflag:$0x9], $0x40, s3, s25, $0xb8;
	[tilespmem:$0x1AC40] =	vst v63  }
0xb0: {  	_ =	swait.ge [sflag:s20], $0x1F40  }
0xb1: {  	[sflag:s20] =	ssyncset.done $0x0  }
0xb2: {  	s3 =	sadd.s32 $0xC8C0, s24;
	[sflag:s20] =	ssyncadd.s32 $0xFFFFE0C0  }
0xb3: {  	[spmem:s1] =	stream.indirect.scatter.add.f32 [tilespmem:s5], [sflag:$0xA], $0x40, s3, s25, $0xb8;
	[tilespmem:$0x1AC40] =	vst v63  }
0xb4: {  	_ =	swait.ge [sflag:s10], $0x1F40  }
0xb5: {  	[sflag:s10] =	ssyncset.done $0x0  }
0xb6: {  	[sflag:s10] =	ssyncadd.s32 $0xFFFFE0C0  }
0xb7: {  	_ =	swait.ge [sflag:s12], $0x1F40  }
0xb8: {  	[sflag:s12] =	ssyncset.done $0x0  }
0xb9: {  	[sflag:s12] =	ssyncadd.s32 $0xFFFFE0C0  }
0xba: {  	_ =	swait.ge [sflag:s13], $0x1F40  }
0xbb: {  	[sflag:s13] =	ssyncset.done $0x0  }
0xbc: {  	[sflag:s13] =	ssyncadd.s32 $0xFFFFE0C0  }
0xbd: {  	_ =	swait.ge [sflag:s14], $0x1F40  }
0xbe: {  	[sflag:s14] =	ssyncset.done $0x0  }
0xbf: {  	[sflag:s14] =	ssyncadd.s32 $0xFFFFE0C0  }
0xc0: {  	_ =	swait.ge [sflag:s26], $0x1F40  }
0xc1: {  	[sflag:s26] =	ssyncset.done $0x0  }
0xc2: {  	s3 =	simm.s32 $0x0;
	s6 =	rddreg [dreg:$0x9];
	[sflag:s26] =	ssyncadd.s32 $0xFFFFE0C0  }
0xc3: {  	[tilespmem:s21], [sflag:$0xB] =	stream.linear.gather [hbm4b:s6+s3], $0x2800, $0x38;
	[tilespmem:$0x1AC40] =	vst v63  }
0xc4: {  	_ =	swait.ge [sflag:s22], $0x2800  }
0xc5: {  	[sflag:s22] =	ssyncset.done $0x0  }
0xc6: {  	s24 =	rddreg [dreg:$0xa];
	[sflag:s22] =	ssyncadd.s32 $0xFFFFD800  }
0xc7: {  	[tilespmem:s23], [sflag:$0xB] =	stream.linear.gather [hbm4b:s24+s3], $0x2800, $0x38;
	[tilespmem:$0x1AC40] =	vst v63  }
0xc8: {  	_ =	swait.ge [sflag:s22], $0x2800  }
0xc9: {  	[sflag:s22] =	ssyncset.done $0x0  }
0xca: {  	[sflag:s22] =	ssyncadd.s32 $0xFFFFD800  }
0xcb: {  	[tilespmem:s3], [sflag:$0x1] =	stream.indirect.gather [hbm4b:s11+s25], $0x40, s21, s25, $0xb8;
	[tilespmem:$0x1AC40] =	vst v63  }
0xcc: {  	s24 =	simm.s32 $0x9CC0  }
0xcd: {  	[tilespmem:s28], [sflag:$0x2] =	stream.indirect.gather [hbm4b:s11+s25], $0x40, s24, s25, $0xb8;
	[tilespmem:$0x1AC40] =	vst v63  }
0xce: {  	s24 =	simm.s32 $0x9D40  }
0xcf: {  	[tilespmem:s30], [sflag:$0x3] =	stream.indirect.gather [hbm4b:s11+s25], $0x40, s24, s25, $0xb8;
	[tilespmem:$0x1AC40] =	vst v63  }
0xd0: {  	s24 =	simm.s32 $0x9DC0  }
0xd1: {  	[tilespmem:s0], [sflag:$0x4] =	stream.indirect.gather [hbm4b:s11+s25], $0x40, s24, s25, $0xb8;
	[tilespmem:$0x1AC40] =	vst v63  }
0xd2: {  	s24 =	simm.s32 $0x9E40  }
0xd3: {  	[tilespmem:s5], [sflag:$0x5] =	stream.indirect.gather [hbm4b:s11+s25], $0x40, s24, s25, $0xb8;
	[tilespmem:$0x1AC40] =	vst v63  }
0xd4: {  	_ =	swait.ge [sflag:s16], $0x1F40  }
0xd5: {  	[sflag:s16] =	ssyncset.done $0x0  }
0xd6: {  	[sflag:s16] =	ssyncadd.s32 $0xFFFFE0C0  }
0xd7: {  	[spmem:s1] =	stream.indirect.scatter.add.f32 [tilespmem:s3], [sflag:$0x6], $0x40, s23, s25, $0xb8;
	[tilespmem:$0x1AC40] =	vst v63  }
0xd8: {  	_ =	swait.ge [sflag:s17], $0x1F40  }
0xd9: {  	[sflag:s17] =	ssyncset.done $0x0  }
0xda: {  	s6 =	simm.s32 $0xC4C0;
	[sflag:s17] =	ssyncadd.s32 $0xFFFFE0C0  }
0xdb: {  	[spmem:s1] =	stream.indirect.scatter.add.f32 [tilespmem:s28], [sflag:$0x7], $0x40, s6, s25, $0xb8;
	[tilespmem:$0x1AC40] =	vst v63  }
0xdc: {  	_ =	swait.ge [sflag:s18], $0x1F40  }
0xdd: {  	[sflag:s18] =	ssyncset.done $0x0  }
0xde: {  	[sflag:s18] =	ssyncadd.s32 $0xFFFFE0C0  }
0xdf: {  	[spmem:s1] =	stream.indirect.scatter.add.f32 [tilespmem:s30], [sflag:$0x8], $0x40, s7, s25, $0xb8;
	[tilespmem:$0x1AC40] =	vst v63  }
0xe0: {  	_ =	swait.ge [sflag:s19], $0x1F40  }
0xe1: {  	[sflag:s19] =	ssyncset.done $0x0  }
0xe2: {  	[sflag:s19] =	ssyncadd.s32 $0xFFFFE0C0  }
0xe3: {  	[spmem:s1] =	stream.indirect.scatter.add.f32 [tilespmem:s0], [sflag:$0x9], $0x40, s8, s25, $0xb8;
	[tilespmem:$0x1AC40] =	vst v63  }
0xe4: {  	_ =	swait.ge [sflag:s20], $0x1F40  }
0xe5: {  	[sflag:s20] =	ssyncset.done $0x0  }
0xe6: {  	[sflag:s20] =	ssyncadd.s32 $0xFFFFE0C0  }
0xe7: {  	[spmem:s1] =	stream.indirect.scatter.add.f32 [tilespmem:s5], [sflag:$0xA], $0x40, s9, s25, $0xb8;
	[tilespmem:$0x1AC40] =	vst v63  }
0xe8: {  	_ =	swait.ge [sflag:s10], $0x1F40  }
0xe9: {  	[sflag:s10] =	ssyncset.done $0x0  }
0xea: {  	s24 =	simm.s32 $0x9EC0;
	[sflag:s10] =	ssyncadd.s32 $0xFFFFE0C0  }
0xeb: {  	[tilespmem:s2], [sflag:$0x1] =	stream.indirect.gather [hbm4b:s11+s25], $0x40, s24, s25, $0xb8;
	[tilespmem:$0x1AC40] =	vst v63  }
0xec: {  	_ =	swait.ge [sflag:s12], $0x1F40  }
0xed: {  	[sflag:s12] =	ssyncset.done $0x0  }
0xee: {  	s6 =	simm.s32 $0x9F40;
	[sflag:s12] =	ssyncadd.s32 $0xFFFFE0C0  }
0xef: {  	[tilespmem:s28], [sflag:$0x2] =	stream.indirect.gather [hbm4b:s11+s25], $0x40, s6, s25, $0xb8;
	[tilespmem:$0x1AC40] =	vst v63  }
0xf0: {  	_ =	swait.ge [sflag:s13], $0x1F40  }
0xf1: {  	[sflag:s13] =	ssyncset.done $0x0  }
0xf2: {  	s24 =	simm.s32 $0x9FC0;
	[sflag:s13] =	ssyncadd.s32 $0xFFFFE0C0  }
0xf3: {  	[tilespmem:s30], [sflag:$0x3] =	stream.indirect.gather [hbm4b:s11+s25], $0x40, s24, s25, $0xb8;
	[tilespmem:$0x1AC40] =	vst v63  }
0xf4: {  	_ =	swait.ge [sflag:s14], $0x1F40  }
0xf5: {  	[sflag:s14] =	ssyncset.done $0x0  }
0xf6: {  	s6 =	simm.s32 $0xA040;
	[sflag:s14] =	ssyncadd.s32 $0xFFFFE0C0  }
0xf7: {  	[tilespmem:s0], [sflag:$0x4] =	stream.indirect.gather [hbm4b:s11+s25], $0x40, s6, s25, $0xb8;
	[tilespmem:$0x1AC40] =	vst v63  }
0xf8: {  	_ =	swait.ge [sflag:s26], $0x1F40  }
0xf9: {  	[sflag:s26] =	ssyncset.done $0x0  }
0xfa: {  	s24 =	simm.s32 $0xA0C0;
	[sflag:s26] =	ssyncadd.s32 $0xFFFFE0C0  }
0xfb: {  	[tilespmem:s5], [sflag:$0x5] =	stream.indirect.gather [hbm4b:s11+s25], $0x40, s24, s25, $0xb8;
	[tilespmem:$0x1AC40] =	vst v63  }
0xfc: {  	_ =	swait.ge [sflag:s16], $0x1F40  }
0xfd: {  	[sflag:s16] =	ssyncset.done $0x0  }
0xfe: {  	s6 =	simm.s32 $0xC6C0;
	[sflag:s16] =	ssyncadd.s32 $0xFFFFE0C0  }
0xff: {  	[spmem:s1] =	stream.indirect.scatter.add.f32 [tilespmem:s2], [sflag:$0x6], $0x40, s6, s25, $0xb8;
	[tilespmem:$0x1AC40] =	vst v63  }
0x100: {  	_ =	swait.ge [sflag:s17], $0x1F40  }
0x101: {  	[sflag:s17] =	ssyncset.done $0x0  }
0x102: {  	s24 =	simm.s32 $0xC740;
	[sflag:s17] =	ssyncadd.s32 $0xFFFFE0C0  }
0x103: {  	[spmem:s1] =	stream.indirect.scatter.add.f32 [tilespmem:s28], [sflag:$0x7], $0x40, s24, s25, $0xb8;
	[tilespmem:$0x1AC40] =	vst v63  }
0x104: {  	_ =	swait.ge [sflag:s18], $0x1F40  }
0x105: {  	[sflag:s18] =	ssyncset.done $0x0  }
0x106: {  	s6 =	simm.s32 $0xC7C0;
	[sflag:s18] =	ssyncadd.s32 $0xFFFFE0C0  }
0x107: {  	[spmem:s1] =	stream.indirect.scatter.add.f32 [tilespmem:s30], [sflag:$0x8], $0x40, s6, s25, $0xb8;
	[tilespmem:$0x1AC40] =	vst v63  }
0x108: {  	_ =	swait.ge [sflag:s19], $0x1F40  }
0x109: {  	[sflag:s19] =	ssyncset.done $0x0  }
0x10a: {  	s24 =	simm.s32 $0xC840;
	[sflag:s19] =	ssyncadd.s32 $0xFFFFE0C0  }
0x10b: {  	[spmem:s1] =	stream.indirect.scatter.add.f32 [tilespmem:s0], [sflag:$0x9], $0x40, s24, s25, $0xb8;
	[tilespmem:$0x1AC40] =	vst v63  }
0x10c: {  	_ =	swait.ge [sflag:s20], $0x1F40  }
0x10d: {  	[sflag:s20] =	ssyncset.done $0x0  }
0x10e: {  	s31 =	simm.s32 $0xA00;
	s3 =	simm.s32 $0xC8C0;
	[sflag:s20] =	ssyncadd.s32 $0xFFFFE0C0  }
.LBB2_6:
0x10f: {  	[spmem:s1] =	stream.indirect.scatter.add.f32 [tilespmem:s5], [sflag:$0xA], $0x40, s3, s25, $0xb8;
	[tilespmem:$0x1AC40] =	vst v63  }
0x110: {  	s3 =	smov.u32 s31  }
0x111: {  	p0 =	sne.s32 s31, $0x8C00;
	s31 =	sadd.s32 $0xA00, s31;
	_ =	swait.ge [sflag:s10], $0x1F40  }
0x112: {  	s24 =	sshra.s32 s3, $0x2;
	[sflag:s10] =	ssyncset.done $0x0  }
0x113: {  	s3 =	sadd.s32 $0x9EC0, s24;
	[sflag:s10] =	ssyncadd.s32 $0xFFFFE0C0  }
0x114: {  	[tilespmem:s2], [sflag:$0x1] =	stream.indirect.gather [hbm4b:s11+s25], $0x40, s3, s25, $0xb8;
	[tilespmem:$0x1AC40] =	vst v63  }
0x115: {  	_ =	swait.ge [sflag:s12], $0x1F40  }
0x116: {  	[sflag:s12] =	ssyncset.done $0x0  }
0x117: {  	s3 =	sadd.s32 $0x9F40, s24;
	[sflag:s12] =	ssyncadd.s32 $0xFFFFE0C0  }
0x118: {  	[tilespmem:s28], [sflag:$0x2] =	stream.indirect.gather [hbm4b:s11+s25], $0x40, s3, s25, $0xb8;
	[tilespmem:$0x1AC40] =	vst v63  }
0x119: {  	_ =	swait.ge [sflag:s13], $0x1F40  }
0x11a: {  	[sflag:s13] =	ssyncset.done $0x0  }
0x11b: {  	s3 =	sadd.s32 $0x9FC0, s24;
	[sflag:s13] =	ssyncadd.s32 $0xFFFFE0C0  }
0x11c: {  	[tilespmem:s30], [sflag:$0x3] =	stream.indirect.gather [hbm4b:s11+s25], $0x40, s3, s25, $0xb8;
	[tilespmem:$0x1AC40] =	vst v63  }
0x11d: {  	_ =	swait.ge [sflag:s14], $0x1F40  }
0x11e: {  	[sflag:s14] =	ssyncset.done $0x0  }
0x11f: {  	s3 =	sadd.s32 $0xA040, s24;
	[sflag:s14] =	ssyncadd.s32 $0xFFFFE0C0  }
0x120: {  	[tilespmem:s0], [sflag:$0x4] =	stream.indirect.gather [hbm4b:s11+s25], $0x40, s3, s25, $0xb8;
	[tilespmem:$0x1AC40] =	vst v63  }
0x121: {  	_ =	swait.ge [sflag:s26], $0x1F40  }
0x122: {  	[sflag:s26] =	ssyncset.done $0x0  }
0x123: {  	s3 =	sadd.s32 $0xA0C0, s24;
	[sflag:s26] =	ssyncadd.s32 $0xFFFFE0C0  }
0x124: {  	[tilespmem:s5], [sflag:$0x5] =	stream.indirect.gather [hbm4b:s11+s25], $0x40, s3, s25, $0xb8;
	[tilespmem:$0x1AC40] =	vst v63  }
0x125: {  	_ =	swait.ge [sflag:s16], $0x1F40  }
0x126: {  	[sflag:s16] =	ssyncset.done $0x0  }
0x127: {  	s3 =	sadd.s32 $0xC6C0, s24;
	[sflag:s16] =	ssyncadd.s32 $0xFFFFE0C0  }
0x128: {  	[spmem:s1] =	stream.indirect.scatter.add.f32 [tilespmem:s2], [sflag:$0x6], $0x40, s3, s25, $0xb8;
	[tilespmem:$0x1AC40] =	vst v63  }
0x129: {  	_ =	swait.ge [sflag:s17], $0x1F40  }
0x12a: {  	[sflag:s17] =	ssyncset.done $0x0  }
0x12b: {  	s3 =	sadd.s32 $0xC740, s24;
	[sflag:s17] =	ssyncadd.s32 $0xFFFFE0C0  }
0x12c: {  	[spmem:s1] =	stream.indirect.scatter.add.f32 [tilespmem:s28], [sflag:$0x7], $0x40, s3, s25, $0xb8;
	[tilespmem:$0x1AC40] =	vst v63  }
0x12d: {  	_ =	swait.ge [sflag:s18], $0x1F40  }
0x12e: {  	[sflag:s18] =	ssyncset.done $0x0  }
0x12f: {  	s3 =	sadd.s32 $0xC7C0, s24;
	[sflag:s18] =	ssyncadd.s32 $0xFFFFE0C0  }
0x130: {  	[spmem:s1] =	stream.indirect.scatter.add.f32 [tilespmem:s30], [sflag:$0x8], $0x40, s3, s25, $0xb8;
	[tilespmem:$0x1AC40] =	vst v63  }
0x131: {  	_ =	swait.ge [sflag:s19], $0x1F40  }
0x132: {  	[sflag:s19] =	ssyncset.done $0x0  }
.Ltmp2:
0x133: {  	s3 =	sadd.s32 $0xC840, s24;
	[sflag:s19] =	ssyncadd.s32 $0xFFFFE0C0;
	(pc) =	sbr.rel @p0 .LBB2_6-.Ltmp2, $4  }
0x134: {  	[spmem:s1] =	stream.indirect.scatter.add.f32 [tilespmem:s0], [sflag:$0x9], $0x40, s3, s25, $0xb8;
	[tilespmem:$0x1AC40] =	vst v63  }
0x135: {  	_ =	swait.ge [sflag:s20], $0x1F40  }
0x136: {  	[sflag:s20] =	ssyncset.done $0x0  }
0x137: {  	s3 =	sadd.s32 $0xC8C0, s24;
	[sflag:s20] =	ssyncadd.s32 $0xFFFFE0C0  }
0x138: {  	[spmem:s1] =	stream.indirect.scatter.add.f32 [tilespmem:s5], [sflag:$0xA], $0x40, s3, s25, $0xb8;
	[tilespmem:$0x1AC40] =	vst v63  }
0x139: {  	_ =	swait.ge [sflag:s10], $0x1F40  }
0x13a: {  	[sflag:s10] =	ssyncset.done $0x0  }
0x13b: {  	[sflag:s10] =	ssyncadd.s32 $0xFFFFE0C0  }
0x13c: {  	_ =	swait.ge [sflag:s12], $0x1F40  }
0x13d: {  	[sflag:s12] =	ssyncset.done $0x0  }
0x13e: {  	[sflag:s12] =	ssyncadd.s32 $0xFFFFE0C0  }
0x13f: {  	_ =	swait.ge [sflag:s13], $0x1F40  }
0x140: {  	[sflag:s13] =	ssyncset.done $0x0  }
0x141: {  	[sflag:s13] =	ssyncadd.s32 $0xFFFFE0C0  }
0x142: {  	_ =	swait.ge [sflag:s14], $0x1F40  }
0x143: {  	[sflag:s14] =	ssyncset.done $0x0  }
0x144: {  	[sflag:s14] =	ssyncadd.s32 $0xFFFFE0C0  }
0x145: {  	_ =	swait.ge [sflag:s26], $0x1F40  }
0x146: {  	[sflag:s26] =	ssyncset.done $0x0  }
0x147: {  	s24 =	stileid.u32;
	[sflag:s26] =	ssyncadd.s32 $0xFFFFE0C0  }
0x148: {  	s3 =	sshll.u32 s24, $0x6;
	[bflag:$0x0] =	sbarrier.arrive $0xFFFF  }
0x149: {  	s6 =	sshrl.u32 s4, $0x3;
	s3 =	sor.u32 $0x1C0B, s3;
	s24 =	rddreg [dreg:$0xc]  }
0x14a: {  	[hbm:s24], [sflag:s3] =	dma.local [spmem:s6], $0x1400  }
0x14b: {  	_ =	swait.ge [sflag:s22], $0x1400  }
0x14c: {  	s29 =	sadd.s32 $0x1, s29;
	s31 =	rddreg [dreg:$0xb]  }
0x14d: {  	p0 =	sne.s32 s29, s31  }
.Ltmp3:
0x14e: {  	_ = 	snop;
	(pc) =	sbr.rel @p0 .LBB2_1-.Ltmp3, $3  }
0x14f: {  	_ =	sdelay $0x1  }
0x150: {  	[sflag:s22] =	ssyncset.done $0x0  }
0x151: {  	[sflag:s22] =	ssyncadd.s32 $0xFFFFEC00  }
0x152: {  	_ =	sfence.sel $0x180000  }
0x153: {  	[bflag:$0x0] =	sbarrier.arrive $0xFFFF  }
0x154: {  	_ =	strace $0x90000050  }
0x155: {  	s0 =	stileid.u32;
	[bflag:$0x2] =	sbarrier.arrive $0xFFFF  }
0x156: {  	p0 =	sne.s32 s0, $0x0;
	s0 =	rddreg [dreg:$0x2]  }
0x157: {  	s0 =	sadd.s32 @!p0 $0x100000, s0  }
0x158: {  	[sflag:s0] =	ssyncadd.tile.s32 @!p0 $0x1;
	_ =	shalt  }
.Lfunc_end2:
_tile_overlayer_lowered:
.L_overlay_start_2:
0x159: {  	(tag) =	ssettag $0x2  }
0x15a: {  	s0 =	rddreg [dreg:$0x0];
	s2 =	stileid.u32  }
0x15b: {  	s1 =	rddreg [dreg:$0x1];
	p0 =	sne.s32 s2, $0x0  }
0x15c: {  	s3 =	rddreg [dreg:$0x2];
	[bflag:$0x3] =	sbarrier.arrive $0xFFFF;
	s2 =	simm.s32 @!p0 $0x1C0B  }
0x15d: {  	[timem:s3], [sflag:s2] =	dma.local @!p0 [hbm:s0], s1  }
0x15e: {  	s0 =	simm.s32 @!p0 $0xB  }
0x15f: {  	_ =	swait.ge @!p0 [sflag:s0], s1  }
0x160: {  	s1 =	ssub.s32 @!p0 $0x0, s1;
	[sflag:s0] =	ssyncset.done @!p0 $0x0  }
0x161: {  	[sflag:s0] =	ssyncadd.s32 @!p0 s1  }
0x162: {  	[bflag:$0x3] =	sbarrier.arrive $0xFFFF  }
0x163: {  	_ =	shalt  }

</sc_bundles>
